<compile_context>
chip_gen: v7x
topology: tpu7x:2x2x1
jax: 0.10.2.dev20260603
libtpu: 0.0.44.dev20260713+nightly
codegen_flags: <defaults>
</compile_context>

<pallas_src>
import jax
import jax.numpy as jnp
from jax import lax
from jax.experimental import pallas as pl
from jax.experimental.pallas import tpu as pltpu
from jax.experimental.pallas import tpu_sc as plsc

_B = 4
_S = 8192
_D = 1024
_N = _B * _S

_INFO = plsc.get_sparse_core_info()
_NC = _INFO.num_cores
_NS = _INFO.num_subcores
_LANES = _INFO.num_lanes
_NW = _NC * _NS
_PER_W = _N // _NW
_CHUNK = 8
_NCHUNK = _PER_W // _CHUNK
_VECS = _D // _LANES
_NBUF = 4


def _body(x_hbm, idx_hbm, table_hbm, out_hbm, idx_v, *bufs):
    rows = bufs[0:_NBUF]
    xb = bufs[_NBUF:2 * _NBUF]
    gsem = bufs[2 * _NBUF:3 * _NBUF]
    xsem = bufs[3 * _NBUF:4 * _NBUF]
    ssem = bufs[4 * _NBUF:5 * _NBUF]

    wid = lax.axis_index("s") * _NC + lax.axis_index("c")
    base = wid * _PER_W

    pltpu.sync_copy(idx_hbm.at[pl.ds(base, _PER_W)], idx_v)

    def issue_gather(k, b):
        pltpu.async_copy(
            table_hbm.at[idx_v.at[pl.ds(k * _CHUNK, _CHUNK)]], rows[b],
            gsem[b])

    def issue_xload(k, b):
        pltpu.async_copy(
            x_hbm.at[pl.ds(base + k * _CHUNK, _CHUNK), :], xb[b], xsem[b])

    def drain_store(k, b):
        pltpu.make_async_copy(
            xb[b], out_hbm.at[pl.ds(base + k * _CHUNK, _CHUNK), :],
            ssem[b]).wait()

    for kk in range(_NBUF - 1):
        issue_gather(kk, kk)
    for kk in range(_NBUF - 2):
        issue_xload(kk, kk)

    @pl.loop(0, _NCHUNK, step=_NBUF)
    def _ring(g):
        for b in range(_NBUF):
            k = g + b

            @pl.when(k + _NBUF - 1 < _NCHUNK)
            def _prefetch_gather():
                issue_gather(k + _NBUF - 1, (b + _NBUF - 1) % _NBUF)

            @pl.when(k - 2 >= 0)
            def _drain():
                drain_store(k - 2, (b + 2) % _NBUF)

            @pl.when(k + 2 < _NCHUNK)
            def _prefetch_xload():
                issue_xload(k + 2, (b + 2) % _NBUF)

            pltpu.make_async_copy(
                table_hbm.at[idx_v.at[pl.ds(0, _CHUNK)]], rows[b],
                gsem[b]).wait()
            pltpu.make_async_copy(
                x_hbm.at[pl.ds(base, _CHUNK), :], xb[b], xsem[b]).wait()

            @pl.loop(0, _CHUNK)
            def _row(j):
                for l in range(_VECS):
                    sl = pl.ds(l * _LANES, _LANES)
                    xb[b][j, sl] = xb[b][j, sl] + rows[b][j, sl]

            pltpu.async_copy(
                xb[b], out_hbm.at[pl.ds(base + k * _CHUNK, _CHUNK), :],
                ssem[b])

    for kk in range(_NCHUNK - 2, _NCHUNK):
        drain_store(kk, kk % _NBUF)


@jax.jit
def _run(x2d, idx, table):
    mesh = plsc.VectorSubcoreMesh(core_axis_name="c", subcore_axis_name="s")
    return pl.kernel(
        _body,
        out_type=jax.ShapeDtypeStruct((_N, _D), jnp.float32),
        mesh=mesh,
        scratch_types=(
            [pltpu.VMEM((_PER_W,), jnp.int32)]
            + [pltpu.VMEM((_CHUNK, _D), jnp.float32)] * (2 * _NBUF)
            + [pltpu.SemaphoreType.DMA] * (3 * _NBUF)
        ),
    )(x2d, idx, table)


def kernel(x, positional_ids, table):
    x2d = x.reshape(_N, _D)
    idx = positional_ids.reshape(_N).astype(jnp.int32)
    out = _run(x2d, idx, table)
    return out.reshape(_B, _S, _D)

# --- scband reference (transcript-rebuilt; emitter-appended) ---
"""Pipeline reference for scband-custom-positional-encoding-52544629899409 (READ-ONLY COPY).

The authoritative reference and input builder live on the scoring server;
editing this copy changes nothing except your own understanding.
"""

import jax, jax.numpy as jnp
import numpy as np

BATCH = 4
SEQ_LEN = 8192
MODEL_DIM = 1024
MAX_SEQ_LEN = 8192
PAD_IDX = 0


def setup_inputs(seed: int = 0) -> dict:
    key = jax.random.key(seed)
    k1, k2, k3 = jax.random.split(key, 3)
    x = jax.random.normal(k1, (BATCH, SEQ_LEN, MODEL_DIM), dtype=jnp.float32)
    positional_ids = jax.random.randint(k2, (BATCH, SEQ_LEN), 0, MAX_SEQ_LEN + 1, dtype=jnp.int64 if jax.config.jax_enable_x64 else jnp.int32)
    table = jax.random.normal(k3, (MAX_SEQ_LEN + 1, MODEL_DIM), dtype=jnp.float32) * 0.02
    # padding_idx row is zero-initialized in nn.Embedding
    table = table.at[PAD_IDX].set(0.0)
    return {"x": x, "positional_ids": positional_ids, "table": table}


def reference(x, positional_ids, table):
    # x: (B, S, D); positional_ids: (B, S); table: (max_seq_len+1, D)
    pos_emb = jnp.take(table, positional_ids, axis=0)  # (B, S, D) gather
    return x + pos_emb

if __name__ == "__main__":
    import jax
    _d = setup_inputs()
    print(jax.jit(kernel)(*tuple(_d.values())))

</pallas_src>

<mosaic_0001>
#map = affine_map<(d0, d1) -> (0, 0)>
#map1 = affine_map<(d0, d1) -> (0)>
module attributes {stable_mosaic.version = 14 : i64} {
  func.func @_body(%arg0: i32, %arg1: i32, %arg2: memref<32768x1024xf32, #tpu.memory_space<hbm>>, %arg3: memref<32768xi32, #tpu.memory_space<hbm>>, %arg4: memref<8193x1024xf32, #tpu.memory_space<hbm>>, %arg5: memref<32768x1024xf32, #tpu.memory_space<hbm>>, %arg6: memref<1024xi32, #tpu.memory_space<vmem>>, %arg7: memref<8x1024xf32, #tpu.memory_space<vmem>>, %arg8: memref<8x1024xf32, #tpu.memory_space<vmem>>, %arg9: memref<8x1024xf32, #tpu.memory_space<vmem>>, %arg10: memref<8x1024xf32, #tpu.memory_space<vmem>>, %arg11: memref<8x1024xf32, #tpu.memory_space<vmem>>, %arg12: memref<8x1024xf32, #tpu.memory_space<vmem>>, %arg13: memref<8x1024xf32, #tpu.memory_space<vmem>>, %arg14: memref<8x1024xf32, #tpu.memory_space<vmem>>, %arg15: memref<!tpu.dma_semaphore, #tpu.memory_space<semaphore_mem>>, %arg16: memref<!tpu.dma_semaphore, #tpu.memory_space<semaphore_mem>>, %arg17: memref<!tpu.dma_semaphore, #tpu.memory_space<semaphore_mem>>, %arg18: memref<!tpu.dma_semaphore, #tpu.memory_space<semaphore_mem>>, %arg19: memref<!tpu.dma_semaphore, #tpu.memory_space<semaphore_mem>>, %arg20: memref<!tpu.dma_semaphore, #tpu.memory_space<semaphore_mem>>, %arg21: memref<!tpu.dma_semaphore, #tpu.memory_space<semaphore_mem>>, %arg22: memref<!tpu.dma_semaphore, #tpu.memory_space<semaphore_mem>>, %arg23: memref<!tpu.dma_semaphore, #tpu.memory_space<semaphore_mem>>, %arg24: memref<!tpu.dma_semaphore, #tpu.memory_space<semaphore_mem>>, %arg25: memref<!tpu.dma_semaphore, #tpu.memory_space<semaphore_mem>>, %arg26: memref<!tpu.dma_semaphore, #tpu.memory_space<semaphore_mem>>) attributes {dimension_semantics = [#tpu.dimension_semantics<core_parallel>, #tpu.dimension_semantics<subcore_parallel>], iteration_bounds = array<i64: 2, 16>, scalar_prefetch = 0 : i64, scratch_operands = 21 : i64, tpu.core_type = #tpu.core_type<sc_vector_subcore>, window_params = [{transform_indices = #map}, {transform_indices = #map1}, {transform_indices = #map}, {transform_indices = #map}]} {
    %mul3A = arith.constant 2 : i32
    %mul3A_0 = arith.muli %arg1, %mul3A : i32
    %add3A = arith.addi %mul3A_0, %arg0 : i32
    %mul3A_1 = arith.constant 1024 : i32
    %mul3A_2 = arith.muli %add3A, %mul3A_1 : i32
    "tpu.region"() ({
      %run_scoped3A = tpu.sem_alloc : memref<!tpu.dma_semaphore, #tpu.memory_space<semaphore_mem>>
      %dma_start3A_44 = tpu.memref_slice %arg3[%mul3A_2] : memref<32768xi32, #tpu.memory_space<hbm>> -> memref<1024xi32, #tpu.memory_space<hbm>>
      %dma_start3A_45 = tpu.memref_slice %arg3[%mul3A_2] : memref<32768xi32, #tpu.memory_space<hbm>> -> memref<1024xi32, #tpu.memory_space<hbm>>
      tpu.enqueue_dma source(%dma_start3A_45 : memref<1024xi32, #tpu.memory_space<hbm>>) target(%arg6 : memref<1024xi32, #tpu.memory_space<vmem>>) target_semaphore(%run_scoped3A : memref<!tpu.dma_semaphore, #tpu.memory_space<semaphore_mem>>)
      %dma_wait3A_46 = tpu.memref_slice %arg3[%mul3A_2] : memref<32768xi32, #tpu.memory_space<hbm>> -> memref<1024xi32, #tpu.memory_space<hbm>>
      %dma_wait3A_47 = tpu.memref_slice %arg3[%mul3A_2] : memref<32768xi32, #tpu.memory_space<hbm>> -> memref<1024xi32, #tpu.memory_space<hbm>>
      tpu.wait_dma2 semaphore(%run_scoped3A : memref<!tpu.dma_semaphore, #tpu.memory_space<semaphore_mem>>) src(%dma_wait3A_47 : memref<1024xi32, #tpu.memory_space<hbm>>) dst(%arg6 : memref<1024xi32, #tpu.memory_space<vmem>>)
      tpu.yield
    }) : () -> ()
    %dma_start3A = arith.constant 0 : i32
    %dma_start3A_3 = tpu.memref_slice %arg6[%dma_start3A] : memref<1024xi32, #tpu.memory_space<vmem>> -> memref<8xi32, #tpu.memory_space<vmem>>
    %dma_start3A_4 = arith.constant 0 : i32
    %dma_start3A_5 = arith.constant 0 : i32
    %dma_start3A_6 = tpu.memref_slice %arg4[%dma_start3A_4, %dma_start3A_5] : memref<8193x1024xf32, #tpu.memory_space<hbm>> -> memref<8193x1024xf32, #tpu.memory_space<hbm>>
    tpu.enqueue_indirect_dma source(%dma_start3A_6 : memref<8193x1024xf32, #tpu.memory_space<hbm>>) target(%arg7 : memref<8x1024xf32, #tpu.memory_space<vmem>>) offsets(%dma_start3A_3 : memref<8xi32, #tpu.memory_space<vmem>>) semaphore(%arg15 : memref<!tpu.dma_semaphore, #tpu.memory_space<semaphore_mem>>)
    %dma_start3A_7 = arith.constant 8 : i32
    %dma_start3A_8 = tpu.memref_slice %arg6[%dma_start3A_7] : memref<1024xi32, #tpu.memory_space<vmem>> -> memref<8xi32, #tpu.memory_space<vmem>>
    %dma_start3A_9 = arith.constant 0 : i32
    %dma_start3A_10 = arith.constant 0 : i32
    %dma_start3A_11 = tpu.memref_slice %arg4[%dma_start3A_9, %dma_start3A_10] : memref<8193x1024xf32, #tpu.memory_space<hbm>> -> memref<8193x1024xf32, #tpu.memory_space<hbm>>
    tpu.enqueue_indirect_dma source(%dma_start3A_11 : memref<8193x1024xf32, #tpu.memory_space<hbm>>) target(%arg8 : memref<8x1024xf32, #tpu.memory_space<vmem>>) offsets(%dma_start3A_8 : memref<8xi32, #tpu.memory_space<vmem>>) semaphore(%arg16 : memref<!tpu.dma_semaphore, #tpu.memory_space<semaphore_mem>>)
    %dma_start3A_12 = arith.constant 16 : i32
    %dma_start3A_13 = tpu.memref_slice %arg6[%dma_start3A_12] : memref<1024xi32, #tpu.memory_space<vmem>> -> memref<8xi32, #tpu.memory_space<vmem>>
    %dma_start3A_14 = arith.constant 0 : i32
    %dma_start3A_15 = arith.constant 0 : i32
    %dma_start3A_16 = tpu.memref_slice %arg4[%dma_start3A_14, %dma_start3A_15] : memref<8193x1024xf32, #tpu.memory_space<hbm>> -> memref<8193x1024xf32, #tpu.memory_space<hbm>>
    tpu.enqueue_indirect_dma source(%dma_start3A_16 : memref<8193x1024xf32, #tpu.memory_space<hbm>>) target(%arg9 : memref<8x1024xf32, #tpu.memory_space<vmem>>) offsets(%dma_start3A_13 : memref<8xi32, #tpu.memory_space<vmem>>) semaphore(%arg17 : memref<!tpu.dma_semaphore, #tpu.memory_space<semaphore_mem>>)
    %add3A_17 = arith.constant 0 : i32
    %add3A_18 = arith.addi %mul3A_2, %add3A_17 : i32
    %dma_start3A_19 = arith.constant 0 : i32
    %dma_start3A_20 = tpu.memref_slice %arg2[%add3A_18, %dma_start3A_19] : memref<32768x1024xf32, #tpu.memory_space<hbm>> -> memref<8x1024xf32, #tpu.memory_space<hbm>>
    %dma_start3A_21 = arith.constant 0 : i32
    %dma_start3A_22 = tpu.memref_slice %arg2[%add3A_18, %dma_start3A_21] : memref<32768x1024xf32, #tpu.memory_space<hbm>> -> memref<8x1024xf32, #tpu.memory_space<hbm>>
    tpu.enqueue_dma source(%dma_start3A_22 : memref<8x1024xf32, #tpu.memory_space<hbm>>) target(%arg11 : memref<8x1024xf32, #tpu.memory_space<vmem>>) target_semaphore(%arg19 : memref<!tpu.dma_semaphore, #tpu.memory_space<semaphore_mem>>)
    %add3A_23 = arith.constant 8 : i32
    %add3A_24 = arith.addi %mul3A_2, %add3A_23 : i32
    %dma_start3A_25 = arith.constant 0 : i32
    %dma_start3A_26 = tpu.memref_slice %arg2[%add3A_24, %dma_start3A_25] : memref<32768x1024xf32, #tpu.memory_space<hbm>> -> memref<8x1024xf32, #tpu.memory_space<hbm>>
    %dma_start3A_27 = arith.constant 0 : i32
    %dma_start3A_28 = tpu.memref_slice %arg2[%add3A_24, %dma_start3A_27] : memref<32768x1024xf32, #tpu.memory_space<hbm>> -> memref<8x1024xf32, #tpu.memory_space<hbm>>
    tpu.enqueue_dma source(%dma_start3A_28 : memref<8x1024xf32, #tpu.memory_space<hbm>>) target(%arg12 : memref<8x1024xf32, #tpu.memory_space<vmem>>) target_semaphore(%arg20 : memref<!tpu.dma_semaphore, #tpu.memory_space<semaphore_mem>>)
    %scan3A = arith.constant 0 : i32
    %scan3A_29 = arith.constant 32 : i32
    %scan3A_30 = arith.addi %scan3A, %scan3A_29 : i32
    %scan3A_31 = arith.constant 1 : i32
    scf.for %scan3A_44 = %scan3A to %scan3A_30 step %scan3A_31  : i32 {
      %mul3A_45 = arith.constant 4 : i32
      %mul3A_46 = arith.muli %scan3A_44, %mul3A_45 : i32
      %add3A_47 = arith.constant 0 : i32
      %add3A_48 = arith.addi %add3A_47, %mul3A_46 : i32
      %add3A_49 = arith.constant 0 : i32
      %add3A_50 = arith.addi %add3A_48, %add3A_49 : i32
      %add3A_51 = arith.constant 4 : i32
      %add3A_52 = arith.addi %add3A_50, %add3A_51 : i32
      %sub3A = arith.constant 1 : i32
      %sub3A_53 = arith.subi %add3A_52, %sub3A : i32
      %lt3A = arith.constant 128 : i32
      %lt3A_54 = arith.cmpi slt, %sub3A_53, %lt3A : i32
      %convert_element_type3A = arith.extui %lt3A_54 : i1 to i32
      %cond3A = arith.constant 0 : i32
      %cond3A_55 = arith.cmpi ne, %convert_element_type3A, %cond3A : i32
      scf.if %cond3A_55 {
        %add3A_228 = arith.constant 4 : i32
        %add3A_229 = arith.addi %add3A_50, %add3A_228 : i32
        %sub3A_230 = arith.constant 1 : i32
        %sub3A_231 = arith.subi %add3A_229, %sub3A_230 : i32
        %mul3A_232 = arith.constant 8 : i32
        %mul3A_233 = arith.muli %sub3A_231, %mul3A_232 : i32
        %dma_start3A_234 = tpu.memref_slice %arg6[%mul3A_233] : memref<1024xi32, #tpu.memory_space<vmem>> -> memref<8xi32, #tpu.memory_space<vmem>>
        %dma_start3A_235 = arith.constant 0 : i32
        %dma_start3A_236 = arith.constant 0 : i32
        %dma_start3A_237 = tpu.memref_slice %arg4[%dma_start3A_235, %dma_start3A_236] : memref<8193x1024xf32, #tpu.memory_space<hbm>> -> memref<8193x1024xf32, #tpu.memory_space<hbm>>
        tpu.enqueue_indirect_dma source(%dma_start3A_237 : memref<8193x1024xf32, #tpu.memory_space<hbm>>) target(%arg10 : memref<8x1024xf32, #tpu.memory_space<vmem>>) offsets(%dma_start3A_234 : memref<8xi32, #tpu.memory_space<vmem>>) semaphore(%arg18 : memref<!tpu.dma_semaphore, #tpu.memory_space<semaphore_mem>>)
      } else {
      }
      %sub3A_56 = arith.constant 2 : i32
      %sub3A_57 = arith.subi %add3A_50, %sub3A_56 : i32
      %ge3A = arith.constant 0 : i32
      %ge3A_58 = arith.cmpi sge, %sub3A_57, %ge3A : i32
      %convert_element_type3A_59 = arith.extui %ge3A_58 : i1 to i32
      %cond3A_60 = arith.constant 0 : i32
      %cond3A_61 = arith.cmpi ne, %convert_element_type3A_59, %cond3A_60 : i32
      scf.if %cond3A_61 {
        %sub3A_228 = arith.constant 2 : i32
        %sub3A_229 = arith.subi %add3A_50, %sub3A_228 : i32
        %mul3A_230 = arith.constant 8 : i32
        %mul3A_231 = arith.muli %sub3A_229, %mul3A_230 : i32
        %add3A_232 = arith.addi %mul3A_2, %mul3A_231 : i32
        %dma_wait3A_233 = arith.constant 0 : i32
        %dma_wait3A_234 = tpu.memref_slice %arg5[%add3A_232, %dma_wait3A_233] : memref<32768x1024xf32, #tpu.memory_space<hbm>> -> memref<8x1024xf32, #tpu.memory_space<hbm>>
        %dma_wait3A_235 = arith.constant 0 : i32
        %dma_wait3A_236 = tpu.memref_slice %arg5[%add3A_232, %dma_wait3A_235] : memref<32768x1024xf32, #tpu.memory_space<hbm>> -> memref<8x1024xf32, #tpu.memory_space<hbm>>
        tpu.wait_dma2 semaphore(%arg25 : memref<!tpu.dma_semaphore, #tpu.memory_space<semaphore_mem>>) src(%arg13 : memref<8x1024xf32, #tpu.memory_space<vmem>>) dst(%dma_wait3A_236 : memref<8x1024xf32, #tpu.memory_space<hbm>>)
      } else {
      }
      %add3A_62 = arith.constant 2 : i32
      %add3A_63 = arith.addi %add3A_50, %add3A_62 : i32
      %lt3A_64 = arith.constant 128 : i32
      %lt3A_65 = arith.cmpi slt, %add3A_63, %lt3A_64 : i32
      %convert_element_type3A_66 = arith.extui %lt3A_65 : i1 to i32
      %cond3A_67 = arith.constant 0 : i32
      %cond3A_68 = arith.cmpi ne, %convert_element_type3A_66, %cond3A_67 : i32
      scf.if %cond3A_68 {
        %add3A_228 = arith.constant 2 : i32
        %add3A_229 = arith.addi %add3A_50, %add3A_228 : i32
        %mul3A_230 = arith.constant 8 : i32
        %mul3A_231 = arith.muli %add3A_229, %mul3A_230 : i32
        %add3A_232 = arith.addi %mul3A_2, %mul3A_231 : i32
        %dma_start3A_233 = arith.constant 0 : i32
        %dma_start3A_234 = tpu.memref_slice %arg2[%add3A_232, %dma_start3A_233] : memref<32768x1024xf32, #tpu.memory_space<hbm>> -> memref<8x1024xf32, #tpu.memory_space<hbm>>
        %dma_start3A_235 = arith.constant 0 : i32
        %dma_start3A_236 = tpu.memref_slice %arg2[%add3A_232, %dma_start3A_235] : memref<32768x1024xf32, #tpu.memory_space<hbm>> -> memref<8x1024xf32, #tpu.memory_space<hbm>>
        tpu.enqueue_dma source(%dma_start3A_236 : memref<8x1024xf32, #tpu.memory_space<hbm>>) target(%arg13 : memref<8x1024xf32, #tpu.memory_space<vmem>>) target_semaphore(%arg21 : memref<!tpu.dma_semaphore, #tpu.memory_space<semaphore_mem>>)
      } else {
      }
      %dma_wait3A_69 = arith.constant 0 : i32
      %dma_wait3A_70 = tpu.memref_slice %arg6[%dma_wait3A_69] : memref<1024xi32, #tpu.memory_space<vmem>> -> memref<8xi32, #tpu.memory_space<vmem>>
      %dma_wait3A_71 = arith.constant 0 : i32
      %dma_wait3A_72 = arith.constant 0 : i32
      %dma_wait3A_73 = tpu.memref_slice %arg4[%dma_wait3A_71, %dma_wait3A_72] : memref<8193x1024xf32, #tpu.memory_space<hbm>> -> memref<8193x1024xf32, #tpu.memory_space<hbm>>
      tpu.wait_indirect_dma semaphore(%arg15 : memref<!tpu.dma_semaphore, #tpu.memory_space<semaphore_mem>>) src(%dma_wait3A_73 : memref<8193x1024xf32, #tpu.memory_space<hbm>>) dst(%arg7 : memref<8x1024xf32, #tpu.memory_space<vmem>>)
      %dma_wait3A_74 = arith.constant 0 : i32
      %dma_wait3A_75 = tpu.memref_slice %arg2[%mul3A_2, %dma_wait3A_74] : memref<32768x1024xf32, #tpu.memory_space<hbm>> -> memref<8x1024xf32, #tpu.memory_space<hbm>>
      %dma_wait3A_76 = arith.constant 0 : i32
      %dma_wait3A_77 = tpu.memref_slice %arg2[%mul3A_2, %dma_wait3A_76] : memref<32768x1024xf32, #tpu.memory_space<hbm>> -> memref<8x1024xf32, #tpu.memory_space<hbm>>
      tpu.wait_dma2 semaphore(%arg19 : memref<!tpu.dma_semaphore, #tpu.memory_space<semaphore_mem>>) src(%dma_wait3A_77 : memref<8x1024xf32, #tpu.memory_space<hbm>>) dst(%arg11 : memref<8x1024xf32, #tpu.memory_space<vmem>>)
      %scan3A_78 = arith.constant 0 : i32
      %scan3A_79 = arith.constant 8 : i32
      %scan3A_80 = arith.addi %scan3A_78, %scan3A_79 : i32
      %scan3A_81 = arith.constant 1 : i32
      scf.for %scan3A_228 = %scan3A_78 to %scan3A_80 step %scan3A_81  : i32 {
        %mul3A_229 = arith.constant 1 : i32
        %mul3A_230 = arith.muli %scan3A_228, %mul3A_229 : i32
        %add3A_231 = arith.constant 0 : i32
        %add3A_232 = arith.addi %add3A_231, %mul3A_230 : i32
        %get3A = arith.index_cast %add3A_232 : i32 to index
        %get3A_233 = arith.constant 0 : index
        %get3A_234 = tpu.vector_load %arg11[%get3A, %get3A_233] {strides = array<i32>} : memref<8x1024xf32, #tpu.memory_space<vmem>>, vector<1x16xf32>,
        %get3A_235 = vector.shape_cast %get3A_234 : vector<1x16xf32> to vector<16xf32>
        %get3A_236 = arith.index_cast %add3A_232 : i32 to index
        %get3A_237 = arith.constant 0 : index
        %get3A_238 = tpu.vector_load %arg7[%get3A_236, %get3A_237] {strides = array<i32>} : memref<8x1024xf32, #tpu.memory_space<vmem>>, vector<1x16xf32>,
        %get3A_239 = vector.shape_cast %get3A_238 : vector<1x16xf32> to vector<16xf32>
        %add3A_240 = arith.addf %get3A_235, %get3A_239 : vector<16xf32>
        %swap3A = arith.index_cast %add3A_232 : i32 to index
        %swap3A_241 = arith.constant 0 : index
        %swap3A_242 = tpu.vector_load %arg11[%swap3A, %swap3A_241] {strides = array<i32>} : memref<8x1024xf32, #tpu.memory_space<vmem>>, vector<1x16xf32>,
        %swap3A_243 = vector.shape_cast %swap3A_242 : vector<1x16xf32> to vector<16xf32>
        %swap3A_244 = vector.shape_cast %add3A_240 : vector<16xf32> to vector<1x16xf32>
        tpu.vector_store %arg11[%swap3A, %swap3A_241], %swap3A_244 {strides = array<i32>} : memref<8x1024xf32, #tpu.memory_space<vmem>>, vector<1x16xf32>,
        %get3A_245 = arith.index_cast %add3A_232 : i32 to index
        %get3A_246 = arith.constant 16 : index
        %get3A_247 = tpu.vector_load %arg11[%get3A_245, %get3A_246] {strides = array<i32>} : memref<8x1024xf32, #tpu.memory_space<vmem>>, vector<1x16xf32>,
        %get3A_248 = vector.shape_cast %get3A_247 : vector<1x16xf32> to vector<16xf32>
        %get3A_249 = arith.index_cast %add3A_232 : i32 to index
        %get3A_250 = arith.constant 16 : index
        %get3A_251 = tpu.vector_load %arg7[%get3A_249, %get3A_250] {strides = array<i32>} : memref<8x1024xf32, #tpu.memory_space<vmem>>, vector<1x16xf32>,
        %get3A_252 = vector.shape_cast %get3A_251 : vector<1x16xf32> to vector<16xf32>
        %add3A_253 = arith.addf %get3A_248, %get3A_252 : vector<16xf32>
        %swap3A_254 = arith.index_cast %add3A_232 : i32 to index
        %swap3A_255 = arith.constant 16 : index
        %swap3A_256 = tpu.vector_load %arg11[%swap3A_254, %swap3A_255] {strides = array<i32>} : memref<8x1024xf32, #tpu.memory_space<vmem>>, vector<1x16xf32>,
        %swap3A_257 = vector.shape_cast %swap3A_256 : vector<1x16xf32> to vector<16xf32>
        %swap3A_258 = vector.shape_cast %add3A_253 : vector<16xf32> to vector<1x16xf32>
        tpu.vector_store %arg11[%swap3A_254, %swap3A_255], %swap3A_258 {strides = array<i32>} : memref<8x1024xf32, #tpu.memory_space<vmem>>, vector<1x16xf32>,
        %get3A_259 = arith.index_cast %add3A_232 : i32 to index
        %get3A_260 = arith.constant 32 : index
        %get3A_261 = tpu.vector_load %arg11[%get3A_259, %get3A_260] {strides = array<i32>} : memref<8x1024xf32, #tpu.memory_space<vmem>>, vector<1x16xf32>,
        %get3A_262 = vector.shape_cast %get3A_261 : vector<1x16xf32> to vector<16xf32>
        %get3A_263 = arith.index_cast %add3A_232 : i32 to index
        %get3A_264 = arith.constant 32 : index
        %get3A_265 = tpu.vector_load %arg7[%get3A_263, %get3A_264] {strides = array<i32>} : memref<8x1024xf32, #tpu.memory_space<vmem>>, vector<1x16xf32>,
        %get3A_266 = vector.shape_cast %get3A_265 : vector<1x16xf32> to vector<16xf32>
        %add3A_267 = arith.addf %get3A_262, %get3A_266 : vector<16xf32>
        %swap3A_268 = arith.index_cast %add3A_232 : i32 to index
        %swap3A_269 = arith.constant 32 : index
        %swap3A_270 = tpu.vector_load %arg11[%swap3A_268, %swap3A_269] {strides = array<i32>} : memref<8x1024xf32, #tpu.memory_space<vmem>>, vector<1x16xf32>,
        %swap3A_271 = vector.shape_cast %swap3A_270 : vector<1x16xf32> to vector<16xf32>
        %swap3A_272 = vector.shape_cast %add3A_267 : vector<16xf32> to vector<1x16xf32>
        tpu.vector_store %arg11[%swap3A_268, %swap3A_269], %swap3A_272 {strides = array<i32>} : memref<8x1024xf32, #tpu.memory_space<vmem>>, vector<1x16xf32>,
        %get3A_273 = arith.index_cast %add3A_232 : i32 to index
        %get3A_274 = arith.constant 48 : index
        %get3A_275 = tpu.vector_load %arg11[%get3A_273, %get3A_274] {strides = array<i32>} : memref<8x1024xf32, #tpu.memory_space<vmem>>, vector<1x16xf32>,
        %get3A_276 = vector.shape_cast %get3A_275 : vector<1x16xf32> to vector<16xf32>
        %get3A_277 = arith.index_cast %add3A_232 : i32 to index
        %get3A_278 = arith.constant 48 : index
        %get3A_279 = tpu.vector_load %arg7[%get3A_277, %get3A_278] {strides = array<i32>} : memref<8x1024xf32, #tpu.memory_space<vmem>>, vector<1x16xf32>,
        %get3A_280 = vector.shape_cast %get3A_279 : vector<1x16xf32> to vector<16xf32>
        %add3A_281 = arith.addf %get3A_276, %get3A_280 : vector<16xf32>
        %swap3A_282 = arith.index_cast %add3A_232 : i32 to index
        %swap3A_283 = arith.constant 48 : index
        %swap3A_284 = tpu.vector_load %arg11[%swap3A_282, %swap3A_283] {strides = array<i32>} : memref<8x1024xf32, #tpu.memory_space<vmem>>, vector<1x16xf32>,
        %swap3A_285 = vector.shape_cast %swap3A_284 : vector<1x16xf32> to vector<16xf32>
        %swap3A_286 = vector.shape_cast %add3A_281 : vector<16xf32> to vector<1x16xf32>
        tpu.vector_store %arg11[%swap3A_282, %swap3A_283], %swap3A_286 {strides = array<i32>} : memref<8x1024xf32, #tpu.memory_space<vmem>>, vector<1x16xf32>,
        %get3A_287 = arith.index_cast %add3A_232 : i32 to index
        %get3A_288 = arith.constant 64 : index
        %get3A_289 = tpu.vector_load %arg11[%get3A_287, %get3A_288] {strides = array<i32>} : memref<8x1024xf32, #tpu.memory_space<vmem>>, vector<1x16xf32>,
        %get3A_290 = vector.shape_cast %get3A_289 : vector<1x16xf32> to vector<16xf32>
        %get3A_291 = arith.index_cast %add3A_232 : i32 to index
        %get3A_292 = arith.constant 64 : index
        %get3A_293 = tpu.vector_load %arg7[%get3A_291, %get3A_292] {strides = array<i32>} : memref<8x1024xf32, #tpu.memory_space<vmem>>, vector<1x16xf32>,
        %get3A_294 = vector.shape_cast %get3A_293 : vector<1x16xf32> to vector<16xf32>
        %add3A_295 = arith.addf %get3A_290, %get3A_294 : vector<16xf32>
        %swap3A_296 = arith.index_cast %add3A_232 : i32 to index
        %swap3A_297 = arith.constant 64 : index
        %swap3A_298 = tpu.vector_load %arg11[%swap3A_296, %swap3A_297] {strides = array<i32>} : memref<8x1024xf32, #tpu.memory_space<vmem>>, vector<1x16xf32>,
        %swap3A_299 = vector.shape_cast %swap3A_298 : vector<1x16xf32> to vector<16xf32>
        %swap3A_300 = vector.shape_cast %add3A_295 : vector<16xf32> to vector<1x16xf32>
        tpu.vector_store %arg11[%swap3A_296, %swap3A_297], %swap3A_300 {strides = array<i32>} : memref<8x1024xf32, #tpu.memory_space<vmem>>, vector<1x16xf32>,
        %get3A_301 = arith.index_cast %add3A_232 : i32 to index
        %get3A_302 = arith.constant 80 : index
        %get3A_303 = tpu.vector_load %arg11[%get3A_301, %get3A_302] {strides = array<i32>} : memref<8x1024xf32, #tpu.memory_space<vmem>>, vector<1x16xf32>,
        %get3A_304 = vector.shape_cast %get3A_303 : vector<1x16xf32> to vector<16xf32>
        %get3A_305 = arith.index_cast %add3A_232 : i32 to index
        %get3A_306 = arith.constant 80 : index
        %get3A_307 = tpu.vector_load %arg7[%get3A_305, %get3A_306] {strides = array<i32>} : memref<8x1024xf32, #tpu.memory_space<vmem>>, vector<1x16xf32>,
        %get3A_308 = vector.shape_cast %get3A_307 : vector<1x16xf32> to vector<16xf32>
        %add3A_309 = arith.addf %get3A_304, %get3A_308 : vector<16xf32>
        %swap3A_310 = arith.index_cast %add3A_232 : i32 to index
        %swap3A_311 = arith.constant 80 : index
        %swap3A_312 = tpu.vector_load %arg11[%swap3A_310, %swap3A_311] {strides = array<i32>} : memref<8x1024xf32, #tpu.memory_space<vmem>>, vector<1x16xf32>,
        %swap3A_313 = vector.shape_cast %swap3A_312 : vector<1x16xf32> to vector<16xf32>
        %swap3A_314 = vector.shape_cast %add3A_309 : vector<16xf32> to vector<1x16xf32>
        tpu.vector_store %arg11[%swap3A_310, %swap3A_311], %swap3A_314 {strides = array<i32>} : memref<8x1024xf32, #tpu.memory_space<vmem>>, vector<1x16xf32>,
        %get3A_315 = arith.index_cast %add3A_232 : i32 to index
        %get3A_316 = arith.constant 96 : index
        %get3A_317 = tpu.vector_load %arg11[%get3A_315, %get3A_316] {strides = array<i32>} : memref<8x1024xf32, #tpu.memory_space<vmem>>, vector<1x16xf32>,
        %get3A_318 = vector.shape_cast %get3A_317 : vector<1x16xf32> to vector<16xf32>
        %get3A_319 = arith.index_cast %add3A_232 : i32 to index
        %get3A_320 = arith.constant 96 : index
        %get3A_321 = tpu.vector_load %arg7[%get3A_319, %get3A_320] {strides = array<i32>} : memref<8x1024xf32, #tpu.memory_space<vmem>>, vector<1x16xf32>,
        %get3A_322 = vector.shape_cast %get3A_321 : vector<1x16xf32> to vector<16xf32>
        %add3A_323 = arith.addf %get3A_318, %get3A_322 : vector<16xf32>
        %swap3A_324 = arith.index_cast %add3A_232 : i32 to index
        %swap3A_325 = arith.constant 96 : index
        %swap3A_326 = tpu.vector_load %arg11[%swap3A_324, %swap3A_325] {strides = array<i32>} : memref<8x1024xf32, #tpu.memory_space<vmem>>, vector<1x16xf32>,
        %swap3A_327 = vector.shape_cast %swap3A_326 : vector<1x16xf32> to vector<16xf32>
        %swap3A_328 = vector.shape_cast %add3A_323 : vector<16xf32> to vector<1x16xf32>
        tpu.vector_store %arg11[%swap3A_324, %swap3A_325], %swap3A_328 {strides = array<i32>} : memref<8x1024xf32, #tpu.memory_space<vmem>>, vector<1x16xf32>,
        %get3A_329 = arith.index_cast %add3A_232 : i32 to index
        %get3A_330 = arith.constant 112 : index
        %get3A_331 = tpu.vector_load %arg11[%get3A_329, %get3A_330] {strides = array<i32>} : memref<8x1024xf32, #tpu.memory_space<vmem>>, vector<1x16xf32>,
        %get3A_332 = vector.shape_cast %get3A_331 : vector<1x16xf32> to vector<16xf32>
        %get3A_333 = arith.index_cast %add3A_232 : i32 to index
        %get3A_334 = arith.constant 112 : index
        %get3A_335 = tpu.vector_load %arg7[%get3A_333, %get3A_334] {strides = array<i32>} : memref<8x1024xf32, #tpu.memory_space<vmem>>, vector<1x16xf32>,
        %get3A_336 = vector.shape_cast %get3A_335 : vector<1x16xf32> to vector<16xf32>
        %add3A_337 = arith.addf %get3A_332, %get3A_336 : vector<16xf32>
        %swap3A_338 = arith.index_cast %add3A_232 : i32 to index
        %swap3A_339 = arith.constant 112 : index
        %swap3A_340 = tpu.vector_load %arg11[%swap3A_338, %swap3A_339] {strides = array<i32>} : memref<8x1024xf32, #tpu.memory_space<vmem>>, vector<1x16xf32>,
        %swap3A_341 = vector.shape_cast %swap3A_340 : vector<1x16xf32> to vector<16xf32>
        %swap3A_342 = vector.shape_cast %add3A_337 : vector<16xf32> to vector<1x16xf32>
        tpu.vector_store %arg11[%swap3A_338, %swap3A_339], %swap3A_342 {strides = array<i32>} : memref<8x1024xf32, #tpu.memory_space<vmem>>, vector<1x16xf32>,
        %get3A_343 = arith.index_cast %add3A_232 : i32 to index
        %get3A_344 = arith.constant 128 : index
        %get3A_345 = tpu.vector_load %arg11[%get3A_343, %get3A_344] {strides = array<i32>} : memref<8x1024xf32, #tpu.memory_space<vmem>>, vector<1x16xf32>,
        %get3A_346 = vector.shape_cast %get3A_345 : vector<1x16xf32> to vector<16xf32>
        %get3A_347 = arith.index_cast %add3A_232 : i32 to index
        %get3A_348 = arith.constant 128 : index
        %get3A_349 = tpu.vector_load %arg7[%get3A_347, %get3A_348] {strides = array<i32>} : memref<8x1024xf32, #tpu.memory_space<vmem>>, vector<1x16xf32>,
        %get3A_350 = vector.shape_cast %get3A_349 : vector<1x16xf32> to vector<16xf32>
        %add3A_351 = arith.addf %get3A_346, %get3A_350 : vector<16xf32>
        %swap3A_352 = arith.index_cast %add3A_232 : i32 to index
        %swap3A_353 = arith.constant 128 : index
        %swap3A_354 = tpu.vector_load %arg11[%swap3A_352, %swap3A_353] {strides = array<i32>} : memref<8x1024xf32, #tpu.memory_space<vmem>>, vector<1x16xf32>,
        %swap3A_355 = vector.shape_cast %swap3A_354 : vector<1x16xf32> to vector<16xf32>
        %swap3A_356 = vector.shape_cast %add3A_351 : vector<16xf32> to vector<1x16xf32>
        tpu.vector_store %arg11[%swap3A_352, %swap3A_353], %swap3A_356 {strides = array<i32>} : memref<8x1024xf32, #tpu.memory_space<vmem>>, vector<1x16xf32>,
        %get3A_357 = arith.index_cast %add3A_232 : i32 to index
        %get3A_358 = arith.constant 144 : index
        %get3A_359 = tpu.vector_load %arg11[%get3A_357, %get3A_358] {strides = array<i32>} : memref<8x1024xf32, #tpu.memory_space<vmem>>, vector<1x16xf32>,
        %get3A_360 = vector.shape_cast %get3A_359 : vector<1x16xf32> to vector<16xf32>
        %get3A_361 = arith.index_cast %add3A_232 : i32 to index
        %get3A_362 = arith.constant 144 : index
        %get3A_363 = tpu.vector_load %arg7[%get3A_361, %get3A_362] {strides = array<i32>} : memref<8x1024xf32, #tpu.memory_space<vmem>>, vector<1x16xf32>,
        %get3A_364 = vector.shape_cast %get3A_363 : vector<1x16xf32> to vector<16xf32>
        %add3A_365 = arith.addf %get3A_360, %get3A_364 : vector<16xf32>
        %swap3A_366 = arith.index_cast %add3A_232 : i32 to index
        %swap3A_367 = arith.constant 144 : index
        %swap3A_368 = tpu.vector_load %arg11[%swap3A_366, %swap3A_367] {strides = array<i32>} : memref<8x1024xf32, #tpu.memory_space<vmem>>, vector<1x16xf32>,
        %swap3A_369 = vector.shape_cast %swap3A_368 : vector<1x16xf32> to vector<16xf32>
        %swap3A_370 = vector.shape_cast %add3A_365 : vector<16xf32> to vector<1x16xf32>
        tpu.vector_store %arg11[%swap3A_366, %swap3A_367], %swap3A_370 {strides = array<i32>} : memref<8x1024xf32, #tpu.memory_space<vmem>>, vector<1x16xf32>,
        %get3A_371 = arith.index_cast %add3A_232 : i32 to index
        %get3A_372 = arith.constant 160 : index
        %get3A_373 = tpu.vector_load %arg11[%get3A_371, %get3A_372] {strides = array<i32>} : memref<8x1024xf32, #tpu.memory_space<vmem>>, vector<1x16xf32>,
        %get3A_374 = vector.shape_cast %get3A_373 : vector<1x16xf32> to vector<16xf32>
        %get3A_375 = arith.index_cast %add3A_232 : i32 to index
        %get3A_376 = arith.constant 160 : index
        %get3A_377 = tpu.vector_load %arg7[%get3A_375, %get3A_376] {strides = array<i32>} : memref<8x1024xf32, #tpu.memory_space<vmem>>, vector<1x16xf32>,
        %get3A_378 = vector.shape_cast %get3A_377 : vector<1x16xf32> to vector<16xf32>
        %add3A_379 = arith.addf %get3A_374, %get3A_378 : vector<16xf32>
        %swap3A_380 = arith.index_cast %add3A_232 : i32 to index
        %swap3A_381 = arith.constant 160 : index
        %swap3A_382 = tpu.vector_load %arg11[%swap3A_380, %swap3A_381] {strides = array<i32>} : memref<8x1024xf32, #tpu.memory_space<vmem>>, vector<1x16xf32>,
        %swap3A_383 = vector.shape_cast %swap3A_382 : vector<1x16xf32> to vector<16xf32>
        %swap3A_384 = vector.shape_cast %add3A_379 : vector<16xf32> to vector<1x16xf32>
        tpu.vector_store %arg11[%swap3A_380, %swap3A_381], %swap3A_384 {strides = array<i32>} : memref<8x1024xf32, #tpu.memory_space<vmem>>, vector<1x16xf32>,
        %get3A_385 = arith.index_cast %add3A_232 : i32 to index
        %get3A_386 = arith.constant 176 : index
        %get3A_387 = tpu.vector_load %arg11[%get3A_385, %get3A_386] {strides = array<i32>} : memref<8x1024xf32, #tpu.memory_space<vmem>>, vector<1x16xf32>,
        %get3A_388 = vector.shape_cast %get3A_387 : vector<1x16xf32> to vector<16xf32>
        %get3A_389 = arith.index_cast %add3A_232 : i32 to index
        %get3A_390 = arith.constant 176 : index
        %get3A_391 = tpu.vector_load %arg7[%get3A_389, %get3A_390] {strides = array<i32>} : memref<8x1024xf32, #tpu.memory_space<vmem>>, vector<1x16xf32>,
        %get3A_392 = vector.shape_cast %get3A_391 : vector<1x16xf32> to vector<16xf32>
        %add3A_393 = arith.addf %get3A_388, %get3A_392 : vector<16xf32>
        %swap3A_394 = arith.index_cast %add3A_232 : i32 to index
        %swap3A_395 = arith.constant 176 : index
        %swap3A_396 = tpu.vector_load %arg11[%swap3A_394, %swap3A_395] {strides = array<i32>} : memref<8x1024xf32, #tpu.memory_space<vmem>>, vector<1x16xf32>,
        %swap3A_397 = vector.shape_cast %swap3A_396 : vector<1x16xf32> to vector<16xf32>
        %swap3A_398 = vector.shape_cast %add3A_393 : vector<16xf32> to vector<1x16xf32>
        tpu.vector_store %arg11[%swap3A_394, %swap3A_395], %swap3A_398 {strides = array<i32>} : memref<8x1024xf32, #tpu.memory_space<vmem>>, vector<1x16xf32>,
        %get3A_399 = arith.index_cast %add3A_232 : i32 to index
        %get3A_400 = arith.constant 192 : index
        %get3A_401 = tpu.vector_load %arg11[%get3A_399, %get3A_400] {strides = array<i32>} : memref<8x1024xf32, #tpu.memory_space<vmem>>, vector<1x16xf32>,
        %get3A_402 = vector.shape_cast %get3A_401 : vector<1x16xf32> to vector<16xf32>
        %get3A_403 = arith.index_cast %add3A_232 : i32 to index
        %get3A_404 = arith.constant 192 : index
        %get3A_405 = tpu.vector_load %arg7[%get3A_403, %get3A_404] {strides = array<i32>} : memref<8x1024xf32, #tpu.memory_space<vmem>>, vector<1x16xf32>,
        %get3A_406 = vector.shape_cast %get3A_405 : vector<1x16xf32> to vector<16xf32>
        %add3A_407 = arith.addf %get3A_402, %get3A_406 : vector<16xf32>
        %swap3A_408 = arith.index_cast %add3A_232 : i32 to index
        %swap3A_409 = arith.constant 192 : index
        %swap3A_410 = tpu.vector_load %arg11[%swap3A_408, %swap3A_409] {strides = array<i32>} : memref<8x1024xf32, #tpu.memory_space<vmem>>, vector<1x16xf32>,
        %swap3A_411 = vector.shape_cast %swap3A_410 : vector<1x16xf32> to vector<16xf32>
        %swap3A_412 = vector.shape_cast %add3A_407 : vector<16xf32> to vector<1x16xf32>
        tpu.vector_store %arg11[%swap3A_408, %swap3A_409], %swap3A_412 {strides = array<i32>} : memref<8x1024xf32, #tpu.memory_space<vmem>>, vector<1x16xf32>,
        %get3A_413 = arith.index_cast %add3A_232 : i32 to index
        %get3A_414 = arith.constant 208 : index
        %get3A_415 = tpu.vector_load %arg11[%get3A_413, %get3A_414] {strides = array<i32>} : memref<8x1024xf32, #tpu.memory_space<vmem>>, vector<1x16xf32>,
        %get3A_416 = vector.shape_cast %get3A_415 : vector<1x16xf32> to vector<16xf32>
        %get3A_417 = arith.index_cast %add3A_232 : i32 to index
        %get3A_418 = arith.constant 208 : index
        %get3A_419 = tpu.vector_load %arg7[%get3A_417, %get3A_418] {strides = array<i32>} : memref<8x1024xf32, #tpu.memory_space<vmem>>, vector<1x16xf32>,
        %get3A_420 = vector.shape_cast %get3A_419 : vector<1x16xf32> to vector<16xf32>
        %add3A_421 = arith.addf %get3A_416, %get3A_420 : vector<16xf32>
        %swap3A_422 = arith.index_cast %add3A_232 : i32 to index
        %swap3A_423 = arith.constant 208 : index
        %swap3A_424 = tpu.vector_load %arg11[%swap3A_422, %swap3A_423] {strides = array<i32>} : memref<8x1024xf32, #tpu.memory_space<vmem>>, vector<1x16xf32>,
        %swap3A_425 = vector.shape_cast %swap3A_424 : vector<1x16xf32> to vector<16xf32>
        %swap3A_426 = vector.shape_cast %add3A_421 : vector<16xf32> to vector<1x16xf32>
        tpu.vector_store %arg11[%swap3A_422, %swap3A_423], %swap3A_426 {strides = array<i32>} : memref<8x1024xf32, #tpu.memory_space<vmem>>, vector<1x16xf32>,
        %get3A_427 = arith.index_cast %add3A_232 : i32 to index
        %get3A_428 = arith.constant 224 : index
        %get3A_429 = tpu.vector_load %arg11[%get3A_427, %get3A_428] {strides = array<i32>} : memref<8x1024xf32, #tpu.memory_space<vmem>>, vector<1x16xf32>,
        %get3A_430 = vector.shape_cast %get3A_429 : vector<1x16xf32> to vector<16xf32>
        %get3A_431 = arith.index_cast %add3A_232 : i32 to index
        %get3A_432 = arith.constant 224 : index
        %get3A_433 = tpu.vector_load %arg7[%get3A_431, %get3A_432] {strides = array<i32>} : memref<8x1024xf32, #tpu.memory_space<vmem>>, vector<1x16xf32>,
        %get3A_434 = vector.shape_cast %get3A_433 : vector<1x16xf32> to vector<16xf32>
        %add3A_435 = arith.addf %get3A_430, %get3A_434 : vector<16xf32>
        %swap3A_436 = arith.index_cast %add3A_232 : i32 to index
        %swap3A_437 = arith.constant 224 : index
        %swap3A_438 = tpu.vector_load %arg11[%swap3A_436, %swap3A_437] {strides = array<i32>} : memref<8x1024xf32, #tpu.memory_space<vmem>>, vector<1x16xf32>,
        %swap3A_439 = vector.shape_cast %swap3A_438 : vector<1x16xf32> to vector<16xf32>
        %swap3A_440 = vector.shape_cast %add3A_435 : vector<16xf32> to vector<1x16xf32>
        tpu.vector_store %arg11[%swap3A_436, %swap3A_437], %swap3A_440 {strides = array<i32>} : memref<8x1024xf32, #tpu.memory_space<vmem>>, vector<1x16xf32>,
        %get3A_441 = arith.index_cast %add3A_232 : i32 to index
        %get3A_442 = arith.constant 240 : index
        %get3A_443 = tpu.vector_load %arg11[%get3A_441, %get3A_442] {strides = array<i32>} : memref<8x1024xf32, #tpu.memory_space<vmem>>, vector<1x16xf32>,
        %get3A_444 = vector.shape_cast %get3A_443 : vector<1x16xf32> to vector<16xf32>
        %get3A_445 = arith.index_cast %add3A_232 : i32 to index
        %get3A_446 = arith.constant 240 : index
        %get3A_447 = tpu.vector_load %arg7[%get3A_445, %get3A_446] {strides = array<i32>} : memref<8x1024xf32, #tpu.memory_space<vmem>>, vector<1x16xf32>,
        %get3A_448 = vector.shape_cast %get3A_447 : vector<1x16xf32> to vector<16xf32>
        %add3A_449 = arith.addf %get3A_444, %get3A_448 : vector<16xf32>
        %swap3A_450 = arith.index_cast %add3A_232 : i32 to index
        %swap3A_451 = arith.constant 240 : index
        %swap3A_452 = tpu.vector_load %arg11[%swap3A_450, %swap3A_451] {strides = array<i32>} : memref<8x1024xf32, #tpu.memory_space<vmem>>, vector<1x16xf32>,
        %swap3A_453 = vector.shape_cast %swap3A_452 : vector<1x16xf32> to vector<16xf32>
        %swap3A_454 = vector.shape_cast %add3A_449 : vector<16xf32> to vector<1x16xf32>
        tpu.vector_store %arg11[%swap3A_450, %swap3A_451], %swap3A_454 {strides = array<i32>} : memref<8x1024xf32, #tpu.memory_space<vmem>>, vector<1x16xf32>,
        %get3A_455 = arith.index_cast %add3A_232 : i32 to index
        %get3A_456 = arith.constant 256 : index
        %get3A_457 = tpu.vector_load %arg11[%get3A_455, %get3A_456] {strides = array<i32>} : memref<8x1024xf32, #tpu.memory_space<vmem>>, vector<1x16xf32>,
        %get3A_458 = vector.shape_cast %get3A_457 : vector<1x16xf32> to vector<16xf32>
        %get3A_459 = arith.index_cast %add3A_232 : i32 to index
        %get3A_460 = arith.constant 256 : index
        %get3A_461 = tpu.vector_load %arg7[%get3A_459, %get3A_460] {strides = array<i32>} : memref<8x1024xf32, #tpu.memory_space<vmem>>, vector<1x16xf32>,
        %get3A_462 = vector.shape_cast %get3A_461 : vector<1x16xf32> to vector<16xf32>
        %add3A_463 = arith.addf %get3A_458, %get3A_462 : vector<16xf32>
        %swap3A_464 = arith.index_cast %add3A_232 : i32 to index
        %swap3A_465 = arith.constant 256 : index
        %swap3A_466 = tpu.vector_load %arg11[%swap3A_464, %swap3A_465] {strides = array<i32>} : memref<8x1024xf32, #tpu.memory_space<vmem>>, vector<1x16xf32>,
        %swap3A_467 = vector.shape_cast %swap3A_466 : vector<1x16xf32> to vector<16xf32>
        %swap3A_468 = vector.shape_cast %add3A_463 : vector<16xf32> to vector<1x16xf32>
        tpu.vector_store %arg11[%swap3A_464, %swap3A_465], %swap3A_468 {strides = array<i32>} : memref<8x1024xf32, #tpu.memory_space<vmem>>, vector<1x16xf32>,
        %get3A_469 = arith.index_cast %add3A_232 : i32 to index
        %get3A_470 = arith.constant 272 : index
        %get3A_471 = tpu.vector_load %arg11[%get3A_469, %get3A_470] {strides = array<i32>} : memref<8x1024xf32, #tpu.memory_space<vmem>>, vector<1x16xf32>,
        %get3A_472 = vector.shape_cast %get3A_471 : vector<1x16xf32> to vector<16xf32>
        %get3A_473 = arith.index_cast %add3A_232 : i32 to index
        %get3A_474 = arith.constant 272 : index
        %get3A_475 = tpu.vector_load %arg7[%get3A_473, %get3A_474] {strides = array<i32>} : memref<8x1024xf32, #tpu.memory_space<vmem>>, vector<1x16xf32>,
        %get3A_476 = vector.shape_cast %get3A_475 : vector<1x16xf32> to vector<16xf32>
        %add3A_477 = arith.addf %get3A_472, %get3A_476 : vector<16xf32>
        %swap3A_478 = arith.index_cast %add3A_232 : i32 to index
        %swap3A_479 = arith.constant 272 : index
        %swap3A_480 = tpu.vector_load %arg11[%swap3A_478, %swap3A_479] {strides = array<i32>} : memref<8x1024xf32, #tpu.memory_space<vmem>>, vector<1x16xf32>,
        %swap3A_481 = vector.shape_cast %swap3A_480 : vector<1x16xf32> to vector<16xf32>
        %swap3A_482 = vector.shape_cast %add3A_477 : vector<16xf32> to vector<1x16xf32>
        tpu.vector_store %arg11[%swap3A_478, %swap3A_479], %swap3A_482 {strides = array<i32>} : memref<8x1024xf32, #tpu.memory_space<vmem>>, vector<1x16xf32>,
        %get3A_483 = arith.index_cast %add3A_232 : i32 to index
        %get3A_484 = arith.constant 288 : index
        %get3A_485 = tpu.vector_load %arg11[%get3A_483, %get3A_484] {strides = array<i32>} : memref<8x1024xf32, #tpu.memory_space<vmem>>, vector<1x16xf32>,
        %get3A_486 = vector.shape_cast %get3A_485 : vector<1x16xf32> to vector<16xf32>
        %get3A_487 = arith.index_cast %add3A_232 : i32 to index
        %get3A_488 = arith.constant 288 : index
        %get3A_489 = tpu.vector_load %arg7[%get3A_487, %get3A_488] {strides = array<i32>} : memref<8x1024xf32, #tpu.memory_space<vmem>>, vector<1x16xf32>,
        %get3A_490 = vector.shape_cast %get3A_489 : vector<1x16xf32> to vector<16xf32>
        %add3A_491 = arith.addf %get3A_486, %get3A_490 : vector<16xf32>
        %swap3A_492 = arith.index_cast %add3A_232 : i32 to index
        %swap3A_493 = arith.constant 288 : index
        %swap3A_494 = tpu.vector_load %arg11[%swap3A_492, %swap3A_493] {strides = array<i32>} : memref<8x1024xf32, #tpu.memory_space<vmem>>, vector<1x16xf32>,
        %swap3A_495 = vector.shape_cast %swap3A_494 : vector<1x16xf32> to vector<16xf32>
        %swap3A_496 = vector.shape_cast %add3A_491 : vector<16xf32> to vector<1x16xf32>
        tpu.vector_store %arg11[%swap3A_492, %swap3A_493], %swap3A_496 {strides = array<i32>} : memref<8x1024xf32, #tpu.memory_space<vmem>>, vector<1x16xf32>,
        %get3A_497 = arith.index_cast %add3A_232 : i32 to index
        %get3A_498 = arith.constant 304 : index
        %get3A_499 = tpu.vector_load %arg11[%get3A_497, %get3A_498] {strides = array<i32>} : memref<8x1024xf32, #tpu.memory_space<vmem>>, vector<1x16xf32>,
        %get3A_500 = vector.shape_cast %get3A_499 : vector<1x16xf32> to vector<16xf32>
        %get3A_501 = arith.index_cast %add3A_232 : i32 to index
        %get3A_502 = arith.constant 304 : index
        %get3A_503 = tpu.vector_load %arg7[%get3A_501, %get3A_502] {strides = array<i32>} : memref<8x1024xf32, #tpu.memory_space<vmem>>, vector<1x16xf32>,
        %get3A_504 = vector.shape_cast %get3A_503 : vector<1x16xf32> to vector<16xf32>
        %add3A_505 = arith.addf %get3A_500, %get3A_504 : vector<16xf32>
        %swap3A_506 = arith.index_cast %add3A_232 : i32 to index
        %swap3A_507 = arith.constant 304 : index
        %swap3A_508 = tpu.vector_load %arg11[%swap3A_506, %swap3A_507] {strides = array<i32>} : memref<8x1024xf32, #tpu.memory_space<vmem>>, vector<1x16xf32>,
        %swap3A_509 = vector.shape_cast %swap3A_508 : vector<1x16xf32> to vector<16xf32>
        %swap3A_510 = vector.shape_cast %add3A_505 : vector<16xf32> to vector<1x16xf32>
        tpu.vector_store %arg11[%swap3A_506, %swap3A_507], %swap3A_510 {strides = array<i32>} : memref<8x1024xf32, #tpu.memory_space<vmem>>, vector<1x16xf32>,
        %get3A_511 = arith.index_cast %add3A_232 : i32 to index
        %get3A_512 = arith.constant 320 : index
        %get3A_513 = tpu.vector_load %arg11[%get3A_511, %get3A_512] {strides = array<i32>} : memref<8x1024xf32, #tpu.memory_space<vmem>>, vector<1x16xf32>,
        %get3A_514 = vector.shape_cast %get3A_513 : vector<1x16xf32> to vector<16xf32>
        %get3A_515 = arith.index_cast %add3A_232 : i32 to index
        %get3A_516 = arith.constant 320 : index
        %get3A_517 = tpu.vector_load %arg7[%get3A_515, %get3A_516] {strides = array<i32>} : memref<8x1024xf32, #tpu.memory_space<vmem>>, vector<1x16xf32>,
        %get3A_518 = vector.shape_cast %get3A_517 : vector<1x16xf32> to vector<16xf32>
        %add3A_519 = arith.addf %get3A_514, %get3A_518 : vector<16xf32>
        %swap3A_520 = arith.index_cast %add3A_232 : i32 to index
        %swap3A_521 = arith.constant 320 : index
        %swap3A_522 = tpu.vector_load %arg11[%swap3A_520, %swap3A_521] {strides = array<i32>} : memref<8x1024xf32, #tpu.memory_space<vmem>>, vector<1x16xf32>,
        %swap3A_523 = vector.shape_cast %swap3A_522 : vector<1x16xf32> to vector<16xf32>
        %swap3A_524 = vector.shape_cast %add3A_519 : vector<16xf32> to vector<1x16xf32>
        tpu.vector_store %arg11[%swap3A_520, %swap3A_521], %swap3A_524 {strides = array<i32>} : memref<8x1024xf32, #tpu.memory_space<vmem>>, vector<1x16xf32>,
        %get3A_525 = arith.index_cast %add3A_232 : i32 to index
        %get3A_526 = arith.constant 336 : index
        %get3A_527 = tpu.vector_load %arg11[%get3A_525, %get3A_526] {strides = array<i32>} : memref<8x1024xf32, #tpu.memory_space<vmem>>, vector<1x16xf32>,
        %get3A_528 = vector.shape_cast %get3A_527 : vector<1x16xf32> to vector<16xf32>
        %get3A_529 = arith.index_cast %add3A_232 : i32 to index
        %get3A_530 = arith.constant 336 : index
        %get3A_531 = tpu.vector_load %arg7[%get3A_529, %get3A_530] {strides = array<i32>} : memref<8x1024xf32, #tpu.memory_space<vmem>>, vector<1x16xf32>,
        %get3A_532 = vector.shape_cast %get3A_531 : vector<1x16xf32> to vector<16xf32>
        %add3A_533 = arith.addf %get3A_528, %get3A_532 : vector<16xf32>
        %swap3A_534 = arith.index_cast %add3A_232 : i32 to index
        %swap3A_535 = arith.constant 336 : index
        %swap3A_536 = tpu.vector_load %arg11[%swap3A_534, %swap3A_535] {strides = array<i32>} : memref<8x1024xf32, #tpu.memory_space<vmem>>, vector<1x16xf32>,
        %swap3A_537 = vector.shape_cast %swap3A_536 : vector<1x16xf32> to vector<16xf32>
        %swap3A_538 = vector.shape_cast %add3A_533 : vector<16xf32> to vector<1x16xf32>
        tpu.vector_store %arg11[%swap3A_534, %swap3A_535], %swap3A_538 {strides = array<i32>} : memref<8x1024xf32, #tpu.memory_space<vmem>>, vector<1x16xf32>,
        %get3A_539 = arith.index_cast %add3A_232 : i32 to index
        %get3A_540 = arith.constant 352 : index
        %get3A_541 = tpu.vector_load %arg11[%get3A_539, %get3A_540] {strides = array<i32>} : memref<8x1024xf32, #tpu.memory_space<vmem>>, vector<1x16xf32>,
        %get3A_542 = vector.shape_cast %get3A_541 : vector<1x16xf32> to vector<16xf32>
        %get3A_543 = arith.index_cast %add3A_232 : i32 to index
        %get3A_544 = arith.constant 352 : index
        %get3A_545 = tpu.vector_load %arg7[%get3A_543, %get3A_544] {strides = array<i32>} : memref<8x1024xf32, #tpu.memory_space<vmem>>, vector<1x16xf32>,
        %get3A_546 = vector.shape_cast %get3A_545 : vector<1x16xf32> to vector<16xf32>
        %add3A_547 = arith.addf %get3A_542, %get3A_546 : vector<16xf32>
        %swap3A_548 = arith.index_cast %add3A_232 : i32 to index
        %swap3A_549 = arith.constant 352 : index
        %swap3A_550 = tpu.vector_load %arg11[%swap3A_548, %swap3A_549] {strides = array<i32>} : memref<8x1024xf32, #tpu.memory_space<vmem>>, vector<1x16xf32>,
        %swap3A_551 = vector.shape_cast %swap3A_550 : vector<1x16xf32> to vector<16xf32>
        %swap3A_552 = vector.shape_cast %add3A_547 : vector<16xf32> to vector<1x16xf32>
        tpu.vector_store %arg11[%swap3A_548, %swap3A_549], %swap3A_552 {strides = array<i32>} : memref<8x1024xf32, #tpu.memory_space<vmem>>, vector<1x16xf32>,
        %get3A_553 = arith.index_cast %add3A_232 : i32 to index
        %get3A_554 = arith.constant 368 : index
        %get3A_555 = tpu.vector_load %arg11[%get3A_553, %get3A_554] {strides = array<i32>} : memref<8x1024xf32, #tpu.memory_space<vmem>>, vector<1x16xf32>,
        %get3A_556 = vector.shape_cast %get3A_555 : vector<1x16xf32> to vector<16xf32>
        %get3A_557 = arith.index_cast %add3A_232 : i32 to index
        %get3A_558 = arith.constant 368 : index
        %get3A_559 = tpu.vector_load %arg7[%get3A_557, %get3A_558] {strides = array<i32>} : memref<8x1024xf32, #tpu.memory_space<vmem>>, vector<1x16xf32>,
        %get3A_560 = vector.shape_cast %get3A_559 : vector<1x16xf32> to vector<16xf32>
        %add3A_561 = arith.addf %get3A_556, %get3A_560 : vector<16xf32>
        %swap3A_562 = arith.index_cast %add3A_232 : i32 to index
        %swap3A_563 = arith.constant 368 : index
        %swap3A_564 = tpu.vector_load %arg11[%swap3A_562, %swap3A_563] {strides = array<i32>} : memref<8x1024xf32, #tpu.memory_space<vmem>>, vector<1x16xf32>,
        %swap3A_565 = vector.shape_cast %swap3A_564 : vector<1x16xf32> to vector<16xf32>
        %swap3A_566 = vector.shape_cast %add3A_561 : vector<16xf32> to vector<1x16xf32>
        tpu.vector_store %arg11[%swap3A_562, %swap3A_563], %swap3A_566 {strides = array<i32>} : memref<8x1024xf32, #tpu.memory_space<vmem>>, vector<1x16xf32>,
        %get3A_567 = arith.index_cast %add3A_232 : i32 to index
        %get3A_568 = arith.constant 384 : index
        %get3A_569 = tpu.vector_load %arg11[%get3A_567, %get3A_568] {strides = array<i32>} : memref<8x1024xf32, #tpu.memory_space<vmem>>, vector<1x16xf32>,
        %get3A_570 = vector.shape_cast %get3A_569 : vector<1x16xf32> to vector<16xf32>
        %get3A_571 = arith.index_cast %add3A_232 : i32 to index
        %get3A_572 = arith.constant 384 : index
        %get3A_573 = tpu.vector_load %arg7[%get3A_571, %get3A_572] {strides = array<i32>} : memref<8x1024xf32, #tpu.memory_space<vmem>>, vector<1x16xf32>,
        %get3A_574 = vector.shape_cast %get3A_573 : vector<1x16xf32> to vector<16xf32>
        %add3A_575 = arith.addf %get3A_570, %get3A_574 : vector<16xf32>
        %swap3A_576 = arith.index_cast %add3A_232 : i32 to index
        %swap3A_577 = arith.constant 384 : index
        %swap3A_578 = tpu.vector_load %arg11[%swap3A_576, %swap3A_577] {strides = array<i32>} : memref<8x1024xf32, #tpu.memory_space<vmem>>, vector<1x16xf32>,
        %swap3A_579 = vector.shape_cast %swap3A_578 : vector<1x16xf32> to vector<16xf32>
        %swap3A_580 = vector.shape_cast %add3A_575 : vector<16xf32> to vector<1x16xf32>
        tpu.vector_store %arg11[%swap3A_576, %swap3A_577], %swap3A_580 {strides = array<i32>} : memref<8x1024xf32, #tpu.memory_space<vmem>>, vector<1x16xf32>,
        %get3A_581 = arith.index_cast %add3A_232 : i32 to index
        %get3A_582 = arith.constant 400 : index
        %get3A_583 = tpu.vector_load %arg11[%get3A_581, %get3A_582] {strides = array<i32>} : memref<8x1024xf32, #tpu.memory_space<vmem>>, vector<1x16xf32>,
        %get3A_584 = vector.shape_cast %get3A_583 : vector<1x16xf32> to vector<16xf32>
        %get3A_585 = arith.index_cast %add3A_232 : i32 to index
        %get3A_586 = arith.constant 400 : index
        %get3A_587 = tpu.vector_load %arg7[%get3A_585, %get3A_586] {strides = array<i32>} : memref<8x1024xf32, #tpu.memory_space<vmem>>, vector<1x16xf32>,
        %get3A_588 = vector.shape_cast %get3A_587 : vector<1x16xf32> to vector<16xf32>
        %add3A_589 = arith.addf %get3A_584, %get3A_588 : vector<16xf32>
        %swap3A_590 = arith.index_cast %add3A_232 : i32 to index
        %swap3A_591 = arith.constant 400 : index
        %swap3A_592 = tpu.vector_load %arg11[%swap3A_590, %swap3A_591] {strides = array<i32>} : memref<8x1024xf32, #tpu.memory_space<vmem>>, vector<1x16xf32>,
        %swap3A_593 = vector.shape_cast %swap3A_592 : vector<1x16xf32> to vector<16xf32>
        %swap3A_594 = vector.shape_cast %add3A_589 : vector<16xf32> to vector<1x16xf32>
        tpu.vector_store %arg11[%swap3A_590, %swap3A_591], %swap3A_594 {strides = array<i32>} : memref<8x1024xf32, #tpu.memory_space<vmem>>, vector<1x16xf32>,
        %get3A_595 = arith.index_cast %add3A_232 : i32 to index
        %get3A_596 = arith.constant 416 : index
        %get3A_597 = tpu.vector_load %arg11[%get3A_595, %get3A_596] {strides = array<i32>} : memref<8x1024xf32, #tpu.memory_space<vmem>>, vector<1x16xf32>,
        %get3A_598 = vector.shape_cast %get3A_597 : vector<1x16xf32> to vector<16xf32>
        %get3A_599 = arith.index_cast %add3A_232 : i32 to index
        %get3A_600 = arith.constant 416 : index
        %get3A_601 = tpu.vector_load %arg7[%get3A_599, %get3A_600] {strides = array<i32>} : memref<8x1024xf32, #tpu.memory_space<vmem>>, vector<1x16xf32>,
        %get3A_602 = vector.shape_cast %get3A_601 : vector<1x16xf32> to vector<16xf32>
        %add3A_603 = arith.addf %get3A_598, %get3A_602 : vector<16xf32>
        %swap3A_604 = arith.index_cast %add3A_232 : i32 to index
        %swap3A_605 = arith.constant 416 : index
        %swap3A_606 = tpu.vector_load %arg11[%swap3A_604, %swap3A_605] {strides = array<i32>} : memref<8x1024xf32, #tpu.memory_space<vmem>>, vector<1x16xf32>,
        %swap3A_607 = vector.shape_cast %swap3A_606 : vector<1x16xf32> to vector<16xf32>
        %swap3A_608 = vector.shape_cast %add3A_603 : vector<16xf32> to vector<1x16xf32>
        tpu.vector_store %arg11[%swap3A_604, %swap3A_605], %swap3A_608 {strides = array<i32>} : memref<8x1024xf32, #tpu.memory_space<vmem>>, vector<1x16xf32>,
        %get3A_609 = arith.index_cast %add3A_232 : i32 to index
        %get3A_610 = arith.constant 432 : index
        %get3A_611 = tpu.vector_load %arg11[%get3A_609, %get3A_610] {strides = array<i32>} : memref<8x1024xf32, #tpu.memory_space<vmem>>, vector<1x16xf32>,
        %get3A_612 = vector.shape_cast %get3A_611 : vector<1x16xf32> to vector<16xf32>
        %get3A_613 = arith.index_cast %add3A_232 : i32 to index
        %get3A_614 = arith.constant 432 : index
        %get3A_615 = tpu.vector_load %arg7[%get3A_613, %get3A_614] {strides = array<i32>} : memref<8x1024xf32, #tpu.memory_space<vmem>>, vector<1x16xf32>,
        %get3A_616 = vector.shape_cast %get3A_615 : vector<1x16xf32> to vector<16xf32>
        %add3A_617 = arith.addf %get3A_612, %get3A_616 : vector<16xf32>
        %swap3A_618 = arith.index_cast %add3A_232 : i32 to index
        %swap3A_619 = arith.constant 432 : index
        %swap3A_620 = tpu.vector_load %arg11[%swap3A_618, %swap3A_619] {strides = array<i32>} : memref<8x1024xf32, #tpu.memory_space<vmem>>, vector<1x16xf32>,
        %swap3A_621 = vector.shape_cast %swap3A_620 : vector<1x16xf32> to vector<16xf32>
        %swap3A_622 = vector.shape_cast %add3A_617 : vector<16xf32> to vector<1x16xf32>
        tpu.vector_store %arg11[%swap3A_618, %swap3A_619], %swap3A_622 {strides = array<i32>} : memref<8x1024xf32, #tpu.memory_space<vmem>>, vector<1x16xf32>,
        %get3A_623 = arith.index_cast %add3A_232 : i32 to index
        %get3A_624 = arith.constant 448 : index
        %get3A_625 = tpu.vector_load %arg11[%get3A_623, %get3A_624] {strides = array<i32>} : memref<8x1024xf32, #tpu.memory_space<vmem>>, vector<1x16xf32>,
        %get3A_626 = vector.shape_cast %get3A_625 : vector<1x16xf32> to vector<16xf32>
        %get3A_627 = arith.index_cast %add3A_232 : i32 to index
        %get3A_628 = arith.constant 448 : index
        %get3A_629 = tpu.vector_load %arg7[%get3A_627, %get3A_628] {strides = array<i32>} : memref<8x1024xf32, #tpu.memory_space<vmem>>, vector<1x16xf32>,
        %get3A_630 = vector.shape_cast %get3A_629 : vector<1x16xf32> to vector<16xf32>
        %add3A_631 = arith.addf %get3A_626, %get3A_630 : vector<16xf32>
        %swap3A_632 = arith.index_cast %add3A_232 : i32 to index
        %swap3A_633 = arith.constant 448 : index
        %swap3A_634 = tpu.vector_load %arg11[%swap3A_632, %swap3A_633] {strides = array<i32>} : memref<8x1024xf32, #tpu.memory_space<vmem>>, vector<1x16xf32>,
        %swap3A_635 = vector.shape_cast %swap3A_634 : vector<1x16xf32> to vector<16xf32>
        %swap3A_636 = vector.shape_cast %add3A_631 : vector<16xf32> to vector<1x16xf32>
        tpu.vector_store %arg11[%swap3A_632, %swap3A_633], %swap3A_636 {strides = array<i32>} : memref<8x1024xf32, #tpu.memory_space<vmem>>, vector<1x16xf32>,
        %get3A_637 = arith.index_cast %add3A_232 : i32 to index
        %get3A_638 = arith.constant 464 : index
        %get3A_639 = tpu.vector_load %arg11[%get3A_637, %get3A_638] {strides = array<i32>} : memref<8x1024xf32, #tpu.memory_space<vmem>>, vector<1x16xf32>,
        %get3A_640 = vector.shape_cast %get3A_639 : vector<1x16xf32> to vector<16xf32>
        %get3A_641 = arith.index_cast %add3A_232 : i32 to index
        %get3A_642 = arith.constant 464 : index
        %get3A_643 = tpu.vector_load %arg7[%get3A_641, %get3A_642] {strides = array<i32>} : memref<8x1024xf32, #tpu.memory_space<vmem>>, vector<1x16xf32>,
        %get3A_644 = vector.shape_cast %get3A_643 : vector<1x16xf32> to vector<16xf32>
        %add3A_645 = arith.addf %get3A_640, %get3A_644 : vector<16xf32>
        %swap3A_646 = arith.index_cast %add3A_232 : i32 to index
        %swap3A_647 = arith.constant 464 : index
        %swap3A_648 = tpu.vector_load %arg11[%swap3A_646, %swap3A_647] {strides = array<i32>} : memref<8x1024xf32, #tpu.memory_space<vmem>>, vector<1x16xf32>,
        %swap3A_649 = vector.shape_cast %swap3A_648 : vector<1x16xf32> to vector<16xf32>
        %swap3A_650 = vector.shape_cast %add3A_645 : vector<16xf32> to vector<1x16xf32>
        tpu.vector_store %arg11[%swap3A_646, %swap3A_647], %swap3A_650 {strides = array<i32>} : memref<8x1024xf32, #tpu.memory_space<vmem>>, vector<1x16xf32>,
        %get3A_651 = arith.index_cast %add3A_232 : i32 to index
        %get3A_652 = arith.constant 480 : index
        %get3A_653 = tpu.vector_load %arg11[%get3A_651, %get3A_652] {strides = array<i32>} : memref<8x1024xf32, #tpu.memory_space<vmem>>, vector<1x16xf32>,
        %get3A_654 = vector.shape_cast %get3A_653 : vector<1x16xf32> to vector<16xf32>
        %get3A_655 = arith.index_cast %add3A_232 : i32 to index
        %get3A_656 = arith.constant 480 : index
        %get3A_657 = tpu.vector_load %arg7[%get3A_655, %get3A_656] {strides = array<i32>} : memref<8x1024xf32, #tpu.memory_space<vmem>>, vector<1x16xf32>,
        %get3A_658 = vector.shape_cast %get3A_657 : vector<1x16xf32> to vector<16xf32>
        %add3A_659 = arith.addf %get3A_654, %get3A_658 : vector<16xf32>
        %swap3A_660 = arith.index_cast %add3A_232 : i32 to index
        %swap3A_661 = arith.constant 480 : index
        %swap3A_662 = tpu.vector_load %arg11[%swap3A_660, %swap3A_661] {strides = array<i32>} : memref<8x1024xf32, #tpu.memory_space<vmem>>, vector<1x16xf32>,
        %swap3A_663 = vector.shape_cast %swap3A_662 : vector<1x16xf32> to vector<16xf32>
        %swap3A_664 = vector.shape_cast %add3A_659 : vector<16xf32> to vector<1x16xf32>
        tpu.vector_store %arg11[%swap3A_660, %swap3A_661], %swap3A_664 {strides = array<i32>} : memref<8x1024xf32, #tpu.memory_space<vmem>>, vector<1x16xf32>,
        %get3A_665 = arith.index_cast %add3A_232 : i32 to index
        %get3A_666 = arith.constant 496 : index
        %get3A_667 = tpu.vector_load %arg11[%get3A_665, %get3A_666] {strides = array<i32>} : memref<8x1024xf32, #tpu.memory_space<vmem>>, vector<1x16xf32>,
        %get3A_668 = vector.shape_cast %get3A_667 : vector<1x16xf32> to vector<16xf32>
        %get3A_669 = arith.index_cast %add3A_232 : i32 to index
        %get3A_670 = arith.constant 496 : index
        %get3A_671 = tpu.vector_load %arg7[%get3A_669, %get3A_670] {strides = array<i32>} : memref<8x1024xf32, #tpu.memory_space<vmem>>, vector<1x16xf32>,
        %get3A_672 = vector.shape_cast %get3A_671 : vector<1x16xf32> to vector<16xf32>
        %add3A_673 = arith.addf %get3A_668, %get3A_672 : vector<16xf32>
        %swap3A_674 = arith.index_cast %add3A_232 : i32 to index
        %swap3A_675 = arith.constant 496 : index
        %swap3A_676 = tpu.vector_load %arg11[%swap3A_674, %swap3A_675] {strides = array<i32>} : memref<8x1024xf32, #tpu.memory_space<vmem>>, vector<1x16xf32>,
        %swap3A_677 = vector.shape_cast %swap3A_676 : vector<1x16xf32> to vector<16xf32>
        %swap3A_678 = vector.shape_cast %add3A_673 : vector<16xf32> to vector<1x16xf32>
        tpu.vector_store %arg11[%swap3A_674, %swap3A_675], %swap3A_678 {strides = array<i32>} : memref<8x1024xf32, #tpu.memory_space<vmem>>, vector<1x16xf32>,
        %get3A_679 = arith.index_cast %add3A_232 : i32 to index
        %get3A_680 = arith.constant 512 : index
        %get3A_681 = tpu.vector_load %arg11[%get3A_679, %get3A_680] {strides = array<i32>} : memref<8x1024xf32, #tpu.memory_space<vmem>>, vector<1x16xf32>,
        %get3A_682 = vector.shape_cast %get3A_681 : vector<1x16xf32> to vector<16xf32>
        %get3A_683 = arith.index_cast %add3A_232 : i32 to index
        %get3A_684 = arith.constant 512 : index
        %get3A_685 = tpu.vector_load %arg7[%get3A_683, %get3A_684] {strides = array<i32>} : memref<8x1024xf32, #tpu.memory_space<vmem>>, vector<1x16xf32>,
        %get3A_686 = vector.shape_cast %get3A_685 : vector<1x16xf32> to vector<16xf32>
        %add3A_687 = arith.addf %get3A_682, %get3A_686 : vector<16xf32>
        %swap3A_688 = arith.index_cast %add3A_232 : i32 to index
        %swap3A_689 = arith.constant 512 : index
        %swap3A_690 = tpu.vector_load %arg11[%swap3A_688, %swap3A_689] {strides = array<i32>} : memref<8x1024xf32, #tpu.memory_space<vmem>>, vector<1x16xf32>,
        %swap3A_691 = vector.shape_cast %swap3A_690 : vector<1x16xf32> to vector<16xf32>
        %swap3A_692 = vector.shape_cast %add3A_687 : vector<16xf32> to vector<1x16xf32>
        tpu.vector_store %arg11[%swap3A_688, %swap3A_689], %swap3A_692 {strides = array<i32>} : memref<8x1024xf32, #tpu.memory_space<vmem>>, vector<1x16xf32>,
        %get3A_693 = arith.index_cast %add3A_232 : i32 to index
        %get3A_694 = arith.constant 528 : index
        %get3A_695 = tpu.vector_load %arg11[%get3A_693, %get3A_694] {strides = array<i32>} : memref<8x1024xf32, #tpu.memory_space<vmem>>, vector<1x16xf32>,
        %get3A_696 = vector.shape_cast %get3A_695 : vector<1x16xf32> to vector<16xf32>
        %get3A_697 = arith.index_cast %add3A_232 : i32 to index
        %get3A_698 = arith.constant 528 : index
        %get3A_699 = tpu.vector_load %arg7[%get3A_697, %get3A_698] {strides = array<i32>} : memref<8x1024xf32, #tpu.memory_space<vmem>>, vector<1x16xf32>,
        %get3A_700 = vector.shape_cast %get3A_699 : vector<1x16xf32> to vector<16xf32>
        %add3A_701 = arith.addf %get3A_696, %get3A_700 : vector<16xf32>
        %swap3A_702 = arith.index_cast %add3A_232 : i32 to index
        %swap3A_703 = arith.constant 528 : index
        %swap3A_704 = tpu.vector_load %arg11[%swap3A_702, %swap3A_703] {strides = array<i32>} : memref<8x1024xf32, #tpu.memory_space<vmem>>, vector<1x16xf32>,
        %swap3A_705 = vector.shape_cast %swap3A_704 : vector<1x16xf32> to vector<16xf32>
        %swap3A_706 = vector.shape_cast %add3A_701 : vector<16xf32> to vector<1x16xf32>
        tpu.vector_store %arg11[%swap3A_702, %swap3A_703], %swap3A_706 {strides = array<i32>} : memref<8x1024xf32, #tpu.memory_space<vmem>>, vector<1x16xf32>,
        %get3A_707 = arith.index_cast %add3A_232 : i32 to index
        %get3A_708 = arith.constant 544 : index
        %get3A_709 = tpu.vector_load %arg11[%get3A_707, %get3A_708] {strides = array<i32>} : memref<8x1024xf32, #tpu.memory_space<vmem>>, vector<1x16xf32>,
        %get3A_710 = vector.shape_cast %get3A_709 : vector<1x16xf32> to vector<16xf32>
        %get3A_711 = arith.index_cast %add3A_232 : i32 to index
        %get3A_712 = arith.constant 544 : index
        %get3A_713 = tpu.vector_load %arg7[%get3A_711, %get3A_712] {strides = array<i32>} : memref<8x1024xf32, #tpu.memory_space<vmem>>, vector<1x16xf32>,
        %get3A_714 = vector.shape_cast %get3A_713 : vector<1x16xf32> to vector<16xf32>
        %add3A_715 = arith.addf %get3A_710, %get3A_714 : vector<16xf32>
        %swap3A_716 = arith.index_cast %add3A_232 : i32 to index
        %swap3A_717 = arith.constant 544 : index
        %swap3A_718 = tpu.vector_load %arg11[%swap3A_716, %swap3A_717] {strides = array<i32>} : memref<8x1024xf32, #tpu.memory_space<vmem>>, vector<1x16xf32>,
        %swap3A_719 = vector.shape_cast %swap3A_718 : vector<1x16xf32> to vector<16xf32>
        %swap3A_720 = vector.shape_cast %add3A_715 : vector<16xf32> to vector<1x16xf32>
        tpu.vector_store %arg11[%swap3A_716, %swap3A_717], %swap3A_720 {strides = array<i32>} : memref<8x1024xf32, #tpu.memory_space<vmem>>, vector<1x16xf32>,
        %get3A_721 = arith.index_cast %add3A_232 : i32 to index
        %get3A_722 = arith.constant 560 : index
        %get3A_723 = tpu.vector_load %arg11[%get3A_721, %get3A_722] {strides = array<i32>} : memref<8x1024xf32, #tpu.memory_space<vmem>>, vector<1x16xf32>,
        %get3A_724 = vector.shape_cast %get3A_723 : vector<1x16xf32> to vector<16xf32>
        %get3A_725 = arith.index_cast %add3A_232 : i32 to index
        %get3A_726 = arith.constant 560 : index
        %get3A_727 = tpu.vector_load %arg7[%get3A_725, %get3A_726] {strides = array<i32>} : memref<8x1024xf32, #tpu.memory_space<vmem>>, vector<1x16xf32>,
        %get3A_728 = vector.shape_cast %get3A_727 : vector<1x16xf32> to vector<16xf32>
        %add3A_729 = arith.addf %get3A_724, %get3A_728 : vector<16xf32>
        %swap3A_730 = arith.index_cast %add3A_232 : i32 to index
        %swap3A_731 = arith.constant 560 : index
        %swap3A_732 = tpu.vector_load %arg11[%swap3A_730, %swap3A_731] {strides = array<i32>} : memref<8x1024xf32, #tpu.memory_space<vmem>>, vector<1x16xf32>,
        %swap3A_733 = vector.shape_cast %swap3A_732 : vector<1x16xf32> to vector<16xf32>
        %swap3A_734 = vector.shape_cast %add3A_729 : vector<16xf32> to vector<1x16xf32>
        tpu.vector_store %arg11[%swap3A_730, %swap3A_731], %swap3A_734 {strides = array<i32>} : memref<8x1024xf32, #tpu.memory_space<vmem>>, vector<1x16xf32>,
        %get3A_735 = arith.index_cast %add3A_232 : i32 to index
        %get3A_736 = arith.constant 576 : index
        %get3A_737 = tpu.vector_load %arg11[%get3A_735, %get3A_736] {strides = array<i32>} : memref<8x1024xf32, #tpu.memory_space<vmem>>, vector<1x16xf32>,
        %get3A_738 = vector.shape_cast %get3A_737 : vector<1x16xf32> to vector<16xf32>
        %get3A_739 = arith.index_cast %add3A_232 : i32 to index
        %get3A_740 = arith.constant 576 : index
        %get3A_741 = tpu.vector_load %arg7[%get3A_739, %get3A_740] {strides = array<i32>} : memref<8x1024xf32, #tpu.memory_space<vmem>>, vector<1x16xf32>,
        %get3A_742 = vector.shape_cast %get3A_741 : vector<1x16xf32> to vector<16xf32>
        %add3A_743 = arith.addf %get3A_738, %get3A_742 : vector<16xf32>
        %swap3A_744 = arith.index_cast %add3A_232 : i32 to index
        %swap3A_745 = arith.constant 576 : index
        %swap3A_746 = tpu.vector_load %arg11[%swap3A_744, %swap3A_745] {strides = array<i32>} : memref<8x1024xf32, #tpu.memory_space<vmem>>, vector<1x16xf32>,
        %swap3A_747 = vector.shape_cast %swap3A_746 : vector<1x16xf32> to vector<16xf32>
        %swap3A_748 = vector.shape_cast %add3A_743 : vector<16xf32> to vector<1x16xf32>
        tpu.vector_store %arg11[%swap3A_744, %swap3A_745], %swap3A_748 {strides = array<i32>} : memref<8x1024xf32, #tpu.memory_space<vmem>>, vector<1x16xf32>,
        %get3A_749 = arith.index_cast %add3A_232 : i32 to index
        %get3A_750 = arith.constant 592 : index
        %get3A_751 = tpu.vector_load %arg11[%get3A_749, %get3A_750] {strides = array<i32>} : memref<8x1024xf32, #tpu.memory_space<vmem>>, vector<1x16xf32>,
        %get3A_752 = vector.shape_cast %get3A_751 : vector<1x16xf32> to vector<16xf32>
        %get3A_753 = arith.index_cast %add3A_232 : i32 to index
        %get3A_754 = arith.constant 592 : index
        %get3A_755 = tpu.vector_load %arg7[%get3A_753, %get3A_754] {strides = array<i32>} : memref<8x1024xf32, #tpu.memory_space<vmem>>, vector<1x16xf32>,
        %get3A_756 = vector.shape_cast %get3A_755 : vector<1x16xf32> to vector<16xf32>
        %add3A_757 = arith.addf %get3A_752, %get3A_756 : vector<16xf32>
        %swap3A_758 = arith.index_cast %add3A_232 : i32 to index
        %swap3A_759 = arith.constant 592 : index
        %swap3A_760 = tpu.vector_load %arg11[%swap3A_758, %swap3A_759] {strides = array<i32>} : memref<8x1024xf32, #tpu.memory_space<vmem>>, vector<1x16xf32>,
        %swap3A_761 = vector.shape_cast %swap3A_760 : vector<1x16xf32> to vector<16xf32>
        %swap3A_762 = vector.shape_cast %add3A_757 : vector<16xf32> to vector<1x16xf32>
        tpu.vector_store %arg11[%swap3A_758, %swap3A_759], %swap3A_762 {strides = array<i32>} : memref<8x1024xf32, #tpu.memory_space<vmem>>, vector<1x16xf32>,
        %get3A_763 = arith.index_cast %add3A_232 : i32 to index
        %get3A_764 = arith.constant 608 : index
        %get3A_765 = tpu.vector_load %arg11[%get3A_763, %get3A_764] {strides = array<i32>} : memref<8x1024xf32, #tpu.memory_space<vmem>>, vector<1x16xf32>,
        %get3A_766 = vector.shape_cast %get3A_765 : vector<1x16xf32> to vector<16xf32>
        %get3A_767 = arith.index_cast %add3A_232 : i32 to index
        %get3A_768 = arith.constant 608 : index
        %get3A_769 = tpu.vector_load %arg7[%get3A_767, %get3A_768] {strides = array<i32>} : memref<8x1024xf32, #tpu.memory_space<vmem>>, vector<1x16xf32>,
        %get3A_770 = vector.shape_cast %get3A_769 : vector<1x16xf32> to vector<16xf32>
        %add3A_771 = arith.addf %get3A_766, %get3A_770 : vector<16xf32>
        %swap3A_772 = arith.index_cast %add3A_232 : i32 to index
        %swap3A_773 = arith.constant 608 : index
        %swap3A_774 = tpu.vector_load %arg11[%swap3A_772, %swap3A_773] {strides = array<i32>} : memref<8x1024xf32, #tpu.memory_space<vmem>>, vector<1x16xf32>,
        %swap3A_775 = vector.shape_cast %swap3A_774 : vector<1x16xf32> to vector<16xf32>
        %swap3A_776 = vector.shape_cast %add3A_771 : vector<16xf32> to vector<1x16xf32>
        tpu.vector_store %arg11[%swap3A_772, %swap3A_773], %swap3A_776 {strides = array<i32>} : memref<8x1024xf32, #tpu.memory_space<vmem>>, vector<1x16xf32>,
        %get3A_777 = arith.index_cast %add3A_232 : i32 to index
        %get3A_778 = arith.constant 624 : index
        %get3A_779 = tpu.vector_load %arg11[%get3A_777, %get3A_778] {strides = array<i32>} : memref<8x1024xf32, #tpu.memory_space<vmem>>, vector<1x16xf32>,
        %get3A_780 = vector.shape_cast %get3A_779 : vector<1x16xf32> to vector<16xf32>
        %get3A_781 = arith.index_cast %add3A_232 : i32 to index
        %get3A_782 = arith.constant 624 : index
        %get3A_783 = tpu.vector_load %arg7[%get3A_781, %get3A_782] {strides = array<i32>} : memref<8x1024xf32, #tpu.memory_space<vmem>>, vector<1x16xf32>,
        %get3A_784 = vector.shape_cast %get3A_783 : vector<1x16xf32> to vector<16xf32>
        %add3A_785 = arith.addf %get3A_780, %get3A_784 : vector<16xf32>
        %swap3A_786 = arith.index_cast %add3A_232 : i32 to index
        %swap3A_787 = arith.constant 624 : index
        %swap3A_788 = tpu.vector_load %arg11[%swap3A_786, %swap3A_787] {strides = array<i32>} : memref<8x1024xf32, #tpu.memory_space<vmem>>, vector<1x16xf32>,
        %swap3A_789 = vector.shape_cast %swap3A_788 : vector<1x16xf32> to vector<16xf32>
        %swap3A_790 = vector.shape_cast %add3A_785 : vector<16xf32> to vector<1x16xf32>
        tpu.vector_store %arg11[%swap3A_786, %swap3A_787], %swap3A_790 {strides = array<i32>} : memref<8x1024xf32, #tpu.memory_space<vmem>>, vector<1x16xf32>,
        %get3A_791 = arith.index_cast %add3A_232 : i32 to index
        %get3A_792 = arith.constant 640 : index
        %get3A_793 = tpu.vector_load %arg11[%get3A_791, %get3A_792] {strides = array<i32>} : memref<8x1024xf32, #tpu.memory_space<vmem>>, vector<1x16xf32>,
        %get3A_794 = vector.shape_cast %get3A_793 : vector<1x16xf32> to vector<16xf32>
        %get3A_795 = arith.index_cast %add3A_232 : i32 to index
        %get3A_796 = arith.constant 640 : index
        %get3A_797 = tpu.vector_load %arg7[%get3A_795, %get3A_796] {strides = array<i32>} : memref<8x1024xf32, #tpu.memory_space<vmem>>, vector<1x16xf32>,
        %get3A_798 = vector.shape_cast %get3A_797 : vector<1x16xf32> to vector<16xf32>
        %add3A_799 = arith.addf %get3A_794, %get3A_798 : vector<16xf32>
        %swap3A_800 = arith.index_cast %add3A_232 : i32 to index
        %swap3A_801 = arith.constant 640 : index
        %swap3A_802 = tpu.vector_load %arg11[%swap3A_800, %swap3A_801] {strides = array<i32>} : memref<8x1024xf32, #tpu.memory_space<vmem>>, vector<1x16xf32>,
        %swap3A_803 = vector.shape_cast %swap3A_802 : vector<1x16xf32> to vector<16xf32>
        %swap3A_804 = vector.shape_cast %add3A_799 : vector<16xf32> to vector<1x16xf32>
        tpu.vector_store %arg11[%swap3A_800, %swap3A_801], %swap3A_804 {strides = array<i32>} : memref<8x1024xf32, #tpu.memory_space<vmem>>, vector<1x16xf32>,
        %get3A_805 = arith.index_cast %add3A_232 : i32 to index
        %get3A_806 = arith.constant 656 : index
        %get3A_807 = tpu.vector_load %arg11[%get3A_805, %get3A_806] {strides = array<i32>} : memref<8x1024xf32, #tpu.memory_space<vmem>>, vector<1x16xf32>,
        %get3A_808 = vector.shape_cast %get3A_807 : vector<1x16xf32> to vector<16xf32>
        %get3A_809 = arith.index_cast %add3A_232 : i32 to index
        %get3A_810 = arith.constant 656 : index
        %get3A_811 = tpu.vector_load %arg7[%get3A_809, %get3A_810] {strides = array<i32>} : memref<8x1024xf32, #tpu.memory_space<vmem>>, vector<1x16xf32>,
        %get3A_812 = vector.shape_cast %get3A_811 : vector<1x16xf32> to vector<16xf32>
        %add3A_813 = arith.addf %get3A_808, %get3A_812 : vector<16xf32>
        %swap3A_814 = arith.index_cast %add3A_232 : i32 to index
        %swap3A_815 = arith.constant 656 : index
        %swap3A_816 = tpu.vector_load %arg11[%swap3A_814, %swap3A_815] {strides = array<i32>} : memref<8x1024xf32, #tpu.memory_space<vmem>>, vector<1x16xf32>,
        %swap3A_817 = vector.shape_cast %swap3A_816 : vector<1x16xf32> to vector<16xf32>
        %swap3A_818 = vector.shape_cast %add3A_813 : vector<16xf32> to vector<1x16xf32>
        tpu.vector_store %arg11[%swap3A_814, %swap3A_815], %swap3A_818 {strides = array<i32>} : memref<8x1024xf32, #tpu.memory_space<vmem>>, vector<1x16xf32>,
        %get3A_819 = arith.index_cast %add3A_232 : i32 to index
        %get3A_820 = arith.constant 672 : index
        %get3A_821 = tpu.vector_load %arg11[%get3A_819, %get3A_820] {strides = array<i32>} : memref<8x1024xf32, #tpu.memory_space<vmem>>, vector<1x16xf32>,
        %get3A_822 = vector.shape_cast %get3A_821 : vector<1x16xf32> to vector<16xf32>
        %get3A_823 = arith.index_cast %add3A_232 : i32 to index
        %get3A_824 = arith.constant 672 : index
        %get3A_825 = tpu.vector_load %arg7[%get3A_823, %get3A_824] {strides = array<i32>} : memref<8x1024xf32, #tpu.memory_space<vmem>>, vector<1x16xf32>,
        %get3A_826 = vector.shape_cast %get3A_825 : vector<1x16xf32> to vector<16xf32>
        %add3A_827 = arith.addf %get3A_822, %get3A_826 : vector<16xf32>
        %swap3A_828 = arith.index_cast %add3A_232 : i32 to index
        %swap3A_829 = arith.constant 672 : index
        %swap3A_830 = tpu.vector_load %arg11[%swap3A_828, %swap3A_829] {strides = array<i32>} : memref<8x1024xf32, #tpu.memory_space<vmem>>, vector<1x16xf32>,
        %swap3A_831 = vector.shape_cast %swap3A_830 : vector<1x16xf32> to vector<16xf32>
        %swap3A_832 = vector.shape_cast %add3A_827 : vector<16xf32> to vector<1x16xf32>
        tpu.vector_store %arg11[%swap3A_828, %swap3A_829], %swap3A_832 {strides = array<i32>} : memref<8x1024xf32, #tpu.memory_space<vmem>>, vector<1x16xf32>,
        %get3A_833 = arith.index_cast %add3A_232 : i32 to index
        %get3A_834 = arith.constant 688 : index
        %get3A_835 = tpu.vector_load %arg11[%get3A_833, %get3A_834] {strides = array<i32>} : memref<8x1024xf32, #tpu.memory_space<vmem>>, vector<1x16xf32>,
        %get3A_836 = vector.shape_cast %get3A_835 : vector<1x16xf32> to vector<16xf32>
        %get3A_837 = arith.index_cast %add3A_232 : i32 to index
        %get3A_838 = arith.constant 688 : index
        %get3A_839 = tpu.vector_load %arg7[%get3A_837, %get3A_838] {strides = array<i32>} : memref<8x1024xf32, #tpu.memory_space<vmem>>, vector<1x16xf32>,
        %get3A_840 = vector.shape_cast %get3A_839 : vector<1x16xf32> to vector<16xf32>
        %add3A_841 = arith.addf %get3A_836, %get3A_840 : vector<16xf32>
        %swap3A_842 = arith.index_cast %add3A_232 : i32 to index
        %swap3A_843 = arith.constant 688 : index
        %swap3A_844 = tpu.vector_load %arg11[%swap3A_842, %swap3A_843] {strides = array<i32>} : memref<8x1024xf32, #tpu.memory_space<vmem>>, vector<1x16xf32>,
        %swap3A_845 = vector.shape_cast %swap3A_844 : vector<1x16xf32> to vector<16xf32>
        %swap3A_846 = vector.shape_cast %add3A_841 : vector<16xf32> to vector<1x16xf32>
        tpu.vector_store %arg11[%swap3A_842, %swap3A_843], %swap3A_846 {strides = array<i32>} : memref<8x1024xf32, #tpu.memory_space<vmem>>, vector<1x16xf32>,
        %get3A_847 = arith.index_cast %add3A_232 : i32 to index
        %get3A_848 = arith.constant 704 : index
        %get3A_849 = tpu.vector_load %arg11[%get3A_847, %get3A_848] {strides = array<i32>} : memref<8x1024xf32, #tpu.memory_space<vmem>>, vector<1x16xf32>,
        %get3A_850 = vector.shape_cast %get3A_849 : vector<1x16xf32> to vector<16xf32>
        %get3A_851 = arith.index_cast %add3A_232 : i32 to index
        %get3A_852 = arith.constant 704 : index
        %get3A_853 = tpu.vector_load %arg7[%get3A_851, %get3A_852] {strides = array<i32>} : memref<8x1024xf32, #tpu.memory_space<vmem>>, vector<1x16xf32>,
        %get3A_854 = vector.shape_cast %get3A_853 : vector<1x16xf32> to vector<16xf32>
        %add3A_855 = arith.addf %get3A_850, %get3A_854 : vector<16xf32>
        %swap3A_856 = arith.index_cast %add3A_232 : i32 to index
        %swap3A_857 = arith.constant 704 : index
        %swap3A_858 = tpu.vector_load %arg11[%swap3A_856, %swap3A_857] {strides = array<i32>} : memref<8x1024xf32, #tpu.memory_space<vmem>>, vector<1x16xf32>,
        %swap3A_859 = vector.shape_cast %swap3A_858 : vector<1x16xf32> to vector<16xf32>
        %swap3A_860 = vector.shape_cast %add3A_855 : vector<16xf32> to vector<1x16xf32>
        tpu.vector_store %arg11[%swap3A_856, %swap3A_857], %swap3A_860 {strides = array<i32>} : memref<8x1024xf32, #tpu.memory_space<vmem>>, vector<1x16xf32>,
        %get3A_861 = arith.index_cast %add3A_232 : i32 to index
        %get3A_862 = arith.constant 720 : index
        %get3A_863 = tpu.vector_load %arg11[%get3A_861, %get3A_862] {strides = array<i32>} : memref<8x1024xf32, #tpu.memory_space<vmem>>, vector<1x16xf32>,
        %get3A_864 = vector.shape_cast %get3A_863 : vector<1x16xf32> to vector<16xf32>
        %get3A_865 = arith.index_cast %add3A_232 : i32 to index
        %get3A_866 = arith.constant 720 : index
        %get3A_867 = tpu.vector_load %arg7[%get3A_865, %get3A_866] {strides = array<i32>} : memref<8x1024xf32, #tpu.memory_space<vmem>>, vector<1x16xf32>,
        %get3A_868 = vector.shape_cast %get3A_867 : vector<1x16xf32> to vector<16xf32>
        %add3A_869 = arith.addf %get3A_864, %get3A_868 : vector<16xf32>
        %swap3A_870 = arith.index_cast %add3A_232 : i32 to index
        %swap3A_871 = arith.constant 720 : index
        %swap3A_872 = tpu.vector_load %arg11[%swap3A_870, %swap3A_871] {strides = array<i32>} : memref<8x1024xf32, #tpu.memory_space<vmem>>, vector<1x16xf32>,
        %swap3A_873 = vector.shape_cast %swap3A_872 : vector<1x16xf32> to vector<16xf32>
        %swap3A_874 = vector.shape_cast %add3A_869 : vector<16xf32> to vector<1x16xf32>
        tpu.vector_store %arg11[%swap3A_870, %swap3A_871], %swap3A_874 {strides = array<i32>} : memref<8x1024xf32, #tpu.memory_space<vmem>>, vector<1x16xf32>,
        %get3A_875 = arith.index_cast %add3A_232 : i32 to index
        %get3A_876 = arith.constant 736 : index
        %get3A_877 = tpu.vector_load %arg11[%get3A_875, %get3A_876] {strides = array<i32>} : memref<8x1024xf32, #tpu.memory_space<vmem>>, vector<1x16xf32>,
        %get3A_878 = vector.shape_cast %get3A_877 : vector<1x16xf32> to vector<16xf32>
        %get3A_879 = arith.index_cast %add3A_232 : i32 to index
        %get3A_880 = arith.constant 736 : index
        %get3A_881 = tpu.vector_load %arg7[%get3A_879, %get3A_880] {strides = array<i32>} : memref<8x1024xf32, #tpu.memory_space<vmem>>, vector<1x16xf32>,
        %get3A_882 = vector.shape_cast %get3A_881 : vector<1x16xf32> to vector<16xf32>
        %add3A_883 = arith.addf %get3A_878, %get3A_882 : vector<16xf32>
        %swap3A_884 = arith.index_cast %add3A_232 : i32 to index
        %swap3A_885 = arith.constant 736 : index
        %swap3A_886 = tpu.vector_load %arg11[%swap3A_884, %swap3A_885] {strides = array<i32>} : memref<8x1024xf32, #tpu.memory_space<vmem>>, vector<1x16xf32>,
        %swap3A_887 = vector.shape_cast %swap3A_886 : vector<1x16xf32> to vector<16xf32>
        %swap3A_888 = vector.shape_cast %add3A_883 : vector<16xf32> to vector<1x16xf32>
        tpu.vector_store %arg11[%swap3A_884, %swap3A_885], %swap3A_888 {strides = array<i32>} : memref<8x1024xf32, #tpu.memory_space<vmem>>, vector<1x16xf32>,
        %get3A_889 = arith.index_cast %add3A_232 : i32 to index
        %get3A_890 = arith.constant 752 : index
        %get3A_891 = tpu.vector_load %arg11[%get3A_889, %get3A_890] {strides = array<i32>} : memref<8x1024xf32, #tpu.memory_space<vmem>>, vector<1x16xf32>,
        %get3A_892 = vector.shape_cast %get3A_891 : vector<1x16xf32> to vector<16xf32>
        %get3A_893 = arith.index_cast %add3A_232 : i32 to index
        %get3A_894 = arith.constant 752 : index
        %get3A_895 = tpu.vector_load %arg7[%get3A_893, %get3A_894] {strides = array<i32>} : memref<8x1024xf32, #tpu.memory_space<vmem>>, vector<1x16xf32>,
        %get3A_896 = vector.shape_cast %get3A_895 : vector<1x16xf32> to vector<16xf32>
        %add3A_897 = arith.addf %get3A_892, %get3A_896 : vector<16xf32>
        %swap3A_898 = arith.index_cast %add3A_232 : i32 to index
        %swap3A_899 = arith.constant 752 : index
        %swap3A_900 = tpu.vector_load %arg11[%swap3A_898, %swap3A_899] {strides = array<i32>} : memref<8x1024xf32, #tpu.memory_space<vmem>>, vector<1x16xf32>,
        %swap3A_901 = vector.shape_cast %swap3A_900 : vector<1x16xf32> to vector<16xf32>
        %swap3A_902 = vector.shape_cast %add3A_897 : vector<16xf32> to vector<1x16xf32>
        tpu.vector_store %arg11[%swap3A_898, %swap3A_899], %swap3A_902 {strides = array<i32>} : memref<8x1024xf32, #tpu.memory_space<vmem>>, vector<1x16xf32>,
        %get3A_903 = arith.index_cast %add3A_232 : i32 to index
        %get3A_904 = arith.constant 768 : index
        %get3A_905 = tpu.vector_load %arg11[%get3A_903, %get3A_904] {strides = array<i32>} : memref<8x1024xf32, #tpu.memory_space<vmem>>, vector<1x16xf32>,
        %get3A_906 = vector.shape_cast %get3A_905 : vector<1x16xf32> to vector<16xf32>
        %get3A_907 = arith.index_cast %add3A_232 : i32 to index
        %get3A_908 = arith.constant 768 : index
        %get3A_909 = tpu.vector_load %arg7[%get3A_907, %get3A_908] {strides = array<i32>} : memref<8x1024xf32, #tpu.memory_space<vmem>>, vector<1x16xf32>,
        %get3A_910 = vector.shape_cast %get3A_909 : vector<1x16xf32> to vector<16xf32>
        %add3A_911 = arith.addf %get3A_906, %get3A_910 : vector<16xf32>
        %swap3A_912 = arith.index_cast %add3A_232 : i32 to index
        %swap3A_913 = arith.constant 768 : index
        %swap3A_914 = tpu.vector_load %arg11[%swap3A_912, %swap3A_913] {strides = array<i32>} : memref<8x1024xf32, #tpu.memory_space<vmem>>, vector<1x16xf32>,
        %swap3A_915 = vector.shape_cast %swap3A_914 : vector<1x16xf32> to vector<16xf32>
        %swap3A_916 = vector.shape_cast %add3A_911 : vector<16xf32> to vector<1x16xf32>
        tpu.vector_store %arg11[%swap3A_912, %swap3A_913], %swap3A_916 {strides = array<i32>} : memref<8x1024xf32, #tpu.memory_space<vmem>>, vector<1x16xf32>,
        %get3A_917 = arith.index_cast %add3A_232 : i32 to index
        %get3A_918 = arith.constant 784 : index
        %get3A_919 = tpu.vector_load %arg11[%get3A_917, %get3A_918] {strides = array<i32>} : memref<8x1024xf32, #tpu.memory_space<vmem>>, vector<1x16xf32>,
        %get3A_920 = vector.shape_cast %get3A_919 : vector<1x16xf32> to vector<16xf32>
        %get3A_921 = arith.index_cast %add3A_232 : i32 to index
        %get3A_922 = arith.constant 784 : index
        %get3A_923 = tpu.vector_load %arg7[%get3A_921, %get3A_922] {strides = array<i32>} : memref<8x1024xf32, #tpu.memory_space<vmem>>, vector<1x16xf32>,
        %get3A_924 = vector.shape_cast %get3A_923 : vector<1x16xf32> to vector<16xf32>
        %add3A_925 = arith.addf %get3A_920, %get3A_924 : vector<16xf32>
        %swap3A_926 = arith.index_cast %add3A_232 : i32 to index
        %swap3A_927 = arith.constant 784 : index
        %swap3A_928 = tpu.vector_load %arg11[%swap3A_926, %swap3A_927] {strides = array<i32>} : memref<8x1024xf32, #tpu.memory_space<vmem>>, vector<1x16xf32>,
        %swap3A_929 = vector.shape_cast %swap3A_928 : vector<1x16xf32> to vector<16xf32>
        %swap3A_930 = vector.shape_cast %add3A_925 : vector<16xf32> to vector<1x16xf32>
        tpu.vector_store %arg11[%swap3A_926, %swap3A_927], %swap3A_930 {strides = array<i32>} : memref<8x1024xf32, #tpu.memory_space<vmem>>, vector<1x16xf32>,
        %get3A_931 = arith.index_cast %add3A_232 : i32 to index
        %get3A_932 = arith.constant 800 : index
        %get3A_933 = tpu.vector_load %arg11[%get3A_931, %get3A_932] {strides = array<i32>} : memref<8x1024xf32, #tpu.memory_space<vmem>>, vector<1x16xf32>,
        %get3A_934 = vector.shape_cast %get3A_933 : vector<1x16xf32> to vector<16xf32>
        %get3A_935 = arith.index_cast %add3A_232 : i32 to index
        %get3A_936 = arith.constant 800 : index
        %get3A_937 = tpu.vector_load %arg7[%get3A_935, %get3A_936] {strides = array<i32>} : memref<8x1024xf32, #tpu.memory_space<vmem>>, vector<1x16xf32>,
        %get3A_938 = vector.shape_cast %get3A_937 : vector<1x16xf32> to vector<16xf32>
        %add3A_939 = arith.addf %get3A_934, %get3A_938 : vector<16xf32>
        %swap3A_940 = arith.index_cast %add3A_232 : i32 to index
        %swap3A_941 = arith.constant 800 : index
        %swap3A_942 = tpu.vector_load %arg11[%swap3A_940, %swap3A_941] {strides = array<i32>} : memref<8x1024xf32, #tpu.memory_space<vmem>>, vector<1x16xf32>,
        %swap3A_943 = vector.shape_cast %swap3A_942 : vector<1x16xf32> to vector<16xf32>
        %swap3A_944 = vector.shape_cast %add3A_939 : vector<16xf32> to vector<1x16xf32>
        tpu.vector_store %arg11[%swap3A_940, %swap3A_941], %swap3A_944 {strides = array<i32>} : memref<8x1024xf32, #tpu.memory_space<vmem>>, vector<1x16xf32>,
        %get3A_945 = arith.index_cast %add3A_232 : i32 to index
        %get3A_946 = arith.constant 816 : index
        %get3A_947 = tpu.vector_load %arg11[%get3A_945, %get3A_946] {strides = array<i32>} : memref<8x1024xf32, #tpu.memory_space<vmem>>, vector<1x16xf32>,
        %get3A_948 = vector.shape_cast %get3A_947 : vector<1x16xf32> to vector<16xf32>
        %get3A_949 = arith.index_cast %add3A_232 : i32 to index
        %get3A_950 = arith.constant 816 : index
        %get3A_951 = tpu.vector_load %arg7[%get3A_949, %get3A_950] {strides = array<i32>} : memref<8x1024xf32, #tpu.memory_space<vmem>>, vector<1x16xf32>,
        %get3A_952 = vector.shape_cast %get3A_951 : vector<1x16xf32> to vector<16xf32>
        %add3A_953 = arith.addf %get3A_948, %get3A_952 : vector<16xf32>
        %swap3A_954 = arith.index_cast %add3A_232 : i32 to index
        %swap3A_955 = arith.constant 816 : index
        %swap3A_956 = tpu.vector_load %arg11[%swap3A_954, %swap3A_955] {strides = array<i32>} : memref<8x1024xf32, #tpu.memory_space<vmem>>, vector<1x16xf32>,
        %swap3A_957 = vector.shape_cast %swap3A_956 : vector<1x16xf32> to vector<16xf32>
        %swap3A_958 = vector.shape_cast %add3A_953 : vector<16xf32> to vector<1x16xf32>
        tpu.vector_store %arg11[%swap3A_954, %swap3A_955], %swap3A_958 {strides = array<i32>} : memref<8x1024xf32, #tpu.memory_space<vmem>>, vector<1x16xf32>,
        %get3A_959 = arith.index_cast %add3A_232 : i32 to index
        %get3A_960 = arith.constant 832 : index
        %get3A_961 = tpu.vector_load %arg11[%get3A_959, %get3A_960] {strides = array<i32>} : memref<8x1024xf32, #tpu.memory_space<vmem>>, vector<1x16xf32>,
        %get3A_962 = vector.shape_cast %get3A_961 : vector<1x16xf32> to vector<16xf32>
        %get3A_963 = arith.index_cast %add3A_232 : i32 to index
        %get3A_964 = arith.constant 832 : index
        %get3A_965 = tpu.vector_load %arg7[%get3A_963, %get3A_964] {strides = array<i32>} : memref<8x1024xf32, #tpu.memory_space<vmem>>, vector<1x16xf32>,
        %get3A_966 = vector.shape_cast %get3A_965 : vector<1x16xf32> to vector<16xf32>
        %add3A_967 = arith.addf %get3A_962, %get3A_966 : vector<16xf32>
        %swap3A_968 = arith.index_cast %add3A_232 : i32 to index
        %swap3A_969 = arith.constant 832 : index
        %swap3A_970 = tpu.vector_load %arg11[%swap3A_968, %swap3A_969] {strides = array<i32>} : memref<8x1024xf32, #tpu.memory_space<vmem>>, vector<1x16xf32>,
        %swap3A_971 = vector.shape_cast %swap3A_970 : vector<1x16xf32> to vector<16xf32>
        %swap3A_972 = vector.shape_cast %add3A_967 : vector<16xf32> to vector<1x16xf32>
        tpu.vector_store %arg11[%swap3A_968, %swap3A_969], %swap3A_972 {strides = array<i32>} : memref<8x1024xf32, #tpu.memory_space<vmem>>, vector<1x16xf32>,
        %get3A_973 = arith.index_cast %add3A_232 : i32 to index
        %get3A_974 = arith.constant 848 : index
        %get3A_975 = tpu.vector_load %arg11[%get3A_973, %get3A_974] {strides = array<i32>} : memref<8x1024xf32, #tpu.memory_space<vmem>>, vector<1x16xf32>,
        %get3A_976 = vector.shape_cast %get3A_975 : vector<1x16xf32> to vector<16xf32>
        %get3A_977 = arith.index_cast %add3A_232 : i32 to index
        %get3A_978 = arith.constant 848 : index
        %get3A_979 = tpu.vector_load %arg7[%get3A_977, %get3A_978] {strides = array<i32>} : memref<8x1024xf32, #tpu.memory_space<vmem>>, vector<1x16xf32>,
        %get3A_980 = vector.shape_cast %get3A_979 : vector<1x16xf32> to vector<16xf32>
        %add3A_981 = arith.addf %get3A_976, %get3A_980 : vector<16xf32>
        %swap3A_982 = arith.index_cast %add3A_232 : i32 to index
        %swap3A_983 = arith.constant 848 : index
        %swap3A_984 = tpu.vector_load %arg11[%swap3A_982, %swap3A_983] {strides = array<i32>} : memref<8x1024xf32, #tpu.memory_space<vmem>>, vector<1x16xf32>,
        %swap3A_985 = vector.shape_cast %swap3A_984 : vector<1x16xf32> to vector<16xf32>
        %swap3A_986 = vector.shape_cast %add3A_981 : vector<16xf32> to vector<1x16xf32>
        tpu.vector_store %arg11[%swap3A_982, %swap3A_983], %swap3A_986 {strides = array<i32>} : memref<8x1024xf32, #tpu.memory_space<vmem>>, vector<1x16xf32>,
        %get3A_987 = arith.index_cast %add3A_232 : i32 to index
        %get3A_988 = arith.constant 864 : index
        %get3A_989 = tpu.vector_load %arg11[%get3A_987, %get3A_988] {strides = array<i32>} : memref<8x1024xf32, #tpu.memory_space<vmem>>, vector<1x16xf32>,
        %get3A_990 = vector.shape_cast %get3A_989 : vector<1x16xf32> to vector<16xf32>
        %get3A_991 = arith.index_cast %add3A_232 : i32 to index
        %get3A_992 = arith.constant 864 : index
        %get3A_993 = tpu.vector_load %arg7[%get3A_991, %get3A_992] {strides = array<i32>} : memref<8x1024xf32, #tpu.memory_space<vmem>>, vector<1x16xf32>,
        %get3A_994 = vector.shape_cast %get3A_993 : vector<1x16xf32> to vector<16xf32>
        %add3A_995 = arith.addf %get3A_990, %get3A_994 : vector<16xf32>
        %swap3A_996 = arith.index_cast %add3A_232 : i32 to index
        %swap3A_997 = arith.constant 864 : index
        %swap3A_998 = tpu.vector_load %arg11[%swap3A_996, %swap3A_997] {strides = array<i32>} : memref<8x1024xf32, #tpu.memory_space<vmem>>, vector<1x16xf32>,
        %swap3A_999 = vector.shape_cast %swap3A_998 : vector<1x16xf32> to vector<16xf32>
        %swap3A_1000 = vector.shape_cast %add3A_995 : vector<16xf32> to vector<1x16xf32>
        tpu.vector_store %arg11[%swap3A_996, %swap3A_997], %swap3A_1000 {strides = array<i32>} : memref<8x1024xf32, #tpu.memory_space<vmem>>, vector<1x16xf32>,
        %get3A_1001 = arith.index_cast %add3A_232 : i32 to index
        %get3A_1002 = arith.constant 880 : index
        %get3A_1003 = tpu.vector_load %arg11[%get3A_1001, %get3A_1002] {strides = array<i32>} : memref<8x1024xf32, #tpu.memory_space<vmem>>, vector<1x16xf32>,
        %get3A_1004 = vector.shape_cast %get3A_1003 : vector<1x16xf32> to vector<16xf32>
        %get3A_1005 = arith.index_cast %add3A_232 : i32 to index
        %get3A_1006 = arith.constant 880 : index
        %get3A_1007 = tpu.vector_load %arg7[%get3A_1005, %get3A_1006] {strides = array<i32>} : memref<8x1024xf32, #tpu.memory_space<vmem>>, vector<1x16xf32>,
        %get3A_1008 = vector.shape_cast %get3A_1007 : vector<1x16xf32> to vector<16xf32>
        %add3A_1009 = arith.addf %get3A_1004, %get3A_1008 : vector<16xf32>
        %swap3A_1010 = arith.index_cast %add3A_232 : i32 to index
        %swap3A_1011 = arith.constant 880 : index
        %swap3A_1012 = tpu.vector_load %arg11[%swap3A_1010, %swap3A_1011] {strides = array<i32>} : memref<8x1024xf32, #tpu.memory_space<vmem>>, vector<1x16xf32>,
        %swap3A_1013 = vector.shape_cast %swap3A_1012 : vector<1x16xf32> to vector<16xf32>
        %swap3A_1014 = vector.shape_cast %add3A_1009 : vector<16xf32> to vector<1x16xf32>
        tpu.vector_store %arg11[%swap3A_1010, %swap3A_1011], %swap3A_1014 {strides = array<i32>} : memref<8x1024xf32, #tpu.memory_space<vmem>>, vector<1x16xf32>,
        %get3A_1015 = arith.index_cast %add3A_232 : i32 to index
        %get3A_1016 = arith.constant 896 : index
        %get3A_1017 = tpu.vector_load %arg11[%get3A_1015, %get3A_1016] {strides = array<i32>} : memref<8x1024xf32, #tpu.memory_space<vmem>>, vector<1x16xf32>,
        %get3A_1018 = vector.shape_cast %get3A_1017 : vector<1x16xf32> to vector<16xf32>
        %get3A_1019 = arith.index_cast %add3A_232 : i32 to index
        %get3A_1020 = arith.constant 896 : index
        %get3A_1021 = tpu.vector_load %arg7[%get3A_1019, %get3A_1020] {strides = array<i32>} : memref<8x1024xf32, #tpu.memory_space<vmem>>, vector<1x16xf32>,
        %get3A_1022 = vector.shape_cast %get3A_1021 : vector<1x16xf32> to vector<16xf32>
        %add3A_1023 = arith.addf %get3A_1018, %get3A_1022 : vector<16xf32>
        %swap3A_1024 = arith.index_cast %add3A_232 : i32 to index
        %swap3A_1025 = arith.constant 896 : index
        %swap3A_1026 = tpu.vector_load %arg11[%swap3A_1024, %swap3A_1025] {strides = array<i32>} : memref<8x1024xf32, #tpu.memory_space<vmem>>, vector<1x16xf32>,
        %swap3A_1027 = vector.shape_cast %swap3A_1026 : vector<1x16xf32> to vector<16xf32>
        %swap3A_1028 = vector.shape_cast %add3A_1023 : vector<16xf32> to vector<1x16xf32>
        tpu.vector_store %arg11[%swap3A_1024, %swap3A_1025], %swap3A_1028 {strides = array<i32>} : memref<8x1024xf32, #tpu.memory_space<vmem>>, vector<1x16xf32>,
        %get3A_1029 = arith.index_cast %add3A_232 : i32 to index
        %get3A_1030 = arith.constant 912 : index
        %get3A_1031 = tpu.vector_load %arg11[%get3A_1029, %get3A_1030] {strides = array<i32>} : memref<8x1024xf32, #tpu.memory_space<vmem>>, vector<1x16xf32>,
        %get3A_1032 = vector.shape_cast %get3A_1031 : vector<1x16xf32> to vector<16xf32>
        %get3A_1033 = arith.index_cast %add3A_232 : i32 to index
        %get3A_1034 = arith.constant 912 : index
        %get3A_1035 = tpu.vector_load %arg7[%get3A_1033, %get3A_1034] {strides = array<i32>} : memref<8x1024xf32, #tpu.memory_space<vmem>>, vector<1x16xf32>,
        %get3A_1036 = vector.shape_cast %get3A_1035 : vector<1x16xf32> to vector<16xf32>
        %add3A_1037 = arith.addf %get3A_1032, %get3A_1036 : vector<16xf32>
        %swap3A_1038 = arith.index_cast %add3A_232 : i32 to index
        %swap3A_1039 = arith.constant 912 : index
        %swap3A_1040 = tpu.vector_load %arg11[%swap3A_1038, %swap3A_1039] {strides = array<i32>} : memref<8x1024xf32, #tpu.memory_space<vmem>>, vector<1x16xf32>,
        %swap3A_1041 = vector.shape_cast %swap3A_1040 : vector<1x16xf32> to vector<16xf32>
        %swap3A_1042 = vector.shape_cast %add3A_1037 : vector<16xf32> to vector<1x16xf32>
        tpu.vector_store %arg11[%swap3A_1038, %swap3A_1039], %swap3A_1042 {strides = array<i32>} : memref<8x1024xf32, #tpu.memory_space<vmem>>, vector<1x16xf32>,
        %get3A_1043 = arith.index_cast %add3A_232 : i32 to index
        %get3A_1044 = arith.constant 928 : index
        %get3A_1045 = tpu.vector_load %arg11[%get3A_1043, %get3A_1044] {strides = array<i32>} : memref<8x1024xf32, #tpu.memory_space<vmem>>, vector<1x16xf32>,
        %get3A_1046 = vector.shape_cast %get3A_1045 : vector<1x16xf32> to vector<16xf32>
        %get3A_1047 = arith.index_cast %add3A_232 : i32 to index
        %get3A_1048 = arith.constant 928 : index
        %get3A_1049 = tpu.vector_load %arg7[%get3A_1047, %get3A_1048] {strides = array<i32>} : memref<8x1024xf32, #tpu.memory_space<vmem>>, vector<1x16xf32>,
        %get3A_1050 = vector.shape_cast %get3A_1049 : vector<1x16xf32> to vector<16xf32>
        %add3A_1051 = arith.addf %get3A_1046, %get3A_1050 : vector<16xf32>
        %swap3A_1052 = arith.index_cast %add3A_232 : i32 to index
        %swap3A_1053 = arith.constant 928 : index
        %swap3A_1054 = tpu.vector_load %arg11[%swap3A_1052, %swap3A_1053] {strides = array<i32>} : memref<8x1024xf32, #tpu.memory_space<vmem>>, vector<1x16xf32>,
        %swap3A_1055 = vector.shape_cast %swap3A_1054 : vector<1x16xf32> to vector<16xf32>
        %swap3A_1056 = vector.shape_cast %add3A_1051 : vector<16xf32> to vector<1x16xf32>
        tpu.vector_store %arg11[%swap3A_1052, %swap3A_1053], %swap3A_1056 {strides = array<i32>} : memref<8x1024xf32, #tpu.memory_space<vmem>>, vector<1x16xf32>,
        %get3A_1057 = arith.index_cast %add3A_232 : i32 to index
        %get3A_1058 = arith.constant 944 : index
        %get3A_1059 = tpu.vector_load %arg11[%get3A_1057, %get3A_1058] {strides = array<i32>} : memref<8x1024xf32, #tpu.memory_space<vmem>>, vector<1x16xf32>,
        %get3A_1060 = vector.shape_cast %get3A_1059 : vector<1x16xf32> to vector<16xf32>
        %get3A_1061 = arith.index_cast %add3A_232 : i32 to index
        %get3A_1062 = arith.constant 944 : index
        %get3A_1063 = tpu.vector_load %arg7[%get3A_1061, %get3A_1062] {strides = array<i32>} : memref<8x1024xf32, #tpu.memory_space<vmem>>, vector<1x16xf32>,
        %get3A_1064 = vector.shape_cast %get3A_1063 : vector<1x16xf32> to vector<16xf32>
        %add3A_1065 = arith.addf %get3A_1060, %get3A_1064 : vector<16xf32>
        %swap3A_1066 = arith.index_cast %add3A_232 : i32 to index
        %swap3A_1067 = arith.constant 944 : index
        %swap3A_1068 = tpu.vector_load %arg11[%swap3A_1066, %swap3A_1067] {strides = array<i32>} : memref<8x1024xf32, #tpu.memory_space<vmem>>, vector<1x16xf32>,
        %swap3A_1069 = vector.shape_cast %swap3A_1068 : vector<1x16xf32> to vector<16xf32>
        %swap3A_1070 = vector.shape_cast %add3A_1065 : vector<16xf32> to vector<1x16xf32>
        tpu.vector_store %arg11[%swap3A_1066, %swap3A_1067], %swap3A_1070 {strides = array<i32>} : memref<8x1024xf32, #tpu.memory_space<vmem>>, vector<1x16xf32>,
        %get3A_1071 = arith.index_cast %add3A_232 : i32 to index
        %get3A_1072 = arith.constant 960 : index
        %get3A_1073 = tpu.vector_load %arg11[%get3A_1071, %get3A_1072] {strides = array<i32>} : memref<8x1024xf32, #tpu.memory_space<vmem>>, vector<1x16xf32>,
        %get3A_1074 = vector.shape_cast %get3A_1073 : vector<1x16xf32> to vector<16xf32>
        %get3A_1075 = arith.index_cast %add3A_232 : i32 to index
        %get3A_1076 = arith.constant 960 : index
        %get3A_1077 = tpu.vector_load %arg7[%get3A_1075, %get3A_1076] {strides = array<i32>} : memref<8x1024xf32, #tpu.memory_space<vmem>>, vector<1x16xf32>,
        %get3A_1078 = vector.shape_cast %get3A_1077 : vector<1x16xf32> to vector<16xf32>
        %add3A_1079 = arith.addf %get3A_1074, %get3A_1078 : vector<16xf32>
        %swap3A_1080 = arith.index_cast %add3A_232 : i32 to index
        %swap3A_1081 = arith.constant 960 : index
        %swap3A_1082 = tpu.vector_load %arg11[%swap3A_1080, %swap3A_1081] {strides = array<i32>} : memref<8x1024xf32, #tpu.memory_space<vmem>>, vector<1x16xf32>,
        %swap3A_1083 = vector.shape_cast %swap3A_1082 : vector<1x16xf32> to vector<16xf32>
        %swap3A_1084 = vector.shape_cast %add3A_1079 : vector<16xf32> to vector<1x16xf32>
        tpu.vector_store %arg11[%swap3A_1080, %swap3A_1081], %swap3A_1084 {strides = array<i32>} : memref<8x1024xf32, #tpu.memory_space<vmem>>, vector<1x16xf32>,
        %get3A_1085 = arith.index_cast %add3A_232 : i32 to index
        %get3A_1086 = arith.constant 976 : index
        %get3A_1087 = tpu.vector_load %arg11[%get3A_1085, %get3A_1086] {strides = array<i32>} : memref<8x1024xf32, #tpu.memory_space<vmem>>, vector<1x16xf32>,
        %get3A_1088 = vector.shape_cast %get3A_1087 : vector<1x16xf32> to vector<16xf32>
        %get3A_1089 = arith.index_cast %add3A_232 : i32 to index
        %get3A_1090 = arith.constant 976 : index
        %get3A_1091 = tpu.vector_load %arg7[%get3A_1089, %get3A_1090] {strides = array<i32>} : memref<8x1024xf32, #tpu.memory_space<vmem>>, vector<1x16xf32>,
        %get3A_1092 = vector.shape_cast %get3A_1091 : vector<1x16xf32> to vector<16xf32>
        %add3A_1093 = arith.addf %get3A_1088, %get3A_1092 : vector<16xf32>
        %swap3A_1094 = arith.index_cast %add3A_232 : i32 to index
        %swap3A_1095 = arith.constant 976 : index
        %swap3A_1096 = tpu.vector_load %arg11[%swap3A_1094, %swap3A_1095] {strides = array<i32>} : memref<8x1024xf32, #tpu.memory_space<vmem>>, vector<1x16xf32>,
        %swap3A_1097 = vector.shape_cast %swap3A_1096 : vector<1x16xf32> to vector<16xf32>
        %swap3A_1098 = vector.shape_cast %add3A_1093 : vector<16xf32> to vector<1x16xf32>
        tpu.vector_store %arg11[%swap3A_1094, %swap3A_1095], %swap3A_1098 {strides = array<i32>} : memref<8x1024xf32, #tpu.memory_space<vmem>>, vector<1x16xf32>,
        %get3A_1099 = arith.index_cast %add3A_232 : i32 to index
        %get3A_1100 = arith.constant 992 : index
        %get3A_1101 = tpu.vector_load %arg11[%get3A_1099, %get3A_1100] {strides = array<i32>} : memref<8x1024xf32, #tpu.memory_space<vmem>>, vector<1x16xf32>,
        %get3A_1102 = vector.shape_cast %get3A_1101 : vector<1x16xf32> to vector<16xf32>
        %get3A_1103 = arith.index_cast %add3A_232 : i32 to index
        %get3A_1104 = arith.constant 992 : index
        %get3A_1105 = tpu.vector_load %arg7[%get3A_1103, %get3A_1104] {strides = array<i32>} : memref<8x1024xf32, #tpu.memory_space<vmem>>, vector<1x16xf32>,
        %get3A_1106 = vector.shape_cast %get3A_1105 : vector<1x16xf32> to vector<16xf32>
        %add3A_1107 = arith.addf %get3A_1102, %get3A_1106 : vector<16xf32>
        %swap3A_1108 = arith.index_cast %add3A_232 : i32 to index
        %swap3A_1109 = arith.constant 992 : index
        %swap3A_1110 = tpu.vector_load %arg11[%swap3A_1108, %swap3A_1109] {strides = array<i32>} : memref<8x1024xf32, #tpu.memory_space<vmem>>, vector<1x16xf32>,
        %swap3A_1111 = vector.shape_cast %swap3A_1110 : vector<1x16xf32> to vector<16xf32>
        %swap3A_1112 = vector.shape_cast %add3A_1107 : vector<16xf32> to vector<1x16xf32>
        tpu.vector_store %arg11[%swap3A_1108, %swap3A_1109], %swap3A_1112 {strides = array<i32>} : memref<8x1024xf32, #tpu.memory_space<vmem>>, vector<1x16xf32>,
        %get3A_1113 = arith.index_cast %add3A_232 : i32 to index
        %get3A_1114 = arith.constant 1008 : index
        %get3A_1115 = tpu.vector_load %arg11[%get3A_1113, %get3A_1114] {strides = array<i32>} : memref<8x1024xf32, #tpu.memory_space<vmem>>, vector<1x16xf32>,
        %get3A_1116 = vector.shape_cast %get3A_1115 : vector<1x16xf32> to vector<16xf32>
        %get3A_1117 = arith.index_cast %add3A_232 : i32 to index
        %get3A_1118 = arith.constant 1008 : index
        %get3A_1119 = tpu.vector_load %arg7[%get3A_1117, %get3A_1118] {strides = array<i32>} : memref<8x1024xf32, #tpu.memory_space<vmem>>, vector<1x16xf32>,
        %get3A_1120 = vector.shape_cast %get3A_1119 : vector<1x16xf32> to vector<16xf32>
        %add3A_1121 = arith.addf %get3A_1116, %get3A_1120 : vector<16xf32>
        %swap3A_1122 = arith.index_cast %add3A_232 : i32 to index
        %swap3A_1123 = arith.constant 1008 : index
        %swap3A_1124 = tpu.vector_load %arg11[%swap3A_1122, %swap3A_1123] {strides = array<i32>} : memref<8x1024xf32, #tpu.memory_space<vmem>>, vector<1x16xf32>,
        %swap3A_1125 = vector.shape_cast %swap3A_1124 : vector<1x16xf32> to vector<16xf32>
        %swap3A_1126 = vector.shape_cast %add3A_1121 : vector<16xf32> to vector<1x16xf32>
        tpu.vector_store %arg11[%swap3A_1122, %swap3A_1123], %swap3A_1126 {strides = array<i32>} : memref<8x1024xf32, #tpu.memory_space<vmem>>, vector<1x16xf32>,
      }
      %scan3A_82 = arith.constant 8 : i32
      %mul3A_83 = arith.constant 8 : i32
      %mul3A_84 = arith.muli %add3A_50, %mul3A_83 : i32
      %add3A_85 = arith.addi %mul3A_2, %mul3A_84 : i32
      %dma_start3A_86 = arith.constant 0 : i32
      %dma_start3A_87 = tpu.memref_slice %arg5[%add3A_85, %dma_start3A_86] : memref<32768x1024xf32, #tpu.memory_space<hbm>> -> memref<8x1024xf32, #tpu.memory_space<hbm>>
      %dma_start3A_88 = arith.constant 0 : i32
      %dma_start3A_89 = tpu.memref_slice %arg5[%add3A_85, %dma_start3A_88] : memref<32768x1024xf32, #tpu.memory_space<hbm>> -> memref<8x1024xf32, #tpu.memory_space<hbm>>
      tpu.enqueue_dma source(%arg11 : memref<8x1024xf32, #tpu.memory_space<vmem>>) target(%dma_start3A_89 : memref<8x1024xf32, #tpu.memory_space<hbm>>) target_semaphore(%arg23 : memref<!tpu.dma_semaphore, #tpu.memory_space<semaphore_mem>>)
      %add3A_90 = arith.constant 1 : i32
      %add3A_91 = arith.addi %add3A_48, %add3A_90 : i32
      %add3A_92 = arith.constant 4 : i32
      %add3A_93 = arith.addi %add3A_91, %add3A_92 : i32
      %sub3A_94 = arith.constant 1 : i32
      %sub3A_95 = arith.subi %add3A_93, %sub3A_94 : i32
      %lt3A_96 = arith.constant 128 : i32
      %lt3A_97 = arith.cmpi slt, %sub3A_95, %lt3A_96 : i32
      %convert_element_type3A_98 = arith.extui %lt3A_97 : i1 to i32
      %cond3A_99 = arith.constant 0 : i32
      %cond3A_100 = arith.cmpi ne, %convert_element_type3A_98, %cond3A_99 : i32
      scf.if %cond3A_100 {
        %add3A_228 = arith.constant 4 : i32
        %add3A_229 = arith.addi %add3A_91, %add3A_228 : i32
        %sub3A_230 = arith.constant 1 : i32
        %sub3A_231 = arith.subi %add3A_229, %sub3A_230 : i32
        %mul3A_232 = arith.constant 8 : i32
        %mul3A_233 = arith.muli %sub3A_231, %mul3A_232 : i32
        %dma_start3A_234 = tpu.memref_slice %arg6[%mul3A_233] : memref<1024xi32, #tpu.memory_space<vmem>> -> memref<8xi32, #tpu.memory_space<vmem>>
        %dma_start3A_235 = arith.constant 0 : i32
        %dma_start3A_236 = arith.constant 0 : i32
        %dma_start3A_237 = tpu.memref_slice %arg4[%dma_start3A_235, %dma_start3A_236] : memref<8193x1024xf32, #tpu.memory_space<hbm>> -> memref<8193x1024xf32, #tpu.memory_space<hbm>>
        tpu.enqueue_indirect_dma source(%dma_start3A_237 : memref<8193x1024xf32, #tpu.memory_space<hbm>>) target(%arg7 : memref<8x1024xf32, #tpu.memory_space<vmem>>) offsets(%dma_start3A_234 : memref<8xi32, #tpu.memory_space<vmem>>) semaphore(%arg15 : memref<!tpu.dma_semaphore, #tpu.memory_space<semaphore_mem>>)
      } else {
      }
      %sub3A_101 = arith.constant 2 : i32
      %sub3A_102 = arith.subi %add3A_91, %sub3A_101 : i32
      %ge3A_103 = arith.constant 0 : i32
      %ge3A_104 = arith.cmpi sge, %sub3A_102, %ge3A_103 : i32
      %convert_element_type3A_105 = arith.extui %ge3A_104 : i1 to i32
      %cond3A_106 = arith.constant 0 : i32
      %cond3A_107 = arith.cmpi ne, %convert_element_type3A_105, %cond3A_106 : i32
      scf.if %cond3A_107 {
        %sub3A_228 = arith.constant 2 : i32
        %sub3A_229 = arith.subi %add3A_91, %sub3A_228 : i32
        %mul3A_230 = arith.constant 8 : i32
        %mul3A_231 = arith.muli %sub3A_229, %mul3A_230 : i32
        %add3A_232 = arith.addi %mul3A_2, %mul3A_231 : i32
        %dma_wait3A_233 = arith.constant 0 : i32
        %dma_wait3A_234 = tpu.memref_slice %arg5[%add3A_232, %dma_wait3A_233] : memref<32768x1024xf32, #tpu.memory_space<hbm>> -> memref<8x1024xf32, #tpu.memory_space<hbm>>
        %dma_wait3A_235 = arith.constant 0 : i32
        %dma_wait3A_236 = tpu.memref_slice %arg5[%add3A_232, %dma_wait3A_235] : memref<32768x1024xf32, #tpu.memory_space<hbm>> -> memref<8x1024xf32, #tpu.memory_space<hbm>>
        tpu.wait_dma2 semaphore(%arg26 : memref<!tpu.dma_semaphore, #tpu.memory_space<semaphore_mem>>) src(%arg14 : memref<8x1024xf32, #tpu.memory_space<vmem>>) dst(%dma_wait3A_236 : memref<8x1024xf32, #tpu.memory_space<hbm>>)
      } else {
      }
      %add3A_108 = arith.constant 2 : i32
      %add3A_109 = arith.addi %add3A_91, %add3A_108 : i32
      %lt3A_110 = arith.constant 128 : i32
      %lt3A_111 = arith.cmpi slt, %add3A_109, %lt3A_110 : i32
      %convert_element_type3A_112 = arith.extui %lt3A_111 : i1 to i32
      %cond3A_113 = arith.constant 0 : i32
      %cond3A_114 = arith.cmpi ne, %convert_element_type3A_112, %cond3A_113 : i32
      scf.if %cond3A_114 {
        %add3A_228 = arith.constant 2 : i32
        %add3A_229 = arith.addi %add3A_91, %add3A_228 : i32
        %mul3A_230 = arith.constant 8 : i32
        %mul3A_231 = arith.muli %add3A_229, %mul3A_230 : i32
        %add3A_232 = arith.addi %mul3A_2, %mul3A_231 : i32
        %dma_start3A_233 = arith.constant 0 : i32
        %dma_start3A_234 = tpu.memref_slice %arg2[%add3A_232, %dma_start3A_233] : memref<32768x1024xf32, #tpu.memory_space<hbm>> -> memref<8x1024xf32, #tpu.memory_space<hbm>>
        %dma_start3A_235 = arith.constant 0 : i32
        %dma_start3A_236 = tpu.memref_slice %arg2[%add3A_232, %dma_start3A_235] : memref<32768x1024xf32, #tpu.memory_space<hbm>> -> memref<8x1024xf32, #tpu.memory_space<hbm>>
        tpu.enqueue_dma source(%dma_start3A_236 : memref<8x1024xf32, #tpu.memory_space<hbm>>) target(%arg14 : memref<8x1024xf32, #tpu.memory_space<vmem>>) target_semaphore(%arg22 : memref<!tpu.dma_semaphore, #tpu.memory_space<semaphore_mem>>)
      } else {
      }
      %dma_wait3A_115 = arith.constant 0 : i32
      %dma_wait3A_116 = tpu.memref_slice %arg6[%dma_wait3A_115] : memref<1024xi32, #tpu.memory_space<vmem>> -> memref<8xi32, #tpu.memory_space<vmem>>
      %dma_wait3A_117 = arith.constant 0 : i32
      %dma_wait3A_118 = arith.constant 0 : i32
      %dma_wait3A_119 = tpu.memref_slice %arg4[%dma_wait3A_117, %dma_wait3A_118] : memref<8193x1024xf32, #tpu.memory_space<hbm>> -> memref<8193x1024xf32, #tpu.memory_space<hbm>>
      tpu.wait_indirect_dma semaphore(%arg16 : memref<!tpu.dma_semaphore, #tpu.memory_space<semaphore_mem>>) src(%dma_wait3A_119 : memref<8193x1024xf32, #tpu.memory_space<hbm>>) dst(%arg8 : memref<8x1024xf32, #tpu.memory_space<vmem>>)
      %dma_wait3A_120 = arith.constant 0 : i32
      %dma_wait3A_121 = tpu.memref_slice %arg2[%mul3A_2, %dma_wait3A_120] : memref<32768x1024xf32, #tpu.memory_space<hbm>> -> memref<8x1024xf32, #tpu.memory_space<hbm>>
      %dma_wait3A_122 = arith.constant 0 : i32
      %dma_wait3A_123 = tpu.memref_slice %arg2[%mul3A_2, %dma_wait3A_122] : memref<32768x1024xf32, #tpu.memory_space<hbm>> -> memref<8x1024xf32, #tpu.memory_space<hbm>>
      tpu.wait_dma2 semaphore(%arg20 : memref<!tpu.dma_semaphore, #tpu.memory_space<semaphore_mem>>) src(%dma_wait3A_123 : memref<8x1024xf32, #tpu.memory_space<hbm>>) dst(%arg12 : memref<8x1024xf32, #tpu.memory_space<vmem>>)
      %scan3A_124 = arith.constant 0 : i32
      %scan3A_125 = arith.constant 8 : i32
      %scan3A_126 = arith.addi %scan3A_124, %scan3A_125 : i32
      %scan3A_127 = arith.constant 1 : i32
      scf.for %scan3A_228 = %scan3A_124 to %scan3A_126 step %scan3A_127  : i32 {
        %mul3A_229 = arith.constant 1 : i32
        %mul3A_230 = arith.muli %scan3A_228, %mul3A_229 : i32
        %add3A_231 = arith.constant 0 : i32
        %add3A_232 = arith.addi %add3A_231, %mul3A_230 : i32
        %get3A = arith.index_cast %add3A_232 : i32 to index
        %get3A_233 = arith.constant 0 : index
        %get3A_234 = tpu.vector_load %arg12[%get3A, %get3A_233] {strides = array<i32>} : memref<8x1024xf32, #tpu.memory_space<vmem>>, vector<1x16xf32>,
        %get3A_235 = vector.shape_cast %get3A_234 : vector<1x16xf32> to vector<16xf32>
        %get3A_236 = arith.index_cast %add3A_232 : i32 to index
        %get3A_237 = arith.constant 0 : index
        %get3A_238 = tpu.vector_load %arg8[%get3A_236, %get3A_237] {strides = array<i32>} : memref<8x1024xf32, #tpu.memory_space<vmem>>, vector<1x16xf32>,
        %get3A_239 = vector.shape_cast %get3A_238 : vector<1x16xf32> to vector<16xf32>
        %add3A_240 = arith.addf %get3A_235, %get3A_239 : vector<16xf32>
        %swap3A = arith.index_cast %add3A_232 : i32 to index
        %swap3A_241 = arith.constant 0 : index
        %swap3A_242 = tpu.vector_load %arg12[%swap3A, %swap3A_241] {strides = array<i32>} : memref<8x1024xf32, #tpu.memory_space<vmem>>, vector<1x16xf32>,
        %swap3A_243 = vector.shape_cast %swap3A_242 : vector<1x16xf32> to vector<16xf32>
        %swap3A_244 = vector.shape_cast %add3A_240 : vector<16xf32> to vector<1x16xf32>
        tpu.vector_store %arg12[%swap3A, %swap3A_241], %swap3A_244 {strides = array<i32>} : memref<8x1024xf32, #tpu.memory_space<vmem>>, vector<1x16xf32>,
        %get3A_245 = arith.index_cast %add3A_232 : i32 to index
        %get3A_246 = arith.constant 16 : index
        %get3A_247 = tpu.vector_load %arg12[%get3A_245, %get3A_246] {strides = array<i32>} : memref<8x1024xf32, #tpu.memory_space<vmem>>, vector<1x16xf32>,
        %get3A_248 = vector.shape_cast %get3A_247 : vector<1x16xf32> to vector<16xf32>
        %get3A_249 = arith.index_cast %add3A_232 : i32 to index
        %get3A_250 = arith.constant 16 : index
        %get3A_251 = tpu.vector_load %arg8[%get3A_249, %get3A_250] {strides = array<i32>} : memref<8x1024xf32, #tpu.memory_space<vmem>>, vector<1x16xf32>,
        %get3A_252 = vector.shape_cast %get3A_251 : vector<1x16xf32> to vector<16xf32>
        %add3A_253 = arith.addf %get3A_248, %get3A_252 : vector<16xf32>
        %swap3A_254 = arith.index_cast %add3A_232 : i32 to index
        %swap3A_255 = arith.constant 16 : index
        %swap3A_256 = tpu.vector_load %arg12[%swap3A_254, %swap3A_255] {strides = array<i32>} : memref<8x1024xf32, #tpu.memory_space<vmem>>, vector<1x16xf32>,
        %swap3A_257 = vector.shape_cast %swap3A_256 : vector<1x16xf32> to vector<16xf32>
        %swap3A_258 = vector.shape_cast %add3A_253 : vector<16xf32> to vector<1x16xf32>
        tpu.vector_store %arg12[%swap3A_254, %swap3A_255], %swap3A_258 {strides = array<i32>} : memref<8x1024xf32, #tpu.memory_space<vmem>>, vector<1x16xf32>,
        %get3A_259 = arith.index_cast %add3A_232 : i32 to index
        %get3A_260 = arith.constant 32 : index
        %get3A_261 = tpu.vector_load %arg12[%get3A_259, %get3A_260] {strides = array<i32>} : memref<8x1024xf32, #tpu.memory_space<vmem>>, vector<1x16xf32>,
        %get3A_262 = vector.shape_cast %get3A_261 : vector<1x16xf32> to vector<16xf32>
        %get3A_263 = arith.index_cast %add3A_232 : i32 to index
        %get3A_264 = arith.constant 32 : index
        %get3A_265 = tpu.vector_load %arg8[%get3A_263, %get3A_264] {strides = array<i32>} : memref<8x1024xf32, #tpu.memory_space<vmem>>, vector<1x16xf32>,
        %get3A_266 = vector.shape_cast %get3A_265 : vector<1x16xf32> to vector<16xf32>
        %add3A_267 = arith.addf %get3A_262, %get3A_266 : vector<16xf32>
        %swap3A_268 = arith.index_cast %add3A_232 : i32 to index
        %swap3A_269 = arith.constant 32 : index
        %swap3A_270 = tpu.vector_load %arg12[%swap3A_268, %swap3A_269] {strides = array<i32>} : memref<8x1024xf32, #tpu.memory_space<vmem>>, vector<1x16xf32>,
        %swap3A_271 = vector.shape_cast %swap3A_270 : vector<1x16xf32> to vector<16xf32>
        %swap3A_272 = vector.shape_cast %add3A_267 : vector<16xf32> to vector<1x16xf32>
        tpu.vector_store %arg12[%swap3A_268, %swap3A_269], %swap3A_272 {strides = array<i32>} : memref<8x1024xf32, #tpu.memory_space<vmem>>, vector<1x16xf32>,
        %get3A_273 = arith.index_cast %add3A_232 : i32 to index
        %get3A_274 = arith.constant 48 : index
        %get3A_275 = tpu.vector_load %arg12[%get3A_273, %get3A_274] {strides = array<i32>} : memref<8x1024xf32, #tpu.memory_space<vmem>>, vector<1x16xf32>,
        %get3A_276 = vector.shape_cast %get3A_275 : vector<1x16xf32> to vector<16xf32>
        %get3A_277 = arith.index_cast %add3A_232 : i32 to index
        %get3A_278 = arith.constant 48 : index
        %get3A_279 = tpu.vector_load %arg8[%get3A_277, %get3A_278] {strides = array<i32>} : memref<8x1024xf32, #tpu.memory_space<vmem>>, vector<1x16xf32>,
        %get3A_280 = vector.shape_cast %get3A_279 : vector<1x16xf32> to vector<16xf32>
        %add3A_281 = arith.addf %get3A_276, %get3A_280 : vector<16xf32>
        %swap3A_282 = arith.index_cast %add3A_232 : i32 to index
        %swap3A_283 = arith.constant 48 : index
        %swap3A_284 = tpu.vector_load %arg12[%swap3A_282, %swap3A_283] {strides = array<i32>} : memref<8x1024xf32, #tpu.memory_space<vmem>>, vector<1x16xf32>,
        %swap3A_285 = vector.shape_cast %swap3A_284 : vector<1x16xf32> to vector<16xf32>
        %swap3A_286 = vector.shape_cast %add3A_281 : vector<16xf32> to vector<1x16xf32>
        tpu.vector_store %arg12[%swap3A_282, %swap3A_283], %swap3A_286 {strides = array<i32>} : memref<8x1024xf32, #tpu.memory_space<vmem>>, vector<1x16xf32>,
        %get3A_287 = arith.index_cast %add3A_232 : i32 to index
        %get3A_288 = arith.constant 64 : index
        %get3A_289 = tpu.vector_load %arg12[%get3A_287, %get3A_288] {strides = array<i32>} : memref<8x1024xf32, #tpu.memory_space<vmem>>, vector<1x16xf32>,
        %get3A_290 = vector.shape_cast %get3A_289 : vector<1x16xf32> to vector<16xf32>
        %get3A_291 = arith.index_cast %add3A_232 : i32 to index
        %get3A_292 = arith.constant 64 : index
        %get3A_293 = tpu.vector_load %arg8[%get3A_291, %get3A_292] {strides = array<i32>} : memref<8x1024xf32, #tpu.memory_space<vmem>>, vector<1x16xf32>,
        %get3A_294 = vector.shape_cast %get3A_293 : vector<1x16xf32> to vector<16xf32>
        %add3A_295 = arith.addf %get3A_290, %get3A_294 : vector<16xf32>
        %swap3A_296 = arith.index_cast %add3A_232 : i32 to index
        %swap3A_297 = arith.constant 64 : index
        %swap3A_298 = tpu.vector_load %arg12[%swap3A_296, %swap3A_297] {strides = array<i32>} : memref<8x1024xf32, #tpu.memory_space<vmem>>, vector<1x16xf32>,
        %swap3A_299 = vector.shape_cast %swap3A_298 : vector<1x16xf32> to vector<16xf32>
        %swap3A_300 = vector.shape_cast %add3A_295 : vector<16xf32> to vector<1x16xf32>
        tpu.vector_store %arg12[%swap3A_296, %swap3A_297], %swap3A_300 {strides = array<i32>} : memref<8x1024xf32, #tpu.memory_space<vmem>>, vector<1x16xf32>,
        %get3A_301 = arith.index_cast %add3A_232 : i32 to index
        %get3A_302 = arith.constant 80 : index
        %get3A_303 = tpu.vector_load %arg12[%get3A_301, %get3A_302] {strides = array<i32>} : memref<8x1024xf32, #tpu.memory_space<vmem>>, vector<1x16xf32>,
        %get3A_304 = vector.shape_cast %get3A_303 : vector<1x16xf32> to vector<16xf32>
        %get3A_305 = arith.index_cast %add3A_232 : i32 to index
        %get3A_306 = arith.constant 80 : index
        %get3A_307 = tpu.vector_load %arg8[%get3A_305, %get3A_306] {strides = array<i32>} : memref<8x1024xf32, #tpu.memory_space<vmem>>, vector<1x16xf32>,
        %get3A_308 = vector.shape_cast %get3A_307 : vector<1x16xf32> to vector<16xf32>
        %add3A_309 = arith.addf %get3A_304, %get3A_308 : vector<16xf32>
        %swap3A_310 = arith.index_cast %add3A_232 : i32 to index
        %swap3A_311 = arith.constant 80 : index
        %swap3A_312 = tpu.vector_load %arg12[%swap3A_310, %swap3A_311] {strides = array<i32>} : memref<8x1024xf32, #tpu.memory_space<vmem>>, vector<1x16xf32>,
        %swap3A_313 = vector.shape_cast %swap3A_312 : vector<1x16xf32> to vector<16xf32>
        %swap3A_314 = vector.shape_cast %add3A_309 : vector<16xf32> to vector<1x16xf32>
        tpu.vector_store %arg12[%swap3A_310, %swap3A_311], %swap3A_314 {strides = array<i32>} : memref<8x1024xf32, #tpu.memory_space<vmem>>, vector<1x16xf32>,
        %get3A_315 = arith.index_cast %add3A_232 : i32 to index
        %get3A_316 = arith.constant 96 : index
        %get3A_317 = tpu.vector_load %arg12[%get3A_315, %get3A_316] {strides = array<i32>} : memref<8x1024xf32, #tpu.memory_space<vmem>>, vector<1x16xf32>,
        %get3A_318 = vector.shape_cast %get3A_317 : vector<1x16xf32> to vector<16xf32>
        %get3A_319 = arith.index_cast %add3A_232 : i32 to index
        %get3A_320 = arith.constant 96 : index
        %get3A_321 = tpu.vector_load %arg8[%get3A_319, %get3A_320] {strides = array<i32>} : memref<8x1024xf32, #tpu.memory_space<vmem>>, vector<1x16xf32>,
        %get3A_322 = vector.shape_cast %get3A_321 : vector<1x16xf32> to vector<16xf32>
        %add3A_323 = arith.addf %get3A_318, %get3A_322 : vector<16xf32>
        %swap3A_324 = arith.index_cast %add3A_232 : i32 to index
        %swap3A_325 = arith.constant 96 : index
        %swap3A_326 = tpu.vector_load %arg12[%swap3A_324, %swap3A_325] {strides = array<i32>} : memref<8x1024xf32, #tpu.memory_space<vmem>>, vector<1x16xf32>,
        %swap3A_327 = vector.shape_cast %swap3A_326 : vector<1x16xf32> to vector<16xf32>
        %swap3A_328 = vector.shape_cast %add3A_323 : vector<16xf32> to vector<1x16xf32>
        tpu.vector_store %arg12[%swap3A_324, %swap3A_325], %swap3A_328 {strides = array<i32>} : memref<8x1024xf32, #tpu.memory_space<vmem>>, vector<1x16xf32>,
        %get3A_329 = arith.index_cast %add3A_232 : i32 to index
        %get3A_330 = arith.constant 112 : index
        %get3A_331 = tpu.vector_load %arg12[%get3A_329, %get3A_330] {strides = array<i32>} : memref<8x1024xf32, #tpu.memory_space<vmem>>, vector<1x16xf32>,
        %get3A_332 = vector.shape_cast %get3A_331 : vector<1x16xf32> to vector<16xf32>
        %get3A_333 = arith.index_cast %add3A_232 : i32 to index
        %get3A_334 = arith.constant 112 : index
        %get3A_335 = tpu.vector_load %arg8[%get3A_333, %get3A_334] {strides = array<i32>} : memref<8x1024xf32, #tpu.memory_space<vmem>>, vector<1x16xf32>,
        %get3A_336 = vector.shape_cast %get3A_335 : vector<1x16xf32> to vector<16xf32>
        %add3A_337 = arith.addf %get3A_332, %get3A_336 : vector<16xf32>
        %swap3A_338 = arith.index_cast %add3A_232 : i32 to index
        %swap3A_339 = arith.constant 112 : index
        %swap3A_340 = tpu.vector_load %arg12[%swap3A_338, %swap3A_339] {strides = array<i32>} : memref<8x1024xf32, #tpu.memory_space<vmem>>, vector<1x16xf32>,
        %swap3A_341 = vector.shape_cast %swap3A_340 : vector<1x16xf32> to vector<16xf32>
        %swap3A_342 = vector.shape_cast %add3A_337 : vector<16xf32> to vector<1x16xf32>
        tpu.vector_store %arg12[%swap3A_338, %swap3A_339], %swap3A_342 {strides = array<i32>} : memref<8x1024xf32, #tpu.memory_space<vmem>>, vector<1x16xf32>,
        %get3A_343 = arith.index_cast %add3A_232 : i32 to index
        %get3A_344 = arith.constant 128 : index
        %get3A_345 = tpu.vector_load %arg12[%get3A_343, %get3A_344] {strides = array<i32>} : memref<8x1024xf32, #tpu.memory_space<vmem>>, vector<1x16xf32>,
        %get3A_346 = vector.shape_cast %get3A_345 : vector<1x16xf32> to vector<16xf32>
        %get3A_347 = arith.index_cast %add3A_232 : i32 to index
        %get3A_348 = arith.constant 128 : index
        %get3A_349 = tpu.vector_load %arg8[%get3A_347, %get3A_348] {strides = array<i32>} : memref<8x1024xf32, #tpu.memory_space<vmem>>, vector<1x16xf32>,
        %get3A_350 = vector.shape_cast %get3A_349 : vector<1x16xf32> to vector<16xf32>
        %add3A_351 = arith.addf %get3A_346, %get3A_350 : vector<16xf32>
        %swap3A_352 = arith.index_cast %add3A_232 : i32 to index
        %swap3A_353 = arith.constant 128 : index
        %swap3A_354 = tpu.vector_load %arg12[%swap3A_352, %swap3A_353] {strides = array<i32>} : memref<8x1024xf32, #tpu.memory_space<vmem>>, vector<1x16xf32>,
        %swap3A_355 = vector.shape_cast %swap3A_354 : vector<1x16xf32> to vector<16xf32>
        %swap3A_356 = vector.shape_cast %add3A_351 : vector<16xf32> to vector<1x16xf32>
        tpu.vector_store %arg12[%swap3A_352, %swap3A_353], %swap3A_356 {strides = array<i32>} : memref<8x1024xf32, #tpu.memory_space<vmem>>, vector<1x16xf32>,
        %get3A_357 = arith.index_cast %add3A_232 : i32 to index
        %get3A_358 = arith.constant 144 : index
        %get3A_359 = tpu.vector_load %arg12[%get3A_357, %get3A_358] {strides = array<i32>} : memref<8x1024xf32, #tpu.memory_space<vmem>>, vector<1x16xf32>,
        %get3A_360 = vector.shape_cast %get3A_359 : vector<1x16xf32> to vector<16xf32>
        %get3A_361 = arith.index_cast %add3A_232 : i32 to index
        %get3A_362 = arith.constant 144 : index
        %get3A_363 = tpu.vector_load %arg8[%get3A_361, %get3A_362] {strides = array<i32>} : memref<8x1024xf32, #tpu.memory_space<vmem>>, vector<1x16xf32>,
        %get3A_364 = vector.shape_cast %get3A_363 : vector<1x16xf32> to vector<16xf32>
        %add3A_365 = arith.addf %get3A_360, %get3A_364 : vector<16xf32>
        %swap3A_366 = arith.index_cast %add3A_232 : i32 to index
        %swap3A_367 = arith.constant 144 : index
        %swap3A_368 = tpu.vector_load %arg12[%swap3A_366, %swap3A_367] {strides = array<i32>} : memref<8x1024xf32, #tpu.memory_space<vmem>>, vector<1x16xf32>,
        %swap3A_369 = vector.shape_cast %swap3A_368 : vector<1x16xf32> to vector<16xf32>
        %swap3A_370 = vector.shape_cast %add3A_365 : vector<16xf32> to vector<1x16xf32>
        tpu.vector_store %arg12[%swap3A_366, %swap3A_367], %swap3A_370 {strides = array<i32>} : memref<8x1024xf32, #tpu.memory_space<vmem>>, vector<1x16xf32>,
        %get3A_371 = arith.index_cast %add3A_232 : i32 to index
        %get3A_372 = arith.constant 160 : index
        %get3A_373 = tpu.vector_load %arg12[%get3A_371, %get3A_372] {strides = array<i32>} : memref<8x1024xf32, #tpu.memory_space<vmem>>, vector<1x16xf32>,
        %get3A_374 = vector.shape_cast %get3A_373 : vector<1x16xf32> to vector<16xf32>
        %get3A_375 = arith.index_cast %add3A_232 : i32 to index
        %get3A_376 = arith.constant 160 : index
        %get3A_377 = tpu.vector_load %arg8[%get3A_375, %get3A_376] {strides = array<i32>} : memref<8x1024xf32, #tpu.memory_space<vmem>>, vector<1x16xf32>,
        %get3A_378 = vector.shape_cast %get3A_377 : vector<1x16xf32> to vector<16xf32>
        %add3A_379 = arith.addf %get3A_374, %get3A_378 : vector<16xf32>
        %swap3A_380 = arith.index_cast %add3A_232 : i32 to index
        %swap3A_381 = arith.constant 160 : index
        %swap3A_382 = tpu.vector_load %arg12[%swap3A_380, %swap3A_381] {strides = array<i32>} : memref<8x1024xf32, #tpu.memory_space<vmem>>, vector<1x16xf32>,
        %swap3A_383 = vector.shape_cast %swap3A_382 : vector<1x16xf32> to vector<16xf32>
        %swap3A_384 = vector.shape_cast %add3A_379 : vector<16xf32> to vector<1x16xf32>
        tpu.vector_store %arg12[%swap3A_380, %swap3A_381], %swap3A_384 {strides = array<i32>} : memref<8x1024xf32, #tpu.memory_space<vmem>>, vector<1x16xf32>,
        %get3A_385 = arith.index_cast %add3A_232 : i32 to index
        %get3A_386 = arith.constant 176 : index
        %get3A_387 = tpu.vector_load %arg12[%get3A_385, %get3A_386] {strides = array<i32>} : memref<8x1024xf32, #tpu.memory_space<vmem>>, vector<1x16xf32>,
        %get3A_388 = vector.shape_cast %get3A_387 : vector<1x16xf32> to vector<16xf32>
        %get3A_389 = arith.index_cast %add3A_232 : i32 to index
        %get3A_390 = arith.constant 176 : index
        %get3A_391 = tpu.vector_load %arg8[%get3A_389, %get3A_390] {strides = array<i32>} : memref<8x1024xf32, #tpu.memory_space<vmem>>, vector<1x16xf32>,
        %get3A_392 = vector.shape_cast %get3A_391 : vector<1x16xf32> to vector<16xf32>
        %add3A_393 = arith.addf %get3A_388, %get3A_392 : vector<16xf32>
        %swap3A_394 = arith.index_cast %add3A_232 : i32 to index
        %swap3A_395 = arith.constant 176 : index
        %swap3A_396 = tpu.vector_load %arg12[%swap3A_394, %swap3A_395] {strides = array<i32>} : memref<8x1024xf32, #tpu.memory_space<vmem>>, vector<1x16xf32>,
        %swap3A_397 = vector.shape_cast %swap3A_396 : vector<1x16xf32> to vector<16xf32>
        %swap3A_398 = vector.shape_cast %add3A_393 : vector<16xf32> to vector<1x16xf32>
        tpu.vector_store %arg12[%swap3A_394, %swap3A_395], %swap3A_398 {strides = array<i32>} : memref<8x1024xf32, #tpu.memory_space<vmem>>, vector<1x16xf32>,
        %get3A_399 = arith.index_cast %add3A_232 : i32 to index
        %get3A_400 = arith.constant 192 : index
        %get3A_401 = tpu.vector_load %arg12[%get3A_399, %get3A_400] {strides = array<i32>} : memref<8x1024xf32, #tpu.memory_space<vmem>>, vector<1x16xf32>,
        %get3A_402 = vector.shape_cast %get3A_401 : vector<1x16xf32> to vector<16xf32>
        %get3A_403 = arith.index_cast %add3A_232 : i32 to index
        %get3A_404 = arith.constant 192 : index
        %get3A_405 = tpu.vector_load %arg8[%get3A_403, %get3A_404] {strides = array<i32>} : memref<8x1024xf32, #tpu.memory_space<vmem>>, vector<1x16xf32>,
        %get3A_406 = vector.shape_cast %get3A_405 : vector<1x16xf32> to vector<16xf32>
        %add3A_407 = arith.addf %get3A_402, %get3A_406 : vector<16xf32>
        %swap3A_408 = arith.index_cast %add3A_232 : i32 to index
        %swap3A_409 = arith.constant 192 : index
        %swap3A_410 = tpu.vector_load %arg12[%swap3A_408, %swap3A_409] {strides = array<i32>} : memref<8x1024xf32, #tpu.memory_space<vmem>>, vector<1x16xf32>,
        %swap3A_411 = vector.shape_cast %swap3A_410 : vector<1x16xf32> to vector<16xf32>
        %swap3A_412 = vector.shape_cast %add3A_407 : vector<16xf32> to vector<1x16xf32>
        tpu.vector_store %arg12[%swap3A_408, %swap3A_409], %swap3A_412 {strides = array<i32>} : memref<8x1024xf32, #tpu.memory_space<vmem>>, vector<1x16xf32>,
        %get3A_413 = arith.index_cast %add3A_232 : i32 to index
        %get3A_414 = arith.constant 208 : index
        %get3A_415 = tpu.vector_load %arg12[%get3A_413, %get3A_414] {strides = array<i32>} : memref<8x1024xf32, #tpu.memory_space<vmem>>, vector<1x16xf32>,
        %get3A_416 = vector.shape_cast %get3A_415 : vector<1x16xf32> to vector<16xf32>
        %get3A_417 = arith.index_cast %add3A_232 : i32 to index
        %get3A_418 = arith.constant 208 : index
        %get3A_419 = tpu.vector_load %arg8[%get3A_417, %get3A_418] {strides = array<i32>} : memref<8x1024xf32, #tpu.memory_space<vmem>>, vector<1x16xf32>,
        %get3A_420 = vector.shape_cast %get3A_419 : vector<1x16xf32> to vector<16xf32>
        %add3A_421 = arith.addf %get3A_416, %get3A_420 : vector<16xf32>
        %swap3A_422 = arith.index_cast %add3A_232 : i32 to index
        %swap3A_423 = arith.constant 208 : index
        %swap3A_424 = tpu.vector_load %arg12[%swap3A_422, %swap3A_423] {strides = array<i32>} : memref<8x1024xf32, #tpu.memory_space<vmem>>, vector<1x16xf32>,
        %swap3A_425 = vector.shape_cast %swap3A_424 : vector<1x16xf32> to vector<16xf32>
        %swap3A_426 = vector.shape_cast %add3A_421 : vector<16xf32> to vector<1x16xf32>
        tpu.vector_store %arg12[%swap3A_422, %swap3A_423], %swap3A_426 {strides = array<i32>} : memref<8x1024xf32, #tpu.memory_space<vmem>>, vector<1x16xf32>,
        %get3A_427 = arith.index_cast %add3A_232 : i32 to index
        %get3A_428 = arith.constant 224 : index
        %get3A_429 = tpu.vector_load %arg12[%get3A_427, %get3A_428] {strides = array<i32>} : memref<8x1024xf32, #tpu.memory_space<vmem>>, vector<1x16xf32>,
        %get3A_430 = vector.shape_cast %get3A_429 : vector<1x16xf32> to vector<16xf32>
        %get3A_431 = arith.index_cast %add3A_232 : i32 to index
        %get3A_432 = arith.constant 224 : index
        %get3A_433 = tpu.vector_load %arg8[%get3A_431, %get3A_432] {strides = array<i32>} : memref<8x1024xf32, #tpu.memory_space<vmem>>, vector<1x16xf32>,
        %get3A_434 = vector.shape_cast %get3A_433 : vector<1x16xf32> to vector<16xf32>
        %add3A_435 = arith.addf %get3A_430, %get3A_434 : vector<16xf32>
        %swap3A_436 = arith.index_cast %add3A_232 : i32 to index
        %swap3A_437 = arith.constant 224 : index
        %swap3A_438 = tpu.vector_load %arg12[%swap3A_436, %swap3A_437] {strides = array<i32>} : memref<8x1024xf32, #tpu.memory_space<vmem>>, vector<1x16xf32>,
        %swap3A_439 = vector.shape_cast %swap3A_438 : vector<1x16xf32> to vector<16xf32>
        %swap3A_440 = vector.shape_cast %add3A_435 : vector<16xf32> to vector<1x16xf32>
        tpu.vector_store %arg12[%swap3A_436, %swap3A_437], %swap3A_440 {strides = array<i32>} : memref<8x1024xf32, #tpu.memory_space<vmem>>, vector<1x16xf32>,
        %get3A_441 = arith.index_cast %add3A_232 : i32 to index
        %get3A_442 = arith.constant 240 : index
        %get3A_443 = tpu.vector_load %arg12[%get3A_441, %get3A_442] {strides = array<i32>} : memref<8x1024xf32, #tpu.memory_space<vmem>>, vector<1x16xf32>,
        %get3A_444 = vector.shape_cast %get3A_443 : vector<1x16xf32> to vector<16xf32>
        %get3A_445 = arith.index_cast %add3A_232 : i32 to index
        %get3A_446 = arith.constant 240 : index
        %get3A_447 = tpu.vector_load %arg8[%get3A_445, %get3A_446] {strides = array<i32>} : memref<8x1024xf32, #tpu.memory_space<vmem>>, vector<1x16xf32>,
        %get3A_448 = vector.shape_cast %get3A_447 : vector<1x16xf32> to vector<16xf32>
        %add3A_449 = arith.addf %get3A_444, %get3A_448 : vector<16xf32>
        %swap3A_450 = arith.index_cast %add3A_232 : i32 to index
        %swap3A_451 = arith.constant 240 : index
        %swap3A_452 = tpu.vector_load %arg12[%swap3A_450, %swap3A_451] {strides = array<i32>} : memref<8x1024xf32, #tpu.memory_space<vmem>>, vector<1x16xf32>,
        %swap3A_453 = vector.shape_cast %swap3A_452 : vector<1x16xf32> to vector<16xf32>
        %swap3A_454 = vector.shape_cast %add3A_449 : vector<16xf32> to vector<1x16xf32>
        tpu.vector_store %arg12[%swap3A_450, %swap3A_451], %swap3A_454 {strides = array<i32>} : memref<8x1024xf32, #tpu.memory_space<vmem>>, vector<1x16xf32>,
        %get3A_455 = arith.index_cast %add3A_232 : i32 to index
        %get3A_456 = arith.constant 256 : index
        %get3A_457 = tpu.vector_load %arg12[%get3A_455, %get3A_456] {strides = array<i32>} : memref<8x1024xf32, #tpu.memory_space<vmem>>, vector<1x16xf32>,
        %get3A_458 = vector.shape_cast %get3A_457 : vector<1x16xf32> to vector<16xf32>
        %get3A_459 = arith.index_cast %add3A_232 : i32 to index
        %get3A_460 = arith.constant 256 : index
        %get3A_461 = tpu.vector_load %arg8[%get3A_459, %get3A_460] {strides = array<i32>} : memref<8x1024xf32, #tpu.memory_space<vmem>>, vector<1x16xf32>,
        %get3A_462 = vector.shape_cast %get3A_461 : vector<1x16xf32> to vector<16xf32>
        %add3A_463 = arith.addf %get3A_458, %get3A_462 : vector<16xf32>
        %swap3A_464 = arith.index_cast %add3A_232 : i32 to index
        %swap3A_465 = arith.constant 256 : index
        %swap3A_466 = tpu.vector_load %arg12[%swap3A_464, %swap3A_465] {strides = array<i32>} : memref<8x1024xf32, #tpu.memory_space<vmem>>, vector<1x16xf32>,
        %swap3A_467 = vector.shape_cast %swap3A_466 : vector<1x16xf32> to vector<16xf32>
        %swap3A_468 = vector.shape_cast %add3A_463 : vector<16xf32> to vector<1x16xf32>
        tpu.vector_store %arg12[%swap3A_464, %swap3A_465], %swap3A_468 {strides = array<i32>} : memref<8x1024xf32, #tpu.memory_space<vmem>>, vector<1x16xf32>,
        %get3A_469 = arith.index_cast %add3A_232 : i32 to index
        %get3A_470 = arith.constant 272 : index
        %get3A_471 = tpu.vector_load %arg12[%get3A_469, %get3A_470] {strides = array<i32>} : memref<8x1024xf32, #tpu.memory_space<vmem>>, vector<1x16xf32>,
        %get3A_472 = vector.shape_cast %get3A_471 : vector<1x16xf32> to vector<16xf32>
        %get3A_473 = arith.index_cast %add3A_232 : i32 to index
        %get3A_474 = arith.constant 272 : index
        %get3A_475 = tpu.vector_load %arg8[%get3A_473, %get3A_474] {strides = array<i32>} : memref<8x1024xf32, #tpu.memory_space<vmem>>, vector<1x16xf32>,
        %get3A_476 = vector.shape_cast %get3A_475 : vector<1x16xf32> to vector<16xf32>
        %add3A_477 = arith.addf %get3A_472, %get3A_476 : vector<16xf32>
        %swap3A_478 = arith.index_cast %add3A_232 : i32 to index
        %swap3A_479 = arith.constant 272 : index
        %swap3A_480 = tpu.vector_load %arg12[%swap3A_478, %swap3A_479] {strides = array<i32>} : memref<8x1024xf32, #tpu.memory_space<vmem>>, vector<1x16xf32>,
        %swap3A_481 = vector.shape_cast %swap3A_480 : vector<1x16xf32> to vector<16xf32>
        %swap3A_482 = vector.shape_cast %add3A_477 : vector<16xf32> to vector<1x16xf32>
        tpu.vector_store %arg12[%swap3A_478, %swap3A_479], %swap3A_482 {strides = array<i32>} : memref<8x1024xf32, #tpu.memory_space<vmem>>, vector<1x16xf32>,
        %get3A_483 = arith.index_cast %add3A_232 : i32 to index
        %get3A_484 = arith.constant 288 : index
        %get3A_485 = tpu.vector_load %arg12[%get3A_483, %get3A_484] {strides = array<i32>} : memref<8x1024xf32, #tpu.memory_space<vmem>>, vector<1x16xf32>,
        %get3A_486 = vector.shape_cast %get3A_485 : vector<1x16xf32> to vector<16xf32>
        %get3A_487 = arith.index_cast %add3A_232 : i32 to index
        %get3A_488 = arith.constant 288 : index
        %get3A_489 = tpu.vector_load %arg8[%get3A_487, %get3A_488] {strides = array<i32>} : memref<8x1024xf32, #tpu.memory_space<vmem>>, vector<1x16xf32>,
        %get3A_490 = vector.shape_cast %get3A_489 : vector<1x16xf32> to vector<16xf32>
        %add3A_491 = arith.addf %get3A_486, %get3A_490 : vector<16xf32>
        %swap3A_492 = arith.index_cast %add3A_232 : i32 to index
        %swap3A_493 = arith.constant 288 : index
        %swap3A_494 = tpu.vector_load %arg12[%swap3A_492, %swap3A_493] {strides = array<i32>} : memref<8x1024xf32, #tpu.memory_space<vmem>>, vector<1x16xf32>,
        %swap3A_495 = vector.shape_cast %swap3A_494 : vector<1x16xf32> to vector<16xf32>
        %swap3A_496 = vector.shape_cast %add3A_491 : vector<16xf32> to vector<1x16xf32>
        tpu.vector_store %arg12[%swap3A_492, %swap3A_493], %swap3A_496 {strides = array<i32>} : memref<8x1024xf32, #tpu.memory_space<vmem>>, vector<1x16xf32>,
        %get3A_497 = arith.index_cast %add3A_232 : i32 to index
        %get3A_498 = arith.constant 304 : index
        %get3A_499 = tpu.vector_load %arg12[%get3A_497, %get3A_498] {strides = array<i32>} : memref<8x1024xf32, #tpu.memory_space<vmem>>, vector<1x16xf32>,
        %get3A_500 = vector.shape_cast %get3A_499 : vector<1x16xf32> to vector<16xf32>
        %get3A_501 = arith.index_cast %add3A_232 : i32 to index
        %get3A_502 = arith.constant 304 : index
        %get3A_503 = tpu.vector_load %arg8[%get3A_501, %get3A_502] {strides = array<i32>} : memref<8x1024xf32, #tpu.memory_space<vmem>>, vector<1x16xf32>,
        %get3A_504 = vector.shape_cast %get3A_503 : vector<1x16xf32> to vector<16xf32>
        %add3A_505 = arith.addf %get3A_500, %get3A_504 : vector<16xf32>
        %swap3A_506 = arith.index_cast %add3A_232 : i32 to index
        %swap3A_507 = arith.constant 304 : index
        %swap3A_508 = tpu.vector_load %arg12[%swap3A_506, %swap3A_507] {strides = array<i32>} : memref<8x1024xf32, #tpu.memory_space<vmem>>, vector<1x16xf32>,
        %swap3A_509 = vector.shape_cast %swap3A_508 : vector<1x16xf32> to vector<16xf32>
        %swap3A_510 = vector.shape_cast %add3A_505 : vector<16xf32> to vector<1x16xf32>
        tpu.vector_store %arg12[%swap3A_506, %swap3A_507], %swap3A_510 {strides = array<i32>} : memref<8x1024xf32, #tpu.memory_space<vmem>>, vector<1x16xf32>,
        %get3A_511 = arith.index_cast %add3A_232 : i32 to index
        %get3A_512 = arith.constant 320 : index
        %get3A_513 = tpu.vector_load %arg12[%get3A_511, %get3A_512] {strides = array<i32>} : memref<8x1024xf32, #tpu.memory_space<vmem>>, vector<1x16xf32>,
        %get3A_514 = vector.shape_cast %get3A_513 : vector<1x16xf32> to vector<16xf32>
        %get3A_515 = arith.index_cast %add3A_232 : i32 to index
        %get3A_516 = arith.constant 320 : index
        %get3A_517 = tpu.vector_load %arg8[%get3A_515, %get3A_516] {strides = array<i32>} : memref<8x1024xf32, #tpu.memory_space<vmem>>, vector<1x16xf32>,
        %get3A_518 = vector.shape_cast %get3A_517 : vector<1x16xf32> to vector<16xf32>
        %add3A_519 = arith.addf %get3A_514, %get3A_518 : vector<16xf32>
        %swap3A_520 = arith.index_cast %add3A_232 : i32 to index
        %swap3A_521 = arith.constant 320 : index
        %swap3A_522 = tpu.vector_load %arg12[%swap3A_520, %swap3A_521] {strides = array<i32>} : memref<8x1024xf32, #tpu.memory_space<vmem>>, vector<1x16xf32>,
        %swap3A_523 = vector.shape_cast %swap3A_522 : vector<1x16xf32> to vector<16xf32>
        %swap3A_524 = vector.shape_cast %add3A_519 : vector<16xf32> to vector<1x16xf32>
        tpu.vector_store %arg12[%swap3A_520, %swap3A_521], %swap3A_524 {strides = array<i32>} : memref<8x1024xf32, #tpu.memory_space<vmem>>, vector<1x16xf32>,
        %get3A_525 = arith.index_cast %add3A_232 : i32 to index
        %get3A_526 = arith.constant 336 : index
        %get3A_527 = tpu.vector_load %arg12[%get3A_525, %get3A_526] {strides = array<i32>} : memref<8x1024xf32, #tpu.memory_space<vmem>>, vector<1x16xf32>,
        %get3A_528 = vector.shape_cast %get3A_527 : vector<1x16xf32> to vector<16xf32>
        %get3A_529 = arith.index_cast %add3A_232 : i32 to index
        %get3A_530 = arith.constant 336 : index
        %get3A_531 = tpu.vector_load %arg8[%get3A_529, %get3A_530] {strides = array<i32>} : memref<8x1024xf32, #tpu.memory_space<vmem>>, vector<1x16xf32>,
        %get3A_532 = vector.shape_cast %get3A_531 : vector<1x16xf32> to vector<16xf32>
        %add3A_533 = arith.addf %get3A_528, %get3A_532 : vector<16xf32>
        %swap3A_534 = arith.index_cast %add3A_232 : i32 to index
        %swap3A_535 = arith.constant 336 : index
        %swap3A_536 = tpu.vector_load %arg12[%swap3A_534, %swap3A_535] {strides = array<i32>} : memref<8x1024xf32, #tpu.memory_space<vmem>>, vector<1x16xf32>,
        %swap3A_537 = vector.shape_cast %swap3A_536 : vector<1x16xf32> to vector<16xf32>
        %swap3A_538 = vector.shape_cast %add3A_533 : vector<16xf32> to vector<1x16xf32>
        tpu.vector_store %arg12[%swap3A_534, %swap3A_535], %swap3A_538 {strides = array<i32>} : memref<8x1024xf32, #tpu.memory_space<vmem>>, vector<1x16xf32>,
        %get3A_539 = arith.index_cast %add3A_232 : i32 to index
        %get3A_540 = arith.constant 352 : index
        %get3A_541 = tpu.vector_load %arg12[%get3A_539, %get3A_540] {strides = array<i32>} : memref<8x1024xf32, #tpu.memory_space<vmem>>, vector<1x16xf32>,
        %get3A_542 = vector.shape_cast %get3A_541 : vector<1x16xf32> to vector<16xf32>
        %get3A_543 = arith.index_cast %add3A_232 : i32 to index
        %get3A_544 = arith.constant 352 : index
        %get3A_545 = tpu.vector_load %arg8[%get3A_543, %get3A_544] {strides = array<i32>} : memref<8x1024xf32, #tpu.memory_space<vmem>>, vector<1x16xf32>,
        %get3A_546 = vector.shape_cast %get3A_545 : vector<1x16xf32> to vector<16xf32>
        %add3A_547 = arith.addf %get3A_542, %get3A_546 : vector<16xf32>
        %swap3A_548 = arith.index_cast %add3A_232 : i32 to index
        %swap3A_549 = arith.constant 352 : index
        %swap3A_550 = tpu.vector_load %arg12[%swap3A_548, %swap3A_549] {strides = array<i32>} : memref<8x1024xf32, #tpu.memory_space<vmem>>, vector<1x16xf32>,
        %swap3A_551 = vector.shape_cast %swap3A_550 : vector<1x16xf32> to vector<16xf32>
        %swap3A_552 = vector.shape_cast %add3A_547 : vector<16xf32> to vector<1x16xf32>
        tpu.vector_store %arg12[%swap3A_548, %swap3A_549], %swap3A_552 {strides = array<i32>} : memref<8x1024xf32, #tpu.memory_space<vmem>>, vector<1x16xf32>,
        %get3A_553 = arith.index_cast %add3A_232 : i32 to index
        %get3A_554 = arith.constant 368 : index
        %get3A_555 = tpu.vector_load %arg12[%get3A_553, %get3A_554] {strides = array<i32>} : memref<8x1024xf32, #tpu.memory_space<vmem>>, vector<1x16xf32>,
        %get3A_556 = vector.shape_cast %get3A_555 : vector<1x16xf32> to vector<16xf32>
        %get3A_557 = arith.index_cast %add3A_232 : i32 to index
        %get3A_558 = arith.constant 368 : index
        %get3A_559 = tpu.vector_load %arg8[%get3A_557, %get3A_558] {strides = array<i32>} : memref<8x1024xf32, #tpu.memory_space<vmem>>, vector<1x16xf32>,
        %get3A_560 = vector.shape_cast %get3A_559 : vector<1x16xf32> to vector<16xf32>
        %add3A_561 = arith.addf %get3A_556, %get3A_560 : vector<16xf32>
        %swap3A_562 = arith.index_cast %add3A_232 : i32 to index
        %swap3A_563 = arith.constant 368 : index
        %swap3A_564 = tpu.vector_load %arg12[%swap3A_562, %swap3A_563] {strides = array<i32>} : memref<8x1024xf32, #tpu.memory_space<vmem>>, vector<1x16xf32>,
        %swap3A_565 = vector.shape_cast %swap3A_564 : vector<1x16xf32> to vector<16xf32>
        %swap3A_566 = vector.shape_cast %add3A_561 : vector<16xf32> to vector<1x16xf32>
        tpu.vector_store %arg12[%swap3A_562, %swap3A_563], %swap3A_566 {strides = array<i32>} : memref<8x1024xf32, #tpu.memory_space<vmem>>, vector<1x16xf32>,
        %get3A_567 = arith.index_cast %add3A_232 : i32 to index
        %get3A_568 = arith.constant 384 : index
        %get3A_569 = tpu.vector_load %arg12[%get3A_567, %get3A_568] {strides = array<i32>} : memref<8x1024xf32, #tpu.memory_space<vmem>>, vector<1x16xf32>,
        %get3A_570 = vector.shape_cast %get3A_569 : vector<1x16xf32> to vector<16xf32>
        %get3A_571 = arith.index_cast %add3A_232 : i32 to index
        %get3A_572 = arith.constant 384 : index
        %get3A_573 = tpu.vector_load %arg8[%get3A_571, %get3A_572] {strides = array<i32>} : memref<8x1024xf32, #tpu.memory_space<vmem>>, vector<1x16xf32>,
        %get3A_574 = vector.shape_cast %get3A_573 : vector<1x16xf32> to vector<16xf32>
        %add3A_575 = arith.addf %get3A_570, %get3A_574 : vector<16xf32>
        %swap3A_576 = arith.index_cast %add3A_232 : i32 to index
        %swap3A_577 = arith.constant 384 : index
        %swap3A_578 = tpu.vector_load %arg12[%swap3A_576, %swap3A_577] {strides = array<i32>} : memref<8x1024xf32, #tpu.memory_space<vmem>>, vector<1x16xf32>,
        %swap3A_579 = vector.shape_cast %swap3A_578 : vector<1x16xf32> to vector<16xf32>
        %swap3A_580 = vector.shape_cast %add3A_575 : vector<16xf32> to vector<1x16xf32>
        tpu.vector_store %arg12[%swap3A_576, %swap3A_577], %swap3A_580 {strides = array<i32>} : memref<8x1024xf32, #tpu.memory_space<vmem>>, vector<1x16xf32>,
        %get3A_581 = arith.index_cast %add3A_232 : i32 to index
        %get3A_582 = arith.constant 400 : index
        %get3A_583 = tpu.vector_load %arg12[%get3A_581, %get3A_582] {strides = array<i32>} : memref<8x1024xf32, #tpu.memory_space<vmem>>, vector<1x16xf32>,
        %get3A_584 = vector.shape_cast %get3A_583 : vector<1x16xf32> to vector<16xf32>
        %get3A_585 = arith.index_cast %add3A_232 : i32 to index
        %get3A_586 = arith.constant 400 : index
        %get3A_587 = tpu.vector_load %arg8[%get3A_585, %get3A_586] {strides = array<i32>} : memref<8x1024xf32, #tpu.memory_space<vmem>>, vector<1x16xf32>,
        %get3A_588 = vector.shape_cast %get3A_587 : vector<1x16xf32> to vector<16xf32>
        %add3A_589 = arith.addf %get3A_584, %get3A_588 : vector<16xf32>
        %swap3A_590 = arith.index_cast %add3A_232 : i32 to index
        %swap3A_591 = arith.constant 400 : index
        %swap3A_592 = tpu.vector_load %arg12[%swap3A_590, %swap3A_591] {strides = array<i32>} : memref<8x1024xf32, #tpu.memory_space<vmem>>, vector<1x16xf32>,
        %swap3A_593 = vector.shape_cast %swap3A_592 : vector<1x16xf32> to vector<16xf32>
        %swap3A_594 = vector.shape_cast %add3A_589 : vector<16xf32> to vector<1x16xf32>
        tpu.vector_store %arg12[%swap3A_590, %swap3A_591], %swap3A_594 {strides = array<i32>} : memref<8x1024xf32, #tpu.memory_space<vmem>>, vector<1x16xf32>,
        %get3A_595 = arith.index_cast %add3A_232 : i32 to index
        %get3A_596 = arith.constant 416 : index
        %get3A_597 = tpu.vector_load %arg12[%get3A_595, %get3A_596] {strides = array<i32>} : memref<8x1024xf32, #tpu.memory_space<vmem>>, vector<1x16xf32>,
        %get3A_598 = vector.shape_cast %get3A_597 : vector<1x16xf32> to vector<16xf32>
        %get3A_599 = arith.index_cast %add3A_232 : i32 to index
        %get3A_600 = arith.constant 416 : index
        %get3A_601 = tpu.vector_load %arg8[%get3A_599, %get3A_600] {strides = array<i32>} : memref<8x1024xf32, #tpu.memory_space<vmem>>, vector<1x16xf32>,
        %get3A_602 = vector.shape_cast %get3A_601 : vector<1x16xf32> to vector<16xf32>
        %add3A_603 = arith.addf %get3A_598, %get3A_602 : vector<16xf32>
        %swap3A_604 = arith.index_cast %add3A_232 : i32 to index
        %swap3A_605 = arith.constant 416 : index
        %swap3A_606 = tpu.vector_load %arg12[%swap3A_604, %swap3A_605] {strides = array<i32>} : memref<8x1024xf32, #tpu.memory_space<vmem>>, vector<1x16xf32>,
        %swap3A_607 = vector.shape_cast %swap3A_606 : vector<1x16xf32> to vector<16xf32>
        %swap3A_608 = vector.shape_cast %add3A_603 : vector<16xf32> to vector<1x16xf32>
        tpu.vector_store %arg12[%swap3A_604, %swap3A_605], %swap3A_608 {strides = array<i32>} : memref<8x1024xf32, #tpu.memory_space<vmem>>, vector<1x16xf32>,
        %get3A_609 = arith.index_cast %add3A_232 : i32 to index
        %get3A_610 = arith.constant 432 : index
        %get3A_611 = tpu.vector_load %arg12[%get3A_609, %get3A_610] {strides = array<i32>} : memref<8x1024xf32, #tpu.memory_space<vmem>>, vector<1x16xf32>,
        %get3A_612 = vector.shape_cast %get3A_611 : vector<1x16xf32> to vector<16xf32>
        %get3A_613 = arith.index_cast %add3A_232 : i32 to index
        %get3A_614 = arith.constant 432 : index
        %get3A_615 = tpu.vector_load %arg8[%get3A_613, %get3A_614] {strides = array<i32>} : memref<8x1024xf32, #tpu.memory_space<vmem>>, vector<1x16xf32>,
        %get3A_616 = vector.shape_cast %get3A_615 : vector<1x16xf32> to vector<16xf32>
        %add3A_617 = arith.addf %get3A_612, %get3A_616 : vector<16xf32>
        %swap3A_618 = arith.index_cast %add3A_232 : i32 to index
        %swap3A_619 = arith.constant 432 : index
        %swap3A_620 = tpu.vector_load %arg12[%swap3A_618, %swap3A_619] {strides = array<i32>} : memref<8x1024xf32, #tpu.memory_space<vmem>>, vector<1x16xf32>,
        %swap3A_621 = vector.shape_cast %swap3A_620 : vector<1x16xf32> to vector<16xf32>
        %swap3A_622 = vector.shape_cast %add3A_617 : vector<16xf32> to vector<1x16xf32>
        tpu.vector_store %arg12[%swap3A_618, %swap3A_619], %swap3A_622 {strides = array<i32>} : memref<8x1024xf32, #tpu.memory_space<vmem>>, vector<1x16xf32>,
        %get3A_623 = arith.index_cast %add3A_232 : i32 to index
        %get3A_624 = arith.constant 448 : index
        %get3A_625 = tpu.vector_load %arg12[%get3A_623, %get3A_624] {strides = array<i32>} : memref<8x1024xf32, #tpu.memory_space<vmem>>, vector<1x16xf32>,
        %get3A_626 = vector.shape_cast %get3A_625 : vector<1x16xf32> to vector<16xf32>
        %get3A_627 = arith.index_cast %add3A_232 : i32 to index
        %get3A_628 = arith.constant 448 : index
        %get3A_629 = tpu.vector_load %arg8[%get3A_627, %get3A_628] {strides = array<i32>} : memref<8x1024xf32, #tpu.memory_space<vmem>>, vector<1x16xf32>,
        %get3A_630 = vector.shape_cast %get3A_629 : vector<1x16xf32> to vector<16xf32>
        %add3A_631 = arith.addf %get3A_626, %get3A_630 : vector<16xf32>
        %swap3A_632 = arith.index_cast %add3A_232 : i32 to index
        %swap3A_633 = arith.constant 448 : index
        %swap3A_634 = tpu.vector_load %arg12[%swap3A_632, %swap3A_633] {strides = array<i32>} : memref<8x1024xf32, #tpu.memory_space<vmem>>, vector<1x16xf32>,
        %swap3A_635 = vector.shape_cast %swap3A_634 : vector<1x16xf32> to vector<16xf32>
        %swap3A_636 = vector.shape_cast %add3A_631 : vector<16xf32> to vector<1x16xf32>
        tpu.vector_store %arg12[%swap3A_632, %swap3A_633], %swap3A_636 {strides = array<i32>} : memref<8x1024xf32, #tpu.memory_space<vmem>>, vector<1x16xf32>,
        %get3A_637 = arith.index_cast %add3A_232 : i32 to index
        %get3A_638 = arith.constant 464 : index
        %get3A_639 = tpu.vector_load %arg12[%get3A_637, %get3A_638] {strides = array<i32>} : memref<8x1024xf32, #tpu.memory_space<vmem>>, vector<1x16xf32>,
        %get3A_640 = vector.shape_cast %get3A_639 : vector<1x16xf32> to vector<16xf32>
        %get3A_641 = arith.index_cast %add3A_232 : i32 to index
        %get3A_642 = arith.constant 464 : index
        %get3A_643 = tpu.vector_load %arg8[%get3A_641, %get3A_642] {strides = array<i32>} : memref<8x1024xf32, #tpu.memory_space<vmem>>, vector<1x16xf32>,
        %get3A_644 = vector.shape_cast %get3A_643 : vector<1x16xf32> to vector<16xf32>
        %add3A_645 = arith.addf %get3A_640, %get3A_644 : vector<16xf32>
        %swap3A_646 = arith.index_cast %add3A_232 : i32 to index
        %swap3A_647 = arith.constant 464 : index
        %swap3A_648 = tpu.vector_load %arg12[%swap3A_646, %swap3A_647] {strides = array<i32>} : memref<8x1024xf32, #tpu.memory_space<vmem>>, vector<1x16xf32>,
        %swap3A_649 = vector.shape_cast %swap3A_648 : vector<1x16xf32> to vector<16xf32>
        %swap3A_650 = vector.shape_cast %add3A_645 : vector<16xf32> to vector<1x16xf32>
        tpu.vector_store %arg12[%swap3A_646, %swap3A_647], %swap3A_650 {strides = array<i32>} : memref<8x1024xf32, #tpu.memory_space<vmem>>, vector<1x16xf32>,
        %get3A_651 = arith.index_cast %add3A_232 : i32 to index
        %get3A_652 = arith.constant 480 : index
        %get3A_653 = tpu.vector_load %arg12[%get3A_651, %get3A_652] {strides = array<i32>} : memref<8x1024xf32, #tpu.memory_space<vmem>>, vector<1x16xf32>,
        %get3A_654 = vector.shape_cast %get3A_653 : vector<1x16xf32> to vector<16xf32>
        %get3A_655 = arith.index_cast %add3A_232 : i32 to index
        %get3A_656 = arith.constant 480 : index
        %get3A_657 = tpu.vector_load %arg8[%get3A_655, %get3A_656] {strides = array<i32>} : memref<8x1024xf32, #tpu.memory_space<vmem>>, vector<1x16xf32>,
        %get3A_658 = vector.shape_cast %get3A_657 : vector<1x16xf32> to vector<16xf32>
        %add3A_659 = arith.addf %get3A_654, %get3A_658 : vector<16xf32>
        %swap3A_660 = arith.index_cast %add3A_232 : i32 to index
        %swap3A_661 = arith.constant 480 : index
        %swap3A_662 = tpu.vector_load %arg12[%swap3A_660, %swap3A_661] {strides = array<i32>} : memref<8x1024xf32, #tpu.memory_space<vmem>>, vector<1x16xf32>,
        %swap3A_663 = vector.shape_cast %swap3A_662 : vector<1x16xf32> to vector<16xf32>
        %swap3A_664 = vector.shape_cast %add3A_659 : vector<16xf32> to vector<1x16xf32>
        tpu.vector_store %arg12[%swap3A_660, %swap3A_661], %swap3A_664 {strides = array<i32>} : memref<8x1024xf32, #tpu.memory_space<vmem>>, vector<1x16xf32>,
        %get3A_665 = arith.index_cast %add3A_232 : i32 to index
        %get3A_666 = arith.constant 496 : index
        %get3A_667 = tpu.vector_load %arg12[%get3A_665, %get3A_666] {strides = array<i32>} : memref<8x1024xf32, #tpu.memory_space<vmem>>, vector<1x16xf32>,
        %get3A_668 = vector.shape_cast %get3A_667 : vector<1x16xf32> to vector<16xf32>
        %get3A_669 = arith.index_cast %add3A_232 : i32 to index
        %get3A_670 = arith.constant 496 : index
        %get3A_671 = tpu.vector_load %arg8[%get3A_669, %get3A_670] {strides = array<i32>} : memref<8x1024xf32, #tpu.memory_space<vmem>>, vector<1x16xf32>,
        %get3A_672 = vector.shape_cast %get3A_671 : vector<1x16xf32> to vector<16xf32>
        %add3A_673 = arith.addf %get3A_668, %get3A_672 : vector<16xf32>
        %swap3A_674 = arith.index_cast %add3A_232 : i32 to index
        %swap3A_675 = arith.constant 496 : index
        %swap3A_676 = tpu.vector_load %arg12[%swap3A_674, %swap3A_675] {strides = array<i32>} : memref<8x1024xf32, #tpu.memory_space<vmem>>, vector<1x16xf32>,
        %swap3A_677 = vector.shape_cast %swap3A_676 : vector<1x16xf32> to vector<16xf32>
        %swap3A_678 = vector.shape_cast %add3A_673 : vector<16xf32> to vector<1x16xf32>
        tpu.vector_store %arg12[%swap3A_674, %swap3A_675], %swap3A_678 {strides = array<i32>} : memref<8x1024xf32, #tpu.memory_space<vmem>>, vector<1x16xf32>,
        %get3A_679 = arith.index_cast %add3A_232 : i32 to index
        %get3A_680 = arith.constant 512 : index
        %get3A_681 = tpu.vector_load %arg12[%get3A_679, %get3A_680] {strides = array<i32>} : memref<8x1024xf32, #tpu.memory_space<vmem>>, vector<1x16xf32>,
        %get3A_682 = vector.shape_cast %get3A_681 : vector<1x16xf32> to vector<16xf32>
        %get3A_683 = arith.index_cast %add3A_232 : i32 to index
        %get3A_684 = arith.constant 512 : index
        %get3A_685 = tpu.vector_load %arg8[%get3A_683, %get3A_684] {strides = array<i32>} : memref<8x1024xf32, #tpu.memory_space<vmem>>, vector<1x16xf32>,
        %get3A_686 = vector.shape_cast %get3A_685 : vector<1x16xf32> to vector<16xf32>
        %add3A_687 = arith.addf %get3A_682, %get3A_686 : vector<16xf32>
        %swap3A_688 = arith.index_cast %add3A_232 : i32 to index
        %swap3A_689 = arith.constant 512 : index
        %swap3A_690 = tpu.vector_load %arg12[%swap3A_688, %swap3A_689] {strides = array<i32>} : memref<8x1024xf32, #tpu.memory_space<vmem>>, vector<1x16xf32>,
        %swap3A_691 = vector.shape_cast %swap3A_690 : vector<1x16xf32> to vector<16xf32>
        %swap3A_692 = vector.shape_cast %add3A_687 : vector<16xf32> to vector<1x16xf32>
        tpu.vector_store %arg12[%swap3A_688, %swap3A_689], %swap3A_692 {strides = array<i32>} : memref<8x1024xf32, #tpu.memory_space<vmem>>, vector<1x16xf32>,
        %get3A_693 = arith.index_cast %add3A_232 : i32 to index
        %get3A_694 = arith.constant 528 : index
        %get3A_695 = tpu.vector_load %arg12[%get3A_693, %get3A_694] {strides = array<i32>} : memref<8x1024xf32, #tpu.memory_space<vmem>>, vector<1x16xf32>,
        %get3A_696 = vector.shape_cast %get3A_695 : vector<1x16xf32> to vector<16xf32>
        %get3A_697 = arith.index_cast %add3A_232 : i32 to index
        %get3A_698 = arith.constant 528 : index
        %get3A_699 = tpu.vector_load %arg8[%get3A_697, %get3A_698] {strides = array<i32>} : memref<8x1024xf32, #tpu.memory_space<vmem>>, vector<1x16xf32>,
        %get3A_700 = vector.shape_cast %get3A_699 : vector<1x16xf32> to vector<16xf32>
        %add3A_701 = arith.addf %get3A_696, %get3A_700 : vector<16xf32>
        %swap3A_702 = arith.index_cast %add3A_232 : i32 to index
        %swap3A_703 = arith.constant 528 : index
        %swap3A_704 = tpu.vector_load %arg12[%swap3A_702, %swap3A_703] {strides = array<i32>} : memref<8x1024xf32, #tpu.memory_space<vmem>>, vector<1x16xf32>,
        %swap3A_705 = vector.shape_cast %swap3A_704 : vector<1x16xf32> to vector<16xf32>
        %swap3A_706 = vector.shape_cast %add3A_701 : vector<16xf32> to vector<1x16xf32>
        tpu.vector_store %arg12[%swap3A_702, %swap3A_703], %swap3A_706 {strides = array<i32>} : memref<8x1024xf32, #tpu.memory_space<vmem>>, vector<1x16xf32>,
        %get3A_707 = arith.index_cast %add3A_232 : i32 to index
        %get3A_708 = arith.constant 544 : index
        %get3A_709 = tpu.vector_load %arg12[%get3A_707, %get3A_708] {strides = array<i32>} : memref<8x1024xf32, #tpu.memory_space<vmem>>, vector<1x16xf32>,
        %get3A_710 = vector.shape_cast %get3A_709 : vector<1x16xf32> to vector<16xf32>
        %get3A_711 = arith.index_cast %add3A_232 : i32 to index
        %get3A_712 = arith.constant 544 : index
        %get3A_713 = tpu.vector_load %arg8[%get3A_711, %get3A_712] {strides = array<i32>} : memref<8x1024xf32, #tpu.memory_space<vmem>>, vector<1x16xf32>,
        %get3A_714 = vector.shape_cast %get3A_713 : vector<1x16xf32> to vector<16xf32>
        %add3A_715 = arith.addf %get3A_710, %get3A_714 : vector<16xf32>
        %swap3A_716 = arith.index_cast %add3A_232 : i32 to index
        %swap3A_717 = arith.constant 544 : index
        %swap3A_718 = tpu.vector_load %arg12[%swap3A_716, %swap3A_717] {strides = array<i32>} : memref<8x1024xf32, #tpu.memory_space<vmem>>, vector<1x16xf32>,
        %swap3A_719 = vector.shape_cast %swap3A_718 : vector<1x16xf32> to vector<16xf32>
        %swap3A_720 = vector.shape_cast %add3A_715 : vector<16xf32> to vector<1x16xf32>
        tpu.vector_store %arg12[%swap3A_716, %swap3A_717], %swap3A_720 {strides = array<i32>} : memref<8x1024xf32, #tpu.memory_space<vmem>>, vector<1x16xf32>,
        %get3A_721 = arith.index_cast %add3A_232 : i32 to index
        %get3A_722 = arith.constant 560 : index
        %get3A_723 = tpu.vector_load %arg12[%get3A_721, %get3A_722] {strides = array<i32>} : memref<8x1024xf32, #tpu.memory_space<vmem>>, vector<1x16xf32>,
        %get3A_724 = vector.shape_cast %get3A_723 : vector<1x16xf32> to vector<16xf32>
        %get3A_725 = arith.index_cast %add3A_232 : i32 to index
        %get3A_726 = arith.constant 560 : index
        %get3A_727 = tpu.vector_load %arg8[%get3A_725, %get3A_726] {strides = array<i32>} : memref<8x1024xf32, #tpu.memory_space<vmem>>, vector<1x16xf32>,
        %get3A_728 = vector.shape_cast %get3A_727 : vector<1x16xf32> to vector<16xf32>
        %add3A_729 = arith.addf %get3A_724, %get3A_728 : vector<16xf32>
        %swap3A_730 = arith.index_cast %add3A_232 : i32 to index
        %swap3A_731 = arith.constant 560 : index
        %swap3A_732 = tpu.vector_load %arg12[%swap3A_730, %swap3A_731] {strides = array<i32>} : memref<8x1024xf32, #tpu.memory_space<vmem>>, vector<1x16xf32>,
        %swap3A_733 = vector.shape_cast %swap3A_732 : vector<1x16xf32> to vector<16xf32>
        %swap3A_734 = vector.shape_cast %add3A_729 : vector<16xf32> to vector<1x16xf32>
        tpu.vector_store %arg12[%swap3A_730, %swap3A_731], %swap3A_734 {strides = array<i32>} : memref<8x1024xf32, #tpu.memory_space<vmem>>, vector<1x16xf32>,
        %get3A_735 = arith.index_cast %add3A_232 : i32 to index
        %get3A_736 = arith.constant 576 : index
        %get3A_737 = tpu.vector_load %arg12[%get3A_735, %get3A_736] {strides = array<i32>} : memref<8x1024xf32, #tpu.memory_space<vmem>>, vector<1x16xf32>,
        %get3A_738 = vector.shape_cast %get3A_737 : vector<1x16xf32> to vector<16xf32>
        %get3A_739 = arith.index_cast %add3A_232 : i32 to index
        %get3A_740 = arith.constant 576 : index
        %get3A_741 = tpu.vector_load %arg8[%get3A_739, %get3A_740] {strides = array<i32>} : memref<8x1024xf32, #tpu.memory_space<vmem>>, vector<1x16xf32>,
        %get3A_742 = vector.shape_cast %get3A_741 : vector<1x16xf32> to vector<16xf32>
        %add3A_743 = arith.addf %get3A_738, %get3A_742 : vector<16xf32>
        %swap3A_744 = arith.index_cast %add3A_232 : i32 to index
        %swap3A_745 = arith.constant 576 : index
        %swap3A_746 = tpu.vector_load %arg12[%swap3A_744, %swap3A_745] {strides = array<i32>} : memref<8x1024xf32, #tpu.memory_space<vmem>>, vector<1x16xf32>,
        %swap3A_747 = vector.shape_cast %swap3A_746 : vector<1x16xf32> to vector<16xf32>
        %swap3A_748 = vector.shape_cast %add3A_743 : vector<16xf32> to vector<1x16xf32>
        tpu.vector_store %arg12[%swap3A_744, %swap3A_745], %swap3A_748 {strides = array<i32>} : memref<8x1024xf32, #tpu.memory_space<vmem>>, vector<1x16xf32>,
        %get3A_749 = arith.index_cast %add3A_232 : i32 to index
        %get3A_750 = arith.constant 592 : index
        %get3A_751 = tpu.vector_load %arg12[%get3A_749, %get3A_750] {strides = array<i32>} : memref<8x1024xf32, #tpu.memory_space<vmem>>, vector<1x16xf32>,
        %get3A_752 = vector.shape_cast %get3A_751 : vector<1x16xf32> to vector<16xf32>
        %get3A_753 = arith.index_cast %add3A_232 : i32 to index
        %get3A_754 = arith.constant 592 : index
        %get3A_755 = tpu.vector_load %arg8[%get3A_753, %get3A_754] {strides = array<i32>} : memref<8x1024xf32, #tpu.memory_space<vmem>>, vector<1x16xf32>,
        %get3A_756 = vector.shape_cast %get3A_755 : vector<1x16xf32> to vector<16xf32>
        %add3A_757 = arith.addf %get3A_752, %get3A_756 : vector<16xf32>
        %swap3A_758 = arith.index_cast %add3A_232 : i32 to index
        %swap3A_759 = arith.constant 592 : index
        %swap3A_760 = tpu.vector_load %arg12[%swap3A_758, %swap3A_759] {strides = array<i32>} : memref<8x1024xf32, #tpu.memory_space<vmem>>, vector<1x16xf32>,
        %swap3A_761 = vector.shape_cast %swap3A_760 : vector<1x16xf32> to vector<16xf32>
        %swap3A_762 = vector.shape_cast %add3A_757 : vector<16xf32> to vector<1x16xf32>
        tpu.vector_store %arg12[%swap3A_758, %swap3A_759], %swap3A_762 {strides = array<i32>} : memref<8x1024xf32, #tpu.memory_space<vmem>>, vector<1x16xf32>,
        %get3A_763 = arith.index_cast %add3A_232 : i32 to index
        %get3A_764 = arith.constant 608 : index
        %get3A_765 = tpu.vector_load %arg12[%get3A_763, %get3A_764] {strides = array<i32>} : memref<8x1024xf32, #tpu.memory_space<vmem>>, vector<1x16xf32>,
        %get3A_766 = vector.shape_cast %get3A_765 : vector<1x16xf32> to vector<16xf32>
        %get3A_767 = arith.index_cast %add3A_232 : i32 to index
        %get3A_768 = arith.constant 608 : index
        %get3A_769 = tpu.vector_load %arg8[%get3A_767, %get3A_768] {strides = array<i32>} : memref<8x1024xf32, #tpu.memory_space<vmem>>, vector<1x16xf32>,
        %get3A_770 = vector.shape_cast %get3A_769 : vector<1x16xf32> to vector<16xf32>
        %add3A_771 = arith.addf %get3A_766, %get3A_770 : vector<16xf32>
        %swap3A_772 = arith.index_cast %add3A_232 : i32 to index
        %swap3A_773 = arith.constant 608 : index
        %swap3A_774 = tpu.vector_load %arg12[%swap3A_772, %swap3A_773] {strides = array<i32>} : memref<8x1024xf32, #tpu.memory_space<vmem>>, vector<1x16xf32>,
        %swap3A_775 = vector.shape_cast %swap3A_774 : vector<1x16xf32> to vector<16xf32>
        %swap3A_776 = vector.shape_cast %add3A_771 : vector<16xf32> to vector<1x16xf32>
        tpu.vector_store %arg12[%swap3A_772, %swap3A_773], %swap3A_776 {strides = array<i32>} : memref<8x1024xf32, #tpu.memory_space<vmem>>, vector<1x16xf32>,
        %get3A_777 = arith.index_cast %add3A_232 : i32 to index
        %get3A_778 = arith.constant 624 : index
        %get3A_779 = tpu.vector_load %arg12[%get3A_777, %get3A_778] {strides = array<i32>} : memref<8x1024xf32, #tpu.memory_space<vmem>>, vector<1x16xf32>,
        %get3A_780 = vector.shape_cast %get3A_779 : vector<1x16xf32> to vector<16xf32>
        %get3A_781 = arith.index_cast %add3A_232 : i32 to index
        %get3A_782 = arith.constant 624 : index
        %get3A_783 = tpu.vector_load %arg8[%get3A_781, %get3A_782] {strides = array<i32>} : memref<8x1024xf32, #tpu.memory_space<vmem>>, vector<1x16xf32>,
        %get3A_784 = vector.shape_cast %get3A_783 : vector<1x16xf32> to vector<16xf32>
        %add3A_785 = arith.addf %get3A_780, %get3A_784 : vector<16xf32>
        %swap3A_786 = arith.index_cast %add3A_232 : i32 to index
        %swap3A_787 = arith.constant 624 : index
        %swap3A_788 = tpu.vector_load %arg12[%swap3A_786, %swap3A_787] {strides = array<i32>} : memref<8x1024xf32, #tpu.memory_space<vmem>>, vector<1x16xf32>,
        %swap3A_789 = vector.shape_cast %swap3A_788 : vector<1x16xf32> to vector<16xf32>
        %swap3A_790 = vector.shape_cast %add3A_785 : vector<16xf32> to vector<1x16xf32>
        tpu.vector_store %arg12[%swap3A_786, %swap3A_787], %swap3A_790 {strides = array<i32>} : memref<8x1024xf32, #tpu.memory_space<vmem>>, vector<1x16xf32>,
        %get3A_791 = arith.index_cast %add3A_232 : i32 to index
        %get3A_792 = arith.constant 640 : index
        %get3A_793 = tpu.vector_load %arg12[%get3A_791, %get3A_792] {strides = array<i32>} : memref<8x1024xf32, #tpu.memory_space<vmem>>, vector<1x16xf32>,
        %get3A_794 = vector.shape_cast %get3A_793 : vector<1x16xf32> to vector<16xf32>
        %get3A_795 = arith.index_cast %add3A_232 : i32 to index
        %get3A_796 = arith.constant 640 : index
        %get3A_797 = tpu.vector_load %arg8[%get3A_795, %get3A_796] {strides = array<i32>} : memref<8x1024xf32, #tpu.memory_space<vmem>>, vector<1x16xf32>,
        %get3A_798 = vector.shape_cast %get3A_797 : vector<1x16xf32> to vector<16xf32>
        %add3A_799 = arith.addf %get3A_794, %get3A_798 : vector<16xf32>
        %swap3A_800 = arith.index_cast %add3A_232 : i32 to index
        %swap3A_801 = arith.constant 640 : index
        %swap3A_802 = tpu.vector_load %arg12[%swap3A_800, %swap3A_801] {strides = array<i32>} : memref<8x1024xf32, #tpu.memory_space<vmem>>, vector<1x16xf32>,
        %swap3A_803 = vector.shape_cast %swap3A_802 : vector<1x16xf32> to vector<16xf32>
        %swap3A_804 = vector.shape_cast %add3A_799 : vector<16xf32> to vector<1x16xf32>
        tpu.vector_store %arg12[%swap3A_800, %swap3A_801], %swap3A_804 {strides = array<i32>} : memref<8x1024xf32, #tpu.memory_space<vmem>>, vector<1x16xf32>,
        %get3A_805 = arith.index_cast %add3A_232 : i32 to index
        %get3A_806 = arith.constant 656 : index
        %get3A_807 = tpu.vector_load %arg12[%get3A_805, %get3A_806] {strides = array<i32>} : memref<8x1024xf32, #tpu.memory_space<vmem>>, vector<1x16xf32>,
        %get3A_808 = vector.shape_cast %get3A_807 : vector<1x16xf32> to vector<16xf32>
        %get3A_809 = arith.index_cast %add3A_232 : i32 to index
        %get3A_810 = arith.constant 656 : index
        %get3A_811 = tpu.vector_load %arg8[%get3A_809, %get3A_810] {strides = array<i32>} : memref<8x1024xf32, #tpu.memory_space<vmem>>, vector<1x16xf32>,
        %get3A_812 = vector.shape_cast %get3A_811 : vector<1x16xf32> to vector<16xf32>
        %add3A_813 = arith.addf %get3A_808, %get3A_812 : vector<16xf32>
        %swap3A_814 = arith.index_cast %add3A_232 : i32 to index
        %swap3A_815 = arith.constant 656 : index
        %swap3A_816 = tpu.vector_load %arg12[%swap3A_814, %swap3A_815] {strides = array<i32>} : memref<8x1024xf32, #tpu.memory_space<vmem>>, vector<1x16xf32>,
        %swap3A_817 = vector.shape_cast %swap3A_816 : vector<1x16xf32> to vector<16xf32>
        %swap3A_818 = vector.shape_cast %add3A_813 : vector<16xf32> to vector<1x16xf32>
        tpu.vector_store %arg12[%swap3A_814, %swap3A_815], %swap3A_818 {strides = array<i32>} : memref<8x1024xf32, #tpu.memory_space<vmem>>, vector<1x16xf32>,
        %get3A_819 = arith.index_cast %add3A_232 : i32 to index
        %get3A_820 = arith.constant 672 : index
        %get3A_821 = tpu.vector_load %arg12[%get3A_819, %get3A_820] {strides = array<i32>} : memref<8x1024xf32, #tpu.memory_space<vmem>>, vector<1x16xf32>,
        %get3A_822 = vector.shape_cast %get3A_821 : vector<1x16xf32> to vector<16xf32>
        %get3A_823 = arith.index_cast %add3A_232 : i32 to index
        %get3A_824 = arith.constant 672 : index
        %get3A_825 = tpu.vector_load %arg8[%get3A_823, %get3A_824] {strides = array<i32>} : memref<8x1024xf32, #tpu.memory_space<vmem>>, vector<1x16xf32>,
        %get3A_826 = vector.shape_cast %get3A_825 : vector<1x16xf32> to vector<16xf32>
        %add3A_827 = arith.addf %get3A_822, %get3A_826 : vector<16xf32>
        %swap3A_828 = arith.index_cast %add3A_232 : i32 to index
        %swap3A_829 = arith.constant 672 : index
        %swap3A_830 = tpu.vector_load %arg12[%swap3A_828, %swap3A_829] {strides = array<i32>} : memref<8x1024xf32, #tpu.memory_space<vmem>>, vector<1x16xf32>,
        %swap3A_831 = vector.shape_cast %swap3A_830 : vector<1x16xf32> to vector<16xf32>
        %swap3A_832 = vector.shape_cast %add3A_827 : vector<16xf32> to vector<1x16xf32>
        tpu.vector_store %arg12[%swap3A_828, %swap3A_829], %swap3A_832 {strides = array<i32>} : memref<8x1024xf32, #tpu.memory_space<vmem>>, vector<1x16xf32>,
        %get3A_833 = arith.index_cast %add3A_232 : i32 to index
        %get3A_834 = arith.constant 688 : index
        %get3A_835 = tpu.vector_load %arg12[%get3A_833, %get3A_834] {strides = array<i32>} : memref<8x1024xf32, #tpu.memory_space<vmem>>, vector<1x16xf32>,
        %get3A_836 = vector.shape_cast %get3A_835 : vector<1x16xf32> to vector<16xf32>
        %get3A_837 = arith.index_cast %add3A_232 : i32 to index
        %get3A_838 = arith.constant 688 : index
        %get3A_839 = tpu.vector_load %arg8[%get3A_837, %get3A_838] {strides = array<i32>} : memref<8x1024xf32, #tpu.memory_space<vmem>>, vector<1x16xf32>,
        %get3A_840 = vector.shape_cast %get3A_839 : vector<1x16xf32> to vector<16xf32>
        %add3A_841 = arith.addf %get3A_836, %get3A_840 : vector<16xf32>
        %swap3A_842 = arith.index_cast %add3A_232 : i32 to index
        %swap3A_843 = arith.constant 688 : index
        %swap3A_844 = tpu.vector_load %arg12[%swap3A_842, %swap3A_843] {strides = array<i32>} : memref<8x1024xf32, #tpu.memory_space<vmem>>, vector<1x16xf32>,
        %swap3A_845 = vector.shape_cast %swap3A_844 : vector<1x16xf32> to vector<16xf32>
        %swap3A_846 = vector.shape_cast %add3A_841 : vector<16xf32> to vector<1x16xf32>
        tpu.vector_store %arg12[%swap3A_842, %swap3A_843], %swap3A_846 {strides = array<i32>} : memref<8x1024xf32, #tpu.memory_space<vmem>>, vector<1x16xf32>,
        %get3A_847 = arith.index_cast %add3A_232 : i32 to index
        %get3A_848 = arith.constant 704 : index
        %get3A_849 = tpu.vector_load %arg12[%get3A_847, %get3A_848] {strides = array<i32>} : memref<8x1024xf32, #tpu.memory_space<vmem>>, vector<1x16xf32>,
        %get3A_850 = vector.shape_cast %get3A_849 : vector<1x16xf32> to vector<16xf32>
        %get3A_851 = arith.index_cast %add3A_232 : i32 to index
        %get3A_852 = arith.constant 704 : index
        %get3A_853 = tpu.vector_load %arg8[%get3A_851, %get3A_852] {strides = array<i32>} : memref<8x1024xf32, #tpu.memory_space<vmem>>, vector<1x16xf32>,
        %get3A_854 = vector.shape_cast %get3A_853 : vector<1x16xf32> to vector<16xf32>
        %add3A_855 = arith.addf %get3A_850, %get3A_854 : vector<16xf32>
        %swap3A_856 = arith.index_cast %add3A_232 : i32 to index
        %swap3A_857 = arith.constant 704 : index
        %swap3A_858 = tpu.vector_load %arg12[%swap3A_856, %swap3A_857] {strides = array<i32>} : memref<8x1024xf32, #tpu.memory_space<vmem>>, vector<1x16xf32>,
        %swap3A_859 = vector.shape_cast %swap3A_858 : vector<1x16xf32> to vector<16xf32>
        %swap3A_860 = vector.shape_cast %add3A_855 : vector<16xf32> to vector<1x16xf32>
        tpu.vector_store %arg12[%swap3A_856, %swap3A_857], %swap3A_860 {strides = array<i32>} : memref<8x1024xf32, #tpu.memory_space<vmem>>, vector<1x16xf32>,
        %get3A_861 = arith.index_cast %add3A_232 : i32 to index
        %get3A_862 = arith.constant 720 : index
        %get3A_863 = tpu.vector_load %arg12[%get3A_861, %get3A_862] {strides = array<i32>} : memref<8x1024xf32, #tpu.memory_space<vmem>>, vector<1x16xf32>,
        %get3A_864 = vector.shape_cast %get3A_863 : vector<1x16xf32> to vector<16xf32>
        %get3A_865 = arith.index_cast %add3A_232 : i32 to index
        %get3A_866 = arith.constant 720 : index
        %get3A_867 = tpu.vector_load %arg8[%get3A_865, %get3A_866] {strides = array<i32>} : memref<8x1024xf32, #tpu.memory_space<vmem>>, vector<1x16xf32>,
        %get3A_868 = vector.shape_cast %get3A_867 : vector<1x16xf32> to vector<16xf32>
        %add3A_869 = arith.addf %get3A_864, %get3A_868 : vector<16xf32>
        %swap3A_870 = arith.index_cast %add3A_232 : i32 to index
        %swap3A_871 = arith.constant 720 : index
        %swap3A_872 = tpu.vector_load %arg12[%swap3A_870, %swap3A_871] {strides = array<i32>} : memref<8x1024xf32, #tpu.memory_space<vmem>>, vector<1x16xf32>,
        %swap3A_873 = vector.shape_cast %swap3A_872 : vector<1x16xf32> to vector<16xf32>
        %swap3A_874 = vector.shape_cast %add3A_869 : vector<16xf32> to vector<1x16xf32>
        tpu.vector_store %arg12[%swap3A_870, %swap3A_871], %swap3A_874 {strides = array<i32>} : memref<8x1024xf32, #tpu.memory_space<vmem>>, vector<1x16xf32>,
        %get3A_875 = arith.index_cast %add3A_232 : i32 to index
        %get3A_876 = arith.constant 736 : index
        %get3A_877 = tpu.vector_load %arg12[%get3A_875, %get3A_876] {strides = array<i32>} : memref<8x1024xf32, #tpu.memory_space<vmem>>, vector<1x16xf32>,
        %get3A_878 = vector.shape_cast %get3A_877 : vector<1x16xf32> to vector<16xf32>
        %get3A_879 = arith.index_cast %add3A_232 : i32 to index
        %get3A_880 = arith.constant 736 : index
        %get3A_881 = tpu.vector_load %arg8[%get3A_879, %get3A_880] {strides = array<i32>} : memref<8x1024xf32, #tpu.memory_space<vmem>>, vector<1x16xf32>,
        %get3A_882 = vector.shape_cast %get3A_881 : vector<1x16xf32> to vector<16xf32>
        %add3A_883 = arith.addf %get3A_878, %get3A_882 : vector<16xf32>
        %swap3A_884 = arith.index_cast %add3A_232 : i32 to index
        %swap3A_885 = arith.constant 736 : index
        %swap3A_886 = tpu.vector_load %arg12[%swap3A_884, %swap3A_885] {strides = array<i32>} : memref<8x1024xf32, #tpu.memory_space<vmem>>, vector<1x16xf32>,
        %swap3A_887 = vector.shape_cast %swap3A_886 : vector<1x16xf32> to vector<16xf32>
        %swap3A_888 = vector.shape_cast %add3A_883 : vector<16xf32> to vector<1x16xf32>
        tpu.vector_store %arg12[%swap3A_884, %swap3A_885], %swap3A_888 {strides = array<i32>} : memref<8x1024xf32, #tpu.memory_space<vmem>>, vector<1x16xf32>,
        %get3A_889 = arith.index_cast %add3A_232 : i32 to index
        %get3A_890 = arith.constant 752 : index
        %get3A_891 = tpu.vector_load %arg12[%get3A_889, %get3A_890] {strides = array<i32>} : memref<8x1024xf32, #tpu.memory_space<vmem>>, vector<1x16xf32>,
        %get3A_892 = vector.shape_cast %get3A_891 : vector<1x16xf32> to vector<16xf32>
        %get3A_893 = arith.index_cast %add3A_232 : i32 to index
        %get3A_894 = arith.constant 752 : index
        %get3A_895 = tpu.vector_load %arg8[%get3A_893, %get3A_894] {strides = array<i32>} : memref<8x1024xf32, #tpu.memory_space<vmem>>, vector<1x16xf32>,
        %get3A_896 = vector.shape_cast %get3A_895 : vector<1x16xf32> to vector<16xf32>
        %add3A_897 = arith.addf %get3A_892, %get3A_896 : vector<16xf32>
        %swap3A_898 = arith.index_cast %add3A_232 : i32 to index
        %swap3A_899 = arith.constant 752 : index
        %swap3A_900 = tpu.vector_load %arg12[%swap3A_898, %swap3A_899] {strides = array<i32>} : memref<8x1024xf32, #tpu.memory_space<vmem>>, vector<1x16xf32>,
        %swap3A_901 = vector.shape_cast %swap3A_900 : vector<1x16xf32> to vector<16xf32>
        %swap3A_902 = vector.shape_cast %add3A_897 : vector<16xf32> to vector<1x16xf32>
        tpu.vector_store %arg12[%swap3A_898, %swap3A_899], %swap3A_902 {strides = array<i32>} : memref<8x1024xf32, #tpu.memory_space<vmem>>, vector<1x16xf32>,
        %get3A_903 = arith.index_cast %add3A_232 : i32 to index
        %get3A_904 = arith.constant 768 : index
        %get3A_905 = tpu.vector_load %arg12[%get3A_903, %get3A_904] {strides = array<i32>} : memref<8x1024xf32, #tpu.memory_space<vmem>>, vector<1x16xf32>,
        %get3A_906 = vector.shape_cast %get3A_905 : vector<1x16xf32> to vector<16xf32>
        %get3A_907 = arith.index_cast %add3A_232 : i32 to index
        %get3A_908 = arith.constant 768 : index
        %get3A_909 = tpu.vector_load %arg8[%get3A_907, %get3A_908] {strides = array<i32>} : memref<8x1024xf32, #tpu.memory_space<vmem>>, vector<1x16xf32>,
        %get3A_910 = vector.shape_cast %get3A_909 : vector<1x16xf32> to vector<16xf32>
        %add3A_911 = arith.addf %get3A_906, %get3A_910 : vector<16xf32>
        %swap3A_912 = arith.index_cast %add3A_232 : i32 to index
        %swap3A_913 = arith.constant 768 : index
        %swap3A_914 = tpu.vector_load %arg12[%swap3A_912, %swap3A_913] {strides = array<i32>} : memref<8x1024xf32, #tpu.memory_space<vmem>>, vector<1x16xf32>,
        %swap3A_915 = vector.shape_cast %swap3A_914 : vector<1x16xf32> to vector<16xf32>
        %swap3A_916 = vector.shape_cast %add3A_911 : vector<16xf32> to vector<1x16xf32>
        tpu.vector_store %arg12[%swap3A_912, %swap3A_913], %swap3A_916 {strides = array<i32>} : memref<8x1024xf32, #tpu.memory_space<vmem>>, vector<1x16xf32>,
        %get3A_917 = arith.index_cast %add3A_232 : i32 to index
        %get3A_918 = arith.constant 784 : index
        %get3A_919 = tpu.vector_load %arg12[%get3A_917, %get3A_918] {strides = array<i32>} : memref<8x1024xf32, #tpu.memory_space<vmem>>, vector<1x16xf32>,
        %get3A_920 = vector.shape_cast %get3A_919 : vector<1x16xf32> to vector<16xf32>
        %get3A_921 = arith.index_cast %add3A_232 : i32 to index
        %get3A_922 = arith.constant 784 : index
        %get3A_923 = tpu.vector_load %arg8[%get3A_921, %get3A_922] {strides = array<i32>} : memref<8x1024xf32, #tpu.memory_space<vmem>>, vector<1x16xf32>,
        %get3A_924 = vector.shape_cast %get3A_923 : vector<1x16xf32> to vector<16xf32>
        %add3A_925 = arith.addf %get3A_920, %get3A_924 : vector<16xf32>
        %swap3A_926 = arith.index_cast %add3A_232 : i32 to index
        %swap3A_927 = arith.constant 784 : index
        %swap3A_928 = tpu.vector_load %arg12[%swap3A_926, %swap3A_927] {strides = array<i32>} : memref<8x1024xf32, #tpu.memory_space<vmem>>, vector<1x16xf32>,
        %swap3A_929 = vector.shape_cast %swap3A_928 : vector<1x16xf32> to vector<16xf32>
        %swap3A_930 = vector.shape_cast %add3A_925 : vector<16xf32> to vector<1x16xf32>
        tpu.vector_store %arg12[%swap3A_926, %swap3A_927], %swap3A_930 {strides = array<i32>} : memref<8x1024xf32, #tpu.memory_space<vmem>>, vector<1x16xf32>,
        %get3A_931 = arith.index_cast %add3A_232 : i32 to index
        %get3A_932 = arith.constant 800 : index
        %get3A_933 = tpu.vector_load %arg12[%get3A_931, %get3A_932] {strides = array<i32>} : memref<8x1024xf32, #tpu.memory_space<vmem>>, vector<1x16xf32>,
        %get3A_934 = vector.shape_cast %get3A_933 : vector<1x16xf32> to vector<16xf32>
        %get3A_935 = arith.index_cast %add3A_232 : i32 to index
        %get3A_936 = arith.constant 800 : index
        %get3A_937 = tpu.vector_load %arg8[%get3A_935, %get3A_936] {strides = array<i32>} : memref<8x1024xf32, #tpu.memory_space<vmem>>, vector<1x16xf32>,
        %get3A_938 = vector.shape_cast %get3A_937 : vector<1x16xf32> to vector<16xf32>
        %add3A_939 = arith.addf %get3A_934, %get3A_938 : vector<16xf32>
        %swap3A_940 = arith.index_cast %add3A_232 : i32 to index
        %swap3A_941 = arith.constant 800 : index
        %swap3A_942 = tpu.vector_load %arg12[%swap3A_940, %swap3A_941] {strides = array<i32>} : memref<8x1024xf32, #tpu.memory_space<vmem>>, vector<1x16xf32>,
        %swap3A_943 = vector.shape_cast %swap3A_942 : vector<1x16xf32> to vector<16xf32>
        %swap3A_944 = vector.shape_cast %add3A_939 : vector<16xf32> to vector<1x16xf32>
        tpu.vector_store %arg12[%swap3A_940, %swap3A_941], %swap3A_944 {strides = array<i32>} : memref<8x1024xf32, #tpu.memory_space<vmem>>, vector<1x16xf32>,
        %get3A_945 = arith.index_cast %add3A_232 : i32 to index
        %get3A_946 = arith.constant 816 : index
        %get3A_947 = tpu.vector_load %arg12[%get3A_945, %get3A_946] {strides = array<i32>} : memref<8x1024xf32, #tpu.memory_space<vmem>>, vector<1x16xf32>,
        %get3A_948 = vector.shape_cast %get3A_947 : vector<1x16xf32> to vector<16xf32>
        %get3A_949 = arith.index_cast %add3A_232 : i32 to index
        %get3A_950 = arith.constant 816 : index
        %get3A_951 = tpu.vector_load %arg8[%get3A_949, %get3A_950] {strides = array<i32>} : memref<8x1024xf32, #tpu.memory_space<vmem>>, vector<1x16xf32>,
        %get3A_952 = vector.shape_cast %get3A_951 : vector<1x16xf32> to vector<16xf32>
        %add3A_953 = arith.addf %get3A_948, %get3A_952 : vector<16xf32>
        %swap3A_954 = arith.index_cast %add3A_232 : i32 to index
        %swap3A_955 = arith.constant 816 : index
        %swap3A_956 = tpu.vector_load %arg12[%swap3A_954, %swap3A_955] {strides = array<i32>} : memref<8x1024xf32, #tpu.memory_space<vmem>>, vector<1x16xf32>,
        %swap3A_957 = vector.shape_cast %swap3A_956 : vector<1x16xf32> to vector<16xf32>
        %swap3A_958 = vector.shape_cast %add3A_953 : vector<16xf32> to vector<1x16xf32>
        tpu.vector_store %arg12[%swap3A_954, %swap3A_955], %swap3A_958 {strides = array<i32>} : memref<8x1024xf32, #tpu.memory_space<vmem>>, vector<1x16xf32>,
        %get3A_959 = arith.index_cast %add3A_232 : i32 to index
        %get3A_960 = arith.constant 832 : index
        %get3A_961 = tpu.vector_load %arg12[%get3A_959, %get3A_960] {strides = array<i32>} : memref<8x1024xf32, #tpu.memory_space<vmem>>, vector<1x16xf32>,
        %get3A_962 = vector.shape_cast %get3A_961 : vector<1x16xf32> to vector<16xf32>
        %get3A_963 = arith.index_cast %add3A_232 : i32 to index
        %get3A_964 = arith.constant 832 : index
        %get3A_965 = tpu.vector_load %arg8[%get3A_963, %get3A_964] {strides = array<i32>} : memref<8x1024xf32, #tpu.memory_space<vmem>>, vector<1x16xf32>,
        %get3A_966 = vector.shape_cast %get3A_965 : vector<1x16xf32> to vector<16xf32>
        %add3A_967 = arith.addf %get3A_962, %get3A_966 : vector<16xf32>
        %swap3A_968 = arith.index_cast %add3A_232 : i32 to index
        %swap3A_969 = arith.constant 832 : index
        %swap3A_970 = tpu.vector_load %arg12[%swap3A_968, %swap3A_969] {strides = array<i32>} : memref<8x1024xf32, #tpu.memory_space<vmem>>, vector<1x16xf32>,
        %swap3A_971 = vector.shape_cast %swap3A_970 : vector<1x16xf32> to vector<16xf32>
        %swap3A_972 = vector.shape_cast %add3A_967 : vector<16xf32> to vector<1x16xf32>
        tpu.vector_store %arg12[%swap3A_968, %swap3A_969], %swap3A_972 {strides = array<i32>} : memref<8x1024xf32, #tpu.memory_space<vmem>>, vector<1x16xf32>,
        %get3A_973 = arith.index_cast %add3A_232 : i32 to index
        %get3A_974 = arith.constant 848 : index
        %get3A_975 = tpu.vector_load %arg12[%get3A_973, %get3A_974] {strides = array<i32>} : memref<8x1024xf32, #tpu.memory_space<vmem>>, vector<1x16xf32>,
        %get3A_976 = vector.shape_cast %get3A_975 : vector<1x16xf32> to vector<16xf32>
        %get3A_977 = arith.index_cast %add3A_232 : i32 to index
        %get3A_978 = arith.constant 848 : index
        %get3A_979 = tpu.vector_load %arg8[%get3A_977, %get3A_978] {strides = array<i32>} : memref<8x1024xf32, #tpu.memory_space<vmem>>, vector<1x16xf32>,
        %get3A_980 = vector.shape_cast %get3A_979 : vector<1x16xf32> to vector<16xf32>
        %add3A_981 = arith.addf %get3A_976, %get3A_980 : vector<16xf32>
        %swap3A_982 = arith.index_cast %add3A_232 : i32 to index
        %swap3A_983 = arith.constant 848 : index
        %swap3A_984 = tpu.vector_load %arg12[%swap3A_982, %swap3A_983] {strides = array<i32>} : memref<8x1024xf32, #tpu.memory_space<vmem>>, vector<1x16xf32>,
        %swap3A_985 = vector.shape_cast %swap3A_984 : vector<1x16xf32> to vector<16xf32>
        %swap3A_986 = vector.shape_cast %add3A_981 : vector<16xf32> to vector<1x16xf32>
        tpu.vector_store %arg12[%swap3A_982, %swap3A_983], %swap3A_986 {strides = array<i32>} : memref<8x1024xf32, #tpu.memory_space<vmem>>, vector<1x16xf32>,
        %get3A_987 = arith.index_cast %add3A_232 : i32 to index
        %get3A_988 = arith.constant 864 : index
        %get3A_989 = tpu.vector_load %arg12[%get3A_987, %get3A_988] {strides = array<i32>} : memref<8x1024xf32, #tpu.memory_space<vmem>>, vector<1x16xf32>,
        %get3A_990 = vector.shape_cast %get3A_989 : vector<1x16xf32> to vector<16xf32>
        %get3A_991 = arith.index_cast %add3A_232 : i32 to index
        %get3A_992 = arith.constant 864 : index
        %get3A_993 = tpu.vector_load %arg8[%get3A_991, %get3A_992] {strides = array<i32>} : memref<8x1024xf32, #tpu.memory_space<vmem>>, vector<1x16xf32>,
        %get3A_994 = vector.shape_cast %get3A_993 : vector<1x16xf32> to vector<16xf32>
        %add3A_995 = arith.addf %get3A_990, %get3A_994 : vector<16xf32>
        %swap3A_996 = arith.index_cast %add3A_232 : i32 to index
        %swap3A_997 = arith.constant 864 : index
        %swap3A_998 = tpu.vector_load %arg12[%swap3A_996, %swap3A_997] {strides = array<i32>} : memref<8x1024xf32, #tpu.memory_space<vmem>>, vector<1x16xf32>,
        %swap3A_999 = vector.shape_cast %swap3A_998 : vector<1x16xf32> to vector<16xf32>
        %swap3A_1000 = vector.shape_cast %add3A_995 : vector<16xf32> to vector<1x16xf32>
        tpu.vector_store %arg12[%swap3A_996, %swap3A_997], %swap3A_1000 {strides = array<i32>} : memref<8x1024xf32, #tpu.memory_space<vmem>>, vector<1x16xf32>,
        %get3A_1001 = arith.index_cast %add3A_232 : i32 to index
        %get3A_1002 = arith.constant 880 : index
        %get3A_1003 = tpu.vector_load %arg12[%get3A_1001, %get3A_1002] {strides = array<i32>} : memref<8x1024xf32, #tpu.memory_space<vmem>>, vector<1x16xf32>,
        %get3A_1004 = vector.shape_cast %get3A_1003 : vector<1x16xf32> to vector<16xf32>
        %get3A_1005 = arith.index_cast %add3A_232 : i32 to index
        %get3A_1006 = arith.constant 880 : index
        %get3A_1007 = tpu.vector_load %arg8[%get3A_1005, %get3A_1006] {strides = array<i32>} : memref<8x1024xf32, #tpu.memory_space<vmem>>, vector<1x16xf32>,
        %get3A_1008 = vector.shape_cast %get3A_1007 : vector<1x16xf32> to vector<16xf32>
        %add3A_1009 = arith.addf %get3A_1004, %get3A_1008 : vector<16xf32>
        %swap3A_1010 = arith.index_cast %add3A_232 : i32 to index
        %swap3A_1011 = arith.constant 880 : index
        %swap3A_1012 = tpu.vector_load %arg12[%swap3A_1010, %swap3A_1011] {strides = array<i32>} : memref<8x1024xf32, #tpu.memory_space<vmem>>, vector<1x16xf32>,
        %swap3A_1013 = vector.shape_cast %swap3A_1012 : vector<1x16xf32> to vector<16xf32>
        %swap3A_1014 = vector.shape_cast %add3A_1009 : vector<16xf32> to vector<1x16xf32>
        tpu.vector_store %arg12[%swap3A_1010, %swap3A_1011], %swap3A_1014 {strides = array<i32>} : memref<8x1024xf32, #tpu.memory_space<vmem>>, vector<1x16xf32>,
        %get3A_1015 = arith.index_cast %add3A_232 : i32 to index
        %get3A_1016 = arith.constant 896 : index
        %get3A_1017 = tpu.vector_load %arg12[%get3A_1015, %get3A_1016] {strides = array<i32>} : memref<8x1024xf32, #tpu.memory_space<vmem>>, vector<1x16xf32>,
        %get3A_1018 = vector.shape_cast %get3A_1017 : vector<1x16xf32> to vector<16xf32>
        %get3A_1019 = arith.index_cast %add3A_232 : i32 to index
        %get3A_1020 = arith.constant 896 : index
        %get3A_1021 = tpu.vector_load %arg8[%get3A_1019, %get3A_1020] {strides = array<i32>} : memref<8x1024xf32, #tpu.memory_space<vmem>>, vector<1x16xf32>,
        %get3A_1022 = vector.shape_cast %get3A_1021 : vector<1x16xf32> to vector<16xf32>
        %add3A_1023 = arith.addf %get3A_1018, %get3A_1022 : vector<16xf32>
        %swap3A_1024 = arith.index_cast %add3A_232 : i32 to index
        %swap3A_1025 = arith.constant 896 : index
        %swap3A_1026 = tpu.vector_load %arg12[%swap3A_1024, %swap3A_1025] {strides = array<i32>} : memref<8x1024xf32, #tpu.memory_space<vmem>>, vector<1x16xf32>,
        %swap3A_1027 = vector.shape_cast %swap3A_1026 : vector<1x16xf32> to vector<16xf32>
        %swap3A_1028 = vector.shape_cast %add3A_1023 : vector<16xf32> to vector<1x16xf32>
        tpu.vector_store %arg12[%swap3A_1024, %swap3A_1025], %swap3A_1028 {strides = array<i32>} : memref<8x1024xf32, #tpu.memory_space<vmem>>, vector<1x16xf32>,
        %get3A_1029 = arith.index_cast %add3A_232 : i32 to index
        %get3A_1030 = arith.constant 912 : index
        %get3A_1031 = tpu.vector_load %arg12[%get3A_1029, %get3A_1030] {strides = array<i32>} : memref<8x1024xf32, #tpu.memory_space<vmem>>, vector<1x16xf32>,
        %get3A_1032 = vector.shape_cast %get3A_1031 : vector<1x16xf32> to vector<16xf32>
        %get3A_1033 = arith.index_cast %add3A_232 : i32 to index
        %get3A_1034 = arith.constant 912 : index
        %get3A_1035 = tpu.vector_load %arg8[%get3A_1033, %get3A_1034] {strides = array<i32>} : memref<8x1024xf32, #tpu.memory_space<vmem>>, vector<1x16xf32>,
        %get3A_1036 = vector.shape_cast %get3A_1035 : vector<1x16xf32> to vector<16xf32>
        %add3A_1037 = arith.addf %get3A_1032, %get3A_1036 : vector<16xf32>
        %swap3A_1038 = arith.index_cast %add3A_232 : i32 to index
        %swap3A_1039 = arith.constant 912 : index
        %swap3A_1040 = tpu.vector_load %arg12[%swap3A_1038, %swap3A_1039] {strides = array<i32>} : memref<8x1024xf32, #tpu.memory_space<vmem>>, vector<1x16xf32>,
        %swap3A_1041 = vector.shape_cast %swap3A_1040 : vector<1x16xf32> to vector<16xf32>
        %swap3A_1042 = vector.shape_cast %add3A_1037 : vector<16xf32> to vector<1x16xf32>
        tpu.vector_store %arg12[%swap3A_1038, %swap3A_1039], %swap3A_1042 {strides = array<i32>} : memref<8x1024xf32, #tpu.memory_space<vmem>>, vector<1x16xf32>,
        %get3A_1043 = arith.index_cast %add3A_232 : i32 to index
        %get3A_1044 = arith.constant 928 : index
        %get3A_1045 = tpu.vector_load %arg12[%get3A_1043, %get3A_1044] {strides = array<i32>} : memref<8x1024xf32, #tpu.memory_space<vmem>>, vector<1x16xf32>,
        %get3A_1046 = vector.shape_cast %get3A_1045 : vector<1x16xf32> to vector<16xf32>
        %get3A_1047 = arith.index_cast %add3A_232 : i32 to index
        %get3A_1048 = arith.constant 928 : index
        %get3A_1049 = tpu.vector_load %arg8[%get3A_1047, %get3A_1048] {strides = array<i32>} : memref<8x1024xf32, #tpu.memory_space<vmem>>, vector<1x16xf32>,
        %get3A_1050 = vector.shape_cast %get3A_1049 : vector<1x16xf32> to vector<16xf32>
        %add3A_1051 = arith.addf %get3A_1046, %get3A_1050 : vector<16xf32>
        %swap3A_1052 = arith.index_cast %add3A_232 : i32 to index
        %swap3A_1053 = arith.constant 928 : index
        %swap3A_1054 = tpu.vector_load %arg12[%swap3A_1052, %swap3A_1053] {strides = array<i32>} : memref<8x1024xf32, #tpu.memory_space<vmem>>, vector<1x16xf32>,
        %swap3A_1055 = vector.shape_cast %swap3A_1054 : vector<1x16xf32> to vector<16xf32>
        %swap3A_1056 = vector.shape_cast %add3A_1051 : vector<16xf32> to vector<1x16xf32>
        tpu.vector_store %arg12[%swap3A_1052, %swap3A_1053], %swap3A_1056 {strides = array<i32>} : memref<8x1024xf32, #tpu.memory_space<vmem>>, vector<1x16xf32>,
        %get3A_1057 = arith.index_cast %add3A_232 : i32 to index
        %get3A_1058 = arith.constant 944 : index
        %get3A_1059 = tpu.vector_load %arg12[%get3A_1057, %get3A_1058] {strides = array<i32>} : memref<8x1024xf32, #tpu.memory_space<vmem>>, vector<1x16xf32>,
        %get3A_1060 = vector.shape_cast %get3A_1059 : vector<1x16xf32> to vector<16xf32>
        %get3A_1061 = arith.index_cast %add3A_232 : i32 to index
        %get3A_1062 = arith.constant 944 : index
        %get3A_1063 = tpu.vector_load %arg8[%get3A_1061, %get3A_1062] {strides = array<i32>} : memref<8x1024xf32, #tpu.memory_space<vmem>>, vector<1x16xf32>,
        %get3A_1064 = vector.shape_cast %get3A_1063 : vector<1x16xf32> to vector<16xf32>
        %add3A_1065 = arith.addf %get3A_1060, %get3A_1064 : vector<16xf32>
        %swap3A_1066 = arith.index_cast %add3A_232 : i32 to index
        %swap3A_1067 = arith.constant 944 : index
        %swap3A_1068 = tpu.vector_load %arg12[%swap3A_1066, %swap3A_1067] {strides = array<i32>} : memref<8x1024xf32, #tpu.memory_space<vmem>>, vector<1x16xf32>,
        %swap3A_1069 = vector.shape_cast %swap3A_1068 : vector<1x16xf32> to vector<16xf32>
        %swap3A_1070 = vector.shape_cast %add3A_1065 : vector<16xf32> to vector<1x16xf32>
        tpu.vector_store %arg12[%swap3A_1066, %swap3A_1067], %swap3A_1070 {strides = array<i32>} : memref<8x1024xf32, #tpu.memory_space<vmem>>, vector<1x16xf32>,
        %get3A_1071 = arith.index_cast %add3A_232 : i32 to index
        %get3A_1072 = arith.constant 960 : index
        %get3A_1073 = tpu.vector_load %arg12[%get3A_1071, %get3A_1072] {strides = array<i32>} : memref<8x1024xf32, #tpu.memory_space<vmem>>, vector<1x16xf32>,
        %get3A_1074 = vector.shape_cast %get3A_1073 : vector<1x16xf32> to vector<16xf32>
        %get3A_1075 = arith.index_cast %add3A_232 : i32 to index
        %get3A_1076 = arith.constant 960 : index
        %get3A_1077 = tpu.vector_load %arg8[%get3A_1075, %get3A_1076] {strides = array<i32>} : memref<8x1024xf32, #tpu.memory_space<vmem>>, vector<1x16xf32>,
        %get3A_1078 = vector.shape_cast %get3A_1077 : vector<1x16xf32> to vector<16xf32>
        %add3A_1079 = arith.addf %get3A_1074, %get3A_1078 : vector<16xf32>
        %swap3A_1080 = arith.index_cast %add3A_232 : i32 to index
        %swap3A_1081 = arith.constant 960 : index
        %swap3A_1082 = tpu.vector_load %arg12[%swap3A_1080, %swap3A_1081] {strides = array<i32>} : memref<8x1024xf32, #tpu.memory_space<vmem>>, vector<1x16xf32>,
        %swap3A_1083 = vector.shape_cast %swap3A_1082 : vector<1x16xf32> to vector<16xf32>
        %swap3A_1084 = vector.shape_cast %add3A_1079 : vector<16xf32> to vector<1x16xf32>
        tpu.vector_store %arg12[%swap3A_1080, %swap3A_1081], %swap3A_1084 {strides = array<i32>} : memref<8x1024xf32, #tpu.memory_space<vmem>>, vector<1x16xf32>,
        %get3A_1085 = arith.index_cast %add3A_232 : i32 to index
        %get3A_1086 = arith.constant 976 : index
        %get3A_1087 = tpu.vector_load %arg12[%get3A_1085, %get3A_1086] {strides = array<i32>} : memref<8x1024xf32, #tpu.memory_space<vmem>>, vector<1x16xf32>,
        %get3A_1088 = vector.shape_cast %get3A_1087 : vector<1x16xf32> to vector<16xf32>
        %get3A_1089 = arith.index_cast %add3A_232 : i32 to index
        %get3A_1090 = arith.constant 976 : index
        %get3A_1091 = tpu.vector_load %arg8[%get3A_1089, %get3A_1090] {strides = array<i32>} : memref<8x1024xf32, #tpu.memory_space<vmem>>, vector<1x16xf32>,
        %get3A_1092 = vector.shape_cast %get3A_1091 : vector<1x16xf32> to vector<16xf32>
        %add3A_1093 = arith.addf %get3A_1088, %get3A_1092 : vector<16xf32>
        %swap3A_1094 = arith.index_cast %add3A_232 : i32 to index
        %swap3A_1095 = arith.constant 976 : index
        %swap3A_1096 = tpu.vector_load %arg12[%swap3A_1094, %swap3A_1095] {strides = array<i32>} : memref<8x1024xf32, #tpu.memory_space<vmem>>, vector<1x16xf32>,
        %swap3A_1097 = vector.shape_cast %swap3A_1096 : vector<1x16xf32> to vector<16xf32>
        %swap3A_1098 = vector.shape_cast %add3A_1093 : vector<16xf32> to vector<1x16xf32>
        tpu.vector_store %arg12[%swap3A_1094, %swap3A_1095], %swap3A_1098 {strides = array<i32>} : memref<8x1024xf32, #tpu.memory_space<vmem>>, vector<1x16xf32>,
        %get3A_1099 = arith.index_cast %add3A_232 : i32 to index
        %get3A_1100 = arith.constant 992 : index
        %get3A_1101 = tpu.vector_load %arg12[%get3A_1099, %get3A_1100] {strides = array<i32>} : memref<8x1024xf32, #tpu.memory_space<vmem>>, vector<1x16xf32>,
        %get3A_1102 = vector.shape_cast %get3A_1101 : vector<1x16xf32> to vector<16xf32>
        %get3A_1103 = arith.index_cast %add3A_232 : i32 to index
        %get3A_1104 = arith.constant 992 : index
        %get3A_1105 = tpu.vector_load %arg8[%get3A_1103, %get3A_1104] {strides = array<i32>} : memref<8x1024xf32, #tpu.memory_space<vmem>>, vector<1x16xf32>,
        %get3A_1106 = vector.shape_cast %get3A_1105 : vector<1x16xf32> to vector<16xf32>
        %add3A_1107 = arith.addf %get3A_1102, %get3A_1106 : vector<16xf32>
        %swap3A_1108 = arith.index_cast %add3A_232 : i32 to index
        %swap3A_1109 = arith.constant 992 : index
        %swap3A_1110 = tpu.vector_load %arg12[%swap3A_1108, %swap3A_1109] {strides = array<i32>} : memref<8x1024xf32, #tpu.memory_space<vmem>>, vector<1x16xf32>,
        %swap3A_1111 = vector.shape_cast %swap3A_1110 : vector<1x16xf32> to vector<16xf32>
        %swap3A_1112 = vector.shape_cast %add3A_1107 : vector<16xf32> to vector<1x16xf32>
        tpu.vector_store %arg12[%swap3A_1108, %swap3A_1109], %swap3A_1112 {strides = array<i32>} : memref<8x1024xf32, #tpu.memory_space<vmem>>, vector<1x16xf32>,
        %get3A_1113 = arith.index_cast %add3A_232 : i32 to index
        %get3A_1114 = arith.constant 1008 : index
        %get3A_1115 = tpu.vector_load %arg12[%get3A_1113, %get3A_1114] {strides = array<i32>} : memref<8x1024xf32, #tpu.memory_space<vmem>>, vector<1x16xf32>,
        %get3A_1116 = vector.shape_cast %get3A_1115 : vector<1x16xf32> to vector<16xf32>
        %get3A_1117 = arith.index_cast %add3A_232 : i32 to index
        %get3A_1118 = arith.constant 1008 : index
        %get3A_1119 = tpu.vector_load %arg8[%get3A_1117, %get3A_1118] {strides = array<i32>} : memref<8x1024xf32, #tpu.memory_space<vmem>>, vector<1x16xf32>,
        %get3A_1120 = vector.shape_cast %get3A_1119 : vector<1x16xf32> to vector<16xf32>
        %add3A_1121 = arith.addf %get3A_1116, %get3A_1120 : vector<16xf32>
        %swap3A_1122 = arith.index_cast %add3A_232 : i32 to index
        %swap3A_1123 = arith.constant 1008 : index
        %swap3A_1124 = tpu.vector_load %arg12[%swap3A_1122, %swap3A_1123] {strides = array<i32>} : memref<8x1024xf32, #tpu.memory_space<vmem>>, vector<1x16xf32>,
        %swap3A_1125 = vector.shape_cast %swap3A_1124 : vector<1x16xf32> to vector<16xf32>
        %swap3A_1126 = vector.shape_cast %add3A_1121 : vector<16xf32> to vector<1x16xf32>
        tpu.vector_store %arg12[%swap3A_1122, %swap3A_1123], %swap3A_1126 {strides = array<i32>} : memref<8x1024xf32, #tpu.memory_space<vmem>>, vector<1x16xf32>,
      }
      %scan3A_128 = arith.constant 8 : i32
      %mul3A_129 = arith.constant 8 : i32
      %mul3A_130 = arith.muli %add3A_91, %mul3A_129 : i32
      %add3A_131 = arith.addi %mul3A_2, %mul3A_130 : i32
      %dma_start3A_132 = arith.constant 0 : i32
      %dma_start3A_133 = tpu.memref_slice %arg5[%add3A_131, %dma_start3A_132] : memref<32768x1024xf32, #tpu.memory_space<hbm>> -> memref<8x1024xf32, #tpu.memory_space<hbm>>
      %dma_start3A_134 = arith.constant 0 : i32
      %dma_start3A_135 = tpu.memref_slice %arg5[%add3A_131, %dma_start3A_134] : memref<32768x1024xf32, #tpu.memory_space<hbm>> -> memref<8x1024xf32, #tpu.memory_space<hbm>>
      tpu.enqueue_dma source(%arg12 : memref<8x1024xf32, #tpu.memory_space<vmem>>) target(%dma_start3A_135 : memref<8x1024xf32, #tpu.memory_space<hbm>>) target_semaphore(%arg24 : memref<!tpu.dma_semaphore, #tpu.memory_space<semaphore_mem>>)
      %add3A_136 = arith.constant 2 : i32
      %add3A_137 = arith.addi %add3A_48, %add3A_136 : i32
      %add3A_138 = arith.constant 4 : i32
      %add3A_139 = arith.addi %add3A_137, %add3A_138 : i32
      %sub3A_140 = arith.constant 1 : i32
      %sub3A_141 = arith.subi %add3A_139, %sub3A_140 : i32
      %lt3A_142 = arith.constant 128 : i32
      %lt3A_143 = arith.cmpi slt, %sub3A_141, %lt3A_142 : i32
      %convert_element_type3A_144 = arith.extui %lt3A_143 : i1 to i32
      %cond3A_145 = arith.constant 0 : i32
      %cond3A_146 = arith.cmpi ne, %convert_element_type3A_144, %cond3A_145 : i32
      scf.if %cond3A_146 {
        %add3A_228 = arith.constant 4 : i32
        %add3A_229 = arith.addi %add3A_137, %add3A_228 : i32
        %sub3A_230 = arith.constant 1 : i32
        %sub3A_231 = arith.subi %add3A_229, %sub3A_230 : i32
        %mul3A_232 = arith.constant 8 : i32
        %mul3A_233 = arith.muli %sub3A_231, %mul3A_232 : i32
        %dma_start3A_234 = tpu.memref_slice %arg6[%mul3A_233] : memref<1024xi32, #tpu.memory_space<vmem>> -> memref<8xi32, #tpu.memory_space<vmem>>
        %dma_start3A_235 = arith.constant 0 : i32
        %dma_start3A_236 = arith.constant 0 : i32
        %dma_start3A_237 = tpu.memref_slice %arg4[%dma_start3A_235, %dma_start3A_236] : memref<8193x1024xf32, #tpu.memory_space<hbm>> -> memref<8193x1024xf32, #tpu.memory_space<hbm>>
        tpu.enqueue_indirect_dma source(%dma_start3A_237 : memref<8193x1024xf32, #tpu.memory_space<hbm>>) target(%arg8 : memref<8x1024xf32, #tpu.memory_space<vmem>>) offsets(%dma_start3A_234 : memref<8xi32, #tpu.memory_space<vmem>>) semaphore(%arg16 : memref<!tpu.dma_semaphore, #tpu.memory_space<semaphore_mem>>)
      } else {
      }
      %sub3A_147 = arith.constant 2 : i32
      %sub3A_148 = arith.subi %add3A_137, %sub3A_147 : i32
      %ge3A_149 = arith.constant 0 : i32
      %ge3A_150 = arith.cmpi sge, %sub3A_148, %ge3A_149 : i32
      %convert_element_type3A_151 = arith.extui %ge3A_150 : i1 to i32
      %cond3A_152 = arith.constant 0 : i32
      %cond3A_153 = arith.cmpi ne, %convert_element_type3A_151, %cond3A_152 : i32
      scf.if %cond3A_153 {
        %sub3A_228 = arith.constant 2 : i32
        %sub3A_229 = arith.subi %add3A_137, %sub3A_228 : i32
        %mul3A_230 = arith.constant 8 : i32
        %mul3A_231 = arith.muli %sub3A_229, %mul3A_230 : i32
        %add3A_232 = arith.addi %mul3A_2, %mul3A_231 : i32
        %dma_wait3A_233 = arith.constant 0 : i32
        %dma_wait3A_234 = tpu.memref_slice %arg5[%add3A_232, %dma_wait3A_233] : memref<32768x1024xf32, #tpu.memory_space<hbm>> -> memref<8x1024xf32, #tpu.memory_space<hbm>>
        %dma_wait3A_235 = arith.constant 0 : i32
        %dma_wait3A_236 = tpu.memref_slice %arg5[%add3A_232, %dma_wait3A_235] : memref<32768x1024xf32, #tpu.memory_space<hbm>> -> memref<8x1024xf32, #tpu.memory_space<hbm>>
        tpu.wait_dma2 semaphore(%arg23 : memref<!tpu.dma_semaphore, #tpu.memory_space<semaphore_mem>>) src(%arg11 : memref<8x1024xf32, #tpu.memory_space<vmem>>) dst(%dma_wait3A_236 : memref<8x1024xf32, #tpu.memory_space<hbm>>)
      } else {
      }
      %add3A_154 = arith.constant 2 : i32
      %add3A_155 = arith.addi %add3A_137, %add3A_154 : i32
      %lt3A_156 = arith.constant 128 : i32
      %lt3A_157 = arith.cmpi slt, %add3A_155, %lt3A_156 : i32
      %convert_element_type3A_158 = arith.extui %lt3A_157 : i1 to i32
      %cond3A_159 = arith.constant 0 : i32
      %cond3A_160 = arith.cmpi ne, %convert_element_type3A_158, %cond3A_159 : i32
      scf.if %cond3A_160 {
        %add3A_228 = arith.constant 2 : i32
        %add3A_229 = arith.addi %add3A_137, %add3A_228 : i32
        %mul3A_230 = arith.constant 8 : i32
        %mul3A_231 = arith.muli %add3A_229, %mul3A_230 : i32
        %add3A_232 = arith.addi %mul3A_2, %mul3A_231 : i32
        %dma_start3A_233 = arith.constant 0 : i32
        %dma_start3A_234 = tpu.memref_slice %arg2[%add3A_232, %dma_start3A_233] : memref<32768x1024xf32, #tpu.memory_space<hbm>> -> memref<8x1024xf32, #tpu.memory_space<hbm>>
        %dma_start3A_235 = arith.constant 0 : i32
        %dma_start3A_236 = tpu.memref_slice %arg2[%add3A_232, %dma_start3A_235] : memref<32768x1024xf32, #tpu.memory_space<hbm>> -> memref<8x1024xf32, #tpu.memory_space<hbm>>
        tpu.enqueue_dma source(%dma_start3A_236 : memref<8x1024xf32, #tpu.memory_space<hbm>>) target(%arg11 : memref<8x1024xf32, #tpu.memory_space<vmem>>) target_semaphore(%arg19 : memref<!tpu.dma_semaphore, #tpu.memory_space<semaphore_mem>>)
      } else {
      }
      %dma_wait3A_161 = arith.constant 0 : i32
      %dma_wait3A_162 = tpu.memref_slice %arg6[%dma_wait3A_161] : memref<1024xi32, #tpu.memory_space<vmem>> -> memref<8xi32, #tpu.memory_space<vmem>>
      %dma_wait3A_163 = arith.constant 0 : i32
      %dma_wait3A_164 = arith.constant 0 : i32
      %dma_wait3A_165 = tpu.memref_slice %arg4[%dma_wait3A_163, %dma_wait3A_164] : memref<8193x1024xf32, #tpu.memory_space<hbm>> -> memref<8193x1024xf32, #tpu.memory_space<hbm>>
      tpu.wait_indirect_dma semaphore(%arg17 : memref<!tpu.dma_semaphore, #tpu.memory_space<semaphore_mem>>) src(%dma_wait3A_165 : memref<8193x1024xf32, #tpu.memory_space<hbm>>) dst(%arg9 : memref<8x1024xf32, #tpu.memory_space<vmem>>)
      %dma_wait3A_166 = arith.constant 0 : i32
      %dma_wait3A_167 = tpu.memref_slice %arg2[%mul3A_2, %dma_wait3A_166] : memref<32768x1024xf32, #tpu.memory_space<hbm>> -> memref<8x1024xf32, #tpu.memory_space<hbm>>
      %dma_wait3A_168 = arith.constant 0 : i32
      %dma_wait3A_169 = tpu.memref_slice %arg2[%mul3A_2, %dma_wait3A_168] : memref<32768x1024xf32, #tpu.memory_space<hbm>> -> memref<8x1024xf32, #tpu.memory_space<hbm>>
      tpu.wait_dma2 semaphore(%arg21 : memref<!tpu.dma_semaphore, #tpu.memory_space<semaphore_mem>>) src(%dma_wait3A_169 : memref<8x1024xf32, #tpu.memory_space<hbm>>) dst(%arg13 : memref<8x1024xf32, #tpu.memory_space<vmem>>)
      %scan3A_170 = arith.constant 0 : i32
      %scan3A_171 = arith.constant 8 : i32
      %scan3A_172 = arith.addi %scan3A_170, %scan3A_171 : i32
      %scan3A_173 = arith.constant 1 : i32
      scf.for %scan3A_228 = %scan3A_170 to %scan3A_172 step %scan3A_173  : i32 {
        %mul3A_229 = arith.constant 1 : i32
        %mul3A_230 = arith.muli %scan3A_228, %mul3A_229 : i32
        %add3A_231 = arith.constant 0 : i32
        %add3A_232 = arith.addi %add3A_231, %mul3A_230 : i32
        %get3A = arith.index_cast %add3A_232 : i32 to index
        %get3A_233 = arith.constant 0 : index
        %get3A_234 = tpu.vector_load %arg13[%get3A, %get3A_233] {strides = array<i32>} : memref<8x1024xf32, #tpu.memory_space<vmem>>, vector<1x16xf32>,
        %get3A_235 = vector.shape_cast %get3A_234 : vector<1x16xf32> to vector<16xf32>
        %get3A_236 = arith.index_cast %add3A_232 : i32 to index
        %get3A_237 = arith.constant 0 : index
        %get3A_238 = tpu.vector_load %arg9[%get3A_236, %get3A_237] {strides = array<i32>} : memref<8x1024xf32, #tpu.memory_space<vmem>>, vector<1x16xf32>,
        %get3A_239 = vector.shape_cast %get3A_238 : vector<1x16xf32> to vector<16xf32>
        %add3A_240 = arith.addf %get3A_235, %get3A_239 : vector<16xf32>
        %swap3A = arith.index_cast %add3A_232 : i32 to index
        %swap3A_241 = arith.constant 0 : index
        %swap3A_242 = tpu.vector_load %arg13[%swap3A, %swap3A_241] {strides = array<i32>} : memref<8x1024xf32, #tpu.memory_space<vmem>>, vector<1x16xf32>,
        %swap3A_243 = vector.shape_cast %swap3A_242 : vector<1x16xf32> to vector<16xf32>
        %swap3A_244 = vector.shape_cast %add3A_240 : vector<16xf32> to vector<1x16xf32>
        tpu.vector_store %arg13[%swap3A, %swap3A_241], %swap3A_244 {strides = array<i32>} : memref<8x1024xf32, #tpu.memory_space<vmem>>, vector<1x16xf32>,
        %get3A_245 = arith.index_cast %add3A_232 : i32 to index
        %get3A_246 = arith.constant 16 : index
        %get3A_247 = tpu.vector_load %arg13[%get3A_245, %get3A_246] {strides = array<i32>} : memref<8x1024xf32, #tpu.memory_space<vmem>>, vector<1x16xf32>,
        %get3A_248 = vector.shape_cast %get3A_247 : vector<1x16xf32> to vector<16xf32>
        %get3A_249 = arith.index_cast %add3A_232 : i32 to index
        %get3A_250 = arith.constant 16 : index
        %get3A_251 = tpu.vector_load %arg9[%get3A_249, %get3A_250] {strides = array<i32>} : memref<8x1024xf32, #tpu.memory_space<vmem>>, vector<1x16xf32>,
        %get3A_252 = vector.shape_cast %get3A_251 : vector<1x16xf32> to vector<16xf32>
        %add3A_253 = arith.addf %get3A_248, %get3A_252 : vector<16xf32>
        %swap3A_254 = arith.index_cast %add3A_232 : i32 to index
        %swap3A_255 = arith.constant 16 : index
        %swap3A_256 = tpu.vector_load %arg13[%swap3A_254, %swap3A_255] {strides = array<i32>} : memref<8x1024xf32, #tpu.memory_space<vmem>>, vector<1x16xf32>,
        %swap3A_257 = vector.shape_cast %swap3A_256 : vector<1x16xf32> to vector<16xf32>
        %swap3A_258 = vector.shape_cast %add3A_253 : vector<16xf32> to vector<1x16xf32>
        tpu.vector_store %arg13[%swap3A_254, %swap3A_255], %swap3A_258 {strides = array<i32>} : memref<8x1024xf32, #tpu.memory_space<vmem>>, vector<1x16xf32>,
        %get3A_259 = arith.index_cast %add3A_232 : i32 to index
        %get3A_260 = arith.constant 32 : index
        %get3A_261 = tpu.vector_load %arg13[%get3A_259, %get3A_260] {strides = array<i32>} : memref<8x1024xf32, #tpu.memory_space<vmem>>, vector<1x16xf32>,
        %get3A_262 = vector.shape_cast %get3A_261 : vector<1x16xf32> to vector<16xf32>
        %get3A_263 = arith.index_cast %add3A_232 : i32 to index
        %get3A_264 = arith.constant 32 : index
        %get3A_265 = tpu.vector_load %arg9[%get3A_263, %get3A_264] {strides = array<i32>} : memref<8x1024xf32, #tpu.memory_space<vmem>>, vector<1x16xf32>,
        %get3A_266 = vector.shape_cast %get3A_265 : vector<1x16xf32> to vector<16xf32>
        %add3A_267 = arith.addf %get3A_262, %get3A_266 : vector<16xf32>
        %swap3A_268 = arith.index_cast %add3A_232 : i32 to index
        %swap3A_269 = arith.constant 32 : index
        %swap3A_270 = tpu.vector_load %arg13[%swap3A_268, %swap3A_269] {strides = array<i32>} : memref<8x1024xf32, #tpu.memory_space<vmem>>, vector<1x16xf32>,
        %swap3A_271 = vector.shape_cast %swap3A_270 : vector<1x16xf32> to vector<16xf32>
        %swap3A_272 = vector.shape_cast %add3A_267 : vector<16xf32> to vector<1x16xf32>
        tpu.vector_store %arg13[%swap3A_268, %swap3A_269], %swap3A_272 {strides = array<i32>} : memref<8x1024xf32, #tpu.memory_space<vmem>>, vector<1x16xf32>,
        %get3A_273 = arith.index_cast %add3A_232 : i32 to index
        %get3A_274 = arith.constant 48 : index
        %get3A_275 = tpu.vector_load %arg13[%get3A_273, %get3A_274] {strides = array<i32>} : memref<8x1024xf32, #tpu.memory_space<vmem>>, vector<1x16xf32>,
        %get3A_276 = vector.shape_cast %get3A_275 : vector<1x16xf32> to vector<16xf32>
        %get3A_277 = arith.index_cast %add3A_232 : i32 to index
        %get3A_278 = arith.constant 48 : index
        %get3A_279 = tpu.vector_load %arg9[%get3A_277, %get3A_278] {strides = array<i32>} : memref<8x1024xf32, #tpu.memory_space<vmem>>, vector<1x16xf32>,
        %get3A_280 = vector.shape_cast %get3A_279 : vector<1x16xf32> to vector<16xf32>
        %add3A_281 = arith.addf %get3A_276, %get3A_280 : vector<16xf32>
        %swap3A_282 = arith.index_cast %add3A_232 : i32 to index
        %swap3A_283 = arith.constant 48 : index
        %swap3A_284 = tpu.vector_load %arg13[%swap3A_282, %swap3A_283] {strides = array<i32>} : memref<8x1024xf32, #tpu.memory_space<vmem>>, vector<1x16xf32>,
        %swap3A_285 = vector.shape_cast %swap3A_284 : vector<1x16xf32> to vector<16xf32>
        %swap3A_286 = vector.shape_cast %add3A_281 : vector<16xf32> to vector<1x16xf32>
        tpu.vector_store %arg13[%swap3A_282, %swap3A_283], %swap3A_286 {strides = array<i32>} : memref<8x1024xf32, #tpu.memory_space<vmem>>, vector<1x16xf32>,
        %get3A_287 = arith.index_cast %add3A_232 : i32 to index
        %get3A_288 = arith.constant 64 : index
        %get3A_289 = tpu.vector_load %arg13[%get3A_287, %get3A_288] {strides = array<i32>} : memref<8x1024xf32, #tpu.memory_space<vmem>>, vector<1x16xf32>,
        %get3A_290 = vector.shape_cast %get3A_289 : vector<1x16xf32> to vector<16xf32>
        %get3A_291 = arith.index_cast %add3A_232 : i32 to index
        %get3A_292 = arith.constant 64 : index
        %get3A_293 = tpu.vector_load %arg9[%get3A_291, %get3A_292] {strides = array<i32>} : memref<8x1024xf32, #tpu.memory_space<vmem>>, vector<1x16xf32>,
        %get3A_294 = vector.shape_cast %get3A_293 : vector<1x16xf32> to vector<16xf32>
        %add3A_295 = arith.addf %get3A_290, %get3A_294 : vector<16xf32>
        %swap3A_296 = arith.index_cast %add3A_232 : i32 to index
        %swap3A_297 = arith.constant 64 : index
        %swap3A_298 = tpu.vector_load %arg13[%swap3A_296, %swap3A_297] {strides = array<i32>} : memref<8x1024xf32, #tpu.memory_space<vmem>>, vector<1x16xf32>,
        %swap3A_299 = vector.shape_cast %swap3A_298 : vector<1x16xf32> to vector<16xf32>
        %swap3A_300 = vector.shape_cast %add3A_295 : vector<16xf32> to vector<1x16xf32>
        tpu.vector_store %arg13[%swap3A_296, %swap3A_297], %swap3A_300 {strides = array<i32>} : memref<8x1024xf32, #tpu.memory_space<vmem>>, vector<1x16xf32>,
        %get3A_301 = arith.index_cast %add3A_232 : i32 to index
        %get3A_302 = arith.constant 80 : index
        %get3A_303 = tpu.vector_load %arg13[%get3A_301, %get3A_302] {strides = array<i32>} : memref<8x1024xf32, #tpu.memory_space<vmem>>, vector<1x16xf32>,
        %get3A_304 = vector.shape_cast %get3A_303 : vector<1x16xf32> to vector<16xf32>
        %get3A_305 = arith.index_cast %add3A_232 : i32 to index
        %get3A_306 = arith.constant 80 : index
        %get3A_307 = tpu.vector_load %arg9[%get3A_305, %get3A_306] {strides = array<i32>} : memref<8x1024xf32, #tpu.memory_space<vmem>>, vector<1x16xf32>,
        %get3A_308 = vector.shape_cast %get3A_307 : vector<1x16xf32> to vector<16xf32>
        %add3A_309 = arith.addf %get3A_304, %get3A_308 : vector<16xf32>
        %swap3A_310 = arith.index_cast %add3A_232 : i32 to index
        %swap3A_311 = arith.constant 80 : index
        %swap3A_312 = tpu.vector_load %arg13[%swap3A_310, %swap3A_311] {strides = array<i32>} : memref<8x1024xf32, #tpu.memory_space<vmem>>, vector<1x16xf32>,
        %swap3A_313 = vector.shape_cast %swap3A_312 : vector<1x16xf32> to vector<16xf32>
        %swap3A_314 = vector.shape_cast %add3A_309 : vector<16xf32> to vector<1x16xf32>
        tpu.vector_store %arg13[%swap3A_310, %swap3A_311], %swap3A_314 {strides = array<i32>} : memref<8x1024xf32, #tpu.memory_space<vmem>>, vector<1x16xf32>,
        %get3A_315 = arith.index_cast %add3A_232 : i32 to index
        %get3A_316 = arith.constant 96 : index
        %get3A_317 = tpu.vector_load %arg13[%get3A_315, %get3A_316] {strides = array<i32>} : memref<8x1024xf32, #tpu.memory_space<vmem>>, vector<1x16xf32>,
        %get3A_318 = vector.shape_cast %get3A_317 : vector<1x16xf32> to vector<16xf32>
        %get3A_319 = arith.index_cast %add3A_232 : i32 to index
        %get3A_320 = arith.constant 96 : index
        %get3A_321 = tpu.vector_load %arg9[%get3A_319, %get3A_320] {strides = array<i32>} : memref<8x1024xf32, #tpu.memory_space<vmem>>, vector<1x16xf32>,
        %get3A_322 = vector.shape_cast %get3A_321 : vector<1x16xf32> to vector<16xf32>
        %add3A_323 = arith.addf %get3A_318, %get3A_322 : vector<16xf32>
        %swap3A_324 = arith.index_cast %add3A_232 : i32 to index
        %swap3A_325 = arith.constant 96 : index
        %swap3A_326 = tpu.vector_load %arg13[%swap3A_324, %swap3A_325] {strides = array<i32>} : memref<8x1024xf32, #tpu.memory_space<vmem>>, vector<1x16xf32>,
        %swap3A_327 = vector.shape_cast %swap3A_326 : vector<1x16xf32> to vector<16xf32>
        %swap3A_328 = vector.shape_cast %add3A_323 : vector<16xf32> to vector<1x16xf32>
        tpu.vector_store %arg13[%swap3A_324, %swap3A_325], %swap3A_328 {strides = array<i32>} : memref<8x1024xf32, #tpu.memory_space<vmem>>, vector<1x16xf32>,
        %get3A_329 = arith.index_cast %add3A_232 : i32 to index
        %get3A_330 = arith.constant 112 : index
        %get3A_331 = tpu.vector_load %arg13[%get3A_329, %get3A_330] {strides = array<i32>} : memref<8x1024xf32, #tpu.memory_space<vmem>>, vector<1x16xf32>,
        %get3A_332 = vector.shape_cast %get3A_331 : vector<1x16xf32> to vector<16xf32>
        %get3A_333 = arith.index_cast %add3A_232 : i32 to index
        %get3A_334 = arith.constant 112 : index
        %get3A_335 = tpu.vector_load %arg9[%get3A_333, %get3A_334] {strides = array<i32>} : memref<8x1024xf32, #tpu.memory_space<vmem>>, vector<1x16xf32>,
        %get3A_336 = vector.shape_cast %get3A_335 : vector<1x16xf32> to vector<16xf32>
        %add3A_337 = arith.addf %get3A_332, %get3A_336 : vector<16xf32>
        %swap3A_338 = arith.index_cast %add3A_232 : i32 to index
        %swap3A_339 = arith.constant 112 : index
        %swap3A_340 = tpu.vector_load %arg13[%swap3A_338, %swap3A_339] {strides = array<i32>} : memref<8x1024xf32, #tpu.memory_space<vmem>>, vector<1x16xf32>,
        %swap3A_341 = vector.shape_cast %swap3A_340 : vector<1x16xf32> to vector<16xf32>
        %swap3A_342 = vector.shape_cast %add3A_337 : vector<16xf32> to vector<1x16xf32>
        tpu.vector_store %arg13[%swap3A_338, %swap3A_339], %swap3A_342 {strides = array<i32>} : memref<8x1024xf32, #tpu.memory_space<vmem>>, vector<1x16xf32>,
        %get3A_343 = arith.index_cast %add3A_232 : i32 to index
        %get3A_344 = arith.constant 128 : index
        %get3A_345 = tpu.vector_load %arg13[%get3A_343, %get3A_344] {strides = array<i32>} : memref<8x1024xf32, #tpu.memory_space<vmem>>, vector<1x16xf32>,
        %get3A_346 = vector.shape_cast %get3A_345 : vector<1x16xf32> to vector<16xf32>
        %get3A_347 = arith.index_cast %add3A_232 : i32 to index
        %get3A_348 = arith.constant 128 : index
        %get3A_349 = tpu.vector_load %arg9[%get3A_347, %get3A_348] {strides = array<i32>} : memref<8x1024xf32, #tpu.memory_space<vmem>>, vector<1x16xf32>,
        %get3A_350 = vector.shape_cast %get3A_349 : vector<1x16xf32> to vector<16xf32>
        %add3A_351 = arith.addf %get3A_346, %get3A_350 : vector<16xf32>
        %swap3A_352 = arith.index_cast %add3A_232 : i32 to index
        %swap3A_353 = arith.constant 128 : index
        %swap3A_354 = tpu.vector_load %arg13[%swap3A_352, %swap3A_353] {strides = array<i32>} : memref<8x1024xf32, #tpu.memory_space<vmem>>, vector<1x16xf32>,
        %swap3A_355 = vector.shape_cast %swap3A_354 : vector<1x16xf32> to vector<16xf32>
        %swap3A_356 = vector.shape_cast %add3A_351 : vector<16xf32> to vector<1x16xf32>
        tpu.vector_store %arg13[%swap3A_352, %swap3A_353], %swap3A_356 {strides = array<i32>} : memref<8x1024xf32, #tpu.memory_space<vmem>>, vector<1x16xf32>,
        %get3A_357 = arith.index_cast %add3A_232 : i32 to index
        %get3A_358 = arith.constant 144 : index
        %get3A_359 = tpu.vector_load %arg13[%get3A_357, %get3A_358] {strides = array<i32>} : memref<8x1024xf32, #tpu.memory_space<vmem>>, vector<1x16xf32>,
        %get3A_360 = vector.shape_cast %get3A_359 : vector<1x16xf32> to vector<16xf32>
        %get3A_361 = arith.index_cast %add3A_232 : i32 to index
        %get3A_362 = arith.constant 144 : index
        %get3A_363 = tpu.vector_load %arg9[%get3A_361, %get3A_362] {strides = array<i32>} : memref<8x1024xf32, #tpu.memory_space<vmem>>, vector<1x16xf32>,
        %get3A_364 = vector.shape_cast %get3A_363 : vector<1x16xf32> to vector<16xf32>
        %add3A_365 = arith.addf %get3A_360, %get3A_364 : vector<16xf32>
        %swap3A_366 = arith.index_cast %add3A_232 : i32 to index
        %swap3A_367 = arith.constant 144 : index
        %swap3A_368 = tpu.vector_load %arg13[%swap3A_366, %swap3A_367] {strides = array<i32>} : memref<8x1024xf32, #tpu.memory_space<vmem>>, vector<1x16xf32>,
        %swap3A_369 = vector.shape_cast %swap3A_368 : vector<1x16xf32> to vector<16xf32>
        %swap3A_370 = vector.shape_cast %add3A_365 : vector<16xf32> to vector<1x16xf32>
        tpu.vector_store %arg13[%swap3A_366, %swap3A_367], %swap3A_370 {strides = array<i32>} : memref<8x1024xf32, #tpu.memory_space<vmem>>, vector<1x16xf32>,
        %get3A_371 = arith.index_cast %add3A_232 : i32 to index
        %get3A_372 = arith.constant 160 : index
        %get3A_373 = tpu.vector_load %arg13[%get3A_371, %get3A_372] {strides = array<i32>} : memref<8x1024xf32, #tpu.memory_space<vmem>>, vector<1x16xf32>,
        %get3A_374 = vector.shape_cast %get3A_373 : vector<1x16xf32> to vector<16xf32>
        %get3A_375 = arith.index_cast %add3A_232 : i32 to index
        %get3A_376 = arith.constant 160 : index
        %get3A_377 = tpu.vector_load %arg9[%get3A_375, %get3A_376] {strides = array<i32>} : memref<8x1024xf32, #tpu.memory_space<vmem>>, vector<1x16xf32>,
        %get3A_378 = vector.shape_cast %get3A_377 : vector<1x16xf32> to vector<16xf32>
        %add3A_379 = arith.addf %get3A_374, %get3A_378 : vector<16xf32>
        %swap3A_380 = arith.index_cast %add3A_232 : i32 to index
        %swap3A_381 = arith.constant 160 : index
        %swap3A_382 = tpu.vector_load %arg13[%swap3A_380, %swap3A_381] {strides = array<i32>} : memref<8x1024xf32, #tpu.memory_space<vmem>>, vector<1x16xf32>,
        %swap3A_383 = vector.shape_cast %swap3A_382 : vector<1x16xf32> to vector<16xf32>
        %swap3A_384 = vector.shape_cast %add3A_379 : vector<16xf32> to vector<1x16xf32>
        tpu.vector_store %arg13[%swap3A_380, %swap3A_381], %swap3A_384 {strides = array<i32>} : memref<8x1024xf32, #tpu.memory_space<vmem>>, vector<1x16xf32>,
        %get3A_385 = arith.index_cast %add3A_232 : i32 to index
        %get3A_386 = arith.constant 176 : index
        %get3A_387 = tpu.vector_load %arg13[%get3A_385, %get3A_386] {strides = array<i32>} : memref<8x1024xf32, #tpu.memory_space<vmem>>, vector<1x16xf32>,
        %get3A_388 = vector.shape_cast %get3A_387 : vector<1x16xf32> to vector<16xf32>
        %get3A_389 = arith.index_cast %add3A_232 : i32 to index
        %get3A_390 = arith.constant 176 : index
        %get3A_391 = tpu.vector_load %arg9[%get3A_389, %get3A_390] {strides = array<i32>} : memref<8x1024xf32, #tpu.memory_space<vmem>>, vector<1x16xf32>,
        %get3A_392 = vector.shape_cast %get3A_391 : vector<1x16xf32> to vector<16xf32>
        %add3A_393 = arith.addf %get3A_388, %get3A_392 : vector<16xf32>
        %swap3A_394 = arith.index_cast %add3A_232 : i32 to index
        %swap3A_395 = arith.constant 176 : index
        %swap3A_396 = tpu.vector_load %arg13[%swap3A_394, %swap3A_395] {strides = array<i32>} : memref<8x1024xf32, #tpu.memory_space<vmem>>, vector<1x16xf32>,
        %swap3A_397 = vector.shape_cast %swap3A_396 : vector<1x16xf32> to vector<16xf32>
        %swap3A_398 = vector.shape_cast %add3A_393 : vector<16xf32> to vector<1x16xf32>
        tpu.vector_store %arg13[%swap3A_394, %swap3A_395], %swap3A_398 {strides = array<i32>} : memref<8x1024xf32, #tpu.memory_space<vmem>>, vector<1x16xf32>,
        %get3A_399 = arith.index_cast %add3A_232 : i32 to index
        %get3A_400 = arith.constant 192 : index
        %get3A_401 = tpu.vector_load %arg13[%get3A_399, %get3A_400] {strides = array<i32>} : memref<8x1024xf32, #tpu.memory_space<vmem>>, vector<1x16xf32>,
        %get3A_402 = vector.shape_cast %get3A_401 : vector<1x16xf32> to vector<16xf32>
        %get3A_403 = arith.index_cast %add3A_232 : i32 to index
        %get3A_404 = arith.constant 192 : index
        %get3A_405 = tpu.vector_load %arg9[%get3A_403, %get3A_404] {strides = array<i32>} : memref<8x1024xf32, #tpu.memory_space<vmem>>, vector<1x16xf32>,
        %get3A_406 = vector.shape_cast %get3A_405 : vector<1x16xf32> to vector<16xf32>
        %add3A_407 = arith.addf %get3A_402, %get3A_406 : vector<16xf32>
        %swap3A_408 = arith.index_cast %add3A_232 : i32 to index
        %swap3A_409 = arith.constant 192 : index
        %swap3A_410 = tpu.vector_load %arg13[%swap3A_408, %swap3A_409] {strides = array<i32>} : memref<8x1024xf32, #tpu.memory_space<vmem>>, vector<1x16xf32>,
        %swap3A_411 = vector.shape_cast %swap3A_410 : vector<1x16xf32> to vector<16xf32>
        %swap3A_412 = vector.shape_cast %add3A_407 : vector<16xf32> to vector<1x16xf32>
        tpu.vector_store %arg13[%swap3A_408, %swap3A_409], %swap3A_412 {strides = array<i32>} : memref<8x1024xf32, #tpu.memory_space<vmem>>, vector<1x16xf32>,
        %get3A_413 = arith.index_cast %add3A_232 : i32 to index
        %get3A_414 = arith.constant 208 : index
        %get3A_415 = tpu.vector_load %arg13[%get3A_413, %get3A_414] {strides = array<i32>} : memref<8x1024xf32, #tpu.memory_space<vmem>>, vector<1x16xf32>,
        %get3A_416 = vector.shape_cast %get3A_415 : vector<1x16xf32> to vector<16xf32>
        %get3A_417 = arith.index_cast %add3A_232 : i32 to index
        %get3A_418 = arith.constant 208 : index
        %get3A_419 = tpu.vector_load %arg9[%get3A_417, %get3A_418] {strides = array<i32>} : memref<8x1024xf32, #tpu.memory_space<vmem>>, vector<1x16xf32>,
        %get3A_420 = vector.shape_cast %get3A_419 : vector<1x16xf32> to vector<16xf32>
        %add3A_421 = arith.addf %get3A_416, %get3A_420 : vector<16xf32>
        %swap3A_422 = arith.index_cast %add3A_232 : i32 to index
        %swap3A_423 = arith.constant 208 : index
        %swap3A_424 = tpu.vector_load %arg13[%swap3A_422, %swap3A_423] {strides = array<i32>} : memref<8x1024xf32, #tpu.memory_space<vmem>>, vector<1x16xf32>,
        %swap3A_425 = vector.shape_cast %swap3A_424 : vector<1x16xf32> to vector<16xf32>
        %swap3A_426 = vector.shape_cast %add3A_421 : vector<16xf32> to vector<1x16xf32>
        tpu.vector_store %arg13[%swap3A_422, %swap3A_423], %swap3A_426 {strides = array<i32>} : memref<8x1024xf32, #tpu.memory_space<vmem>>, vector<1x16xf32>,
        %get3A_427 = arith.index_cast %add3A_232 : i32 to index
        %get3A_428 = arith.constant 224 : index
        %get3A_429 = tpu.vector_load %arg13[%get3A_427, %get3A_428] {strides = array<i32>} : memref<8x1024xf32, #tpu.memory_space<vmem>>, vector<1x16xf32>,
        %get3A_430 = vector.shape_cast %get3A_429 : vector<1x16xf32> to vector<16xf32>
        %get3A_431 = arith.index_cast %add3A_232 : i32 to index
        %get3A_432 = arith.constant 224 : index
        %get3A_433 = tpu.vector_load %arg9[%get3A_431, %get3A_432] {strides = array<i32>} : memref<8x1024xf32, #tpu.memory_space<vmem>>, vector<1x16xf32>,
        %get3A_434 = vector.shape_cast %get3A_433 : vector<1x16xf32> to vector<16xf32>
        %add3A_435 = arith.addf %get3A_430, %get3A_434 : vector<16xf32>
        %swap3A_436 = arith.index_cast %add3A_232 : i32 to index
        %swap3A_437 = arith.constant 224 : index
        %swap3A_438 = tpu.vector_load %arg13[%swap3A_436, %swap3A_437] {strides = array<i32>} : memref<8x1024xf32, #tpu.memory_space<vmem>>, vector<1x16xf32>,
        %swap3A_439 = vector.shape_cast %swap3A_438 : vector<1x16xf32> to vector<16xf32>
        %swap3A_440 = vector.shape_cast %add3A_435 : vector<16xf32> to vector<1x16xf32>
        tpu.vector_store %arg13[%swap3A_436, %swap3A_437], %swap3A_440 {strides = array<i32>} : memref<8x1024xf32, #tpu.memory_space<vmem>>, vector<1x16xf32>,
        %get3A_441 = arith.index_cast %add3A_232 : i32 to index
        %get3A_442 = arith.constant 240 : index
        %get3A_443 = tpu.vector_load %arg13[%get3A_441, %get3A_442] {strides = array<i32>} : memref<8x1024xf32, #tpu.memory_space<vmem>>, vector<1x16xf32>,
        %get3A_444 = vector.shape_cast %get3A_443 : vector<1x16xf32> to vector<16xf32>
        %get3A_445 = arith.index_cast %add3A_232 : i32 to index
        %get3A_446 = arith.constant 240 : index
        %get3A_447 = tpu.vector_load %arg9[%get3A_445, %get3A_446] {strides = array<i32>} : memref<8x1024xf32, #tpu.memory_space<vmem>>, vector<1x16xf32>,
        %get3A_448 = vector.shape_cast %get3A_447 : vector<1x16xf32> to vector<16xf32>
        %add3A_449 = arith.addf %get3A_444, %get3A_448 : vector<16xf32>
        %swap3A_450 = arith.index_cast %add3A_232 : i32 to index
        %swap3A_451 = arith.constant 240 : index
        %swap3A_452 = tpu.vector_load %arg13[%swap3A_450, %swap3A_451] {strides = array<i32>} : memref<8x1024xf32, #tpu.memory_space<vmem>>, vector<1x16xf32>,
        %swap3A_453 = vector.shape_cast %swap3A_452 : vector<1x16xf32> to vector<16xf32>
        %swap3A_454 = vector.shape_cast %add3A_449 : vector<16xf32> to vector<1x16xf32>
        tpu.vector_store %arg13[%swap3A_450, %swap3A_451], %swap3A_454 {strides = array<i32>} : memref<8x1024xf32, #tpu.memory_space<vmem>>, vector<1x16xf32>,
        %get3A_455 = arith.index_cast %add3A_232 : i32 to index
        %get3A_456 = arith.constant 256 : index
        %get3A_457 = tpu.vector_load %arg13[%get3A_455, %get3A_456] {strides = array<i32>} : memref<8x1024xf32, #tpu.memory_space<vmem>>, vector<1x16xf32>,
        %get3A_458 = vector.shape_cast %get3A_457 : vector<1x16xf32> to vector<16xf32>
        %get3A_459 = arith.index_cast %add3A_232 : i32 to index
        %get3A_460 = arith.constant 256 : index
        %get3A_461 = tpu.vector_load %arg9[%get3A_459, %get3A_460] {strides = array<i32>} : memref<8x1024xf32, #tpu.memory_space<vmem>>, vector<1x16xf32>,
        %get3A_462 = vector.shape_cast %get3A_461 : vector<1x16xf32> to vector<16xf32>
        %add3A_463 = arith.addf %get3A_458, %get3A_462 : vector<16xf32>
        %swap3A_464 = arith.index_cast %add3A_232 : i32 to index
        %swap3A_465 = arith.constant 256 : index
        %swap3A_466 = tpu.vector_load %arg13[%swap3A_464, %swap3A_465] {strides = array<i32>} : memref<8x1024xf32, #tpu.memory_space<vmem>>, vector<1x16xf32>,
        %swap3A_467 = vector.shape_cast %swap3A_466 : vector<1x16xf32> to vector<16xf32>
        %swap3A_468 = vector.shape_cast %add3A_463 : vector<16xf32> to vector<1x16xf32>
        tpu.vector_store %arg13[%swap3A_464, %swap3A_465], %swap3A_468 {strides = array<i32>} : memref<8x1024xf32, #tpu.memory_space<vmem>>, vector<1x16xf32>,
        %get3A_469 = arith.index_cast %add3A_232 : i32 to index
        %get3A_470 = arith.constant 272 : index
        %get3A_471 = tpu.vector_load %arg13[%get3A_469, %get3A_470] {strides = array<i32>} : memref<8x1024xf32, #tpu.memory_space<vmem>>, vector<1x16xf32>,
        %get3A_472 = vector.shape_cast %get3A_471 : vector<1x16xf32> to vector<16xf32>
        %get3A_473 = arith.index_cast %add3A_232 : i32 to index
        %get3A_474 = arith.constant 272 : index
        %get3A_475 = tpu.vector_load %arg9[%get3A_473, %get3A_474] {strides = array<i32>} : memref<8x1024xf32, #tpu.memory_space<vmem>>, vector<1x16xf32>,
        %get3A_476 = vector.shape_cast %get3A_475 : vector<1x16xf32> to vector<16xf32>
        %add3A_477 = arith.addf %get3A_472, %get3A_476 : vector<16xf32>
        %swap3A_478 = arith.index_cast %add3A_232 : i32 to index
        %swap3A_479 = arith.constant 272 : index
        %swap3A_480 = tpu.vector_load %arg13[%swap3A_478, %swap3A_479] {strides = array<i32>} : memref<8x1024xf32, #tpu.memory_space<vmem>>, vector<1x16xf32>,
        %swap3A_481 = vector.shape_cast %swap3A_480 : vector<1x16xf32> to vector<16xf32>
        %swap3A_482 = vector.shape_cast %add3A_477 : vector<16xf32> to vector<1x16xf32>
        tpu.vector_store %arg13[%swap3A_478, %swap3A_479], %swap3A_482 {strides = array<i32>} : memref<8x1024xf32, #tpu.memory_space<vmem>>, vector<1x16xf32>,
        %get3A_483 = arith.index_cast %add3A_232 : i32 to index
        %get3A_484 = arith.constant 288 : index
        %get3A_485 = tpu.vector_load %arg13[%get3A_483, %get3A_484] {strides = array<i32>} : memref<8x1024xf32, #tpu.memory_space<vmem>>, vector<1x16xf32>,
        %get3A_486 = vector.shape_cast %get3A_485 : vector<1x16xf32> to vector<16xf32>
        %get3A_487 = arith.index_cast %add3A_232 : i32 to index
        %get3A_488 = arith.constant 288 : index
        %get3A_489 = tpu.vector_load %arg9[%get3A_487, %get3A_488] {strides = array<i32>} : memref<8x1024xf32, #tpu.memory_space<vmem>>, vector<1x16xf32>,
        %get3A_490 = vector.shape_cast %get3A_489 : vector<1x16xf32> to vector<16xf32>
        %add3A_491 = arith.addf %get3A_486, %get3A_490 : vector<16xf32>
        %swap3A_492 = arith.index_cast %add3A_232 : i32 to index
        %swap3A_493 = arith.constant 288 : index
        %swap3A_494 = tpu.vector_load %arg13[%swap3A_492, %swap3A_493] {strides = array<i32>} : memref<8x1024xf32, #tpu.memory_space<vmem>>, vector<1x16xf32>,
        %swap3A_495 = vector.shape_cast %swap3A_494 : vector<1x16xf32> to vector<16xf32>
        %swap3A_496 = vector.shape_cast %add3A_491 : vector<16xf32> to vector<1x16xf32>
        tpu.vector_store %arg13[%swap3A_492, %swap3A_493], %swap3A_496 {strides = array<i32>} : memref<8x1024xf32, #tpu.memory_space<vmem>>, vector<1x16xf32>,
        %get3A_497 = arith.index_cast %add3A_232 : i32 to index
        %get3A_498 = arith.constant 304 : index
        %get3A_499 = tpu.vector_load %arg13[%get3A_497, %get3A_498] {strides = array<i32>} : memref<8x1024xf32, #tpu.memory_space<vmem>>, vector<1x16xf32>,
        %get3A_500 = vector.shape_cast %get3A_499 : vector<1x16xf32> to vector<16xf32>
        %get3A_501 = arith.index_cast %add3A_232 : i32 to index
        %get3A_502 = arith.constant 304 : index
        %get3A_503 = tpu.vector_load %arg9[%get3A_501, %get3A_502] {strides = array<i32>} : memref<8x1024xf32, #tpu.memory_space<vmem>>, vector<1x16xf32>,
        %get3A_504 = vector.shape_cast %get3A_503 : vector<1x16xf32> to vector<16xf32>
        %add3A_505 = arith.addf %get3A_500, %get3A_504 : vector<16xf32>
        %swap3A_506 = arith.index_cast %add3A_232 : i32 to index
        %swap3A_507 = arith.constant 304 : index
        %swap3A_508 = tpu.vector_load %arg13[%swap3A_506, %swap3A_507] {strides = array<i32>} : memref<8x1024xf32, #tpu.memory_space<vmem>>, vector<1x16xf32>,
        %swap3A_509 = vector.shape_cast %swap3A_508 : vector<1x16xf32> to vector<16xf32>
        %swap3A_510 = vector.shape_cast %add3A_505 : vector<16xf32> to vector<1x16xf32>
        tpu.vector_store %arg13[%swap3A_506, %swap3A_507], %swap3A_510 {strides = array<i32>} : memref<8x1024xf32, #tpu.memory_space<vmem>>, vector<1x16xf32>,
        %get3A_511 = arith.index_cast %add3A_232 : i32 to index
        %get3A_512 = arith.constant 320 : index
        %get3A_513 = tpu.vector_load %arg13[%get3A_511, %get3A_512] {strides = array<i32>} : memref<8x1024xf32, #tpu.memory_space<vmem>>, vector<1x16xf32>,
        %get3A_514 = vector.shape_cast %get3A_513 : vector<1x16xf32> to vector<16xf32>
        %get3A_515 = arith.index_cast %add3A_232 : i32 to index
        %get3A_516 = arith.constant 320 : index
        %get3A_517 = tpu.vector_load %arg9[%get3A_515, %get3A_516] {strides = array<i32>} : memref<8x1024xf32, #tpu.memory_space<vmem>>, vector<1x16xf32>,
        %get3A_518 = vector.shape_cast %get3A_517 : vector<1x16xf32> to vector<16xf32>
        %add3A_519 = arith.addf %get3A_514, %get3A_518 : vector<16xf32>
        %swap3A_520 = arith.index_cast %add3A_232 : i32 to index
        %swap3A_521 = arith.constant 320 : index
        %swap3A_522 = tpu.vector_load %arg13[%swap3A_520, %swap3A_521] {strides = array<i32>} : memref<8x1024xf32, #tpu.memory_space<vmem>>, vector<1x16xf32>,
        %swap3A_523 = vector.shape_cast %swap3A_522 : vector<1x16xf32> to vector<16xf32>
        %swap3A_524 = vector.shape_cast %add3A_519 : vector<16xf32> to vector<1x16xf32>
        tpu.vector_store %arg13[%swap3A_520, %swap3A_521], %swap3A_524 {strides = array<i32>} : memref<8x1024xf32, #tpu.memory_space<vmem>>, vector<1x16xf32>,
        %get3A_525 = arith.index_cast %add3A_232 : i32 to index
        %get3A_526 = arith.constant 336 : index
        %get3A_527 = tpu.vector_load %arg13[%get3A_525, %get3A_526] {strides = array<i32>} : memref<8x1024xf32, #tpu.memory_space<vmem>>, vector<1x16xf32>,
        %get3A_528 = vector.shape_cast %get3A_527 : vector<1x16xf32> to vector<16xf32>
        %get3A_529 = arith.index_cast %add3A_232 : i32 to index
        %get3A_530 = arith.constant 336 : index
        %get3A_531 = tpu.vector_load %arg9[%get3A_529, %get3A_530] {strides = array<i32>} : memref<8x1024xf32, #tpu.memory_space<vmem>>, vector<1x16xf32>,
        %get3A_532 = vector.shape_cast %get3A_531 : vector<1x16xf32> to vector<16xf32>
        %add3A_533 = arith.addf %get3A_528, %get3A_532 : vector<16xf32>
        %swap3A_534 = arith.index_cast %add3A_232 : i32 to index
        %swap3A_535 = arith.constant 336 : index
        %swap3A_536 = tpu.vector_load %arg13[%swap3A_534, %swap3A_535] {strides = array<i32>} : memref<8x1024xf32, #tpu.memory_space<vmem>>, vector<1x16xf32>,
        %swap3A_537 = vector.shape_cast %swap3A_536 : vector<1x16xf32> to vector<16xf32>
        %swap3A_538 = vector.shape_cast %add3A_533 : vector<16xf32> to vector<1x16xf32>
        tpu.vector_store %arg13[%swap3A_534, %swap3A_535], %swap3A_538 {strides = array<i32>} : memref<8x1024xf32, #tpu.memory_space<vmem>>, vector<1x16xf32>,
        %get3A_539 = arith.index_cast %add3A_232 : i32 to index
        %get3A_540 = arith.constant 352 : index
        %get3A_541 = tpu.vector_load %arg13[%get3A_539, %get3A_540] {strides = array<i32>} : memref<8x1024xf32, #tpu.memory_space<vmem>>, vector<1x16xf32>,
        %get3A_542 = vector.shape_cast %get3A_541 : vector<1x16xf32> to vector<16xf32>
        %get3A_543 = arith.index_cast %add3A_232 : i32 to index
        %get3A_544 = arith.constant 352 : index
        %get3A_545 = tpu.vector_load %arg9[%get3A_543, %get3A_544] {strides = array<i32>} : memref<8x1024xf32, #tpu.memory_space<vmem>>, vector<1x16xf32>,
        %get3A_546 = vector.shape_cast %get3A_545 : vector<1x16xf32> to vector<16xf32>
        %add3A_547 = arith.addf %get3A_542, %get3A_546 : vector<16xf32>
        %swap3A_548 = arith.index_cast %add3A_232 : i32 to index
        %swap3A_549 = arith.constant 352 : index
        %swap3A_550 = tpu.vector_load %arg13[%swap3A_548, %swap3A_549] {strides = array<i32>} : memref<8x1024xf32, #tpu.memory_space<vmem>>, vector<1x16xf32>,
        %swap3A_551 = vector.shape_cast %swap3A_550 : vector<1x16xf32> to vector<16xf32>
        %swap3A_552 = vector.shape_cast %add3A_547 : vector<16xf32> to vector<1x16xf32>
        tpu.vector_store %arg13[%swap3A_548, %swap3A_549], %swap3A_552 {strides = array<i32>} : memref<8x1024xf32, #tpu.memory_space<vmem>>, vector<1x16xf32>,
        %get3A_553 = arith.index_cast %add3A_232 : i32 to index
        %get3A_554 = arith.constant 368 : index
        %get3A_555 = tpu.vector_load %arg13[%get3A_553, %get3A_554] {strides = array<i32>} : memref<8x1024xf32, #tpu.memory_space<vmem>>, vector<1x16xf32>,
        %get3A_556 = vector.shape_cast %get3A_555 : vector<1x16xf32> to vector<16xf32>
        %get3A_557 = arith.index_cast %add3A_232 : i32 to index
        %get3A_558 = arith.constant 368 : index
        %get3A_559 = tpu.vector_load %arg9[%get3A_557, %get3A_558] {strides = array<i32>} : memref<8x1024xf32, #tpu.memory_space<vmem>>, vector<1x16xf32>,
        %get3A_560 = vector.shape_cast %get3A_559 : vector<1x16xf32> to vector<16xf32>
        %add3A_561 = arith.addf %get3A_556, %get3A_560 : vector<16xf32>
        %swap3A_562 = arith.index_cast %add3A_232 : i32 to index
        %swap3A_563 = arith.constant 368 : index
        %swap3A_564 = tpu.vector_load %arg13[%swap3A_562, %swap3A_563] {strides = array<i32>} : memref<8x1024xf32, #tpu.memory_space<vmem>>, vector<1x16xf32>,
        %swap3A_565 = vector.shape_cast %swap3A_564 : vector<1x16xf32> to vector<16xf32>
        %swap3A_566 = vector.shape_cast %add3A_561 : vector<16xf32> to vector<1x16xf32>
        tpu.vector_store %arg13[%swap3A_562, %swap3A_563], %swap3A_566 {strides = array<i32>} : memref<8x1024xf32, #tpu.memory_space<vmem>>, vector<1x16xf32>,
        %get3A_567 = arith.index_cast %add3A_232 : i32 to index
        %get3A_568 = arith.constant 384 : index
        %get3A_569 = tpu.vector_load %arg13[%get3A_567, %get3A_568] {strides = array<i32>} : memref<8x1024xf32, #tpu.memory_space<vmem>>, vector<1x16xf32>,
        %get3A_570 = vector.shape_cast %get3A_569 : vector<1x16xf32> to vector<16xf32>
        %get3A_571 = arith.index_cast %add3A_232 : i32 to index
        %get3A_572 = arith.constant 384 : index
        %get3A_573 = tpu.vector_load %arg9[%get3A_571, %get3A_572] {strides = array<i32>} : memref<8x1024xf32, #tpu.memory_space<vmem>>, vector<1x16xf32>,
        %get3A_574 = vector.shape_cast %get3A_573 : vector<1x16xf32> to vector<16xf32>
        %add3A_575 = arith.addf %get3A_570, %get3A_574 : vector<16xf32>
        %swap3A_576 = arith.index_cast %add3A_232 : i32 to index
        %swap3A_577 = arith.constant 384 : index
        %swap3A_578 = tpu.vector_load %arg13[%swap3A_576, %swap3A_577] {strides = array<i32>} : memref<8x1024xf32, #tpu.memory_space<vmem>>, vector<1x16xf32>,
        %swap3A_579 = vector.shape_cast %swap3A_578 : vector<1x16xf32> to vector<16xf32>
        %swap3A_580 = vector.shape_cast %add3A_575 : vector<16xf32> to vector<1x16xf32>
        tpu.vector_store %arg13[%swap3A_576, %swap3A_577], %swap3A_580 {strides = array<i32>} : memref<8x1024xf32, #tpu.memory_space<vmem>>, vector<1x16xf32>,
        %get3A_581 = arith.index_cast %add3A_232 : i32 to index
        %get3A_582 = arith.constant 400 : index
        %get3A_583 = tpu.vector_load %arg13[%get3A_581, %get3A_582] {strides = array<i32>} : memref<8x1024xf32, #tpu.memory_space<vmem>>, vector<1x16xf32>,
        %get3A_584 = vector.shape_cast %get3A_583 : vector<1x16xf32> to vector<16xf32>
        %get3A_585 = arith.index_cast %add3A_232 : i32 to index
        %get3A_586 = arith.constant 400 : index
        %get3A_587 = tpu.vector_load %arg9[%get3A_585, %get3A_586] {strides = array<i32>} : memref<8x1024xf32, #tpu.memory_space<vmem>>, vector<1x16xf32>,
        %get3A_588 = vector.shape_cast %get3A_587 : vector<1x16xf32> to vector<16xf32>
        %add3A_589 = arith.addf %get3A_584, %get3A_588 : vector<16xf32>
        %swap3A_590 = arith.index_cast %add3A_232 : i32 to index
        %swap3A_591 = arith.constant 400 : index
        %swap3A_592 = tpu.vector_load %arg13[%swap3A_590, %swap3A_591] {strides = array<i32>} : memref<8x1024xf32, #tpu.memory_space<vmem>>, vector<1x16xf32>,
        %swap3A_593 = vector.shape_cast %swap3A_592 : vector<1x16xf32> to vector<16xf32>
        %swap3A_594 = vector.shape_cast %add3A_589 : vector<16xf32> to vector<1x16xf32>
        tpu.vector_store %arg13[%swap3A_590, %swap3A_591], %swap3A_594 {strides = array<i32>} : memref<8x1024xf32, #tpu.memory_space<vmem>>, vector<1x16xf32>,
        %get3A_595 = arith.index_cast %add3A_232 : i32 to index
        %get3A_596 = arith.constant 416 : index
        %get3A_597 = tpu.vector_load %arg13[%get3A_595, %get3A_596] {strides = array<i32>} : memref<8x1024xf32, #tpu.memory_space<vmem>>, vector<1x16xf32>,
        %get3A_598 = vector.shape_cast %get3A_597 : vector<1x16xf32> to vector<16xf32>
        %get3A_599 = arith.index_cast %add3A_232 : i32 to index
        %get3A_600 = arith.constant 416 : index
        %get3A_601 = tpu.vector_load %arg9[%get3A_599, %get3A_600] {strides = array<i32>} : memref<8x1024xf32, #tpu.memory_space<vmem>>, vector<1x16xf32>,
        %get3A_602 = vector.shape_cast %get3A_601 : vector<1x16xf32> to vector<16xf32>
        %add3A_603 = arith.addf %get3A_598, %get3A_602 : vector<16xf32>
        %swap3A_604 = arith.index_cast %add3A_232 : i32 to index
        %swap3A_605 = arith.constant 416 : index
        %swap3A_606 = tpu.vector_load %arg13[%swap3A_604, %swap3A_605] {strides = array<i32>} : memref<8x1024xf32, #tpu.memory_space<vmem>>, vector<1x16xf32>,
        %swap3A_607 = vector.shape_cast %swap3A_606 : vector<1x16xf32> to vector<16xf32>
        %swap3A_608 = vector.shape_cast %add3A_603 : vector<16xf32> to vector<1x16xf32>
        tpu.vector_store %arg13[%swap3A_604, %swap3A_605], %swap3A_608 {strides = array<i32>} : memref<8x1024xf32, #tpu.memory_space<vmem>>, vector<1x16xf32>,
        %get3A_609 = arith.index_cast %add3A_232 : i32 to index
        %get3A_610 = arith.constant 432 : index
        %get3A_611 = tpu.vector_load %arg13[%get3A_609, %get3A_610] {strides = array<i32>} : memref<8x1024xf32, #tpu.memory_space<vmem>>, vector<1x16xf32>,
        %get3A_612 = vector.shape_cast %get3A_611 : vector<1x16xf32> to vector<16xf32>
        %get3A_613 = arith.index_cast %add3A_232 : i32 to index
        %get3A_614 = arith.constant 432 : index
        %get3A_615 = tpu.vector_load %arg9[%get3A_613, %get3A_614] {strides = array<i32>} : memref<8x1024xf32, #tpu.memory_space<vmem>>, vector<1x16xf32>,
        %get3A_616 = vector.shape_cast %get3A_615 : vector<1x16xf32> to vector<16xf32>
        %add3A_617 = arith.addf %get3A_612, %get3A_616 : vector<16xf32>
        %swap3A_618 = arith.index_cast %add3A_232 : i32 to index
        %swap3A_619 = arith.constant 432 : index
        %swap3A_620 = tpu.vector_load %arg13[%swap3A_618, %swap3A_619] {strides = array<i32>} : memref<8x1024xf32, #tpu.memory_space<vmem>>, vector<1x16xf32>,
        %swap3A_621 = vector.shape_cast %swap3A_620 : vector<1x16xf32> to vector<16xf32>
        %swap3A_622 = vector.shape_cast %add3A_617 : vector<16xf32> to vector<1x16xf32>
        tpu.vector_store %arg13[%swap3A_618, %swap3A_619], %swap3A_622 {strides = array<i32>} : memref<8x1024xf32, #tpu.memory_space<vmem>>, vector<1x16xf32>,
        %get3A_623 = arith.index_cast %add3A_232 : i32 to index
        %get3A_624 = arith.constant 448 : index
        %get3A_625 = tpu.vector_load %arg13[%get3A_623, %get3A_624] {strides = array<i32>} : memref<8x1024xf32, #tpu.memory_space<vmem>>, vector<1x16xf32>,
        %get3A_626 = vector.shape_cast %get3A_625 : vector<1x16xf32> to vector<16xf32>
        %get3A_627 = arith.index_cast %add3A_232 : i32 to index
        %get3A_628 = arith.constant 448 : index
        %get3A_629 = tpu.vector_load %arg9[%get3A_627, %get3A_628] {strides = array<i32>} : memref<8x1024xf32, #tpu.memory_space<vmem>>, vector<1x16xf32>,
        %get3A_630 = vector.shape_cast %get3A_629 : vector<1x16xf32> to vector<16xf32>
        %add3A_631 = arith.addf %get3A_626, %get3A_630 : vector<16xf32>
        %swap3A_632 = arith.index_cast %add3A_232 : i32 to index
        %swap3A_633 = arith.constant 448 : index
        %swap3A_634 = tpu.vector_load %arg13[%swap3A_632, %swap3A_633] {strides = array<i32>} : memref<8x1024xf32, #tpu.memory_space<vmem>>, vector<1x16xf32>,
        %swap3A_635 = vector.shape_cast %swap3A_634 : vector<1x16xf32> to vector<16xf32>
        %swap3A_636 = vector.shape_cast %add3A_631 : vector<16xf32> to vector<1x16xf32>
        tpu.vector_store %arg13[%swap3A_632, %swap3A_633], %swap3A_636 {strides = array<i32>} : memref<8x1024xf32, #tpu.memory_space<vmem>>, vector<1x16xf32>,
        %get3A_637 = arith.index_cast %add3A_232 : i32 to index
        %get3A_638 = arith.constant 464 : index
        %get3A_639 = tpu.vector_load %arg13[%get3A_637, %get3A_638] {strides = array<i32>} : memref<8x1024xf32, #tpu.memory_space<vmem>>, vector<1x16xf32>,
        %get3A_640 = vector.shape_cast %get3A_639 : vector<1x16xf32> to vector<16xf32>
        %get3A_641 = arith.index_cast %add3A_232 : i32 to index
        %get3A_642 = arith.constant 464 : index
        %get3A_643 = tpu.vector_load %arg9[%get3A_641, %get3A_642] {strides = array<i32>} : memref<8x1024xf32, #tpu.memory_space<vmem>>, vector<1x16xf32>,
        %get3A_644 = vector.shape_cast %get3A_643 : vector<1x16xf32> to vector<16xf32>
        %add3A_645 = arith.addf %get3A_640, %get3A_644 : vector<16xf32>
        %swap3A_646 = arith.index_cast %add3A_232 : i32 to index
        %swap3A_647 = arith.constant 464 : index
        %swap3A_648 = tpu.vector_load %arg13[%swap3A_646, %swap3A_647] {strides = array<i32>} : memref<8x1024xf32, #tpu.memory_space<vmem>>, vector<1x16xf32>,
        %swap3A_649 = vector.shape_cast %swap3A_648 : vector<1x16xf32> to vector<16xf32>
        %swap3A_650 = vector.shape_cast %add3A_645 : vector<16xf32> to vector<1x16xf32>
        tpu.vector_store %arg13[%swap3A_646, %swap3A_647], %swap3A_650 {strides = array<i32>} : memref<8x1024xf32, #tpu.memory_space<vmem>>, vector<1x16xf32>,
        %get3A_651 = arith.index_cast %add3A_232 : i32 to index
        %get3A_652 = arith.constant 480 : index
        %get3A_653 = tpu.vector_load %arg13[%get3A_651, %get3A_652] {strides = array<i32>} : memref<8x1024xf32, #tpu.memory_space<vmem>>, vector<1x16xf32>,
        %get3A_654 = vector.shape_cast %get3A_653 : vector<1x16xf32> to vector<16xf32>
        %get3A_655 = arith.index_cast %add3A_232 : i32 to index
        %get3A_656 = arith.constant 480 : index
        %get3A_657 = tpu.vector_load %arg9[%get3A_655, %get3A_656] {strides = array<i32>} : memref<8x1024xf32, #tpu.memory_space<vmem>>, vector<1x16xf32>,
        %get3A_658 = vector.shape_cast %get3A_657 : vector<1x16xf32> to vector<16xf32>
        %add3A_659 = arith.addf %get3A_654, %get3A_658 : vector<16xf32>
        %swap3A_660 = arith.index_cast %add3A_232 : i32 to index
        %swap3A_661 = arith.constant 480 : index
        %swap3A_662 = tpu.vector_load %arg13[%swap3A_660, %swap3A_661] {strides = array<i32>} : memref<8x1024xf32, #tpu.memory_space<vmem>>, vector<1x16xf32>,
        %swap3A_663 = vector.shape_cast %swap3A_662 : vector<1x16xf32> to vector<16xf32>
        %swap3A_664 = vector.shape_cast %add3A_659 : vector<16xf32> to vector<1x16xf32>
        tpu.vector_store %arg13[%swap3A_660, %swap3A_661], %swap3A_664 {strides = array<i32>} : memref<8x1024xf32, #tpu.memory_space<vmem>>, vector<1x16xf32>,
        %get3A_665 = arith.index_cast %add3A_232 : i32 to index
        %get3A_666 = arith.constant 496 : index
        %get3A_667 = tpu.vector_load %arg13[%get3A_665, %get3A_666] {strides = array<i32>} : memref<8x1024xf32, #tpu.memory_space<vmem>>, vector<1x16xf32>,
        %get3A_668 = vector.shape_cast %get3A_667 : vector<1x16xf32> to vector<16xf32>
        %get3A_669 = arith.index_cast %add3A_232 : i32 to index
        %get3A_670 = arith.constant 496 : index
        %get3A_671 = tpu.vector_load %arg9[%get3A_669, %get3A_670] {strides = array<i32>} : memref<8x1024xf32, #tpu.memory_space<vmem>>, vector<1x16xf32>,
        %get3A_672 = vector.shape_cast %get3A_671 : vector<1x16xf32> to vector<16xf32>
        %add3A_673 = arith.addf %get3A_668, %get3A_672 : vector<16xf32>
        %swap3A_674 = arith.index_cast %add3A_232 : i32 to index
        %swap3A_675 = arith.constant 496 : index
        %swap3A_676 = tpu.vector_load %arg13[%swap3A_674, %swap3A_675] {strides = array<i32>} : memref<8x1024xf32, #tpu.memory_space<vmem>>, vector<1x16xf32>,
        %swap3A_677 = vector.shape_cast %swap3A_676 : vector<1x16xf32> to vector<16xf32>
        %swap3A_678 = vector.shape_cast %add3A_673 : vector<16xf32> to vector<1x16xf32>
        tpu.vector_store %arg13[%swap3A_674, %swap3A_675], %swap3A_678 {strides = array<i32>} : memref<8x1024xf32, #tpu.memory_space<vmem>>, vector<1x16xf32>,
        %get3A_679 = arith.index_cast %add3A_232 : i32 to index
        %get3A_680 = arith.constant 512 : index
        %get3A_681 = tpu.vector_load %arg13[%get3A_679, %get3A_680] {strides = array<i32>} : memref<8x1024xf32, #tpu.memory_space<vmem>>, vector<1x16xf32>,
        %get3A_682 = vector.shape_cast %get3A_681 : vector<1x16xf32> to vector<16xf32>
        %get3A_683 = arith.index_cast %add3A_232 : i32 to index
        %get3A_684 = arith.constant 512 : index
        %get3A_685 = tpu.vector_load %arg9[%get3A_683, %get3A_684] {strides = array<i32>} : memref<8x1024xf32, #tpu.memory_space<vmem>>, vector<1x16xf32>,
        %get3A_686 = vector.shape_cast %get3A_685 : vector<1x16xf32> to vector<16xf32>
        %add3A_687 = arith.addf %get3A_682, %get3A_686 : vector<16xf32>
        %swap3A_688 = arith.index_cast %add3A_232 : i32 to index
        %swap3A_689 = arith.constant 512 : index
        %swap3A_690 = tpu.vector_load %arg13[%swap3A_688, %swap3A_689] {strides = array<i32>} : memref<8x1024xf32, #tpu.memory_space<vmem>>, vector<1x16xf32>,
        %swap3A_691 = vector.shape_cast %swap3A_690 : vector<1x16xf32> to vector<16xf32>
        %swap3A_692 = vector.shape_cast %add3A_687 : vector<16xf32> to vector<1x16xf32>
        tpu.vector_store %arg13[%swap3A_688, %swap3A_689], %swap3A_692 {strides = array<i32>} : memref<8x1024xf32, #tpu.memory_space<vmem>>, vector<1x16xf32>,
        %get3A_693 = arith.index_cast %add3A_232 : i32 to index
        %get3A_694 = arith.constant 528 : index
        %get3A_695 = tpu.vector_load %arg13[%get3A_693, %get3A_694] {strides = array<i32>} : memref<8x1024xf32, #tpu.memory_space<vmem>>, vector<1x16xf32>,
        %get3A_696 = vector.shape_cast %get3A_695 : vector<1x16xf32> to vector<16xf32>
        %get3A_697 = arith.index_cast %add3A_232 : i32 to index
        %get3A_698 = arith.constant 528 : index
        %get3A_699 = tpu.vector_load %arg9[%get3A_697, %get3A_698] {strides = array<i32>} : memref<8x1024xf32, #tpu.memory_space<vmem>>, vector<1x16xf32>,
        %get3A_700 = vector.shape_cast %get3A_699 : vector<1x16xf32> to vector<16xf32>
        %add3A_701 = arith.addf %get3A_696, %get3A_700 : vector<16xf32>
        %swap3A_702 = arith.index_cast %add3A_232 : i32 to index
        %swap3A_703 = arith.constant 528 : index
        %swap3A_704 = tpu.vector_load %arg13[%swap3A_702, %swap3A_703] {strides = array<i32>} : memref<8x1024xf32, #tpu.memory_space<vmem>>, vector<1x16xf32>,
        %swap3A_705 = vector.shape_cast %swap3A_704 : vector<1x16xf32> to vector<16xf32>
        %swap3A_706 = vector.shape_cast %add3A_701 : vector<16xf32> to vector<1x16xf32>
        tpu.vector_store %arg13[%swap3A_702, %swap3A_703], %swap3A_706 {strides = array<i32>} : memref<8x1024xf32, #tpu.memory_space<vmem>>, vector<1x16xf32>,
        %get3A_707 = arith.index_cast %add3A_232 : i32 to index
        %get3A_708 = arith.constant 544 : index
        %get3A_709 = tpu.vector_load %arg13[%get3A_707, %get3A_708] {strides = array<i32>} : memref<8x1024xf32, #tpu.memory_space<vmem>>, vector<1x16xf32>,
        %get3A_710 = vector.shape_cast %get3A_709 : vector<1x16xf32> to vector<16xf32>
        %get3A_711 = arith.index_cast %add3A_232 : i32 to index
        %get3A_712 = arith.constant 544 : index
        %get3A_713 = tpu.vector_load %arg9[%get3A_711, %get3A_712] {strides = array<i32>} : memref<8x1024xf32, #tpu.memory_space<vmem>>, vector<1x16xf32>,
        %get3A_714 = vector.shape_cast %get3A_713 : vector<1x16xf32> to vector<16xf32>
        %add3A_715 = arith.addf %get3A_710, %get3A_714 : vector<16xf32>
        %swap3A_716 = arith.index_cast %add3A_232 : i32 to index
        %swap3A_717 = arith.constant 544 : index
        %swap3A_718 = tpu.vector_load %arg13[%swap3A_716, %swap3A_717] {strides = array<i32>} : memref<8x1024xf32, #tpu.memory_space<vmem>>, vector<1x16xf32>,
        %swap3A_719 = vector.shape_cast %swap3A_718 : vector<1x16xf32> to vector<16xf32>
        %swap3A_720 = vector.shape_cast %add3A_715 : vector<16xf32> to vector<1x16xf32>
        tpu.vector_store %arg13[%swap3A_716, %swap3A_717], %swap3A_720 {strides = array<i32>} : memref<8x1024xf32, #tpu.memory_space<vmem>>, vector<1x16xf32>,
        %get3A_721 = arith.index_cast %add3A_232 : i32 to index
        %get3A_722 = arith.constant 560 : index
        %get3A_723 = tpu.vector_load %arg13[%get3A_721, %get3A_722] {strides = array<i32>} : memref<8x1024xf32, #tpu.memory_space<vmem>>, vector<1x16xf32>,
        %get3A_724 = vector.shape_cast %get3A_723 : vector<1x16xf32> to vector<16xf32>
        %get3A_725 = arith.index_cast %add3A_232 : i32 to index
        %get3A_726 = arith.constant 560 : index
        %get3A_727 = tpu.vector_load %arg9[%get3A_725, %get3A_726] {strides = array<i32>} : memref<8x1024xf32, #tpu.memory_space<vmem>>, vector<1x16xf32>,
        %get3A_728 = vector.shape_cast %get3A_727 : vector<1x16xf32> to vector<16xf32>
        %add3A_729 = arith.addf %get3A_724, %get3A_728 : vector<16xf32>
        %swap3A_730 = arith.index_cast %add3A_232 : i32 to index
        %swap3A_731 = arith.constant 560 : index
        %swap3A_732 = tpu.vector_load %arg13[%swap3A_730, %swap3A_731] {strides = array<i32>} : memref<8x1024xf32, #tpu.memory_space<vmem>>, vector<1x16xf32>,
        %swap3A_733 = vector.shape_cast %swap3A_732 : vector<1x16xf32> to vector<16xf32>
        %swap3A_734 = vector.shape_cast %add3A_729 : vector<16xf32> to vector<1x16xf32>
        tpu.vector_store %arg13[%swap3A_730, %swap3A_731], %swap3A_734 {strides = array<i32>} : memref<8x1024xf32, #tpu.memory_space<vmem>>, vector<1x16xf32>,
        %get3A_735 = arith.index_cast %add3A_232 : i32 to index
        %get3A_736 = arith.constant 576 : index
        %get3A_737 = tpu.vector_load %arg13[%get3A_735, %get3A_736] {strides = array<i32>} : memref<8x1024xf32, #tpu.memory_space<vmem>>, vector<1x16xf32>,
        %get3A_738 = vector.shape_cast %get3A_737 : vector<1x16xf32> to vector<16xf32>
        %get3A_739 = arith.index_cast %add3A_232 : i32 to index
        %get3A_740 = arith.constant 576 : index
        %get3A_741 = tpu.vector_load %arg9[%get3A_739, %get3A_740] {strides = array<i32>} : memref<8x1024xf32, #tpu.memory_space<vmem>>, vector<1x16xf32>,
        %get3A_742 = vector.shape_cast %get3A_741 : vector<1x16xf32> to vector<16xf32>
        %add3A_743 = arith.addf %get3A_738, %get3A_742 : vector<16xf32>
        %swap3A_744 = arith.index_cast %add3A_232 : i32 to index
        %swap3A_745 = arith.constant 576 : index
        %swap3A_746 = tpu.vector_load %arg13[%swap3A_744, %swap3A_745] {strides = array<i32>} : memref<8x1024xf32, #tpu.memory_space<vmem>>, vector<1x16xf32>,
        %swap3A_747 = vector.shape_cast %swap3A_746 : vector<1x16xf32> to vector<16xf32>
        %swap3A_748 = vector.shape_cast %add3A_743 : vector<16xf32> to vector<1x16xf32>
        tpu.vector_store %arg13[%swap3A_744, %swap3A_745], %swap3A_748 {strides = array<i32>} : memref<8x1024xf32, #tpu.memory_space<vmem>>, vector<1x16xf32>,
        %get3A_749 = arith.index_cast %add3A_232 : i32 to index
        %get3A_750 = arith.constant 592 : index
        %get3A_751 = tpu.vector_load %arg13[%get3A_749, %get3A_750] {strides = array<i32>} : memref<8x1024xf32, #tpu.memory_space<vmem>>, vector<1x16xf32>,
        %get3A_752 = vector.shape_cast %get3A_751 : vector<1x16xf32> to vector<16xf32>
        %get3A_753 = arith.index_cast %add3A_232 : i32 to index
        %get3A_754 = arith.constant 592 : index
        %get3A_755 = tpu.vector_load %arg9[%get3A_753, %get3A_754] {strides = array<i32>} : memref<8x1024xf32, #tpu.memory_space<vmem>>, vector<1x16xf32>,
        %get3A_756 = vector.shape_cast %get3A_755 : vector<1x16xf32> to vector<16xf32>
        %add3A_757 = arith.addf %get3A_752, %get3A_756 : vector<16xf32>
        %swap3A_758 = arith.index_cast %add3A_232 : i32 to index
        %swap3A_759 = arith.constant 592 : index
        %swap3A_760 = tpu.vector_load %arg13[%swap3A_758, %swap3A_759] {strides = array<i32>} : memref<8x1024xf32, #tpu.memory_space<vmem>>, vector<1x16xf32>,
        %swap3A_761 = vector.shape_cast %swap3A_760 : vector<1x16xf32> to vector<16xf32>
        %swap3A_762 = vector.shape_cast %add3A_757 : vector<16xf32> to vector<1x16xf32>
        tpu.vector_store %arg13[%swap3A_758, %swap3A_759], %swap3A_762 {strides = array<i32>} : memref<8x1024xf32, #tpu.memory_space<vmem>>, vector<1x16xf32>,
        %get3A_763 = arith.index_cast %add3A_232 : i32 to index
        %get3A_764 = arith.constant 608 : index
        %get3A_765 = tpu.vector_load %arg13[%get3A_763, %get3A_764] {strides = array<i32>} : memref<8x1024xf32, #tpu.memory_space<vmem>>, vector<1x16xf32>,
        %get3A_766 = vector.shape_cast %get3A_765 : vector<1x16xf32> to vector<16xf32>
        %get3A_767 = arith.index_cast %add3A_232 : i32 to index
        %get3A_768 = arith.constant 608 : index
        %get3A_769 = tpu.vector_load %arg9[%get3A_767, %get3A_768] {strides = array<i32>} : memref<8x1024xf32, #tpu.memory_space<vmem>>, vector<1x16xf32>,
        %get3A_770 = vector.shape_cast %get3A_769 : vector<1x16xf32> to vector<16xf32>
        %add3A_771 = arith.addf %get3A_766, %get3A_770 : vector<16xf32>
        %swap3A_772 = arith.index_cast %add3A_232 : i32 to index
        %swap3A_773 = arith.constant 608 : index
        %swap3A_774 = tpu.vector_load %arg13[%swap3A_772, %swap3A_773] {strides = array<i32>} : memref<8x1024xf32, #tpu.memory_space<vmem>>, vector<1x16xf32>,
        %swap3A_775 = vector.shape_cast %swap3A_774 : vector<1x16xf32> to vector<16xf32>
        %swap3A_776 = vector.shape_cast %add3A_771 : vector<16xf32> to vector<1x16xf32>
        tpu.vector_store %arg13[%swap3A_772, %swap3A_773], %swap3A_776 {strides = array<i32>} : memref<8x1024xf32, #tpu.memory_space<vmem>>, vector<1x16xf32>,
        %get3A_777 = arith.index_cast %add3A_232 : i32 to index
        %get3A_778 = arith.constant 624 : index
        %get3A_779 = tpu.vector_load %arg13[%get3A_777, %get3A_778] {strides = array<i32>} : memref<8x1024xf32, #tpu.memory_space<vmem>>, vector<1x16xf32>,
        %get3A_780 = vector.shape_cast %get3A_779 : vector<1x16xf32> to vector<16xf32>
        %get3A_781 = arith.index_cast %add3A_232 : i32 to index
        %get3A_782 = arith.constant 624 : index
        %get3A_783 = tpu.vector_load %arg9[%get3A_781, %get3A_782] {strides = array<i32>} : memref<8x1024xf32, #tpu.memory_space<vmem>>, vector<1x16xf32>,
        %get3A_784 = vector.shape_cast %get3A_783 : vector<1x16xf32> to vector<16xf32>
        %add3A_785 = arith.addf %get3A_780, %get3A_784 : vector<16xf32>
        %swap3A_786 = arith.index_cast %add3A_232 : i32 to index
        %swap3A_787 = arith.constant 624 : index
        %swap3A_788 = tpu.vector_load %arg13[%swap3A_786, %swap3A_787] {strides = array<i32>} : memref<8x1024xf32, #tpu.memory_space<vmem>>, vector<1x16xf32>,
        %swap3A_789 = vector.shape_cast %swap3A_788 : vector<1x16xf32> to vector<16xf32>
        %swap3A_790 = vector.shape_cast %add3A_785 : vector<16xf32> to vector<1x16xf32>
        tpu.vector_store %arg13[%swap3A_786, %swap3A_787], %swap3A_790 {strides = array<i32>} : memref<8x1024xf32, #tpu.memory_space<vmem>>, vector<1x16xf32>,
        %get3A_791 = arith.index_cast %add3A_232 : i32 to index
        %get3A_792 = arith.constant 640 : index
        %get3A_793 = tpu.vector_load %arg13[%get3A_791, %get3A_792] {strides = array<i32>} : memref<8x1024xf32, #tpu.memory_space<vmem>>, vector<1x16xf32>,
        %get3A_794 = vector.shape_cast %get3A_793 : vector<1x16xf32> to vector<16xf32>
        %get3A_795 = arith.index_cast %add3A_232 : i32 to index
        %get3A_796 = arith.constant 640 : index
        %get3A_797 = tpu.vector_load %arg9[%get3A_795, %get3A_796] {strides = array<i32>} : memref<8x1024xf32, #tpu.memory_space<vmem>>, vector<1x16xf32>,
        %get3A_798 = vector.shape_cast %get3A_797 : vector<1x16xf32> to vector<16xf32>
        %add3A_799 = arith.addf %get3A_794, %get3A_798 : vector<16xf32>
        %swap3A_800 = arith.index_cast %add3A_232 : i32 to index
        %swap3A_801 = arith.constant 640 : index
        %swap3A_802 = tpu.vector_load %arg13[%swap3A_800, %swap3A_801] {strides = array<i32>} : memref<8x1024xf32, #tpu.memory_space<vmem>>, vector<1x16xf32>,
        %swap3A_803 = vector.shape_cast %swap3A_802 : vector<1x16xf32> to vector<16xf32>
        %swap3A_804 = vector.shape_cast %add3A_799 : vector<16xf32> to vector<1x16xf32>
        tpu.vector_store %arg13[%swap3A_800, %swap3A_801], %swap3A_804 {strides = array<i32>} : memref<8x1024xf32, #tpu.memory_space<vmem>>, vector<1x16xf32>,
        %get3A_805 = arith.index_cast %add3A_232 : i32 to index
        %get3A_806 = arith.constant 656 : index
        %get3A_807 = tpu.vector_load %arg13[%get3A_805, %get3A_806] {strides = array<i32>} : memref<8x1024xf32, #tpu.memory_space<vmem>>, vector<1x16xf32>,
        %get3A_808 = vector.shape_cast %get3A_807 : vector<1x16xf32> to vector<16xf32>
        %get3A_809 = arith.index_cast %add3A_232 : i32 to index
        %get3A_810 = arith.constant 656 : index
        %get3A_811 = tpu.vector_load %arg9[%get3A_809, %get3A_810] {strides = array<i32>} : memref<8x1024xf32, #tpu.memory_space<vmem>>, vector<1x16xf32>,
        %get3A_812 = vector.shape_cast %get3A_811 : vector<1x16xf32> to vector<16xf32>
        %add3A_813 = arith.addf %get3A_808, %get3A_812 : vector<16xf32>
        %swap3A_814 = arith.index_cast %add3A_232 : i32 to index
        %swap3A_815 = arith.constant 656 : index
        %swap3A_816 = tpu.vector_load %arg13[%swap3A_814, %swap3A_815] {strides = array<i32>} : memref<8x1024xf32, #tpu.memory_space<vmem>>, vector<1x16xf32>,
        %swap3A_817 = vector.shape_cast %swap3A_816 : vector<1x16xf32> to vector<16xf32>
        %swap3A_818 = vector.shape_cast %add3A_813 : vector<16xf32> to vector<1x16xf32>
        tpu.vector_store %arg13[%swap3A_814, %swap3A_815], %swap3A_818 {strides = array<i32>} : memref<8x1024xf32, #tpu.memory_space<vmem>>, vector<1x16xf32>,
        %get3A_819 = arith.index_cast %add3A_232 : i32 to index
        %get3A_820 = arith.constant 672 : index
        %get3A_821 = tpu.vector_load %arg13[%get3A_819, %get3A_820] {strides = array<i32>} : memref<8x1024xf32, #tpu.memory_space<vmem>>, vector<1x16xf32>,
        %get3A_822 = vector.shape_cast %get3A_821 : vector<1x16xf32> to vector<16xf32>
        %get3A_823 = arith.index_cast %add3A_232 : i32 to index
        %get3A_824 = arith.constant 672 : index
        %get3A_825 = tpu.vector_load %arg9[%get3A_823, %get3A_824] {strides = array<i32>} : memref<8x1024xf32, #tpu.memory_space<vmem>>, vector<1x16xf32>,
        %get3A_826 = vector.shape_cast %get3A_825 : vector<1x16xf32> to vector<16xf32>
        %add3A_827 = arith.addf %get3A_822, %get3A_826 : vector<16xf32>
        %swap3A_828 = arith.index_cast %add3A_232 : i32 to index
        %swap3A_829 = arith.constant 672 : index
        %swap3A_830 = tpu.vector_load %arg13[%swap3A_828, %swap3A_829] {strides = array<i32>} : memref<8x1024xf32, #tpu.memory_space<vmem>>, vector<1x16xf32>,
        %swap3A_831 = vector.shape_cast %swap3A_830 : vector<1x16xf32> to vector<16xf32>
        %swap3A_832 = vector.shape_cast %add3A_827 : vector<16xf32> to vector<1x16xf32>
        tpu.vector_store %arg13[%swap3A_828, %swap3A_829], %swap3A_832 {strides = array<i32>} : memref<8x1024xf32, #tpu.memory_space<vmem>>, vector<1x16xf32>,
        %get3A_833 = arith.index_cast %add3A_232 : i32 to index
        %get3A_834 = arith.constant 688 : index
        %get3A_835 = tpu.vector_load %arg13[%get3A_833, %get3A_834] {strides = array<i32>} : memref<8x1024xf32, #tpu.memory_space<vmem>>, vector<1x16xf32>,
        %get3A_836 = vector.shape_cast %get3A_835 : vector<1x16xf32> to vector<16xf32>
        %get3A_837 = arith.index_cast %add3A_232 : i32 to index
        %get3A_838 = arith.constant 688 : index
        %get3A_839 = tpu.vector_load %arg9[%get3A_837, %get3A_838] {strides = array<i32>} : memref<8x1024xf32, #tpu.memory_space<vmem>>, vector<1x16xf32>,
        %get3A_840 = vector.shape_cast %get3A_839 : vector<1x16xf32> to vector<16xf32>
        %add3A_841 = arith.addf %get3A_836, %get3A_840 : vector<16xf32>
        %swap3A_842 = arith.index_cast %add3A_232 : i32 to index
        %swap3A_843 = arith.constant 688 : index
        %swap3A_844 = tpu.vector_load %arg13[%swap3A_842, %swap3A_843] {strides = array<i32>} : memref<8x1024xf32, #tpu.memory_space<vmem>>, vector<1x16xf32>,
        %swap3A_845 = vector.shape_cast %swap3A_844 : vector<1x16xf32> to vector<16xf32>
        %swap3A_846 = vector.shape_cast %add3A_841 : vector<16xf32> to vector<1x16xf32>
        tpu.vector_store %arg13[%swap3A_842, %swap3A_843], %swap3A_846 {strides = array<i32>} : memref<8x1024xf32, #tpu.memory_space<vmem>>, vector<1x16xf32>,
        %get3A_847 = arith.index_cast %add3A_232 : i32 to index
        %get3A_848 = arith.constant 704 : index
        %get3A_849 = tpu.vector_load %arg13[%get3A_847, %get3A_848] {strides = array<i32>} : memref<8x1024xf32, #tpu.memory_space<vmem>>, vector<1x16xf32>,
        %get3A_850 = vector.shape_cast %get3A_849 : vector<1x16xf32> to vector<16xf32>
        %get3A_851 = arith.index_cast %add3A_232 : i32 to index
        %get3A_852 = arith.constant 704 : index
        %get3A_853 = tpu.vector_load %arg9[%get3A_851, %get3A_852] {strides = array<i32>} : memref<8x1024xf32, #tpu.memory_space<vmem>>, vector<1x16xf32>,
        %get3A_854 = vector.shape_cast %get3A_853 : vector<1x16xf32> to vector<16xf32>
        %add3A_855 = arith.addf %get3A_850, %get3A_854 : vector<16xf32>
        %swap3A_856 = arith.index_cast %add3A_232 : i32 to index
        %swap3A_857 = arith.constant 704 : index
        %swap3A_858 = tpu.vector_load %arg13[%swap3A_856, %swap3A_857] {strides = array<i32>} : memref<8x1024xf32, #tpu.memory_space<vmem>>, vector<1x16xf32>,
        %swap3A_859 = vector.shape_cast %swap3A_858 : vector<1x16xf32> to vector<16xf32>
        %swap3A_860 = vector.shape_cast %add3A_855 : vector<16xf32> to vector<1x16xf32>
        tpu.vector_store %arg13[%swap3A_856, %swap3A_857], %swap3A_860 {strides = array<i32>} : memref<8x1024xf32, #tpu.memory_space<vmem>>, vector<1x16xf32>,
        %get3A_861 = arith.index_cast %add3A_232 : i32 to index
        %get3A_862 = arith.constant 720 : index
        %get3A_863 = tpu.vector_load %arg13[%get3A_861, %get3A_862] {strides = array<i32>} : memref<8x1024xf32, #tpu.memory_space<vmem>>, vector<1x16xf32>,
        %get3A_864 = vector.shape_cast %get3A_863 : vector<1x16xf32> to vector<16xf32>
        %get3A_865 = arith.index_cast %add3A_232 : i32 to index
        %get3A_866 = arith.constant 720 : index
        %get3A_867 = tpu.vector_load %arg9[%get3A_865, %get3A_866] {strides = array<i32>} : memref<8x1024xf32, #tpu.memory_space<vmem>>, vector<1x16xf32>,
        %get3A_868 = vector.shape_cast %get3A_867 : vector<1x16xf32> to vector<16xf32>
        %add3A_869 = arith.addf %get3A_864, %get3A_868 : vector<16xf32>
        %swap3A_870 = arith.index_cast %add3A_232 : i32 to index
        %swap3A_871 = arith.constant 720 : index
        %swap3A_872 = tpu.vector_load %arg13[%swap3A_870, %swap3A_871] {strides = array<i32>} : memref<8x1024xf32, #tpu.memory_space<vmem>>, vector<1x16xf32>,
        %swap3A_873 = vector.shape_cast %swap3A_872 : vector<1x16xf32> to vector<16xf32>
        %swap3A_874 = vector.shape_cast %add3A_869 : vector<16xf32> to vector<1x16xf32>
        tpu.vector_store %arg13[%swap3A_870, %swap3A_871], %swap3A_874 {strides = array<i32>} : memref<8x1024xf32, #tpu.memory_space<vmem>>, vector<1x16xf32>,
        %get3A_875 = arith.index_cast %add3A_232 : i32 to index
        %get3A_876 = arith.constant 736 : index
        %get3A_877 = tpu.vector_load %arg13[%get3A_875, %get3A_876] {strides = array<i32>} : memref<8x1024xf32, #tpu.memory_space<vmem>>, vector<1x16xf32>,
        %get3A_878 = vector.shape_cast %get3A_877 : vector<1x16xf32> to vector<16xf32>
        %get3A_879 = arith.index_cast %add3A_232 : i32 to index
        %get3A_880 = arith.constant 736 : index
        %get3A_881 = tpu.vector_load %arg9[%get3A_879, %get3A_880] {strides = array<i32>} : memref<8x1024xf32, #tpu.memory_space<vmem>>, vector<1x16xf32>,
        %get3A_882 = vector.shape_cast %get3A_881 : vector<1x16xf32> to vector<16xf32>
        %add3A_883 = arith.addf %get3A_878, %get3A_882 : vector<16xf32>
        %swap3A_884 = arith.index_cast %add3A_232 : i32 to index
        %swap3A_885 = arith.constant 736 : index
        %swap3A_886 = tpu.vector_load %arg13[%swap3A_884, %swap3A_885] {strides = array<i32>} : memref<8x1024xf32, #tpu.memory_space<vmem>>, vector<1x16xf32>,
        %swap3A_887 = vector.shape_cast %swap3A_886 : vector<1x16xf32> to vector<16xf32>
        %swap3A_888 = vector.shape_cast %add3A_883 : vector<16xf32> to vector<1x16xf32>
        tpu.vector_store %arg13[%swap3A_884, %swap3A_885], %swap3A_888 {strides = array<i32>} : memref<8x1024xf32, #tpu.memory_space<vmem>>, vector<1x16xf32>,
        %get3A_889 = arith.index_cast %add3A_232 : i32 to index
        %get3A_890 = arith.constant 752 : index
        %get3A_891 = tpu.vector_load %arg13[%get3A_889, %get3A_890] {strides = array<i32>} : memref<8x1024xf32, #tpu.memory_space<vmem>>, vector<1x16xf32>,
        %get3A_892 = vector.shape_cast %get3A_891 : vector<1x16xf32> to vector<16xf32>
        %get3A_893 = arith.index_cast %add3A_232 : i32 to index
        %get3A_894 = arith.constant 752 : index
        %get3A_895 = tpu.vector_load %arg9[%get3A_893, %get3A_894] {strides = array<i32>} : memref<8x1024xf32, #tpu.memory_space<vmem>>, vector<1x16xf32>,
        %get3A_896 = vector.shape_cast %get3A_895 : vector<1x16xf32> to vector<16xf32>
        %add3A_897 = arith.addf %get3A_892, %get3A_896 : vector<16xf32>
        %swap3A_898 = arith.index_cast %add3A_232 : i32 to index
        %swap3A_899 = arith.constant 752 : index
        %swap3A_900 = tpu.vector_load %arg13[%swap3A_898, %swap3A_899] {strides = array<i32>} : memref<8x1024xf32, #tpu.memory_space<vmem>>, vector<1x16xf32>,
        %swap3A_901 = vector.shape_cast %swap3A_900 : vector<1x16xf32> to vector<16xf32>
        %swap3A_902 = vector.shape_cast %add3A_897 : vector<16xf32> to vector<1x16xf32>
        tpu.vector_store %arg13[%swap3A_898, %swap3A_899], %swap3A_902 {strides = array<i32>} : memref<8x1024xf32, #tpu.memory_space<vmem>>, vector<1x16xf32>,
        %get3A_903 = arith.index_cast %add3A_232 : i32 to index
        %get3A_904 = arith.constant 768 : index
        %get3A_905 = tpu.vector_load %arg13[%get3A_903, %get3A_904] {strides = array<i32>} : memref<8x1024xf32, #tpu.memory_space<vmem>>, vector<1x16xf32>,
        %get3A_906 = vector.shape_cast %get3A_905 : vector<1x16xf32> to vector<16xf32>
        %get3A_907 = arith.index_cast %add3A_232 : i32 to index
        %get3A_908 = arith.constant 768 : index
        %get3A_909 = tpu.vector_load %arg9[%get3A_907, %get3A_908] {strides = array<i32>} : memref<8x1024xf32, #tpu.memory_space<vmem>>, vector<1x16xf32>,
        %get3A_910 = vector.shape_cast %get3A_909 : vector<1x16xf32> to vector<16xf32>
        %add3A_911 = arith.addf %get3A_906, %get3A_910 : vector<16xf32>
        %swap3A_912 = arith.index_cast %add3A_232 : i32 to index
        %swap3A_913 = arith.constant 768 : index
        %swap3A_914 = tpu.vector_load %arg13[%swap3A_912, %swap3A_913] {strides = array<i32>} : memref<8x1024xf32, #tpu.memory_space<vmem>>, vector<1x16xf32>,
        %swap3A_915 = vector.shape_cast %swap3A_914 : vector<1x16xf32> to vector<16xf32>
        %swap3A_916 = vector.shape_cast %add3A_911 : vector<16xf32> to vector<1x16xf32>
        tpu.vector_store %arg13[%swap3A_912, %swap3A_913], %swap3A_916 {strides = array<i32>} : memref<8x1024xf32, #tpu.memory_space<vmem>>, vector<1x16xf32>,
        %get3A_917 = arith.index_cast %add3A_232 : i32 to index
        %get3A_918 = arith.constant 784 : index
        %get3A_919 = tpu.vector_load %arg13[%get3A_917, %get3A_918] {strides = array<i32>} : memref<8x1024xf32, #tpu.memory_space<vmem>>, vector<1x16xf32>,
        %get3A_920 = vector.shape_cast %get3A_919 : vector<1x16xf32> to vector<16xf32>
        %get3A_921 = arith.index_cast %add3A_232 : i32 to index
        %get3A_922 = arith.constant 784 : index
        %get3A_923 = tpu.vector_load %arg9[%get3A_921, %get3A_922] {strides = array<i32>} : memref<8x1024xf32, #tpu.memory_space<vmem>>, vector<1x16xf32>,
        %get3A_924 = vector.shape_cast %get3A_923 : vector<1x16xf32> to vector<16xf32>
        %add3A_925 = arith.addf %get3A_920, %get3A_924 : vector<16xf32>
        %swap3A_926 = arith.index_cast %add3A_232 : i32 to index
        %swap3A_927 = arith.constant 784 : index
        %swap3A_928 = tpu.vector_load %arg13[%swap3A_926, %swap3A_927] {strides = array<i32>} : memref<8x1024xf32, #tpu.memory_space<vmem>>, vector<1x16xf32>,
        %swap3A_929 = vector.shape_cast %swap3A_928 : vector<1x16xf32> to vector<16xf32>
        %swap3A_930 = vector.shape_cast %add3A_925 : vector<16xf32> to vector<1x16xf32>
        tpu.vector_store %arg13[%swap3A_926, %swap3A_927], %swap3A_930 {strides = array<i32>} : memref<8x1024xf32, #tpu.memory_space<vmem>>, vector<1x16xf32>,
        %get3A_931 = arith.index_cast %add3A_232 : i32 to index
        %get3A_932 = arith.constant 800 : index
        %get3A_933 = tpu.vector_load %arg13[%get3A_931, %get3A_932] {strides = array<i32>} : memref<8x1024xf32, #tpu.memory_space<vmem>>, vector<1x16xf32>,
        %get3A_934 = vector.shape_cast %get3A_933 : vector<1x16xf32> to vector<16xf32>
        %get3A_935 = arith.index_cast %add3A_232 : i32 to index
        %get3A_936 = arith.constant 800 : index
        %get3A_937 = tpu.vector_load %arg9[%get3A_935, %get3A_936] {strides = array<i32>} : memref<8x1024xf32, #tpu.memory_space<vmem>>, vector<1x16xf32>,
        %get3A_938 = vector.shape_cast %get3A_937 : vector<1x16xf32> to vector<16xf32>
        %add3A_939 = arith.addf %get3A_934, %get3A_938 : vector<16xf32>
        %swap3A_940 = arith.index_cast %add3A_232 : i32 to index
        %swap3A_941 = arith.constant 800 : index
        %swap3A_942 = tpu.vector_load %arg13[%swap3A_940, %swap3A_941] {strides = array<i32>} : memref<8x1024xf32, #tpu.memory_space<vmem>>, vector<1x16xf32>,
        %swap3A_943 = vector.shape_cast %swap3A_942 : vector<1x16xf32> to vector<16xf32>
        %swap3A_944 = vector.shape_cast %add3A_939 : vector<16xf32> to vector<1x16xf32>
        tpu.vector_store %arg13[%swap3A_940, %swap3A_941], %swap3A_944 {strides = array<i32>} : memref<8x1024xf32, #tpu.memory_space<vmem>>, vector<1x16xf32>,
        %get3A_945 = arith.index_cast %add3A_232 : i32 to index
        %get3A_946 = arith.constant 816 : index
        %get3A_947 = tpu.vector_load %arg13[%get3A_945, %get3A_946] {strides = array<i32>} : memref<8x1024xf32, #tpu.memory_space<vmem>>, vector<1x16xf32>,
        %get3A_948 = vector.shape_cast %get3A_947 : vector<1x16xf32> to vector<16xf32>
        %get3A_949 = arith.index_cast %add3A_232 : i32 to index
        %get3A_950 = arith.constant 816 : index
        %get3A_951 = tpu.vector_load %arg9[%get3A_949, %get3A_950] {strides = array<i32>} : memref<8x1024xf32, #tpu.memory_space<vmem>>, vector<1x16xf32>,
        %get3A_952 = vector.shape_cast %get3A_951 : vector<1x16xf32> to vector<16xf32>
        %add3A_953 = arith.addf %get3A_948, %get3A_952 : vector<16xf32>
        %swap3A_954 = arith.index_cast %add3A_232 : i32 to index
        %swap3A_955 = arith.constant 816 : index
        %swap3A_956 = tpu.vector_load %arg13[%swap3A_954, %swap3A_955] {strides = array<i32>} : memref<8x1024xf32, #tpu.memory_space<vmem>>, vector<1x16xf32>,
        %swap3A_957 = vector.shape_cast %swap3A_956 : vector<1x16xf32> to vector<16xf32>
        %swap3A_958 = vector.shape_cast %add3A_953 : vector<16xf32> to vector<1x16xf32>
        tpu.vector_store %arg13[%swap3A_954, %swap3A_955], %swap3A_958 {strides = array<i32>} : memref<8x1024xf32, #tpu.memory_space<vmem>>, vector<1x16xf32>,
        %get3A_959 = arith.index_cast %add3A_232 : i32 to index
        %get3A_960 = arith.constant 832 : index
        %get3A_961 = tpu.vector_load %arg13[%get3A_959, %get3A_960] {strides = array<i32>} : memref<8x1024xf32, #tpu.memory_space<vmem>>, vector<1x16xf32>,
        %get3A_962 = vector.shape_cast %get3A_961 : vector<1x16xf32> to vector<16xf32>
        %get3A_963 = arith.index_cast %add3A_232 : i32 to index
        %get3A_964 = arith.constant 832 : index
        %get3A_965 = tpu.vector_load %arg9[%get3A_963, %get3A_964] {strides = array<i32>} : memref<8x1024xf32, #tpu.memory_space<vmem>>, vector<1x16xf32>,
        %get3A_966 = vector.shape_cast %get3A_965 : vector<1x16xf32> to vector<16xf32>
        %add3A_967 = arith.addf %get3A_962, %get3A_966 : vector<16xf32>
        %swap3A_968 = arith.index_cast %add3A_232 : i32 to index
        %swap3A_969 = arith.constant 832 : index
        %swap3A_970 = tpu.vector_load %arg13[%swap3A_968, %swap3A_969] {strides = array<i32>} : memref<8x1024xf32, #tpu.memory_space<vmem>>, vector<1x16xf32>,
        %swap3A_971 = vector.shape_cast %swap3A_970 : vector<1x16xf32> to vector<16xf32>
        %swap3A_972 = vector.shape_cast %add3A_967 : vector<16xf32> to vector<1x16xf32>
        tpu.vector_store %arg13[%swap3A_968, %swap3A_969], %swap3A_972 {strides = array<i32>} : memref<8x1024xf32, #tpu.memory_space<vmem>>, vector<1x16xf32>,
        %get3A_973 = arith.index_cast %add3A_232 : i32 to index
        %get3A_974 = arith.constant 848 : index
        %get3A_975 = tpu.vector_load %arg13[%get3A_973, %get3A_974] {strides = array<i32>} : memref<8x1024xf32, #tpu.memory_space<vmem>>, vector<1x16xf32>,
        %get3A_976 = vector.shape_cast %get3A_975 : vector<1x16xf32> to vector<16xf32>
        %get3A_977 = arith.index_cast %add3A_232 : i32 to index
        %get3A_978 = arith.constant 848 : index
        %get3A_979 = tpu.vector_load %arg9[%get3A_977, %get3A_978] {strides = array<i32>} : memref<8x1024xf32, #tpu.memory_space<vmem>>, vector<1x16xf32>,
        %get3A_980 = vector.shape_cast %get3A_979 : vector<1x16xf32> to vector<16xf32>
        %add3A_981 = arith.addf %get3A_976, %get3A_980 : vector<16xf32>
        %swap3A_982 = arith.index_cast %add3A_232 : i32 to index
        %swap3A_983 = arith.constant 848 : index
        %swap3A_984 = tpu.vector_load %arg13[%swap3A_982, %swap3A_983] {strides = array<i32>} : memref<8x1024xf32, #tpu.memory_space<vmem>>, vector<1x16xf32>,
        %swap3A_985 = vector.shape_cast %swap3A_984 : vector<1x16xf32> to vector<16xf32>
        %swap3A_986 = vector.shape_cast %add3A_981 : vector<16xf32> to vector<1x16xf32>
        tpu.vector_store %arg13[%swap3A_982, %swap3A_983], %swap3A_986 {strides = array<i32>} : memref<8x1024xf32, #tpu.memory_space<vmem>>, vector<1x16xf32>,
        %get3A_987 = arith.index_cast %add3A_232 : i32 to index
        %get3A_988 = arith.constant 864 : index
        %get3A_989 = tpu.vector_load %arg13[%get3A_987, %get3A_988] {strides = array<i32>} : memref<8x1024xf32, #tpu.memory_space<vmem>>, vector<1x16xf32>,
        %get3A_990 = vector.shape_cast %get3A_989 : vector<1x16xf32> to vector<16xf32>
        %get3A_991 = arith.index_cast %add3A_232 : i32 to index
        %get3A_992 = arith.constant 864 : index
        %get3A_993 = tpu.vector_load %arg9[%get3A_991, %get3A_992] {strides = array<i32>} : memref<8x1024xf32, #tpu.memory_space<vmem>>, vector<1x16xf32>,
        %get3A_994 = vector.shape_cast %get3A_993 : vector<1x16xf32> to vector<16xf32>
        %add3A_995 = arith.addf %get3A_990, %get3A_994 : vector<16xf32>
        %swap3A_996 = arith.index_cast %add3A_232 : i32 to index
        %swap3A_997 = arith.constant 864 : index
        %swap3A_998 = tpu.vector_load %arg13[%swap3A_996, %swap3A_997] {strides = array<i32>} : memref<8x1024xf32, #tpu.memory_space<vmem>>, vector<1x16xf32>,
        %swap3A_999 = vector.shape_cast %swap3A_998 : vector<1x16xf32> to vector<16xf32>
        %swap3A_1000 = vector.shape_cast %add3A_995 : vector<16xf32> to vector<1x16xf32>
        tpu.vector_store %arg13[%swap3A_996, %swap3A_997], %swap3A_1000 {strides = array<i32>} : memref<8x1024xf32, #tpu.memory_space<vmem>>, vector<1x16xf32>,
        %get3A_1001 = arith.index_cast %add3A_232 : i32 to index
        %get3A_1002 = arith.constant 880 : index
        %get3A_1003 = tpu.vector_load %arg13[%get3A_1001, %get3A_1002] {strides = array<i32>} : memref<8x1024xf32, #tpu.memory_space<vmem>>, vector<1x16xf32>,
        %get3A_1004 = vector.shape_cast %get3A_1003 : vector<1x16xf32> to vector<16xf32>
        %get3A_1005 = arith.index_cast %add3A_232 : i32 to index
        %get3A_1006 = arith.constant 880 : index
        %get3A_1007 = tpu.vector_load %arg9[%get3A_1005, %get3A_1006] {strides = array<i32>} : memref<8x1024xf32, #tpu.memory_space<vmem>>, vector<1x16xf32>,
        %get3A_1008 = vector.shape_cast %get3A_1007 : vector<1x16xf32> to vector<16xf32>
        %add3A_1009 = arith.addf %get3A_1004, %get3A_1008 : vector<16xf32>
        %swap3A_1010 = arith.index_cast %add3A_232 : i32 to index
        %swap3A_1011 = arith.constant 880 : index
        %swap3A_1012 = tpu.vector_load %arg13[%swap3A_1010, %swap3A_1011] {strides = array<i32>} : memref<8x1024xf32, #tpu.memory_space<vmem>>, vector<1x16xf32>,
        %swap3A_1013 = vector.shape_cast %swap3A_1012 : vector<1x16xf32> to vector<16xf32>
        %swap3A_1014 = vector.shape_cast %add3A_1009 : vector<16xf32> to vector<1x16xf32>
        tpu.vector_store %arg13[%swap3A_1010, %swap3A_1011], %swap3A_1014 {strides = array<i32>} : memref<8x1024xf32, #tpu.memory_space<vmem>>, vector<1x16xf32>,
        %get3A_1015 = arith.index_cast %add3A_232 : i32 to index
        %get3A_1016 = arith.constant 896 : index
        %get3A_1017 = tpu.vector_load %arg13[%get3A_1015, %get3A_1016] {strides = array<i32>} : memref<8x1024xf32, #tpu.memory_space<vmem>>, vector<1x16xf32>,
        %get3A_1018 = vector.shape_cast %get3A_1017 : vector<1x16xf32> to vector<16xf32>
        %get3A_1019 = arith.index_cast %add3A_232 : i32 to index
        %get3A_1020 = arith.constant 896 : index
        %get3A_1021 = tpu.vector_load %arg9[%get3A_1019, %get3A_1020] {strides = array<i32>} : memref<8x1024xf32, #tpu.memory_space<vmem>>, vector<1x16xf32>,
        %get3A_1022 = vector.shape_cast %get3A_1021 : vector<1x16xf32> to vector<16xf32>
        %add3A_1023 = arith.addf %get3A_1018, %get3A_1022 : vector<16xf32>
        %swap3A_1024 = arith.index_cast %add3A_232 : i32 to index
        %swap3A_1025 = arith.constant 896 : index
        %swap3A_1026 = tpu.vector_load %arg13[%swap3A_1024, %swap3A_1025] {strides = array<i32>} : memref<8x1024xf32, #tpu.memory_space<vmem>>, vector<1x16xf32>,
        %swap3A_1027 = vector.shape_cast %swap3A_1026 : vector<1x16xf32> to vector<16xf32>
        %swap3A_1028 = vector.shape_cast %add3A_1023 : vector<16xf32> to vector<1x16xf32>
        tpu.vector_store %arg13[%swap3A_1024, %swap3A_1025], %swap3A_1028 {strides = array<i32>} : memref<8x1024xf32, #tpu.memory_space<vmem>>, vector<1x16xf32>,
        %get3A_1029 = arith.index_cast %add3A_232 : i32 to index
        %get3A_1030 = arith.constant 912 : index
        %get3A_1031 = tpu.vector_load %arg13[%get3A_1029, %get3A_1030] {strides = array<i32>} : memref<8x1024xf32, #tpu.memory_space<vmem>>, vector<1x16xf32>,
        %get3A_1032 = vector.shape_cast %get3A_1031 : vector<1x16xf32> to vector<16xf32>
        %get3A_1033 = arith.index_cast %add3A_232 : i32 to index
        %get3A_1034 = arith.constant 912 : index
        %get3A_1035 = tpu.vector_load %arg9[%get3A_1033, %get3A_1034] {strides = array<i32>} : memref<8x1024xf32, #tpu.memory_space<vmem>>, vector<1x16xf32>,
        %get3A_1036 = vector.shape_cast %get3A_1035 : vector<1x16xf32> to vector<16xf32>
        %add3A_1037 = arith.addf %get3A_1032, %get3A_1036 : vector<16xf32>
        %swap3A_1038 = arith.index_cast %add3A_232 : i32 to index
        %swap3A_1039 = arith.constant 912 : index
        %swap3A_1040 = tpu.vector_load %arg13[%swap3A_1038, %swap3A_1039] {strides = array<i32>} : memref<8x1024xf32, #tpu.memory_space<vmem>>, vector<1x16xf32>,
        %swap3A_1041 = vector.shape_cast %swap3A_1040 : vector<1x16xf32> to vector<16xf32>
        %swap3A_1042 = vector.shape_cast %add3A_1037 : vector<16xf32> to vector<1x16xf32>
        tpu.vector_store %arg13[%swap3A_1038, %swap3A_1039], %swap3A_1042 {strides = array<i32>} : memref<8x1024xf32, #tpu.memory_space<vmem>>, vector<1x16xf32>,
        %get3A_1043 = arith.index_cast %add3A_232 : i32 to index
        %get3A_1044 = arith.constant 928 : index
        %get3A_1045 = tpu.vector_load %arg13[%get3A_1043, %get3A_1044] {strides = array<i32>} : memref<8x1024xf32, #tpu.memory_space<vmem>>, vector<1x16xf32>,
        %get3A_1046 = vector.shape_cast %get3A_1045 : vector<1x16xf32> to vector<16xf32>
        %get3A_1047 = arith.index_cast %add3A_232 : i32 to index
        %get3A_1048 = arith.constant 928 : index
        %get3A_1049 = tpu.vector_load %arg9[%get3A_1047, %get3A_1048] {strides = array<i32>} : memref<8x1024xf32, #tpu.memory_space<vmem>>, vector<1x16xf32>,
        %get3A_1050 = vector.shape_cast %get3A_1049 : vector<1x16xf32> to vector<16xf32>
        %add3A_1051 = arith.addf %get3A_1046, %get3A_1050 : vector<16xf32>
        %swap3A_1052 = arith.index_cast %add3A_232 : i32 to index
        %swap3A_1053 = arith.constant 928 : index
        %swap3A_1054 = tpu.vector_load %arg13[%swap3A_1052, %swap3A_1053] {strides = array<i32>} : memref<8x1024xf32, #tpu.memory_space<vmem>>, vector<1x16xf32>,
        %swap3A_1055 = vector.shape_cast %swap3A_1054 : vector<1x16xf32> to vector<16xf32>
        %swap3A_1056 = vector.shape_cast %add3A_1051 : vector<16xf32> to vector<1x16xf32>
        tpu.vector_store %arg13[%swap3A_1052, %swap3A_1053], %swap3A_1056 {strides = array<i32>} : memref<8x1024xf32, #tpu.memory_space<vmem>>, vector<1x16xf32>,
        %get3A_1057 = arith.index_cast %add3A_232 : i32 to index
        %get3A_1058 = arith.constant 944 : index
        %get3A_1059 = tpu.vector_load %arg13[%get3A_1057, %get3A_1058] {strides = array<i32>} : memref<8x1024xf32, #tpu.memory_space<vmem>>, vector<1x16xf32>,
        %get3A_1060 = vector.shape_cast %get3A_1059 : vector<1x16xf32> to vector<16xf32>
        %get3A_1061 = arith.index_cast %add3A_232 : i32 to index
        %get3A_1062 = arith.constant 944 : index
        %get3A_1063 = tpu.vector_load %arg9[%get3A_1061, %get3A_1062] {strides = array<i32>} : memref<8x1024xf32, #tpu.memory_space<vmem>>, vector<1x16xf32>,
        %get3A_1064 = vector.shape_cast %get3A_1063 : vector<1x16xf32> to vector<16xf32>
        %add3A_1065 = arith.addf %get3A_1060, %get3A_1064 : vector<16xf32>
        %swap3A_1066 = arith.index_cast %add3A_232 : i32 to index
        %swap3A_1067 = arith.constant 944 : index
        %swap3A_1068 = tpu.vector_load %arg13[%swap3A_1066, %swap3A_1067] {strides = array<i32>} : memref<8x1024xf32, #tpu.memory_space<vmem>>, vector<1x16xf32>,
        %swap3A_1069 = vector.shape_cast %swap3A_1068 : vector<1x16xf32> to vector<16xf32>
        %swap3A_1070 = vector.shape_cast %add3A_1065 : vector<16xf32> to vector<1x16xf32>
        tpu.vector_store %arg13[%swap3A_1066, %swap3A_1067], %swap3A_1070 {strides = array<i32>} : memref<8x1024xf32, #tpu.memory_space<vmem>>, vector<1x16xf32>,
        %get3A_1071 = arith.index_cast %add3A_232 : i32 to index
        %get3A_1072 = arith.constant 960 : index
        %get3A_1073 = tpu.vector_load %arg13[%get3A_1071, %get3A_1072] {strides = array<i32>} : memref<8x1024xf32, #tpu.memory_space<vmem>>, vector<1x16xf32>,
        %get3A_1074 = vector.shape_cast %get3A_1073 : vector<1x16xf32> to vector<16xf32>
        %get3A_1075 = arith.index_cast %add3A_232 : i32 to index
        %get3A_1076 = arith.constant 960 : index
        %get3A_1077 = tpu.vector_load %arg9[%get3A_1075, %get3A_1076] {strides = array<i32>} : memref<8x1024xf32, #tpu.memory_space<vmem>>, vector<1x16xf32>,
        %get3A_1078 = vector.shape_cast %get3A_1077 : vector<1x16xf32> to vector<16xf32>
        %add3A_1079 = arith.addf %get3A_1074, %get3A_1078 : vector<16xf32>
        %swap3A_1080 = arith.index_cast %add3A_232 : i32 to index
        %swap3A_1081 = arith.constant 960 : index
        %swap3A_1082 = tpu.vector_load %arg13[%swap3A_1080, %swap3A_1081] {strides = array<i32>} : memref<8x1024xf32, #tpu.memory_space<vmem>>, vector<1x16xf32>,
        %swap3A_1083 = vector.shape_cast %swap3A_1082 : vector<1x16xf32> to vector<16xf32>
        %swap3A_1084 = vector.shape_cast %add3A_1079 : vector<16xf32> to vector<1x16xf32>
        tpu.vector_store %arg13[%swap3A_1080, %swap3A_1081], %swap3A_1084 {strides = array<i32>} : memref<8x1024xf32, #tpu.memory_space<vmem>>, vector<1x16xf32>,
        %get3A_1085 = arith.index_cast %add3A_232 : i32 to index
        %get3A_1086 = arith.constant 976 : index
        %get3A_1087 = tpu.vector_load %arg13[%get3A_1085, %get3A_1086] {strides = array<i32>} : memref<8x1024xf32, #tpu.memory_space<vmem>>, vector<1x16xf32>,
        %get3A_1088 = vector.shape_cast %get3A_1087 : vector<1x16xf32> to vector<16xf32>
        %get3A_1089 = arith.index_cast %add3A_232 : i32 to index
        %get3A_1090 = arith.constant 976 : index
        %get3A_1091 = tpu.vector_load %arg9[%get3A_1089, %get3A_1090] {strides = array<i32>} : memref<8x1024xf32, #tpu.memory_space<vmem>>, vector<1x16xf32>,
        %get3A_1092 = vector.shape_cast %get3A_1091 : vector<1x16xf32> to vector<16xf32>
        %add3A_1093 = arith.addf %get3A_1088, %get3A_1092 : vector<16xf32>
        %swap3A_1094 = arith.index_cast %add3A_232 : i32 to index
        %swap3A_1095 = arith.constant 976 : index
        %swap3A_1096 = tpu.vector_load %arg13[%swap3A_1094, %swap3A_1095] {strides = array<i32>} : memref<8x1024xf32, #tpu.memory_space<vmem>>, vector<1x16xf32>,
        %swap3A_1097 = vector.shape_cast %swap3A_1096 : vector<1x16xf32> to vector<16xf32>
        %swap3A_1098 = vector.shape_cast %add3A_1093 : vector<16xf32> to vector<1x16xf32>
        tpu.vector_store %arg13[%swap3A_1094, %swap3A_1095], %swap3A_1098 {strides = array<i32>} : memref<8x1024xf32, #tpu.memory_space<vmem>>, vector<1x16xf32>,
        %get3A_1099 = arith.index_cast %add3A_232 : i32 to index
        %get3A_1100 = arith.constant 992 : index
        %get3A_1101 = tpu.vector_load %arg13[%get3A_1099, %get3A_1100] {strides = array<i32>} : memref<8x1024xf32, #tpu.memory_space<vmem>>, vector<1x16xf32>,
        %get3A_1102 = vector.shape_cast %get3A_1101 : vector<1x16xf32> to vector<16xf32>
        %get3A_1103 = arith.index_cast %add3A_232 : i32 to index
        %get3A_1104 = arith.constant 992 : index
        %get3A_1105 = tpu.vector_load %arg9[%get3A_1103, %get3A_1104] {strides = array<i32>} : memref<8x1024xf32, #tpu.memory_space<vmem>>, vector<1x16xf32>,
        %get3A_1106 = vector.shape_cast %get3A_1105 : vector<1x16xf32> to vector<16xf32>
        %add3A_1107 = arith.addf %get3A_1102, %get3A_1106 : vector<16xf32>
        %swap3A_1108 = arith.index_cast %add3A_232 : i32 to index
        %swap3A_1109 = arith.constant 992 : index
        %swap3A_1110 = tpu.vector_load %arg13[%swap3A_1108, %swap3A_1109] {strides = array<i32>} : memref<8x1024xf32, #tpu.memory_space<vmem>>, vector<1x16xf32>,
        %swap3A_1111 = vector.shape_cast %swap3A_1110 : vector<1x16xf32> to vector<16xf32>
        %swap3A_1112 = vector.shape_cast %add3A_1107 : vector<16xf32> to vector<1x16xf32>
        tpu.vector_store %arg13[%swap3A_1108, %swap3A_1109], %swap3A_1112 {strides = array<i32>} : memref<8x1024xf32, #tpu.memory_space<vmem>>, vector<1x16xf32>,
        %get3A_1113 = arith.index_cast %add3A_232 : i32 to index
        %get3A_1114 = arith.constant 1008 : index
        %get3A_1115 = tpu.vector_load %arg13[%get3A_1113, %get3A_1114] {strides = array<i32>} : memref<8x1024xf32, #tpu.memory_space<vmem>>, vector<1x16xf32>,
        %get3A_1116 = vector.shape_cast %get3A_1115 : vector<1x16xf32> to vector<16xf32>
        %get3A_1117 = arith.index_cast %add3A_232 : i32 to index
        %get3A_1118 = arith.constant 1008 : index
        %get3A_1119 = tpu.vector_load %arg9[%get3A_1117, %get3A_1118] {strides = array<i32>} : memref<8x1024xf32, #tpu.memory_space<vmem>>, vector<1x16xf32>,
        %get3A_1120 = vector.shape_cast %get3A_1119 : vector<1x16xf32> to vector<16xf32>
        %add3A_1121 = arith.addf %get3A_1116, %get3A_1120 : vector<16xf32>
        %swap3A_1122 = arith.index_cast %add3A_232 : i32 to index
        %swap3A_1123 = arith.constant 1008 : index
        %swap3A_1124 = tpu.vector_load %arg13[%swap3A_1122, %swap3A_1123] {strides = array<i32>} : memref<8x1024xf32, #tpu.memory_space<vmem>>, vector<1x16xf32>,
        %swap3A_1125 = vector.shape_cast %swap3A_1124 : vector<1x16xf32> to vector<16xf32>
        %swap3A_1126 = vector.shape_cast %add3A_1121 : vector<16xf32> to vector<1x16xf32>
        tpu.vector_store %arg13[%swap3A_1122, %swap3A_1123], %swap3A_1126 {strides = array<i32>} : memref<8x1024xf32, #tpu.memory_space<vmem>>, vector<1x16xf32>,
      }
      %scan3A_174 = arith.constant 8 : i32
      %mul3A_175 = arith.constant 8 : i32
      %mul3A_176 = arith.muli %add3A_137, %mul3A_175 : i32
      %add3A_177 = arith.addi %mul3A_2, %mul3A_176 : i32
      %dma_start3A_178 = arith.constant 0 : i32
      %dma_start3A_179 = tpu.memref_slice %arg5[%add3A_177, %dma_start3A_178] : memref<32768x1024xf32, #tpu.memory_space<hbm>> -> memref<8x1024xf32, #tpu.memory_space<hbm>>
      %dma_start3A_180 = arith.constant 0 : i32
      %dma_start3A_181 = tpu.memref_slice %arg5[%add3A_177, %dma_start3A_180] : memref<32768x1024xf32, #tpu.memory_space<hbm>> -> memref<8x1024xf32, #tpu.memory_space<hbm>>
      tpu.enqueue_dma source(%arg13 : memref<8x1024xf32, #tpu.memory_space<vmem>>) target(%dma_start3A_181 : memref<8x1024xf32, #tpu.memory_space<hbm>>) target_semaphore(%arg25 : memref<!tpu.dma_semaphore, #tpu.memory_space<semaphore_mem>>)
      %add3A_182 = arith.constant 3 : i32
      %add3A_183 = arith.addi %add3A_48, %add3A_182 : i32
      %add3A_184 = arith.constant 4 : i32
      %add3A_185 = arith.addi %add3A_183, %add3A_184 : i32
      %sub3A_186 = arith.constant 1 : i32
      %sub3A_187 = arith.subi %add3A_185, %sub3A_186 : i32
      %lt3A_188 = arith.constant 128 : i32
      %lt3A_189 = arith.cmpi slt, %sub3A_187, %lt3A_188 : i32
      %convert_element_type3A_190 = arith.extui %lt3A_189 : i1 to i32
      %cond3A_191 = arith.constant 0 : i32
      %cond3A_192 = arith.cmpi ne, %convert_element_type3A_190, %cond3A_191 : i32
      scf.if %cond3A_192 {
        %add3A_228 = arith.constant 4 : i32
        %add3A_229 = arith.addi %add3A_183, %add3A_228 : i32
        %sub3A_230 = arith.constant 1 : i32
        %sub3A_231 = arith.subi %add3A_229, %sub3A_230 : i32
        %mul3A_232 = arith.constant 8 : i32
        %mul3A_233 = arith.muli %sub3A_231, %mul3A_232 : i32
        %dma_start3A_234 = tpu.memref_slice %arg6[%mul3A_233] : memref<1024xi32, #tpu.memory_space<vmem>> -> memref<8xi32, #tpu.memory_space<vmem>>
        %dma_start3A_235 = arith.constant 0 : i32
        %dma_start3A_236 = arith.constant 0 : i32
        %dma_start3A_237 = tpu.memref_slice %arg4[%dma_start3A_235, %dma_start3A_236] : memref<8193x1024xf32, #tpu.memory_space<hbm>> -> memref<8193x1024xf32, #tpu.memory_space<hbm>>
        tpu.enqueue_indirect_dma source(%dma_start3A_237 : memref<8193x1024xf32, #tpu.memory_space<hbm>>) target(%arg9 : memref<8x1024xf32, #tpu.memory_space<vmem>>) offsets(%dma_start3A_234 : memref<8xi32, #tpu.memory_space<vmem>>) semaphore(%arg17 : memref<!tpu.dma_semaphore, #tpu.memory_space<semaphore_mem>>)
      } else {
      }
      %sub3A_193 = arith.constant 2 : i32
      %sub3A_194 = arith.subi %add3A_183, %sub3A_193 : i32
      %ge3A_195 = arith.constant 0 : i32
      %ge3A_196 = arith.cmpi sge, %sub3A_194, %ge3A_195 : i32
      %convert_element_type3A_197 = arith.extui %ge3A_196 : i1 to i32
      %cond3A_198 = arith.constant 0 : i32
      %cond3A_199 = arith.cmpi ne, %convert_element_type3A_197, %cond3A_198 : i32
      scf.if %cond3A_199 {
        %sub3A_228 = arith.constant 2 : i32
        %sub3A_229 = arith.subi %add3A_183, %sub3A_228 : i32
        %mul3A_230 = arith.constant 8 : i32
        %mul3A_231 = arith.muli %sub3A_229, %mul3A_230 : i32
        %add3A_232 = arith.addi %mul3A_2, %mul3A_231 : i32
        %dma_wait3A_233 = arith.constant 0 : i32
        %dma_wait3A_234 = tpu.memref_slice %arg5[%add3A_232, %dma_wait3A_233] : memref<32768x1024xf32, #tpu.memory_space<hbm>> -> memref<8x1024xf32, #tpu.memory_space<hbm>>
        %dma_wait3A_235 = arith.constant 0 : i32
        %dma_wait3A_236 = tpu.memref_slice %arg5[%add3A_232, %dma_wait3A_235] : memref<32768x1024xf32, #tpu.memory_space<hbm>> -> memref<8x1024xf32, #tpu.memory_space<hbm>>
        tpu.wait_dma2 semaphore(%arg24 : memref<!tpu.dma_semaphore, #tpu.memory_space<semaphore_mem>>) src(%arg12 : memref<8x1024xf32, #tpu.memory_space<vmem>>) dst(%dma_wait3A_236 : memref<8x1024xf32, #tpu.memory_space<hbm>>)
      } else {
      }
      %add3A_200 = arith.constant 2 : i32
      %add3A_201 = arith.addi %add3A_183, %add3A_200 : i32
      %lt3A_202 = arith.constant 128 : i32
      %lt3A_203 = arith.cmpi slt, %add3A_201, %lt3A_202 : i32
      %convert_element_type3A_204 = arith.extui %lt3A_203 : i1 to i32
      %cond3A_205 = arith.constant 0 : i32
      %cond3A_206 = arith.cmpi ne, %convert_element_type3A_204, %cond3A_205 : i32
      scf.if %cond3A_206 {
        %add3A_228 = arith.constant 2 : i32
        %add3A_229 = arith.addi %add3A_183, %add3A_228 : i32
        %mul3A_230 = arith.constant 8 : i32
        %mul3A_231 = arith.muli %add3A_229, %mul3A_230 : i32
        %add3A_232 = arith.addi %mul3A_2, %mul3A_231 : i32
        %dma_start3A_233 = arith.constant 0 : i32
        %dma_start3A_234 = tpu.memref_slice %arg2[%add3A_232, %dma_start3A_233] : memref<32768x1024xf32, #tpu.memory_space<hbm>> -> memref<8x1024xf32, #tpu.memory_space<hbm>>
        %dma_start3A_235 = arith.constant 0 : i32
        %dma_start3A_236 = tpu.memref_slice %arg2[%add3A_232, %dma_start3A_235] : memref<32768x1024xf32, #tpu.memory_space<hbm>> -> memref<8x1024xf32, #tpu.memory_space<hbm>>
        tpu.enqueue_dma source(%dma_start3A_236 : memref<8x1024xf32, #tpu.memory_space<hbm>>) target(%arg12 : memref<8x1024xf32, #tpu.memory_space<vmem>>) target_semaphore(%arg20 : memref<!tpu.dma_semaphore, #tpu.memory_space<semaphore_mem>>)
      } else {
      }
      %dma_wait3A_207 = arith.constant 0 : i32
      %dma_wait3A_208 = tpu.memref_slice %arg6[%dma_wait3A_207] : memref<1024xi32, #tpu.memory_space<vmem>> -> memref<8xi32, #tpu.memory_space<vmem>>
      %dma_wait3A_209 = arith.constant 0 : i32
      %dma_wait3A_210 = arith.constant 0 : i32
      %dma_wait3A_211 = tpu.memref_slice %arg4[%dma_wait3A_209, %dma_wait3A_210] : memref<8193x1024xf32, #tpu.memory_space<hbm>> -> memref<8193x1024xf32, #tpu.memory_space<hbm>>
      tpu.wait_indirect_dma semaphore(%arg18 : memref<!tpu.dma_semaphore, #tpu.memory_space<semaphore_mem>>) src(%dma_wait3A_211 : memref<8193x1024xf32, #tpu.memory_space<hbm>>) dst(%arg10 : memref<8x1024xf32, #tpu.memory_space<vmem>>)
      %dma_wait3A_212 = arith.constant 0 : i32
      %dma_wait3A_213 = tpu.memref_slice %arg2[%mul3A_2, %dma_wait3A_212] : memref<32768x1024xf32, #tpu.memory_space<hbm>> -> memref<8x1024xf32, #tpu.memory_space<hbm>>
      %dma_wait3A_214 = arith.constant 0 : i32
      %dma_wait3A_215 = tpu.memref_slice %arg2[%mul3A_2, %dma_wait3A_214] : memref<32768x1024xf32, #tpu.memory_space<hbm>> -> memref<8x1024xf32, #tpu.memory_space<hbm>>
      tpu.wait_dma2 semaphore(%arg22 : memref<!tpu.dma_semaphore, #tpu.memory_space<semaphore_mem>>) src(%dma_wait3A_215 : memref<8x1024xf32, #tpu.memory_space<hbm>>) dst(%arg14 : memref<8x1024xf32, #tpu.memory_space<vmem>>)
      %scan3A_216 = arith.constant 0 : i32
      %scan3A_217 = arith.constant 8 : i32
      %scan3A_218 = arith.addi %scan3A_216, %scan3A_217 : i32
      %scan3A_219 = arith.constant 1 : i32
      scf.for %scan3A_228 = %scan3A_216 to %scan3A_218 step %scan3A_219  : i32 {
        %mul3A_229 = arith.constant 1 : i32
        %mul3A_230 = arith.muli %scan3A_228, %mul3A_229 : i32
        %add3A_231 = arith.constant 0 : i32
        %add3A_232 = arith.addi %add3A_231, %mul3A_230 : i32
        %get3A = arith.index_cast %add3A_232 : i32 to index
        %get3A_233 = arith.constant 0 : index
        %get3A_234 = tpu.vector_load %arg14[%get3A, %get3A_233] {strides = array<i32>} : memref<8x1024xf32, #tpu.memory_space<vmem>>, vector<1x16xf32>,
        %get3A_235 = vector.shape_cast %get3A_234 : vector<1x16xf32> to vector<16xf32>
        %get3A_236 = arith.index_cast %add3A_232 : i32 to index
        %get3A_237 = arith.constant 0 : index
        %get3A_238 = tpu.vector_load %arg10[%get3A_236, %get3A_237] {strides = array<i32>} : memref<8x1024xf32, #tpu.memory_space<vmem>>, vector<1x16xf32>,
        %get3A_239 = vector.shape_cast %get3A_238 : vector<1x16xf32> to vector<16xf32>
        %add3A_240 = arith.addf %get3A_235, %get3A_239 : vector<16xf32>
        %swap3A = arith.index_cast %add3A_232 : i32 to index
        %swap3A_241 = arith.constant 0 : index
        %swap3A_242 = tpu.vector_load %arg14[%swap3A, %swap3A_241] {strides = array<i32>} : memref<8x1024xf32, #tpu.memory_space<vmem>>, vector<1x16xf32>,
        %swap3A_243 = vector.shape_cast %swap3A_242 : vector<1x16xf32> to vector<16xf32>
        %swap3A_244 = vector.shape_cast %add3A_240 : vector<16xf32> to vector<1x16xf32>
        tpu.vector_store %arg14[%swap3A, %swap3A_241], %swap3A_244 {strides = array<i32>} : memref<8x1024xf32, #tpu.memory_space<vmem>>, vector<1x16xf32>,
        %get3A_245 = arith.index_cast %add3A_232 : i32 to index
        %get3A_246 = arith.constant 16 : index
        %get3A_247 = tpu.vector_load %arg14[%get3A_245, %get3A_246] {strides = array<i32>} : memref<8x1024xf32, #tpu.memory_space<vmem>>, vector<1x16xf32>,
        %get3A_248 = vector.shape_cast %get3A_247 : vector<1x16xf32> to vector<16xf32>
        %get3A_249 = arith.index_cast %add3A_232 : i32 to index
        %get3A_250 = arith.constant 16 : index
        %get3A_251 = tpu.vector_load %arg10[%get3A_249, %get3A_250] {strides = array<i32>} : memref<8x1024xf32, #tpu.memory_space<vmem>>, vector<1x16xf32>,
        %get3A_252 = vector.shape_cast %get3A_251 : vector<1x16xf32> to vector<16xf32>
        %add3A_253 = arith.addf %get3A_248, %get3A_252 : vector<16xf32>
        %swap3A_254 = arith.index_cast %add3A_232 : i32 to index
        %swap3A_255 = arith.constant 16 : index
        %swap3A_256 = tpu.vector_load %arg14[%swap3A_254, %swap3A_255] {strides = array<i32>} : memref<8x1024xf32, #tpu.memory_space<vmem>>, vector<1x16xf32>,
        %swap3A_257 = vector.shape_cast %swap3A_256 : vector<1x16xf32> to vector<16xf32>
        %swap3A_258 = vector.shape_cast %add3A_253 : vector<16xf32> to vector<1x16xf32>
        tpu.vector_store %arg14[%swap3A_254, %swap3A_255], %swap3A_258 {strides = array<i32>} : memref<8x1024xf32, #tpu.memory_space<vmem>>, vector<1x16xf32>,
        %get3A_259 = arith.index_cast %add3A_232 : i32 to index
        %get3A_260 = arith.constant 32 : index
        %get3A_261 = tpu.vector_load %arg14[%get3A_259, %get3A_260] {strides = array<i32>} : memref<8x1024xf32, #tpu.memory_space<vmem>>, vector<1x16xf32>,
        %get3A_262 = vector.shape_cast %get3A_261 : vector<1x16xf32> to vector<16xf32>
        %get3A_263 = arith.index_cast %add3A_232 : i32 to index
        %get3A_264 = arith.constant 32 : index
        %get3A_265 = tpu.vector_load %arg10[%get3A_263, %get3A_264] {strides = array<i32>} : memref<8x1024xf32, #tpu.memory_space<vmem>>, vector<1x16xf32>,
        %get3A_266 = vector.shape_cast %get3A_265 : vector<1x16xf32> to vector<16xf32>
        %add3A_267 = arith.addf %get3A_262, %get3A_266 : vector<16xf32>
        %swap3A_268 = arith.index_cast %add3A_232 : i32 to index
        %swap3A_269 = arith.constant 32 : index
        %swap3A_270 = tpu.vector_load %arg14[%swap3A_268, %swap3A_269] {strides = array<i32>} : memref<8x1024xf32, #tpu.memory_space<vmem>>, vector<1x16xf32>,
        %swap3A_271 = vector.shape_cast %swap3A_270 : vector<1x16xf32> to vector<16xf32>
        %swap3A_272 = vector.shape_cast %add3A_267 : vector<16xf32> to vector<1x16xf32>
        tpu.vector_store %arg14[%swap3A_268, %swap3A_269], %swap3A_272 {strides = array<i32>} : memref<8x1024xf32, #tpu.memory_space<vmem>>, vector<1x16xf32>,
        %get3A_273 = arith.index_cast %add3A_232 : i32 to index
        %get3A_274 = arith.constant 48 : index
        %get3A_275 = tpu.vector_load %arg14[%get3A_273, %get3A_274] {strides = array<i32>} : memref<8x1024xf32, #tpu.memory_space<vmem>>, vector<1x16xf32>,
        %get3A_276 = vector.shape_cast %get3A_275 : vector<1x16xf32> to vector<16xf32>
        %get3A_277 = arith.index_cast %add3A_232 : i32 to index
        %get3A_278 = arith.constant 48 : index
        %get3A_279 = tpu.vector_load %arg10[%get3A_277, %get3A_278] {strides = array<i32>} : memref<8x1024xf32, #tpu.memory_space<vmem>>, vector<1x16xf32>,
        %get3A_280 = vector.shape_cast %get3A_279 : vector<1x16xf32> to vector<16xf32>
        %add3A_281 = arith.addf %get3A_276, %get3A_280 : vector<16xf32>
        %swap3A_282 = arith.index_cast %add3A_232 : i32 to index
        %swap3A_283 = arith.constant 48 : index
        %swap3A_284 = tpu.vector_load %arg14[%swap3A_282, %swap3A_283] {strides = array<i32>} : memref<8x1024xf32, #tpu.memory_space<vmem>>, vector<1x16xf32>,
        %swap3A_285 = vector.shape_cast %swap3A_284 : vector<1x16xf32> to vector<16xf32>
        %swap3A_286 = vector.shape_cast %add3A_281 : vector<16xf32> to vector<1x16xf32>
        tpu.vector_store %arg14[%swap3A_282, %swap3A_283], %swap3A_286 {strides = array<i32>} : memref<8x1024xf32, #tpu.memory_space<vmem>>, vector<1x16xf32>,
        %get3A_287 = arith.index_cast %add3A_232 : i32 to index
        %get3A_288 = arith.constant 64 : index
        %get3A_289 = tpu.vector_load %arg14[%get3A_287, %get3A_288] {strides = array<i32>} : memref<8x1024xf32, #tpu.memory_space<vmem>>, vector<1x16xf32>,
        %get3A_290 = vector.shape_cast %get3A_289 : vector<1x16xf32> to vector<16xf32>
        %get3A_291 = arith.index_cast %add3A_232 : i32 to index
        %get3A_292 = arith.constant 64 : index
        %get3A_293 = tpu.vector_load %arg10[%get3A_291, %get3A_292] {strides = array<i32>} : memref<8x1024xf32, #tpu.memory_space<vmem>>, vector<1x16xf32>,
        %get3A_294 = vector.shape_cast %get3A_293 : vector<1x16xf32> to vector<16xf32>
        %add3A_295 = arith.addf %get3A_290, %get3A_294 : vector<16xf32>
        %swap3A_296 = arith.index_cast %add3A_232 : i32 to index
        %swap3A_297 = arith.constant 64 : index
        %swap3A_298 = tpu.vector_load %arg14[%swap3A_296, %swap3A_297] {strides = array<i32>} : memref<8x1024xf32, #tpu.memory_space<vmem>>, vector<1x16xf32>,
        %swap3A_299 = vector.shape_cast %swap3A_298 : vector<1x16xf32> to vector<16xf32>
        %swap3A_300 = vector.shape_cast %add3A_295 : vector<16xf32> to vector<1x16xf32>
        tpu.vector_store %arg14[%swap3A_296, %swap3A_297], %swap3A_300 {strides = array<i32>} : memref<8x1024xf32, #tpu.memory_space<vmem>>, vector<1x16xf32>,
        %get3A_301 = arith.index_cast %add3A_232 : i32 to index
        %get3A_302 = arith.constant 80 : index
        %get3A_303 = tpu.vector_load %arg14[%get3A_301, %get3A_302] {strides = array<i32>} : memref<8x1024xf32, #tpu.memory_space<vmem>>, vector<1x16xf32>,
        %get3A_304 = vector.shape_cast %get3A_303 : vector<1x16xf32> to vector<16xf32>
        %get3A_305 = arith.index_cast %add3A_232 : i32 to index
        %get3A_306 = arith.constant 80 : index
        %get3A_307 = tpu.vector_load %arg10[%get3A_305, %get3A_306] {strides = array<i32>} : memref<8x1024xf32, #tpu.memory_space<vmem>>, vector<1x16xf32>,
        %get3A_308 = vector.shape_cast %get3A_307 : vector<1x16xf32> to vector<16xf32>
        %add3A_309 = arith.addf %get3A_304, %get3A_308 : vector<16xf32>
        %swap3A_310 = arith.index_cast %add3A_232 : i32 to index
        %swap3A_311 = arith.constant 80 : index
        %swap3A_312 = tpu.vector_load %arg14[%swap3A_310, %swap3A_311] {strides = array<i32>} : memref<8x1024xf32, #tpu.memory_space<vmem>>, vector<1x16xf32>,
        %swap3A_313 = vector.shape_cast %swap3A_312 : vector<1x16xf32> to vector<16xf32>
        %swap3A_314 = vector.shape_cast %add3A_309 : vector<16xf32> to vector<1x16xf32>
        tpu.vector_store %arg14[%swap3A_310, %swap3A_311], %swap3A_314 {strides = array<i32>} : memref<8x1024xf32, #tpu.memory_space<vmem>>, vector<1x16xf32>,
        %get3A_315 = arith.index_cast %add3A_232 : i32 to index
        %get3A_316 = arith.constant 96 : index
        %get3A_317 = tpu.vector_load %arg14[%get3A_315, %get3A_316] {strides = array<i32>} : memref<8x1024xf32, #tpu.memory_space<vmem>>, vector<1x16xf32>,
        %get3A_318 = vector.shape_cast %get3A_317 : vector<1x16xf32> to vector<16xf32>
        %get3A_319 = arith.index_cast %add3A_232 : i32 to index
        %get3A_320 = arith.constant 96 : index
        %get3A_321 = tpu.vector_load %arg10[%get3A_319, %get3A_320] {strides = array<i32>} : memref<8x1024xf32, #tpu.memory_space<vmem>>, vector<1x16xf32>,
        %get3A_322 = vector.shape_cast %get3A_321 : vector<1x16xf32> to vector<16xf32>
        %add3A_323 = arith.addf %get3A_318, %get3A_322 : vector<16xf32>
        %swap3A_324 = arith.index_cast %add3A_232 : i32 to index
        %swap3A_325 = arith.constant 96 : index
        %swap3A_326 = tpu.vector_load %arg14[%swap3A_324, %swap3A_325] {strides = array<i32>} : memref<8x1024xf32, #tpu.memory_space<vmem>>, vector<1x16xf32>,
        %swap3A_327 = vector.shape_cast %swap3A_326 : vector<1x16xf32> to vector<16xf32>
        %swap3A_328 = vector.shape_cast %add3A_323 : vector<16xf32> to vector<1x16xf32>
        tpu.vector_store %arg14[%swap3A_324, %swap3A_325], %swap3A_328 {strides = array<i32>} : memref<8x1024xf32, #tpu.memory_space<vmem>>, vector<1x16xf32>,
        %get3A_329 = arith.index_cast %add3A_232 : i32 to index
        %get3A_330 = arith.constant 112 : index
        %get3A_331 = tpu.vector_load %arg14[%get3A_329, %get3A_330] {strides = array<i32>} : memref<8x1024xf32, #tpu.memory_space<vmem>>, vector<1x16xf32>,
        %get3A_332 = vector.shape_cast %get3A_331 : vector<1x16xf32> to vector<16xf32>
        %get3A_333 = arith.index_cast %add3A_232 : i32 to index
        %get3A_334 = arith.constant 112 : index
        %get3A_335 = tpu.vector_load %arg10[%get3A_333, %get3A_334] {strides = array<i32>} : memref<8x1024xf32, #tpu.memory_space<vmem>>, vector<1x16xf32>,
        %get3A_336 = vector.shape_cast %get3A_335 : vector<1x16xf32> to vector<16xf32>
        %add3A_337 = arith.addf %get3A_332, %get3A_336 : vector<16xf32>
        %swap3A_338 = arith.index_cast %add3A_232 : i32 to index
        %swap3A_339 = arith.constant 112 : index
        %swap3A_340 = tpu.vector_load %arg14[%swap3A_338, %swap3A_339] {strides = array<i32>} : memref<8x1024xf32, #tpu.memory_space<vmem>>, vector<1x16xf32>,
        %swap3A_341 = vector.shape_cast %swap3A_340 : vector<1x16xf32> to vector<16xf32>
        %swap3A_342 = vector.shape_cast %add3A_337 : vector<16xf32> to vector<1x16xf32>
        tpu.vector_store %arg14[%swap3A_338, %swap3A_339], %swap3A_342 {strides = array<i32>} : memref<8x1024xf32, #tpu.memory_space<vmem>>, vector<1x16xf32>,
        %get3A_343 = arith.index_cast %add3A_232 : i32 to index
        %get3A_344 = arith.constant 128 : index
        %get3A_345 = tpu.vector_load %arg14[%get3A_343, %get3A_344] {strides = array<i32>} : memref<8x1024xf32, #tpu.memory_space<vmem>>, vector<1x16xf32>,
        %get3A_346 = vector.shape_cast %get3A_345 : vector<1x16xf32> to vector<16xf32>
        %get3A_347 = arith.index_cast %add3A_232 : i32 to index
        %get3A_348 = arith.constant 128 : index
        %get3A_349 = tpu.vector_load %arg10[%get3A_347, %get3A_348] {strides = array<i32>} : memref<8x1024xf32, #tpu.memory_space<vmem>>, vector<1x16xf32>,
        %get3A_350 = vector.shape_cast %get3A_349 : vector<1x16xf32> to vector<16xf32>
        %add3A_351 = arith.addf %get3A_346, %get3A_350 : vector<16xf32>
        %swap3A_352 = arith.index_cast %add3A_232 : i32 to index
        %swap3A_353 = arith.constant 128 : index
        %swap3A_354 = tpu.vector_load %arg14[%swap3A_352, %swap3A_353] {strides = array<i32>} : memref<8x1024xf32, #tpu.memory_space<vmem>>, vector<1x16xf32>,
        %swap3A_355 = vector.shape_cast %swap3A_354 : vector<1x16xf32> to vector<16xf32>
        %swap3A_356 = vector.shape_cast %add3A_351 : vector<16xf32> to vector<1x16xf32>
        tpu.vector_store %arg14[%swap3A_352, %swap3A_353], %swap3A_356 {strides = array<i32>} : memref<8x1024xf32, #tpu.memory_space<vmem>>, vector<1x16xf32>,
        %get3A_357 = arith.index_cast %add3A_232 : i32 to index
        %get3A_358 = arith.constant 144 : index
        %get3A_359 = tpu.vector_load %arg14[%get3A_357, %get3A_358] {strides = array<i32>} : memref<8x1024xf32, #tpu.memory_space<vmem>>, vector<1x16xf32>,
        %get3A_360 = vector.shape_cast %get3A_359 : vector<1x16xf32> to vector<16xf32>
        %get3A_361 = arith.index_cast %add3A_232 : i32 to index
        %get3A_362 = arith.constant 144 : index
        %get3A_363 = tpu.vector_load %arg10[%get3A_361, %get3A_362] {strides = array<i32>} : memref<8x1024xf32, #tpu.memory_space<vmem>>, vector<1x16xf32>,
        %get3A_364 = vector.shape_cast %get3A_363 : vector<1x16xf32> to vector<16xf32>
        %add3A_365 = arith.addf %get3A_360, %get3A_364 : vector<16xf32>
        %swap3A_366 = arith.index_cast %add3A_232 : i32 to index
        %swap3A_367 = arith.constant 144 : index
        %swap3A_368 = tpu.vector_load %arg14[%swap3A_366, %swap3A_367] {strides = array<i32>} : memref<8x1024xf32, #tpu.memory_space<vmem>>, vector<1x16xf32>,
        %swap3A_369 = vector.shape_cast %swap3A_368 : vector<1x16xf32> to vector<16xf32>
        %swap3A_370 = vector.shape_cast %add3A_365 : vector<16xf32> to vector<1x16xf32>
        tpu.vector_store %arg14[%swap3A_366, %swap3A_367], %swap3A_370 {strides = array<i32>} : memref<8x1024xf32, #tpu.memory_space<vmem>>, vector<1x16xf32>,
        %get3A_371 = arith.index_cast %add3A_232 : i32 to index
        %get3A_372 = arith.constant 160 : index
        %get3A_373 = tpu.vector_load %arg14[%get3A_371, %get3A_372] {strides = array<i32>} : memref<8x1024xf32, #tpu.memory_space<vmem>>, vector<1x16xf32>,
        %get3A_374 = vector.shape_cast %get3A_373 : vector<1x16xf32> to vector<16xf32>
        %get3A_375 = arith.index_cast %add3A_232 : i32 to index
        %get3A_376 = arith.constant 160 : index
        %get3A_377 = tpu.vector_load %arg10[%get3A_375, %get3A_376] {strides = array<i32>} : memref<8x1024xf32, #tpu.memory_space<vmem>>, vector<1x16xf32>,
        %get3A_378 = vector.shape_cast %get3A_377 : vector<1x16xf32> to vector<16xf32>
        %add3A_379 = arith.addf %get3A_374, %get3A_378 : vector<16xf32>
        %swap3A_380 = arith.index_cast %add3A_232 : i32 to index
        %swap3A_381 = arith.constant 160 : index
        %swap3A_382 = tpu.vector_load %arg14[%swap3A_380, %swap3A_381] {strides = array<i32>} : memref<8x1024xf32, #tpu.memory_space<vmem>>, vector<1x16xf32>,
        %swap3A_383 = vector.shape_cast %swap3A_382 : vector<1x16xf32> to vector<16xf32>
        %swap3A_384 = vector.shape_cast %add3A_379 : vector<16xf32> to vector<1x16xf32>
        tpu.vector_store %arg14[%swap3A_380, %swap3A_381], %swap3A_384 {strides = array<i32>} : memref<8x1024xf32, #tpu.memory_space<vmem>>, vector<1x16xf32>,
        %get3A_385 = arith.index_cast %add3A_232 : i32 to index
        %get3A_386 = arith.constant 176 : index
        %get3A_387 = tpu.vector_load %arg14[%get3A_385, %get3A_386] {strides = array<i32>} : memref<8x1024xf32, #tpu.memory_space<vmem>>, vector<1x16xf32>,
        %get3A_388 = vector.shape_cast %get3A_387 : vector<1x16xf32> to vector<16xf32>
        %get3A_389 = arith.index_cast %add3A_232 : i32 to index
        %get3A_390 = arith.constant 176 : index
        %get3A_391 = tpu.vector_load %arg10[%get3A_389, %get3A_390] {strides = array<i32>} : memref<8x1024xf32, #tpu.memory_space<vmem>>, vector<1x16xf32>,
        %get3A_392 = vector.shape_cast %get3A_391 : vector<1x16xf32> to vector<16xf32>
        %add3A_393 = arith.addf %get3A_388, %get3A_392 : vector<16xf32>
        %swap3A_394 = arith.index_cast %add3A_232 : i32 to index
        %swap3A_395 = arith.constant 176 : index
        %swap3A_396 = tpu.vector_load %arg14[%swap3A_394, %swap3A_395] {strides = array<i32>} : memref<8x1024xf32, #tpu.memory_space<vmem>>, vector<1x16xf32>,
        %swap3A_397 = vector.shape_cast %swap3A_396 : vector<1x16xf32> to vector<16xf32>
        %swap3A_398 = vector.shape_cast %add3A_393 : vector<16xf32> to vector<1x16xf32>
        tpu.vector_store %arg14[%swap3A_394, %swap3A_395], %swap3A_398 {strides = array<i32>} : memref<8x1024xf32, #tpu.memory_space<vmem>>, vector<1x16xf32>,
        %get3A_399 = arith.index_cast %add3A_232 : i32 to index
        %get3A_400 = arith.constant 192 : index
        %get3A_401 = tpu.vector_load %arg14[%get3A_399, %get3A_400] {strides = array<i32>} : memref<8x1024xf32, #tpu.memory_space<vmem>>, vector<1x16xf32>,
        %get3A_402 = vector.shape_cast %get3A_401 : vector<1x16xf32> to vector<16xf32>
        %get3A_403 = arith.index_cast %add3A_232 : i32 to index
        %get3A_404 = arith.constant 192 : index
        %get3A_405 = tpu.vector_load %arg10[%get3A_403, %get3A_404] {strides = array<i32>} : memref<8x1024xf32, #tpu.memory_space<vmem>>, vector<1x16xf32>,
        %get3A_406 = vector.shape_cast %get3A_405 : vector<1x16xf32> to vector<16xf32>
        %add3A_407 = arith.addf %get3A_402, %get3A_406 : vector<16xf32>
        %swap3A_408 = arith.index_cast %add3A_232 : i32 to index
        %swap3A_409 = arith.constant 192 : index
        %swap3A_410 = tpu.vector_load %arg14[%swap3A_408, %swap3A_409] {strides = array<i32>} : memref<8x1024xf32, #tpu.memory_space<vmem>>, vector<1x16xf32>,
        %swap3A_411 = vector.shape_cast %swap3A_410 : vector<1x16xf32> to vector<16xf32>
        %swap3A_412 = vector.shape_cast %add3A_407 : vector<16xf32> to vector<1x16xf32>
        tpu.vector_store %arg14[%swap3A_408, %swap3A_409], %swap3A_412 {strides = array<i32>} : memref<8x1024xf32, #tpu.memory_space<vmem>>, vector<1x16xf32>,
        %get3A_413 = arith.index_cast %add3A_232 : i32 to index
        %get3A_414 = arith.constant 208 : index
        %get3A_415 = tpu.vector_load %arg14[%get3A_413, %get3A_414] {strides = array<i32>} : memref<8x1024xf32, #tpu.memory_space<vmem>>, vector<1x16xf32>,
        %get3A_416 = vector.shape_cast %get3A_415 : vector<1x16xf32> to vector<16xf32>
        %get3A_417 = arith.index_cast %add3A_232 : i32 to index
        %get3A_418 = arith.constant 208 : index
        %get3A_419 = tpu.vector_load %arg10[%get3A_417, %get3A_418] {strides = array<i32>} : memref<8x1024xf32, #tpu.memory_space<vmem>>, vector<1x16xf32>,
        %get3A_420 = vector.shape_cast %get3A_419 : vector<1x16xf32> to vector<16xf32>
        %add3A_421 = arith.addf %get3A_416, %get3A_420 : vector<16xf32>
        %swap3A_422 = arith.index_cast %add3A_232 : i32 to index
        %swap3A_423 = arith.constant 208 : index
        %swap3A_424 = tpu.vector_load %arg14[%swap3A_422, %swap3A_423] {strides = array<i32>} : memref<8x1024xf32, #tpu.memory_space<vmem>>, vector<1x16xf32>,
        %swap3A_425 = vector.shape_cast %swap3A_424 : vector<1x16xf32> to vector<16xf32>
        %swap3A_426 = vector.shape_cast %add3A_421 : vector<16xf32> to vector<1x16xf32>
        tpu.vector_store %arg14[%swap3A_422, %swap3A_423], %swap3A_426 {strides = array<i32>} : memref<8x1024xf32, #tpu.memory_space<vmem>>, vector<1x16xf32>,
        %get3A_427 = arith.index_cast %add3A_232 : i32 to index
        %get3A_428 = arith.constant 224 : index
        %get3A_429 = tpu.vector_load %arg14[%get3A_427, %get3A_428] {strides = array<i32>} : memref<8x1024xf32, #tpu.memory_space<vmem>>, vector<1x16xf32>,
        %get3A_430 = vector.shape_cast %get3A_429 : vector<1x16xf32> to vector<16xf32>
        %get3A_431 = arith.index_cast %add3A_232 : i32 to index
        %get3A_432 = arith.constant 224 : index
        %get3A_433 = tpu.vector_load %arg10[%get3A_431, %get3A_432] {strides = array<i32>} : memref<8x1024xf32, #tpu.memory_space<vmem>>, vector<1x16xf32>,
        %get3A_434 = vector.shape_cast %get3A_433 : vector<1x16xf32> to vector<16xf32>
        %add3A_435 = arith.addf %get3A_430, %get3A_434 : vector<16xf32>
        %swap3A_436 = arith.index_cast %add3A_232 : i32 to index
        %swap3A_437 = arith.constant 224 : index
        %swap3A_438 = tpu.vector_load %arg14[%swap3A_436, %swap3A_437] {strides = array<i32>} : memref<8x1024xf32, #tpu.memory_space<vmem>>, vector<1x16xf32>,
        %swap3A_439 = vector.shape_cast %swap3A_438 : vector<1x16xf32> to vector<16xf32>
        %swap3A_440 = vector.shape_cast %add3A_435 : vector<16xf32> to vector<1x16xf32>
        tpu.vector_store %arg14[%swap3A_436, %swap3A_437], %swap3A_440 {strides = array<i32>} : memref<8x1024xf32, #tpu.memory_space<vmem>>, vector<1x16xf32>,
        %get3A_441 = arith.index_cast %add3A_232 : i32 to index
        %get3A_442 = arith.constant 240 : index
        %get3A_443 = tpu.vector_load %arg14[%get3A_441, %get3A_442] {strides = array<i32>} : memref<8x1024xf32, #tpu.memory_space<vmem>>, vector<1x16xf32>,
        %get3A_444 = vector.shape_cast %get3A_443 : vector<1x16xf32> to vector<16xf32>
        %get3A_445 = arith.index_cast %add3A_232 : i32 to index
        %get3A_446 = arith.constant 240 : index
        %get3A_447 = tpu.vector_load %arg10[%get3A_445, %get3A_446] {strides = array<i32>} : memref<8x1024xf32, #tpu.memory_space<vmem>>, vector<1x16xf32>,
        %get3A_448 = vector.shape_cast %get3A_447 : vector<1x16xf32> to vector<16xf32>
        %add3A_449 = arith.addf %get3A_444, %get3A_448 : vector<16xf32>
        %swap3A_450 = arith.index_cast %add3A_232 : i32 to index
        %swap3A_451 = arith.constant 240 : index
        %swap3A_452 = tpu.vector_load %arg14[%swap3A_450, %swap3A_451] {strides = array<i32>} : memref<8x1024xf32, #tpu.memory_space<vmem>>, vector<1x16xf32>,
        %swap3A_453 = vector.shape_cast %swap3A_452 : vector<1x16xf32> to vector<16xf32>
        %swap3A_454 = vector.shape_cast %add3A_449 : vector<16xf32> to vector<1x16xf32>
        tpu.vector_store %arg14[%swap3A_450, %swap3A_451], %swap3A_454 {strides = array<i32>} : memref<8x1024xf32, #tpu.memory_space<vmem>>, vector<1x16xf32>,
        %get3A_455 = arith.index_cast %add3A_232 : i32 to index
        %get3A_456 = arith.constant 256 : index
        %get3A_457 = tpu.vector_load %arg14[%get3A_455, %get3A_456] {strides = array<i32>} : memref<8x1024xf32, #tpu.memory_space<vmem>>, vector<1x16xf32>,
        %get3A_458 = vector.shape_cast %get3A_457 : vector<1x16xf32> to vector<16xf32>
        %get3A_459 = arith.index_cast %add3A_232 : i32 to index
        %get3A_460 = arith.constant 256 : index
        %get3A_461 = tpu.vector_load %arg10[%get3A_459, %get3A_460] {strides = array<i32>} : memref<8x1024xf32, #tpu.memory_space<vmem>>, vector<1x16xf32>,
        %get3A_462 = vector.shape_cast %get3A_461 : vector<1x16xf32> to vector<16xf32>
        %add3A_463 = arith.addf %get3A_458, %get3A_462 : vector<16xf32>
        %swap3A_464 = arith.index_cast %add3A_232 : i32 to index
        %swap3A_465 = arith.constant 256 : index
        %swap3A_466 = tpu.vector_load %arg14[%swap3A_464, %swap3A_465] {strides = array<i32>} : memref<8x1024xf32, #tpu.memory_space<vmem>>, vector<1x16xf32>,
        %swap3A_467 = vector.shape_cast %swap3A_466 : vector<1x16xf32> to vector<16xf32>
        %swap3A_468 = vector.shape_cast %add3A_463 : vector<16xf32> to vector<1x16xf32>
        tpu.vector_store %arg14[%swap3A_464, %swap3A_465], %swap3A_468 {strides = array<i32>} : memref<8x1024xf32, #tpu.memory_space<vmem>>, vector<1x16xf32>,
        %get3A_469 = arith.index_cast %add3A_232 : i32 to index
        %get3A_470 = arith.constant 272 : index
        %get3A_471 = tpu.vector_load %arg14[%get3A_469, %get3A_470] {strides = array<i32>} : memref<8x1024xf32, #tpu.memory_space<vmem>>, vector<1x16xf32>,
        %get3A_472 = vector.shape_cast %get3A_471 : vector<1x16xf32> to vector<16xf32>
        %get3A_473 = arith.index_cast %add3A_232 : i32 to index
        %get3A_474 = arith.constant 272 : index
        %get3A_475 = tpu.vector_load %arg10[%get3A_473, %get3A_474] {strides = array<i32>} : memref<8x1024xf32, #tpu.memory_space<vmem>>, vector<1x16xf32>,
        %get3A_476 = vector.shape_cast %get3A_475 : vector<1x16xf32> to vector<16xf32>
        %add3A_477 = arith.addf %get3A_472, %get3A_476 : vector<16xf32>
        %swap3A_478 = arith.index_cast %add3A_232 : i32 to index
        %swap3A_479 = arith.constant 272 : index
        %swap3A_480 = tpu.vector_load %arg14[%swap3A_478, %swap3A_479] {strides = array<i32>} : memref<8x1024xf32, #tpu.memory_space<vmem>>, vector<1x16xf32>,
        %swap3A_481 = vector.shape_cast %swap3A_480 : vector<1x16xf32> to vector<16xf32>
        %swap3A_482 = vector.shape_cast %add3A_477 : vector<16xf32> to vector<1x16xf32>
        tpu.vector_store %arg14[%swap3A_478, %swap3A_479], %swap3A_482 {strides = array<i32>} : memref<8x1024xf32, #tpu.memory_space<vmem>>, vector<1x16xf32>,
        %get3A_483 = arith.index_cast %add3A_232 : i32 to index
        %get3A_484 = arith.constant 288 : index
        %get3A_485 = tpu.vector_load %arg14[%get3A_483, %get3A_484] {strides = array<i32>} : memref<8x1024xf32, #tpu.memory_space<vmem>>, vector<1x16xf32>,
        %get3A_486 = vector.shape_cast %get3A_485 : vector<1x16xf32> to vector<16xf32>
        %get3A_487 = arith.index_cast %add3A_232 : i32 to index
        %get3A_488 = arith.constant 288 : index
        %get3A_489 = tpu.vector_load %arg10[%get3A_487, %get3A_488] {strides = array<i32>} : memref<8x1024xf32, #tpu.memory_space<vmem>>, vector<1x16xf32>,
        %get3A_490 = vector.shape_cast %get3A_489 : vector<1x16xf32> to vector<16xf32>
        %add3A_491 = arith.addf %get3A_486, %get3A_490 : vector<16xf32>
        %swap3A_492 = arith.index_cast %add3A_232 : i32 to index
        %swap3A_493 = arith.constant 288 : index
        %swap3A_494 = tpu.vector_load %arg14[%swap3A_492, %swap3A_493] {strides = array<i32>} : memref<8x1024xf32, #tpu.memory_space<vmem>>, vector<1x16xf32>,
        %swap3A_495 = vector.shape_cast %swap3A_494 : vector<1x16xf32> to vector<16xf32>
        %swap3A_496 = vector.shape_cast %add3A_491 : vector<16xf32> to vector<1x16xf32>
        tpu.vector_store %arg14[%swap3A_492, %swap3A_493], %swap3A_496 {strides = array<i32>} : memref<8x1024xf32, #tpu.memory_space<vmem>>, vector<1x16xf32>,
        %get3A_497 = arith.index_cast %add3A_232 : i32 to index
        %get3A_498 = arith.constant 304 : index
        %get3A_499 = tpu.vector_load %arg14[%get3A_497, %get3A_498] {strides = array<i32>} : memref<8x1024xf32, #tpu.memory_space<vmem>>, vector<1x16xf32>,
        %get3A_500 = vector.shape_cast %get3A_499 : vector<1x16xf32> to vector<16xf32>
        %get3A_501 = arith.index_cast %add3A_232 : i32 to index
        %get3A_502 = arith.constant 304 : index
        %get3A_503 = tpu.vector_load %arg10[%get3A_501, %get3A_502] {strides = array<i32>} : memref<8x1024xf32, #tpu.memory_space<vmem>>, vector<1x16xf32>,
        %get3A_504 = vector.shape_cast %get3A_503 : vector<1x16xf32> to vector<16xf32>
        %add3A_505 = arith.addf %get3A_500, %get3A_504 : vector<16xf32>
        %swap3A_506 = arith.index_cast %add3A_232 : i32 to index
        %swap3A_507 = arith.constant 304 : index
        %swap3A_508 = tpu.vector_load %arg14[%swap3A_506, %swap3A_507] {strides = array<i32>} : memref<8x1024xf32, #tpu.memory_space<vmem>>, vector<1x16xf32>,
        %swap3A_509 = vector.shape_cast %swap3A_508 : vector<1x16xf32> to vector<16xf32>
        %swap3A_510 = vector.shape_cast %add3A_505 : vector<16xf32> to vector<1x16xf32>
        tpu.vector_store %arg14[%swap3A_506, %swap3A_507], %swap3A_510 {strides = array<i32>} : memref<8x1024xf32, #tpu.memory_space<vmem>>, vector<1x16xf32>,
        %get3A_511 = arith.index_cast %add3A_232 : i32 to index
        %get3A_512 = arith.constant 320 : index
        %get3A_513 = tpu.vector_load %arg14[%get3A_511, %get3A_512] {strides = array<i32>} : memref<8x1024xf32, #tpu.memory_space<vmem>>, vector<1x16xf32>,
        %get3A_514 = vector.shape_cast %get3A_513 : vector<1x16xf32> to vector<16xf32>
        %get3A_515 = arith.index_cast %add3A_232 : i32 to index
        %get3A_516 = arith.constant 320 : index
        %get3A_517 = tpu.vector_load %arg10[%get3A_515, %get3A_516] {strides = array<i32>} : memref<8x1024xf32, #tpu.memory_space<vmem>>, vector<1x16xf32>,
        %get3A_518 = vector.shape_cast %get3A_517 : vector<1x16xf32> to vector<16xf32>
        %add3A_519 = arith.addf %get3A_514, %get3A_518 : vector<16xf32>
        %swap3A_520 = arith.index_cast %add3A_232 : i32 to index
        %swap3A_521 = arith.constant 320 : index
        %swap3A_522 = tpu.vector_load %arg14[%swap3A_520, %swap3A_521] {strides = array<i32>} : memref<8x1024xf32, #tpu.memory_space<vmem>>, vector<1x16xf32>,
        %swap3A_523 = vector.shape_cast %swap3A_522 : vector<1x16xf32> to vector<16xf32>
        %swap3A_524 = vector.shape_cast %add3A_519 : vector<16xf32> to vector<1x16xf32>
        tpu.vector_store %arg14[%swap3A_520, %swap3A_521], %swap3A_524 {strides = array<i32>} : memref<8x1024xf32, #tpu.memory_space<vmem>>, vector<1x16xf32>,
        %get3A_525 = arith.index_cast %add3A_232 : i32 to index
        %get3A_526 = arith.constant 336 : index
        %get3A_527 = tpu.vector_load %arg14[%get3A_525, %get3A_526] {strides = array<i32>} : memref<8x1024xf32, #tpu.memory_space<vmem>>, vector<1x16xf32>,
        %get3A_528 = vector.shape_cast %get3A_527 : vector<1x16xf32> to vector<16xf32>
        %get3A_529 = arith.index_cast %add3A_232 : i32 to index
        %get3A_530 = arith.constant 336 : index
        %get3A_531 = tpu.vector_load %arg10[%get3A_529, %get3A_530] {strides = array<i32>} : memref<8x1024xf32, #tpu.memory_space<vmem>>, vector<1x16xf32>,
        %get3A_532 = vector.shape_cast %get3A_531 : vector<1x16xf32> to vector<16xf32>
        %add3A_533 = arith.addf %get3A_528, %get3A_532 : vector<16xf32>
        %swap3A_534 = arith.index_cast %add3A_232 : i32 to index
        %swap3A_535 = arith.constant 336 : index
        %swap3A_536 = tpu.vector_load %arg14[%swap3A_534, %swap3A_535] {strides = array<i32>} : memref<8x1024xf32, #tpu.memory_space<vmem>>, vector<1x16xf32>,
        %swap3A_537 = vector.shape_cast %swap3A_536 : vector<1x16xf32> to vector<16xf32>
        %swap3A_538 = vector.shape_cast %add3A_533 : vector<16xf32> to vector<1x16xf32>
        tpu.vector_store %arg14[%swap3A_534, %swap3A_535], %swap3A_538 {strides = array<i32>} : memref<8x1024xf32, #tpu.memory_space<vmem>>, vector<1x16xf32>,
        %get3A_539 = arith.index_cast %add3A_232 : i32 to index
        %get3A_540 = arith.constant 352 : index
        %get3A_541 = tpu.vector_load %arg14[%get3A_539, %get3A_540] {strides = array<i32>} : memref<8x1024xf32, #tpu.memory_space<vmem>>, vector<1x16xf32>,
        %get3A_542 = vector.shape_cast %get3A_541 : vector<1x16xf32> to vector<16xf32>
        %get3A_543 = arith.index_cast %add3A_232 : i32 to index
        %get3A_544 = arith.constant 352 : index
        %get3A_545 = tpu.vector_load %arg10[%get3A_543, %get3A_544] {strides = array<i32>} : memref<8x1024xf32, #tpu.memory_space<vmem>>, vector<1x16xf32>,
        %get3A_546 = vector.shape_cast %get3A_545 : vector<1x16xf32> to vector<16xf32>
        %add3A_547 = arith.addf %get3A_542, %get3A_546 : vector<16xf32>
        %swap3A_548 = arith.index_cast %add3A_232 : i32 to index
        %swap3A_549 = arith.constant 352 : index
        %swap3A_550 = tpu.vector_load %arg14[%swap3A_548, %swap3A_549] {strides = array<i32>} : memref<8x1024xf32, #tpu.memory_space<vmem>>, vector<1x16xf32>,
        %swap3A_551 = vector.shape_cast %swap3A_550 : vector<1x16xf32> to vector<16xf32>
        %swap3A_552 = vector.shape_cast %add3A_547 : vector<16xf32> to vector<1x16xf32>
        tpu.vector_store %arg14[%swap3A_548, %swap3A_549], %swap3A_552 {strides = array<i32>} : memref<8x1024xf32, #tpu.memory_space<vmem>>, vector<1x16xf32>,
        %get3A_553 = arith.index_cast %add3A_232 : i32 to index
        %get3A_554 = arith.constant 368 : index
        %get3A_555 = tpu.vector_load %arg14[%get3A_553, %get3A_554] {strides = array<i32>} : memref<8x1024xf32, #tpu.memory_space<vmem>>, vector<1x16xf32>,
        %get3A_556 = vector.shape_cast %get3A_555 : vector<1x16xf32> to vector<16xf32>
        %get3A_557 = arith.index_cast %add3A_232 : i32 to index
        %get3A_558 = arith.constant 368 : index
        %get3A_559 = tpu.vector_load %arg10[%get3A_557, %get3A_558] {strides = array<i32>} : memref<8x1024xf32, #tpu.memory_space<vmem>>, vector<1x16xf32>,
        %get3A_560 = vector.shape_cast %get3A_559 : vector<1x16xf32> to vector<16xf32>
        %add3A_561 = arith.addf %get3A_556, %get3A_560 : vector<16xf32>
        %swap3A_562 = arith.index_cast %add3A_232 : i32 to index
        %swap3A_563 = arith.constant 368 : index
        %swap3A_564 = tpu.vector_load %arg14[%swap3A_562, %swap3A_563] {strides = array<i32>} : memref<8x1024xf32, #tpu.memory_space<vmem>>, vector<1x16xf32>,
        %swap3A_565 = vector.shape_cast %swap3A_564 : vector<1x16xf32> to vector<16xf32>
        %swap3A_566 = vector.shape_cast %add3A_561 : vector<16xf32> to vector<1x16xf32>
        tpu.vector_store %arg14[%swap3A_562, %swap3A_563], %swap3A_566 {strides = array<i32>} : memref<8x1024xf32, #tpu.memory_space<vmem>>, vector<1x16xf32>,
        %get3A_567 = arith.index_cast %add3A_232 : i32 to index
        %get3A_568 = arith.constant 384 : index
        %get3A_569 = tpu.vector_load %arg14[%get3A_567, %get3A_568] {strides = array<i32>} : memref<8x1024xf32, #tpu.memory_space<vmem>>, vector<1x16xf32>,
        %get3A_570 = vector.shape_cast %get3A_569 : vector<1x16xf32> to vector<16xf32>
        %get3A_571 = arith.index_cast %add3A_232 : i32 to index
        %get3A_572 = arith.constant 384 : index
        %get3A_573 = tpu.vector_load %arg10[%get3A_571, %get3A_572] {strides = array<i32>} : memref<8x1024xf32, #tpu.memory_space<vmem>>, vector<1x16xf32>,
        %get3A_574 = vector.shape_cast %get3A_573 : vector<1x16xf32> to vector<16xf32>
        %add3A_575 = arith.addf %get3A_570, %get3A_574 : vector<16xf32>
        %swap3A_576 = arith.index_cast %add3A_232 : i32 to index
        %swap3A_577 = arith.constant 384 : index
        %swap3A_578 = tpu.vector_load %arg14[%swap3A_576, %swap3A_577] {strides = array<i32>} : memref<8x1024xf32, #tpu.memory_space<vmem>>, vector<1x16xf32>,
        %swap3A_579 = vector.shape_cast %swap3A_578 : vector<1x16xf32> to vector<16xf32>
        %swap3A_580 = vector.shape_cast %add3A_575 : vector<16xf32> to vector<1x16xf32>
        tpu.vector_store %arg14[%swap3A_576, %swap3A_577], %swap3A_580 {strides = array<i32>} : memref<8x1024xf32, #tpu.memory_space<vmem>>, vector<1x16xf32>,
        %get3A_581 = arith.index_cast %add3A_232 : i32 to index
        %get3A_582 = arith.constant 400 : index
        %get3A_583 = tpu.vector_load %arg14[%get3A_581, %get3A_582] {strides = array<i32>} : memref<8x1024xf32, #tpu.memory_space<vmem>>, vector<1x16xf32>,
        %get3A_584 = vector.shape_cast %get3A_583 : vector<1x16xf32> to vector<16xf32>
        %get3A_585 = arith.index_cast %add3A_232 : i32 to index
        %get3A_586 = arith.constant 400 : index
        %get3A_587 = tpu.vector_load %arg10[%get3A_585, %get3A_586] {strides = array<i32>} : memref<8x1024xf32, #tpu.memory_space<vmem>>, vector<1x16xf32>,
        %get3A_588 = vector.shape_cast %get3A_587 : vector<1x16xf32> to vector<16xf32>
        %add3A_589 = arith.addf %get3A_584, %get3A_588 : vector<16xf32>
        %swap3A_590 = arith.index_cast %add3A_232 : i32 to index
        %swap3A_591 = arith.constant 400 : index
        %swap3A_592 = tpu.vector_load %arg14[%swap3A_590, %swap3A_591] {strides = array<i32>} : memref<8x1024xf32, #tpu.memory_space<vmem>>, vector<1x16xf32>,
        %swap3A_593 = vector.shape_cast %swap3A_592 : vector<1x16xf32> to vector<16xf32>
        %swap3A_594 = vector.shape_cast %add3A_589 : vector<16xf32> to vector<1x16xf32>
        tpu.vector_store %arg14[%swap3A_590, %swap3A_591], %swap3A_594 {strides = array<i32>} : memref<8x1024xf32, #tpu.memory_space<vmem>>, vector<1x16xf32>,
        %get3A_595 = arith.index_cast %add3A_232 : i32 to index
        %get3A_596 = arith.constant 416 : index
        %get3A_597 = tpu.vector_load %arg14[%get3A_595, %get3A_596] {strides = array<i32>} : memref<8x1024xf32, #tpu.memory_space<vmem>>, vector<1x16xf32>,
        %get3A_598 = vector.shape_cast %get3A_597 : vector<1x16xf32> to vector<16xf32>
        %get3A_599 = arith.index_cast %add3A_232 : i32 to index
        %get3A_600 = arith.constant 416 : index
        %get3A_601 = tpu.vector_load %arg10[%get3A_599, %get3A_600] {strides = array<i32>} : memref<8x1024xf32, #tpu.memory_space<vmem>>, vector<1x16xf32>,
        %get3A_602 = vector.shape_cast %get3A_601 : vector<1x16xf32> to vector<16xf32>
        %add3A_603 = arith.addf %get3A_598, %get3A_602 : vector<16xf32>
        %swap3A_604 = arith.index_cast %add3A_232 : i32 to index
        %swap3A_605 = arith.constant 416 : index
        %swap3A_606 = tpu.vector_load %arg14[%swap3A_604, %swap3A_605] {strides = array<i32>} : memref<8x1024xf32, #tpu.memory_space<vmem>>, vector<1x16xf32>,
        %swap3A_607 = vector.shape_cast %swap3A_606 : vector<1x16xf32> to vector<16xf32>
        %swap3A_608 = vector.shape_cast %add3A_603 : vector<16xf32> to vector<1x16xf32>
        tpu.vector_store %arg14[%swap3A_604, %swap3A_605], %swap3A_608 {strides = array<i32>} : memref<8x1024xf32, #tpu.memory_space<vmem>>, vector<1x16xf32>,
        %get3A_609 = arith.index_cast %add3A_232 : i32 to index
        %get3A_610 = arith.constant 432 : index
        %get3A_611 = tpu.vector_load %arg14[%get3A_609, %get3A_610] {strides = array<i32>} : memref<8x1024xf32, #tpu.memory_space<vmem>>, vector<1x16xf32>,
        %get3A_612 = vector.shape_cast %get3A_611 : vector<1x16xf32> to vector<16xf32>
        %get3A_613 = arith.index_cast %add3A_232 : i32 to index
        %get3A_614 = arith.constant 432 : index
        %get3A_615 = tpu.vector_load %arg10[%get3A_613, %get3A_614] {strides = array<i32>} : memref<8x1024xf32, #tpu.memory_space<vmem>>, vector<1x16xf32>,
        %get3A_616 = vector.shape_cast %get3A_615 : vector<1x16xf32> to vector<16xf32>
        %add3A_617 = arith.addf %get3A_612, %get3A_616 : vector<16xf32>
        %swap3A_618 = arith.index_cast %add3A_232 : i32 to index
        %swap3A_619 = arith.constant 432 : index
        %swap3A_620 = tpu.vector_load %arg14[%swap3A_618, %swap3A_619] {strides = array<i32>} : memref<8x1024xf32, #tpu.memory_space<vmem>>, vector<1x16xf32>,
        %swap3A_621 = vector.shape_cast %swap3A_620 : vector<1x16xf32> to vector<16xf32>
        %swap3A_622 = vector.shape_cast %add3A_617 : vector<16xf32> to vector<1x16xf32>
        tpu.vector_store %arg14[%swap3A_618, %swap3A_619], %swap3A_622 {strides = array<i32>} : memref<8x1024xf32, #tpu.memory_space<vmem>>, vector<1x16xf32>,
        %get3A_623 = arith.index_cast %add3A_232 : i32 to index
        %get3A_624 = arith.constant 448 : index
        %get3A_625 = tpu.vector_load %arg14[%get3A_623, %get3A_624] {strides = array<i32>} : memref<8x1024xf32, #tpu.memory_space<vmem>>, vector<1x16xf32>,
        %get3A_626 = vector.shape_cast %get3A_625 : vector<1x16xf32> to vector<16xf32>
        %get3A_627 = arith.index_cast %add3A_232 : i32 to index
        %get3A_628 = arith.constant 448 : index
        %get3A_629 = tpu.vector_load %arg10[%get3A_627, %get3A_628] {strides = array<i32>} : memref<8x1024xf32, #tpu.memory_space<vmem>>, vector<1x16xf32>,
        %get3A_630 = vector.shape_cast %get3A_629 : vector<1x16xf32> to vector<16xf32>
        %add3A_631 = arith.addf %get3A_626, %get3A_630 : vector<16xf32>
        %swap3A_632 = arith.index_cast %add3A_232 : i32 to index
        %swap3A_633 = arith.constant 448 : index
        %swap3A_634 = tpu.vector_load %arg14[%swap3A_632, %swap3A_633] {strides = array<i32>} : memref<8x1024xf32, #tpu.memory_space<vmem>>, vector<1x16xf32>,
        %swap3A_635 = vector.shape_cast %swap3A_634 : vector<1x16xf32> to vector<16xf32>
        %swap3A_636 = vector.shape_cast %add3A_631 : vector<16xf32> to vector<1x16xf32>
        tpu.vector_store %arg14[%swap3A_632, %swap3A_633], %swap3A_636 {strides = array<i32>} : memref<8x1024xf32, #tpu.memory_space<vmem>>, vector<1x16xf32>,
        %get3A_637 = arith.index_cast %add3A_232 : i32 to index
        %get3A_638 = arith.constant 464 : index
        %get3A_639 = tpu.vector_load %arg14[%get3A_637, %get3A_638] {strides = array<i32>} : memref<8x1024xf32, #tpu.memory_space<vmem>>, vector<1x16xf32>,
        %get3A_640 = vector.shape_cast %get3A_639 : vector<1x16xf32> to vector<16xf32>
        %get3A_641 = arith.index_cast %add3A_232 : i32 to index
        %get3A_642 = arith.constant 464 : index
        %get3A_643 = tpu.vector_load %arg10[%get3A_641, %get3A_642] {strides = array<i32>} : memref<8x1024xf32, #tpu.memory_space<vmem>>, vector<1x16xf32>,
        %get3A_644 = vector.shape_cast %get3A_643 : vector<1x16xf32> to vector<16xf32>
        %add3A_645 = arith.addf %get3A_640, %get3A_644 : vector<16xf32>
        %swap3A_646 = arith.index_cast %add3A_232 : i32 to index
        %swap3A_647 = arith.constant 464 : index
        %swap3A_648 = tpu.vector_load %arg14[%swap3A_646, %swap3A_647] {strides = array<i32>} : memref<8x1024xf32, #tpu.memory_space<vmem>>, vector<1x16xf32>,
        %swap3A_649 = vector.shape_cast %swap3A_648 : vector<1x16xf32> to vector<16xf32>
        %swap3A_650 = vector.shape_cast %add3A_645 : vector<16xf32> to vector<1x16xf32>
        tpu.vector_store %arg14[%swap3A_646, %swap3A_647], %swap3A_650 {strides = array<i32>} : memref<8x1024xf32, #tpu.memory_space<vmem>>, vector<1x16xf32>,
        %get3A_651 = arith.index_cast %add3A_232 : i32 to index
        %get3A_652 = arith.constant 480 : index
        %get3A_653 = tpu.vector_load %arg14[%get3A_651, %get3A_652] {strides = array<i32>} : memref<8x1024xf32, #tpu.memory_space<vmem>>, vector<1x16xf32>,
        %get3A_654 = vector.shape_cast %get3A_653 : vector<1x16xf32> to vector<16xf32>
        %get3A_655 = arith.index_cast %add3A_232 : i32 to index
        %get3A_656 = arith.constant 480 : index
        %get3A_657 = tpu.vector_load %arg10[%get3A_655, %get3A_656] {strides = array<i32>} : memref<8x1024xf32, #tpu.memory_space<vmem>>, vector<1x16xf32>,
        %get3A_658 = vector.shape_cast %get3A_657 : vector<1x16xf32> to vector<16xf32>
        %add3A_659 = arith.addf %get3A_654, %get3A_658 : vector<16xf32>
        %swap3A_660 = arith.index_cast %add3A_232 : i32 to index
        %swap3A_661 = arith.constant 480 : index
        %swap3A_662 = tpu.vector_load %arg14[%swap3A_660, %swap3A_661] {strides = array<i32>} : memref<8x1024xf32, #tpu.memory_space<vmem>>, vector<1x16xf32>,
        %swap3A_663 = vector.shape_cast %swap3A_662 : vector<1x16xf32> to vector<16xf32>
        %swap3A_664 = vector.shape_cast %add3A_659 : vector<16xf32> to vector<1x16xf32>
        tpu.vector_store %arg14[%swap3A_660, %swap3A_661], %swap3A_664 {strides = array<i32>} : memref<8x1024xf32, #tpu.memory_space<vmem>>, vector<1x16xf32>,
        %get3A_665 = arith.index_cast %add3A_232 : i32 to index
        %get3A_666 = arith.constant 496 : index
        %get3A_667 = tpu.vector_load %arg14[%get3A_665, %get3A_666] {strides = array<i32>} : memref<8x1024xf32, #tpu.memory_space<vmem>>, vector<1x16xf32>,
        %get3A_668 = vector.shape_cast %get3A_667 : vector<1x16xf32> to vector<16xf32>
        %get3A_669 = arith.index_cast %add3A_232 : i32 to index
        %get3A_670 = arith.constant 496 : index
        %get3A_671 = tpu.vector_load %arg10[%get3A_669, %get3A_670] {strides = array<i32>} : memref<8x1024xf32, #tpu.memory_space<vmem>>, vector<1x16xf32>,
        %get3A_672 = vector.shape_cast %get3A_671 : vector<1x16xf32> to vector<16xf32>
        %add3A_673 = arith.addf %get3A_668, %get3A_672 : vector<16xf32>
        %swap3A_674 = arith.index_cast %add3A_232 : i32 to index
        %swap3A_675 = arith.constant 496 : index
        %swap3A_676 = tpu.vector_load %arg14[%swap3A_674, %swap3A_675] {strides = array<i32>} : memref<8x1024xf32, #tpu.memory_space<vmem>>, vector<1x16xf32>,
        %swap3A_677 = vector.shape_cast %swap3A_676 : vector<1x16xf32> to vector<16xf32>
        %swap3A_678 = vector.shape_cast %add3A_673 : vector<16xf32> to vector<1x16xf32>
        tpu.vector_store %arg14[%swap3A_674, %swap3A_675], %swap3A_678 {strides = array<i32>} : memref<8x1024xf32, #tpu.memory_space<vmem>>, vector<1x16xf32>,
        %get3A_679 = arith.index_cast %add3A_232 : i32 to index
        %get3A_680 = arith.constant 512 : index
        %get3A_681 = tpu.vector_load %arg14[%get3A_679, %get3A_680] {strides = array<i32>} : memref<8x1024xf32, #tpu.memory_space<vmem>>, vector<1x16xf32>,
        %get3A_682 = vector.shape_cast %get3A_681 : vector<1x16xf32> to vector<16xf32>
        %get3A_683 = arith.index_cast %add3A_232 : i32 to index
        %get3A_684 = arith.constant 512 : index
        %get3A_685 = tpu.vector_load %arg10[%get3A_683, %get3A_684] {strides = array<i32>} : memref<8x1024xf32, #tpu.memory_space<vmem>>, vector<1x16xf32>,
        %get3A_686 = vector.shape_cast %get3A_685 : vector<1x16xf32> to vector<16xf32>
        %add3A_687 = arith.addf %get3A_682, %get3A_686 : vector<16xf32>
        %swap3A_688 = arith.index_cast %add3A_232 : i32 to index
        %swap3A_689 = arith.constant 512 : index
        %swap3A_690 = tpu.vector_load %arg14[%swap3A_688, %swap3A_689] {strides = array<i32>} : memref<8x1024xf32, #tpu.memory_space<vmem>>, vector<1x16xf32>,
        %swap3A_691 = vector.shape_cast %swap3A_690 : vector<1x16xf32> to vector<16xf32>
        %swap3A_692 = vector.shape_cast %add3A_687 : vector<16xf32> to vector<1x16xf32>
        tpu.vector_store %arg14[%swap3A_688, %swap3A_689], %swap3A_692 {strides = array<i32>} : memref<8x1024xf32, #tpu.memory_space<vmem>>, vector<1x16xf32>,
        %get3A_693 = arith.index_cast %add3A_232 : i32 to index
        %get3A_694 = arith.constant 528 : index
        %get3A_695 = tpu.vector_load %arg14[%get3A_693, %get3A_694] {strides = array<i32>} : memref<8x1024xf32, #tpu.memory_space<vmem>>, vector<1x16xf32>,
        %get3A_696 = vector.shape_cast %get3A_695 : vector<1x16xf32> to vector<16xf32>
        %get3A_697 = arith.index_cast %add3A_232 : i32 to index
        %get3A_698 = arith.constant 528 : index
        %get3A_699 = tpu.vector_load %arg10[%get3A_697, %get3A_698] {strides = array<i32>} : memref<8x1024xf32, #tpu.memory_space<vmem>>, vector<1x16xf32>,
        %get3A_700 = vector.shape_cast %get3A_699 : vector<1x16xf32> to vector<16xf32>
        %add3A_701 = arith.addf %get3A_696, %get3A_700 : vector<16xf32>
        %swap3A_702 = arith.index_cast %add3A_232 : i32 to index
        %swap3A_703 = arith.constant 528 : index
        %swap3A_704 = tpu.vector_load %arg14[%swap3A_702, %swap3A_703] {strides = array<i32>} : memref<8x1024xf32, #tpu.memory_space<vmem>>, vector<1x16xf32>,
        %swap3A_705 = vector.shape_cast %swap3A_704 : vector<1x16xf32> to vector<16xf32>
        %swap3A_706 = vector.shape_cast %add3A_701 : vector<16xf32> to vector<1x16xf32>
        tpu.vector_store %arg14[%swap3A_702, %swap3A_703], %swap3A_706 {strides = array<i32>} : memref<8x1024xf32, #tpu.memory_space<vmem>>, vector<1x16xf32>,
        %get3A_707 = arith.index_cast %add3A_232 : i32 to index
        %get3A_708 = arith.constant 544 : index
        %get3A_709 = tpu.vector_load %arg14[%get3A_707, %get3A_708] {strides = array<i32>} : memref<8x1024xf32, #tpu.memory_space<vmem>>, vector<1x16xf32>,
        %get3A_710 = vector.shape_cast %get3A_709 : vector<1x16xf32> to vector<16xf32>
        %get3A_711 = arith.index_cast %add3A_232 : i32 to index
        %get3A_712 = arith.constant 544 : index
        %get3A_713 = tpu.vector_load %arg10[%get3A_711, %get3A_712] {strides = array<i32>} : memref<8x1024xf32, #tpu.memory_space<vmem>>, vector<1x16xf32>,
        %get3A_714 = vector.shape_cast %get3A_713 : vector<1x16xf32> to vector<16xf32>
        %add3A_715 = arith.addf %get3A_710, %get3A_714 : vector<16xf32>
        %swap3A_716 = arith.index_cast %add3A_232 : i32 to index
        %swap3A_717 = arith.constant 544 : index
        %swap3A_718 = tpu.vector_load %arg14[%swap3A_716, %swap3A_717] {strides = array<i32>} : memref<8x1024xf32, #tpu.memory_space<vmem>>, vector<1x16xf32>,
        %swap3A_719 = vector.shape_cast %swap3A_718 : vector<1x16xf32> to vector<16xf32>
        %swap3A_720 = vector.shape_cast %add3A_715 : vector<16xf32> to vector<1x16xf32>
        tpu.vector_store %arg14[%swap3A_716, %swap3A_717], %swap3A_720 {strides = array<i32>} : memref<8x1024xf32, #tpu.memory_space<vmem>>, vector<1x16xf32>,
        %get3A_721 = arith.index_cast %add3A_232 : i32 to index
        %get3A_722 = arith.constant 560 : index
        %get3A_723 = tpu.vector_load %arg14[%get3A_721, %get3A_722] {strides = array<i32>} : memref<8x1024xf32, #tpu.memory_space<vmem>>, vector<1x16xf32>,
        %get3A_724 = vector.shape_cast %get3A_723 : vector<1x16xf32> to vector<16xf32>
        %get3A_725 = arith.index_cast %add3A_232 : i32 to index
        %get3A_726 = arith.constant 560 : index
        %get3A_727 = tpu.vector_load %arg10[%get3A_725, %get3A_726] {strides = array<i32>} : memref<8x1024xf32, #tpu.memory_space<vmem>>, vector<1x16xf32>,
        %get3A_728 = vector.shape_cast %get3A_727 : vector<1x16xf32> to vector<16xf32>
        %add3A_729 = arith.addf %get3A_724, %get3A_728 : vector<16xf32>
        %swap3A_730 = arith.index_cast %add3A_232 : i32 to index
        %swap3A_731 = arith.constant 560 : index
        %swap3A_732 = tpu.vector_load %arg14[%swap3A_730, %swap3A_731] {strides = array<i32>} : memref<8x1024xf32, #tpu.memory_space<vmem>>, vector<1x16xf32>,
        %swap3A_733 = vector.shape_cast %swap3A_732 : vector<1x16xf32> to vector<16xf32>
        %swap3A_734 = vector.shape_cast %add3A_729 : vector<16xf32> to vector<1x16xf32>
        tpu.vector_store %arg14[%swap3A_730, %swap3A_731], %swap3A_734 {strides = array<i32>} : memref<8x1024xf32, #tpu.memory_space<vmem>>, vector<1x16xf32>,
        %get3A_735 = arith.index_cast %add3A_232 : i32 to index
        %get3A_736 = arith.constant 576 : index
        %get3A_737 = tpu.vector_load %arg14[%get3A_735, %get3A_736] {strides = array<i32>} : memref<8x1024xf32, #tpu.memory_space<vmem>>, vector<1x16xf32>,
        %get3A_738 = vector.shape_cast %get3A_737 : vector<1x16xf32> to vector<16xf32>
        %get3A_739 = arith.index_cast %add3A_232 : i32 to index
        %get3A_740 = arith.constant 576 : index
        %get3A_741 = tpu.vector_load %arg10[%get3A_739, %get3A_740] {strides = array<i32>} : memref<8x1024xf32, #tpu.memory_space<vmem>>, vector<1x16xf32>,
        %get3A_742 = vector.shape_cast %get3A_741 : vector<1x16xf32> to vector<16xf32>
        %add3A_743 = arith.addf %get3A_738, %get3A_742 : vector<16xf32>
        %swap3A_744 = arith.index_cast %add3A_232 : i32 to index
        %swap3A_745 = arith.constant 576 : index
        %swap3A_746 = tpu.vector_load %arg14[%swap3A_744, %swap3A_745] {strides = array<i32>} : memref<8x1024xf32, #tpu.memory_space<vmem>>, vector<1x16xf32>,
        %swap3A_747 = vector.shape_cast %swap3A_746 : vector<1x16xf32> to vector<16xf32>
        %swap3A_748 = vector.shape_cast %add3A_743 : vector<16xf32> to vector<1x16xf32>
        tpu.vector_store %arg14[%swap3A_744, %swap3A_745], %swap3A_748 {strides = array<i32>} : memref<8x1024xf32, #tpu.memory_space<vmem>>, vector<1x16xf32>,
        %get3A_749 = arith.index_cast %add3A_232 : i32 to index
        %get3A_750 = arith.constant 592 : index
        %get3A_751 = tpu.vector_load %arg14[%get3A_749, %get3A_750] {strides = array<i32>} : memref<8x1024xf32, #tpu.memory_space<vmem>>, vector<1x16xf32>,
        %get3A_752 = vector.shape_cast %get3A_751 : vector<1x16xf32> to vector<16xf32>
        %get3A_753 = arith.index_cast %add3A_232 : i32 to index
        %get3A_754 = arith.constant 592 : index
        %get3A_755 = tpu.vector_load %arg10[%get3A_753, %get3A_754] {strides = array<i32>} : memref<8x1024xf32, #tpu.memory_space<vmem>>, vector<1x16xf32>,
        %get3A_756 = vector.shape_cast %get3A_755 : vector<1x16xf32> to vector<16xf32>
        %add3A_757 = arith.addf %get3A_752, %get3A_756 : vector<16xf32>
        %swap3A_758 = arith.index_cast %add3A_232 : i32 to index
        %swap3A_759 = arith.constant 592 : index
        %swap3A_760 = tpu.vector_load %arg14[%swap3A_758, %swap3A_759] {strides = array<i32>} : memref<8x1024xf32, #tpu.memory_space<vmem>>, vector<1x16xf32>,
        %swap3A_761 = vector.shape_cast %swap3A_760 : vector<1x16xf32> to vector<16xf32>
        %swap3A_762 = vector.shape_cast %add3A_757 : vector<16xf32> to vector<1x16xf32>
        tpu.vector_store %arg14[%swap3A_758, %swap3A_759], %swap3A_762 {strides = array<i32>} : memref<8x1024xf32, #tpu.memory_space<vmem>>, vector<1x16xf32>,
        %get3A_763 = arith.index_cast %add3A_232 : i32 to index
        %get3A_764 = arith.constant 608 : index
        %get3A_765 = tpu.vector_load %arg14[%get3A_763, %get3A_764] {strides = array<i32>} : memref<8x1024xf32, #tpu.memory_space<vmem>>, vector<1x16xf32>,
        %get3A_766 = vector.shape_cast %get3A_765 : vector<1x16xf32> to vector<16xf32>
        %get3A_767 = arith.index_cast %add3A_232 : i32 to index
        %get3A_768 = arith.constant 608 : index
        %get3A_769 = tpu.vector_load %arg10[%get3A_767, %get3A_768] {strides = array<i32>} : memref<8x1024xf32, #tpu.memory_space<vmem>>, vector<1x16xf32>,
        %get3A_770 = vector.shape_cast %get3A_769 : vector<1x16xf32> to vector<16xf32>
        %add3A_771 = arith.addf %get3A_766, %get3A_770 : vector<16xf32>
        %swap3A_772 = arith.index_cast %add3A_232 : i32 to index
        %swap3A_773 = arith.constant 608 : index
        %swap3A_774 = tpu.vector_load %arg14[%swap3A_772, %swap3A_773] {strides = array<i32>} : memref<8x1024xf32, #tpu.memory_space<vmem>>, vector<1x16xf32>,
        %swap3A_775 = vector.shape_cast %swap3A_774 : vector<1x16xf32> to vector<16xf32>
        %swap3A_776 = vector.shape_cast %add3A_771 : vector<16xf32> to vector<1x16xf32>
        tpu.vector_store %arg14[%swap3A_772, %swap3A_773], %swap3A_776 {strides = array<i32>} : memref<8x1024xf32, #tpu.memory_space<vmem>>, vector<1x16xf32>,
        %get3A_777 = arith.index_cast %add3A_232 : i32 to index
        %get3A_778 = arith.constant 624 : index
        %get3A_779 = tpu.vector_load %arg14[%get3A_777, %get3A_778] {strides = array<i32>} : memref<8x1024xf32, #tpu.memory_space<vmem>>, vector<1x16xf32>,
        %get3A_780 = vector.shape_cast %get3A_779 : vector<1x16xf32> to vector<16xf32>
        %get3A_781 = arith.index_cast %add3A_232 : i32 to index
        %get3A_782 = arith.constant 624 : index
        %get3A_783 = tpu.vector_load %arg10[%get3A_781, %get3A_782] {strides = array<i32>} : memref<8x1024xf32, #tpu.memory_space<vmem>>, vector<1x16xf32>,
        %get3A_784 = vector.shape_cast %get3A_783 : vector<1x16xf32> to vector<16xf32>
        %add3A_785 = arith.addf %get3A_780, %get3A_784 : vector<16xf32>
        %swap3A_786 = arith.index_cast %add3A_232 : i32 to index
        %swap3A_787 = arith.constant 624 : index
        %swap3A_788 = tpu.vector_load %arg14[%swap3A_786, %swap3A_787] {strides = array<i32>} : memref<8x1024xf32, #tpu.memory_space<vmem>>, vector<1x16xf32>,
        %swap3A_789 = vector.shape_cast %swap3A_788 : vector<1x16xf32> to vector<16xf32>
        %swap3A_790 = vector.shape_cast %add3A_785 : vector<16xf32> to vector<1x16xf32>
        tpu.vector_store %arg14[%swap3A_786, %swap3A_787], %swap3A_790 {strides = array<i32>} : memref<8x1024xf32, #tpu.memory_space<vmem>>, vector<1x16xf32>,
        %get3A_791 = arith.index_cast %add3A_232 : i32 to index
        %get3A_792 = arith.constant 640 : index
        %get3A_793 = tpu.vector_load %arg14[%get3A_791, %get3A_792] {strides = array<i32>} : memref<8x1024xf32, #tpu.memory_space<vmem>>, vector<1x16xf32>,
        %get3A_794 = vector.shape_cast %get3A_793 : vector<1x16xf32> to vector<16xf32>
        %get3A_795 = arith.index_cast %add3A_232 : i32 to index
        %get3A_796 = arith.constant 640 : index
        %get3A_797 = tpu.vector_load %arg10[%get3A_795, %get3A_796] {strides = array<i32>} : memref<8x1024xf32, #tpu.memory_space<vmem>>, vector<1x16xf32>,
        %get3A_798 = vector.shape_cast %get3A_797 : vector<1x16xf32> to vector<16xf32>
        %add3A_799 = arith.addf %get3A_794, %get3A_798 : vector<16xf32>
        %swap3A_800 = arith.index_cast %add3A_232 : i32 to index
        %swap3A_801 = arith.constant 640 : index
        %swap3A_802 = tpu.vector_load %arg14[%swap3A_800, %swap3A_801] {strides = array<i32>} : memref<8x1024xf32, #tpu.memory_space<vmem>>, vector<1x16xf32>,
        %swap3A_803 = vector.shape_cast %swap3A_802 : vector<1x16xf32> to vector<16xf32>
        %swap3A_804 = vector.shape_cast %add3A_799 : vector<16xf32> to vector<1x16xf32>
        tpu.vector_store %arg14[%swap3A_800, %swap3A_801], %swap3A_804 {strides = array<i32>} : memref<8x1024xf32, #tpu.memory_space<vmem>>, vector<1x16xf32>,
        %get3A_805 = arith.index_cast %add3A_232 : i32 to index
        %get3A_806 = arith.constant 656 : index
        %get3A_807 = tpu.vector_load %arg14[%get3A_805, %get3A_806] {strides = array<i32>} : memref<8x1024xf32, #tpu.memory_space<vmem>>, vector<1x16xf32>,
        %get3A_808 = vector.shape_cast %get3A_807 : vector<1x16xf32> to vector<16xf32>
        %get3A_809 = arith.index_cast %add3A_232 : i32 to index
        %get3A_810 = arith.constant 656 : index
        %get3A_811 = tpu.vector_load %arg10[%get3A_809, %get3A_810] {strides = array<i32>} : memref<8x1024xf32, #tpu.memory_space<vmem>>, vector<1x16xf32>,
        %get3A_812 = vector.shape_cast %get3A_811 : vector<1x16xf32> to vector<16xf32>
        %add3A_813 = arith.addf %get3A_808, %get3A_812 : vector<16xf32>
        %swap3A_814 = arith.index_cast %add3A_232 : i32 to index
        %swap3A_815 = arith.constant 656 : index
        %swap3A_816 = tpu.vector_load %arg14[%swap3A_814, %swap3A_815] {strides = array<i32>} : memref<8x1024xf32, #tpu.memory_space<vmem>>, vector<1x16xf32>,
        %swap3A_817 = vector.shape_cast %swap3A_816 : vector<1x16xf32> to vector<16xf32>
        %swap3A_818 = vector.shape_cast %add3A_813 : vector<16xf32> to vector<1x16xf32>
        tpu.vector_store %arg14[%swap3A_814, %swap3A_815], %swap3A_818 {strides = array<i32>} : memref<8x1024xf32, #tpu.memory_space<vmem>>, vector<1x16xf32>,
        %get3A_819 = arith.index_cast %add3A_232 : i32 to index
        %get3A_820 = arith.constant 672 : index
        %get3A_821 = tpu.vector_load %arg14[%get3A_819, %get3A_820] {strides = array<i32>} : memref<8x1024xf32, #tpu.memory_space<vmem>>, vector<1x16xf32>,
        %get3A_822 = vector.shape_cast %get3A_821 : vector<1x16xf32> to vector<16xf32>
        %get3A_823 = arith.index_cast %add3A_232 : i32 to index
        %get3A_824 = arith.constant 672 : index
        %get3A_825 = tpu.vector_load %arg10[%get3A_823, %get3A_824] {strides = array<i32>} : memref<8x1024xf32, #tpu.memory_space<vmem>>, vector<1x16xf32>,
        %get3A_826 = vector.shape_cast %get3A_825 : vector<1x16xf32> to vector<16xf32>
        %add3A_827 = arith.addf %get3A_822, %get3A_826 : vector<16xf32>
        %swap3A_828 = arith.index_cast %add3A_232 : i32 to index
        %swap3A_829 = arith.constant 672 : index
        %swap3A_830 = tpu.vector_load %arg14[%swap3A_828, %swap3A_829] {strides = array<i32>} : memref<8x1024xf32, #tpu.memory_space<vmem>>, vector<1x16xf32>,
        %swap3A_831 = vector.shape_cast %swap3A_830 : vector<1x16xf32> to vector<16xf32>
        %swap3A_832 = vector.shape_cast %add3A_827 : vector<16xf32> to vector<1x16xf32>
        tpu.vector_store %arg14[%swap3A_828, %swap3A_829], %swap3A_832 {strides = array<i32>} : memref<8x1024xf32, #tpu.memory_space<vmem>>, vector<1x16xf32>,
        %get3A_833 = arith.index_cast %add3A_232 : i32 to index
        %get3A_834 = arith.constant 688 : index
        %get3A_835 = tpu.vector_load %arg14[%get3A_833, %get3A_834] {strides = array<i32>} : memref<8x1024xf32, #tpu.memory_space<vmem>>, vector<1x16xf32>,
        %get3A_836 = vector.shape_cast %get3A_835 : vector<1x16xf32> to vector<16xf32>
        %get3A_837 = arith.index_cast %add3A_232 : i32 to index
        %get3A_838 = arith.constant 688 : index
        %get3A_839 = tpu.vector_load %arg10[%get3A_837, %get3A_838] {strides = array<i32>} : memref<8x1024xf32, #tpu.memory_space<vmem>>, vector<1x16xf32>,
        %get3A_840 = vector.shape_cast %get3A_839 : vector<1x16xf32> to vector<16xf32>
        %add3A_841 = arith.addf %get3A_836, %get3A_840 : vector<16xf32>
        %swap3A_842 = arith.index_cast %add3A_232 : i32 to index
        %swap3A_843 = arith.constant 688 : index
        %swap3A_844 = tpu.vector_load %arg14[%swap3A_842, %swap3A_843] {strides = array<i32>} : memref<8x1024xf32, #tpu.memory_space<vmem>>, vector<1x16xf32>,
        %swap3A_845 = vector.shape_cast %swap3A_844 : vector<1x16xf32> to vector<16xf32>
        %swap3A_846 = vector.shape_cast %add3A_841 : vector<16xf32> to vector<1x16xf32>
        tpu.vector_store %arg14[%swap3A_842, %swap3A_843], %swap3A_846 {strides = array<i32>} : memref<8x1024xf32, #tpu.memory_space<vmem>>, vector<1x16xf32>,
        %get3A_847 = arith.index_cast %add3A_232 : i32 to index
        %get3A_848 = arith.constant 704 : index
        %get3A_849 = tpu.vector_load %arg14[%get3A_847, %get3A_848] {strides = array<i32>} : memref<8x1024xf32, #tpu.memory_space<vmem>>, vector<1x16xf32>,
        %get3A_850 = vector.shape_cast %get3A_849 : vector<1x16xf32> to vector<16xf32>
        %get3A_851 = arith.index_cast %add3A_232 : i32 to index
        %get3A_852 = arith.constant 704 : index
        %get3A_853 = tpu.vector_load %arg10[%get3A_851, %get3A_852] {strides = array<i32>} : memref<8x1024xf32, #tpu.memory_space<vmem>>, vector<1x16xf32>,
        %get3A_854 = vector.shape_cast %get3A_853 : vector<1x16xf32> to vector<16xf32>
        %add3A_855 = arith.addf %get3A_850, %get3A_854 : vector<16xf32>
        %swap3A_856 = arith.index_cast %add3A_232 : i32 to index
        %swap3A_857 = arith.constant 704 : index
        %swap3A_858 = tpu.vector_load %arg14[%swap3A_856, %swap3A_857] {strides = array<i32>} : memref<8x1024xf32, #tpu.memory_space<vmem>>, vector<1x16xf32>,
        %swap3A_859 = vector.shape_cast %swap3A_858 : vector<1x16xf32> to vector<16xf32>
        %swap3A_860 = vector.shape_cast %add3A_855 : vector<16xf32> to vector<1x16xf32>
        tpu.vector_store %arg14[%swap3A_856, %swap3A_857], %swap3A_860 {strides = array<i32>} : memref<8x1024xf32, #tpu.memory_space<vmem>>, vector<1x16xf32>,
        %get3A_861 = arith.index_cast %add3A_232 : i32 to index
        %get3A_862 = arith.constant 720 : index
        %get3A_863 = tpu.vector_load %arg14[%get3A_861, %get3A_862] {strides = array<i32>} : memref<8x1024xf32, #tpu.memory_space<vmem>>, vector<1x16xf32>,
        %get3A_864 = vector.shape_cast %get3A_863 : vector<1x16xf32> to vector<16xf32>
        %get3A_865 = arith.index_cast %add3A_232 : i32 to index
        %get3A_866 = arith.constant 720 : index
        %get3A_867 = tpu.vector_load %arg10[%get3A_865, %get3A_866] {strides = array<i32>} : memref<8x1024xf32, #tpu.memory_space<vmem>>, vector<1x16xf32>,
        %get3A_868 = vector.shape_cast %get3A_867 : vector<1x16xf32> to vector<16xf32>
        %add3A_869 = arith.addf %get3A_864, %get3A_868 : vector<16xf32>
        %swap3A_870 = arith.index_cast %add3A_232 : i32 to index
        %swap3A_871 = arith.constant 720 : index
        %swap3A_872 = tpu.vector_load %arg14[%swap3A_870, %swap3A_871] {strides = array<i32>} : memref<8x1024xf32, #tpu.memory_space<vmem>>, vector<1x16xf32>,
        %swap3A_873 = vector.shape_cast %swap3A_872 : vector<1x16xf32> to vector<16xf32>
        %swap3A_874 = vector.shape_cast %add3A_869 : vector<16xf32> to vector<1x16xf32>
        tpu.vector_store %arg14[%swap3A_870, %swap3A_871], %swap3A_874 {strides = array<i32>} : memref<8x1024xf32, #tpu.memory_space<vmem>>, vector<1x16xf32>,
        %get3A_875 = arith.index_cast %add3A_232 : i32 to index
        %get3A_876 = arith.constant 736 : index
        %get3A_877 = tpu.vector_load %arg14[%get3A_875, %get3A_876] {strides = array<i32>} : memref<8x1024xf32, #tpu.memory_space<vmem>>, vector<1x16xf32>,
        %get3A_878 = vector.shape_cast %get3A_877 : vector<1x16xf32> to vector<16xf32>
        %get3A_879 = arith.index_cast %add3A_232 : i32 to index
        %get3A_880 = arith.constant 736 : index
        %get3A_881 = tpu.vector_load %arg10[%get3A_879, %get3A_880] {strides = array<i32>} : memref<8x1024xf32, #tpu.memory_space<vmem>>, vector<1x16xf32>,
        %get3A_882 = vector.shape_cast %get3A_881 : vector<1x16xf32> to vector<16xf32>
        %add3A_883 = arith.addf %get3A_878, %get3A_882 : vector<16xf32>
        %swap3A_884 = arith.index_cast %add3A_232 : i32 to index
        %swap3A_885 = arith.constant 736 : index
        %swap3A_886 = tpu.vector_load %arg14[%swap3A_884, %swap3A_885] {strides = array<i32>} : memref<8x1024xf32, #tpu.memory_space<vmem>>, vector<1x16xf32>,
        %swap3A_887 = vector.shape_cast %swap3A_886 : vector<1x16xf32> to vector<16xf32>
        %swap3A_888 = vector.shape_cast %add3A_883 : vector<16xf32> to vector<1x16xf32>
        tpu.vector_store %arg14[%swap3A_884, %swap3A_885], %swap3A_888 {strides = array<i32>} : memref<8x1024xf32, #tpu.memory_space<vmem>>, vector<1x16xf32>,
        %get3A_889 = arith.index_cast %add3A_232 : i32 to index
        %get3A_890 = arith.constant 752 : index
        %get3A_891 = tpu.vector_load %arg14[%get3A_889, %get3A_890] {strides = array<i32>} : memref<8x1024xf32, #tpu.memory_space<vmem>>, vector<1x16xf32>,
        %get3A_892 = vector.shape_cast %get3A_891 : vector<1x16xf32> to vector<16xf32>
        %get3A_893 = arith.index_cast %add3A_232 : i32 to index
        %get3A_894 = arith.constant 752 : index
        %get3A_895 = tpu.vector_load %arg10[%get3A_893, %get3A_894] {strides = array<i32>} : memref<8x1024xf32, #tpu.memory_space<vmem>>, vector<1x16xf32>,
        %get3A_896 = vector.shape_cast %get3A_895 : vector<1x16xf32> to vector<16xf32>
        %add3A_897 = arith.addf %get3A_892, %get3A_896 : vector<16xf32>
        %swap3A_898 = arith.index_cast %add3A_232 : i32 to index
        %swap3A_899 = arith.constant 752 : index
        %swap3A_900 = tpu.vector_load %arg14[%swap3A_898, %swap3A_899] {strides = array<i32>} : memref<8x1024xf32, #tpu.memory_space<vmem>>, vector<1x16xf32>,
        %swap3A_901 = vector.shape_cast %swap3A_900 : vector<1x16xf32> to vector<16xf32>
        %swap3A_902 = vector.shape_cast %add3A_897 : vector<16xf32> to vector<1x16xf32>
        tpu.vector_store %arg14[%swap3A_898, %swap3A_899], %swap3A_902 {strides = array<i32>} : memref<8x1024xf32, #tpu.memory_space<vmem>>, vector<1x16xf32>,
        %get3A_903 = arith.index_cast %add3A_232 : i32 to index
        %get3A_904 = arith.constant 768 : index
        %get3A_905 = tpu.vector_load %arg14[%get3A_903, %get3A_904] {strides = array<i32>} : memref<8x1024xf32, #tpu.memory_space<vmem>>, vector<1x16xf32>,
        %get3A_906 = vector.shape_cast %get3A_905 : vector<1x16xf32> to vector<16xf32>
        %get3A_907 = arith.index_cast %add3A_232 : i32 to index
        %get3A_908 = arith.constant 768 : index
        %get3A_909 = tpu.vector_load %arg10[%get3A_907, %get3A_908] {strides = array<i32>} : memref<8x1024xf32, #tpu.memory_space<vmem>>, vector<1x16xf32>,
        %get3A_910 = vector.shape_cast %get3A_909 : vector<1x16xf32> to vector<16xf32>
        %add3A_911 = arith.addf %get3A_906, %get3A_910 : vector<16xf32>
        %swap3A_912 = arith.index_cast %add3A_232 : i32 to index
        %swap3A_913 = arith.constant 768 : index
        %swap3A_914 = tpu.vector_load %arg14[%swap3A_912, %swap3A_913] {strides = array<i32>} : memref<8x1024xf32, #tpu.memory_space<vmem>>, vector<1x16xf32>,
        %swap3A_915 = vector.shape_cast %swap3A_914 : vector<1x16xf32> to vector<16xf32>
        %swap3A_916 = vector.shape_cast %add3A_911 : vector<16xf32> to vector<1x16xf32>
        tpu.vector_store %arg14[%swap3A_912, %swap3A_913], %swap3A_916 {strides = array<i32>} : memref<8x1024xf32, #tpu.memory_space<vmem>>, vector<1x16xf32>,
        %get3A_917 = arith.index_cast %add3A_232 : i32 to index
        %get3A_918 = arith.constant 784 : index
        %get3A_919 = tpu.vector_load %arg14[%get3A_917, %get3A_918] {strides = array<i32>} : memref<8x1024xf32, #tpu.memory_space<vmem>>, vector<1x16xf32>,
        %get3A_920 = vector.shape_cast %get3A_919 : vector<1x16xf32> to vector<16xf32>
        %get3A_921 = arith.index_cast %add3A_232 : i32 to index
        %get3A_922 = arith.constant 784 : index
        %get3A_923 = tpu.vector_load %arg10[%get3A_921, %get3A_922] {strides = array<i32>} : memref<8x1024xf32, #tpu.memory_space<vmem>>, vector<1x16xf32>,
        %get3A_924 = vector.shape_cast %get3A_923 : vector<1x16xf32> to vector<16xf32>
        %add3A_925 = arith.addf %get3A_920, %get3A_924 : vector<16xf32>
        %swap3A_926 = arith.index_cast %add3A_232 : i32 to index
        %swap3A_927 = arith.constant 784 : index
        %swap3A_928 = tpu.vector_load %arg14[%swap3A_926, %swap3A_927] {strides = array<i32>} : memref<8x1024xf32, #tpu.memory_space<vmem>>, vector<1x16xf32>,
        %swap3A_929 = vector.shape_cast %swap3A_928 : vector<1x16xf32> to vector<16xf32>
        %swap3A_930 = vector.shape_cast %add3A_925 : vector<16xf32> to vector<1x16xf32>
        tpu.vector_store %arg14[%swap3A_926, %swap3A_927], %swap3A_930 {strides = array<i32>} : memref<8x1024xf32, #tpu.memory_space<vmem>>, vector<1x16xf32>,
        %get3A_931 = arith.index_cast %add3A_232 : i32 to index
        %get3A_932 = arith.constant 800 : index
        %get3A_933 = tpu.vector_load %arg14[%get3A_931, %get3A_932] {strides = array<i32>} : memref<8x1024xf32, #tpu.memory_space<vmem>>, vector<1x16xf32>,
        %get3A_934 = vector.shape_cast %get3A_933 : vector<1x16xf32> to vector<16xf32>
        %get3A_935 = arith.index_cast %add3A_232 : i32 to index
        %get3A_936 = arith.constant 800 : index
        %get3A_937 = tpu.vector_load %arg10[%get3A_935, %get3A_936] {strides = array<i32>} : memref<8x1024xf32, #tpu.memory_space<vmem>>, vector<1x16xf32>,
        %get3A_938 = vector.shape_cast %get3A_937 : vector<1x16xf32> to vector<16xf32>
        %add3A_939 = arith.addf %get3A_934, %get3A_938 : vector<16xf32>
        %swap3A_940 = arith.index_cast %add3A_232 : i32 to index
        %swap3A_941 = arith.constant 800 : index
        %swap3A_942 = tpu.vector_load %arg14[%swap3A_940, %swap3A_941] {strides = array<i32>} : memref<8x1024xf32, #tpu.memory_space<vmem>>, vector<1x16xf32>,
        %swap3A_943 = vector.shape_cast %swap3A_942 : vector<1x16xf32> to vector<16xf32>
        %swap3A_944 = vector.shape_cast %add3A_939 : vector<16xf32> to vector<1x16xf32>
        tpu.vector_store %arg14[%swap3A_940, %swap3A_941], %swap3A_944 {strides = array<i32>} : memref<8x1024xf32, #tpu.memory_space<vmem>>, vector<1x16xf32>,
        %get3A_945 = arith.index_cast %add3A_232 : i32 to index
        %get3A_946 = arith.constant 816 : index
        %get3A_947 = tpu.vector_load %arg14[%get3A_945, %get3A_946] {strides = array<i32>} : memref<8x1024xf32, #tpu.memory_space<vmem>>, vector<1x16xf32>,
        %get3A_948 = vector.shape_cast %get3A_947 : vector<1x16xf32> to vector<16xf32>
        %get3A_949 = arith.index_cast %add3A_232 : i32 to index
        %get3A_950 = arith.constant 816 : index
        %get3A_951 = tpu.vector_load %arg10[%get3A_949, %get3A_950] {strides = array<i32>} : memref<8x1024xf32, #tpu.memory_space<vmem>>, vector<1x16xf32>,
        %get3A_952 = vector.shape_cast %get3A_951 : vector<1x16xf32> to vector<16xf32>
        %add3A_953 = arith.addf %get3A_948, %get3A_952 : vector<16xf32>
        %swap3A_954 = arith.index_cast %add3A_232 : i32 to index
        %swap3A_955 = arith.constant 816 : index
        %swap3A_956 = tpu.vector_load %arg14[%swap3A_954, %swap3A_955] {strides = array<i32>} : memref<8x1024xf32, #tpu.memory_space<vmem>>, vector<1x16xf32>,
        %swap3A_957 = vector.shape_cast %swap3A_956 : vector<1x16xf32> to vector<16xf32>
        %swap3A_958 = vector.shape_cast %add3A_953 : vector<16xf32> to vector<1x16xf32>
        tpu.vector_store %arg14[%swap3A_954, %swap3A_955], %swap3A_958 {strides = array<i32>} : memref<8x1024xf32, #tpu.memory_space<vmem>>, vector<1x16xf32>,
        %get3A_959 = arith.index_cast %add3A_232 : i32 to index
        %get3A_960 = arith.constant 832 : index
        %get3A_961 = tpu.vector_load %arg14[%get3A_959, %get3A_960] {strides = array<i32>} : memref<8x1024xf32, #tpu.memory_space<vmem>>, vector<1x16xf32>,
        %get3A_962 = vector.shape_cast %get3A_961 : vector<1x16xf32> to vector<16xf32>
        %get3A_963 = arith.index_cast %add3A_232 : i32 to index
        %get3A_964 = arith.constant 832 : index
        %get3A_965 = tpu.vector_load %arg10[%get3A_963, %get3A_964] {strides = array<i32>} : memref<8x1024xf32, #tpu.memory_space<vmem>>, vector<1x16xf32>,
        %get3A_966 = vector.shape_cast %get3A_965 : vector<1x16xf32> to vector<16xf32>
        %add3A_967 = arith.addf %get3A_962, %get3A_966 : vector<16xf32>
        %swap3A_968 = arith.index_cast %add3A_232 : i32 to index
        %swap3A_969 = arith.constant 832 : index
        %swap3A_970 = tpu.vector_load %arg14[%swap3A_968, %swap3A_969] {strides = array<i32>} : memref<8x1024xf32, #tpu.memory_space<vmem>>, vector<1x16xf32>,
        %swap3A_971 = vector.shape_cast %swap3A_970 : vector<1x16xf32> to vector<16xf32>
        %swap3A_972 = vector.shape_cast %add3A_967 : vector<16xf32> to vector<1x16xf32>
        tpu.vector_store %arg14[%swap3A_968, %swap3A_969], %swap3A_972 {strides = array<i32>} : memref<8x1024xf32, #tpu.memory_space<vmem>>, vector<1x16xf32>,
        %get3A_973 = arith.index_cast %add3A_232 : i32 to index
        %get3A_974 = arith.constant 848 : index
        %get3A_975 = tpu.vector_load %arg14[%get3A_973, %get3A_974] {strides = array<i32>} : memref<8x1024xf32, #tpu.memory_space<vmem>>, vector<1x16xf32>,
        %get3A_976 = vector.shape_cast %get3A_975 : vector<1x16xf32> to vector<16xf32>
        %get3A_977 = arith.index_cast %add3A_232 : i32 to index
        %get3A_978 = arith.constant 848 : index
        %get3A_979 = tpu.vector_load %arg10[%get3A_977, %get3A_978] {strides = array<i32>} : memref<8x1024xf32, #tpu.memory_space<vmem>>, vector<1x16xf32>,
        %get3A_980 = vector.shape_cast %get3A_979 : vector<1x16xf32> to vector<16xf32>
        %add3A_981 = arith.addf %get3A_976, %get3A_980 : vector<16xf32>
        %swap3A_982 = arith.index_cast %add3A_232 : i32 to index
        %swap3A_983 = arith.constant 848 : index
        %swap3A_984 = tpu.vector_load %arg14[%swap3A_982, %swap3A_983] {strides = array<i32>} : memref<8x1024xf32, #tpu.memory_space<vmem>>, vector<1x16xf32>,
        %swap3A_985 = vector.shape_cast %swap3A_984 : vector<1x16xf32> to vector<16xf32>
        %swap3A_986 = vector.shape_cast %add3A_981 : vector<16xf32> to vector<1x16xf32>
        tpu.vector_store %arg14[%swap3A_982, %swap3A_983], %swap3A_986 {strides = array<i32>} : memref<8x1024xf32, #tpu.memory_space<vmem>>, vector<1x16xf32>,
        %get3A_987 = arith.index_cast %add3A_232 : i32 to index
        %get3A_988 = arith.constant 864 : index
        %get3A_989 = tpu.vector_load %arg14[%get3A_987, %get3A_988] {strides = array<i32>} : memref<8x1024xf32, #tpu.memory_space<vmem>>, vector<1x16xf32>,
        %get3A_990 = vector.shape_cast %get3A_989 : vector<1x16xf32> to vector<16xf32>
        %get3A_991 = arith.index_cast %add3A_232 : i32 to index
        %get3A_992 = arith.constant 864 : index
        %get3A_993 = tpu.vector_load %arg10[%get3A_991, %get3A_992] {strides = array<i32>} : memref<8x1024xf32, #tpu.memory_space<vmem>>, vector<1x16xf32>,
        %get3A_994 = vector.shape_cast %get3A_993 : vector<1x16xf32> to vector<16xf32>
        %add3A_995 = arith.addf %get3A_990, %get3A_994 : vector<16xf32>
        %swap3A_996 = arith.index_cast %add3A_232 : i32 to index
        %swap3A_997 = arith.constant 864 : index
        %swap3A_998 = tpu.vector_load %arg14[%swap3A_996, %swap3A_997] {strides = array<i32>} : memref<8x1024xf32, #tpu.memory_space<vmem>>, vector<1x16xf32>,
        %swap3A_999 = vector.shape_cast %swap3A_998 : vector<1x16xf32> to vector<16xf32>
        %swap3A_1000 = vector.shape_cast %add3A_995 : vector<16xf32> to vector<1x16xf32>
        tpu.vector_store %arg14[%swap3A_996, %swap3A_997], %swap3A_1000 {strides = array<i32>} : memref<8x1024xf32, #tpu.memory_space<vmem>>, vector<1x16xf32>,
        %get3A_1001 = arith.index_cast %add3A_232 : i32 to index
        %get3A_1002 = arith.constant 880 : index
        %get3A_1003 = tpu.vector_load %arg14[%get3A_1001, %get3A_1002] {strides = array<i32>} : memref<8x1024xf32, #tpu.memory_space<vmem>>, vector<1x16xf32>,
        %get3A_1004 = vector.shape_cast %get3A_1003 : vector<1x16xf32> to vector<16xf32>
        %get3A_1005 = arith.index_cast %add3A_232 : i32 to index
        %get3A_1006 = arith.constant 880 : index
        %get3A_1007 = tpu.vector_load %arg10[%get3A_1005, %get3A_1006] {strides = array<i32>} : memref<8x1024xf32, #tpu.memory_space<vmem>>, vector<1x16xf32>,
        %get3A_1008 = vector.shape_cast %get3A_1007 : vector<1x16xf32> to vector<16xf32>
        %add3A_1009 = arith.addf %get3A_1004, %get3A_1008 : vector<16xf32>
        %swap3A_1010 = arith.index_cast %add3A_232 : i32 to index
        %swap3A_1011 = arith.constant 880 : index
        %swap3A_1012 = tpu.vector_load %arg14[%swap3A_1010, %swap3A_1011] {strides = array<i32>} : memref<8x1024xf32, #tpu.memory_space<vmem>>, vector<1x16xf32>,
        %swap3A_1013 = vector.shape_cast %swap3A_1012 : vector<1x16xf32> to vector<16xf32>
        %swap3A_1014 = vector.shape_cast %add3A_1009 : vector<16xf32> to vector<1x16xf32>
        tpu.vector_store %arg14[%swap3A_1010, %swap3A_1011], %swap3A_1014 {strides = array<i32>} : memref<8x1024xf32, #tpu.memory_space<vmem>>, vector<1x16xf32>,
        %get3A_1015 = arith.index_cast %add3A_232 : i32 to index
        %get3A_1016 = arith.constant 896 : index
        %get3A_1017 = tpu.vector_load %arg14[%get3A_1015, %get3A_1016] {strides = array<i32>} : memref<8x1024xf32, #tpu.memory_space<vmem>>, vector<1x16xf32>,
        %get3A_1018 = vector.shape_cast %get3A_1017 : vector<1x16xf32> to vector<16xf32>
        %get3A_1019 = arith.index_cast %add3A_232 : i32 to index
        %get3A_1020 = arith.constant 896 : index
        %get3A_1021 = tpu.vector_load %arg10[%get3A_1019, %get3A_1020] {strides = array<i32>} : memref<8x1024xf32, #tpu.memory_space<vmem>>, vector<1x16xf32>,
        %get3A_1022 = vector.shape_cast %get3A_1021 : vector<1x16xf32> to vector<16xf32>
        %add3A_1023 = arith.addf %get3A_1018, %get3A_1022 : vector<16xf32>
        %swap3A_1024 = arith.index_cast %add3A_232 : i32 to index
        %swap3A_1025 = arith.constant 896 : index
        %swap3A_1026 = tpu.vector_load %arg14[%swap3A_1024, %swap3A_1025] {strides = array<i32>} : memref<8x1024xf32, #tpu.memory_space<vmem>>, vector<1x16xf32>,
        %swap3A_1027 = vector.shape_cast %swap3A_1026 : vector<1x16xf32> to vector<16xf32>
        %swap3A_1028 = vector.shape_cast %add3A_1023 : vector<16xf32> to vector<1x16xf32>
        tpu.vector_store %arg14[%swap3A_1024, %swap3A_1025], %swap3A_1028 {strides = array<i32>} : memref<8x1024xf32, #tpu.memory_space<vmem>>, vector<1x16xf32>,
        %get3A_1029 = arith.index_cast %add3A_232 : i32 to index
        %get3A_1030 = arith.constant 912 : index
        %get3A_1031 = tpu.vector_load %arg14[%get3A_1029, %get3A_1030] {strides = array<i32>} : memref<8x1024xf32, #tpu.memory_space<vmem>>, vector<1x16xf32>,
        %get3A_1032 = vector.shape_cast %get3A_1031 : vector<1x16xf32> to vector<16xf32>
        %get3A_1033 = arith.index_cast %add3A_232 : i32 to index
        %get3A_1034 = arith.constant 912 : index
        %get3A_1035 = tpu.vector_load %arg10[%get3A_1033, %get3A_1034] {strides = array<i32>} : memref<8x1024xf32, #tpu.memory_space<vmem>>, vector<1x16xf32>,
        %get3A_1036 = vector.shape_cast %get3A_1035 : vector<1x16xf32> to vector<16xf32>
        %add3A_1037 = arith.addf %get3A_1032, %get3A_1036 : vector<16xf32>
        %swap3A_1038 = arith.index_cast %add3A_232 : i32 to index
        %swap3A_1039 = arith.constant 912 : index
        %swap3A_1040 = tpu.vector_load %arg14[%swap3A_1038, %swap3A_1039] {strides = array<i32>} : memref<8x1024xf32, #tpu.memory_space<vmem>>, vector<1x16xf32>,
        %swap3A_1041 = vector.shape_cast %swap3A_1040 : vector<1x16xf32> to vector<16xf32>
        %swap3A_1042 = vector.shape_cast %add3A_1037 : vector<16xf32> to vector<1x16xf32>
        tpu.vector_store %arg14[%swap3A_1038, %swap3A_1039], %swap3A_1042 {strides = array<i32>} : memref<8x1024xf32, #tpu.memory_space<vmem>>, vector<1x16xf32>,
        %get3A_1043 = arith.index_cast %add3A_232 : i32 to index
        %get3A_1044 = arith.constant 928 : index
        %get3A_1045 = tpu.vector_load %arg14[%get3A_1043, %get3A_1044] {strides = array<i32>} : memref<8x1024xf32, #tpu.memory_space<vmem>>, vector<1x16xf32>,
        %get3A_1046 = vector.shape_cast %get3A_1045 : vector<1x16xf32> to vector<16xf32>
        %get3A_1047 = arith.index_cast %add3A_232 : i32 to index
        %get3A_1048 = arith.constant 928 : index
        %get3A_1049 = tpu.vector_load %arg10[%get3A_1047, %get3A_1048] {strides = array<i32>} : memref<8x1024xf32, #tpu.memory_space<vmem>>, vector<1x16xf32>,
        %get3A_1050 = vector.shape_cast %get3A_1049 : vector<1x16xf32> to vector<16xf32>
        %add3A_1051 = arith.addf %get3A_1046, %get3A_1050 : vector<16xf32>
        %swap3A_1052 = arith.index_cast %add3A_232 : i32 to index
        %swap3A_1053 = arith.constant 928 : index
        %swap3A_1054 = tpu.vector_load %arg14[%swap3A_1052, %swap3A_1053] {strides = array<i32>} : memref<8x1024xf32, #tpu.memory_space<vmem>>, vector<1x16xf32>,
        %swap3A_1055 = vector.shape_cast %swap3A_1054 : vector<1x16xf32> to vector<16xf32>
        %swap3A_1056 = vector.shape_cast %add3A_1051 : vector<16xf32> to vector<1x16xf32>
        tpu.vector_store %arg14[%swap3A_1052, %swap3A_1053], %swap3A_1056 {strides = array<i32>} : memref<8x1024xf32, #tpu.memory_space<vmem>>, vector<1x16xf32>,
        %get3A_1057 = arith.index_cast %add3A_232 : i32 to index
        %get3A_1058 = arith.constant 944 : index
        %get3A_1059 = tpu.vector_load %arg14[%get3A_1057, %get3A_1058] {strides = array<i32>} : memref<8x1024xf32, #tpu.memory_space<vmem>>, vector<1x16xf32>,
        %get3A_1060 = vector.shape_cast %get3A_1059 : vector<1x16xf32> to vector<16xf32>
        %get3A_1061 = arith.index_cast %add3A_232 : i32 to index
        %get3A_1062 = arith.constant 944 : index
        %get3A_1063 = tpu.vector_load %arg10[%get3A_1061, %get3A_1062] {strides = array<i32>} : memref<8x1024xf32, #tpu.memory_space<vmem>>, vector<1x16xf32>,
        %get3A_1064 = vector.shape_cast %get3A_1063 : vector<1x16xf32> to vector<16xf32>
        %add3A_1065 = arith.addf %get3A_1060, %get3A_1064 : vector<16xf32>
        %swap3A_1066 = arith.index_cast %add3A_232 : i32 to index
        %swap3A_1067 = arith.constant 944 : index
        %swap3A_1068 = tpu.vector_load %arg14[%swap3A_1066, %swap3A_1067] {strides = array<i32>} : memref<8x1024xf32, #tpu.memory_space<vmem>>, vector<1x16xf32>,
        %swap3A_1069 = vector.shape_cast %swap3A_1068 : vector<1x16xf32> to vector<16xf32>
        %swap3A_1070 = vector.shape_cast %add3A_1065 : vector<16xf32> to vector<1x16xf32>
        tpu.vector_store %arg14[%swap3A_1066, %swap3A_1067], %swap3A_1070 {strides = array<i32>} : memref<8x1024xf32, #tpu.memory_space<vmem>>, vector<1x16xf32>,
        %get3A_1071 = arith.index_cast %add3A_232 : i32 to index
        %get3A_1072 = arith.constant 960 : index
        %get3A_1073 = tpu.vector_load %arg14[%get3A_1071, %get3A_1072] {strides = array<i32>} : memref<8x1024xf32, #tpu.memory_space<vmem>>, vector<1x16xf32>,
        %get3A_1074 = vector.shape_cast %get3A_1073 : vector<1x16xf32> to vector<16xf32>
        %get3A_1075 = arith.index_cast %add3A_232 : i32 to index
        %get3A_1076 = arith.constant 960 : index
        %get3A_1077 = tpu.vector_load %arg10[%get3A_1075, %get3A_1076] {strides = array<i32>} : memref<8x1024xf32, #tpu.memory_space<vmem>>, vector<1x16xf32>,
        %get3A_1078 = vector.shape_cast %get3A_1077 : vector<1x16xf32> to vector<16xf32>
        %add3A_1079 = arith.addf %get3A_1074, %get3A_1078 : vector<16xf32>
        %swap3A_1080 = arith.index_cast %add3A_232 : i32 to index
        %swap3A_1081 = arith.constant 960 : index
        %swap3A_1082 = tpu.vector_load %arg14[%swap3A_1080, %swap3A_1081] {strides = array<i32>} : memref<8x1024xf32, #tpu.memory_space<vmem>>, vector<1x16xf32>,
        %swap3A_1083 = vector.shape_cast %swap3A_1082 : vector<1x16xf32> to vector<16xf32>
        %swap3A_1084 = vector.shape_cast %add3A_1079 : vector<16xf32> to vector<1x16xf32>
        tpu.vector_store %arg14[%swap3A_1080, %swap3A_1081], %swap3A_1084 {strides = array<i32>} : memref<8x1024xf32, #tpu.memory_space<vmem>>, vector<1x16xf32>,
        %get3A_1085 = arith.index_cast %add3A_232 : i32 to index
        %get3A_1086 = arith.constant 976 : index
        %get3A_1087 = tpu.vector_load %arg14[%get3A_1085, %get3A_1086] {strides = array<i32>} : memref<8x1024xf32, #tpu.memory_space<vmem>>, vector<1x16xf32>,
        %get3A_1088 = vector.shape_cast %get3A_1087 : vector<1x16xf32> to vector<16xf32>
        %get3A_1089 = arith.index_cast %add3A_232 : i32 to index
        %get3A_1090 = arith.constant 976 : index
        %get3A_1091 = tpu.vector_load %arg10[%get3A_1089, %get3A_1090] {strides = array<i32>} : memref<8x1024xf32, #tpu.memory_space<vmem>>, vector<1x16xf32>,
        %get3A_1092 = vector.shape_cast %get3A_1091 : vector<1x16xf32> to vector<16xf32>
        %add3A_1093 = arith.addf %get3A_1088, %get3A_1092 : vector<16xf32>
        %swap3A_1094 = arith.index_cast %add3A_232 : i32 to index
        %swap3A_1095 = arith.constant 976 : index
        %swap3A_1096 = tpu.vector_load %arg14[%swap3A_1094, %swap3A_1095] {strides = array<i32>} : memref<8x1024xf32, #tpu.memory_space<vmem>>, vector<1x16xf32>,
        %swap3A_1097 = vector.shape_cast %swap3A_1096 : vector<1x16xf32> to vector<16xf32>
        %swap3A_1098 = vector.shape_cast %add3A_1093 : vector<16xf32> to vector<1x16xf32>
        tpu.vector_store %arg14[%swap3A_1094, %swap3A_1095], %swap3A_1098 {strides = array<i32>} : memref<8x1024xf32, #tpu.memory_space<vmem>>, vector<1x16xf32>,
        %get3A_1099 = arith.index_cast %add3A_232 : i32 to index
        %get3A_1100 = arith.constant 992 : index
        %get3A_1101 = tpu.vector_load %arg14[%get3A_1099, %get3A_1100] {strides = array<i32>} : memref<8x1024xf32, #tpu.memory_space<vmem>>, vector<1x16xf32>,
        %get3A_1102 = vector.shape_cast %get3A_1101 : vector<1x16xf32> to vector<16xf32>
        %get3A_1103 = arith.index_cast %add3A_232 : i32 to index
        %get3A_1104 = arith.constant 992 : index
        %get3A_1105 = tpu.vector_load %arg10[%get3A_1103, %get3A_1104] {strides = array<i32>} : memref<8x1024xf32, #tpu.memory_space<vmem>>, vector<1x16xf32>,
        %get3A_1106 = vector.shape_cast %get3A_1105 : vector<1x16xf32> to vector<16xf32>
        %add3A_1107 = arith.addf %get3A_1102, %get3A_1106 : vector<16xf32>
        %swap3A_1108 = arith.index_cast %add3A_232 : i32 to index
        %swap3A_1109 = arith.constant 992 : index
        %swap3A_1110 = tpu.vector_load %arg14[%swap3A_1108, %swap3A_1109] {strides = array<i32>} : memref<8x1024xf32, #tpu.memory_space<vmem>>, vector<1x16xf32>,
        %swap3A_1111 = vector.shape_cast %swap3A_1110 : vector<1x16xf32> to vector<16xf32>
        %swap3A_1112 = vector.shape_cast %add3A_1107 : vector<16xf32> to vector<1x16xf32>
        tpu.vector_store %arg14[%swap3A_1108, %swap3A_1109], %swap3A_1112 {strides = array<i32>} : memref<8x1024xf32, #tpu.memory_space<vmem>>, vector<1x16xf32>,
        %get3A_1113 = arith.index_cast %add3A_232 : i32 to index
        %get3A_1114 = arith.constant 1008 : index
        %get3A_1115 = tpu.vector_load %arg14[%get3A_1113, %get3A_1114] {strides = array<i32>} : memref<8x1024xf32, #tpu.memory_space<vmem>>, vector<1x16xf32>,
        %get3A_1116 = vector.shape_cast %get3A_1115 : vector<1x16xf32> to vector<16xf32>
        %get3A_1117 = arith.index_cast %add3A_232 : i32 to index
        %get3A_1118 = arith.constant 1008 : index
        %get3A_1119 = tpu.vector_load %arg10[%get3A_1117, %get3A_1118] {strides = array<i32>} : memref<8x1024xf32, #tpu.memory_space<vmem>>, vector<1x16xf32>,
        %get3A_1120 = vector.shape_cast %get3A_1119 : vector<1x16xf32> to vector<16xf32>
        %add3A_1121 = arith.addf %get3A_1116, %get3A_1120 : vector<16xf32>
        %swap3A_1122 = arith.index_cast %add3A_232 : i32 to index
        %swap3A_1123 = arith.constant 1008 : index
        %swap3A_1124 = tpu.vector_load %arg14[%swap3A_1122, %swap3A_1123] {strides = array<i32>} : memref<8x1024xf32, #tpu.memory_space<vmem>>, vector<1x16xf32>,
        %swap3A_1125 = vector.shape_cast %swap3A_1124 : vector<1x16xf32> to vector<16xf32>
        %swap3A_1126 = vector.shape_cast %add3A_1121 : vector<16xf32> to vector<1x16xf32>
        tpu.vector_store %arg14[%swap3A_1122, %swap3A_1123], %swap3A_1126 {strides = array<i32>} : memref<8x1024xf32, #tpu.memory_space<vmem>>, vector<1x16xf32>,
      }
      %scan3A_220 = arith.constant 8 : i32
      %mul3A_221 = arith.constant 8 : i32
      %mul3A_222 = arith.muli %add3A_183, %mul3A_221 : i32
      %add3A_223 = arith.addi %mul3A_2, %mul3A_222 : i32
      %dma_start3A_224 = arith.constant 0 : i32
      %dma_start3A_225 = tpu.memref_slice %arg5[%add3A_223, %dma_start3A_224] : memref<32768x1024xf32, #tpu.memory_space<hbm>> -> memref<8x1024xf32, #tpu.memory_space<hbm>>
      %dma_start3A_226 = arith.constant 0 : i32
      %dma_start3A_227 = tpu.memref_slice %arg5[%add3A_223, %dma_start3A_226] : memref<32768x1024xf32, #tpu.memory_space<hbm>> -> memref<8x1024xf32, #tpu.memory_space<hbm>>
      tpu.enqueue_dma source(%arg14 : memref<8x1024xf32, #tpu.memory_space<vmem>>) target(%dma_start3A_227 : memref<8x1024xf32, #tpu.memory_space<hbm>>) target_semaphore(%arg26 : memref<!tpu.dma_semaphore, #tpu.memory_space<semaphore_mem>>)
    }
    %scan3A_32 = arith.constant 32 : i32
    %add3A_33 = arith.constant 1008 : i32
    %add3A_34 = arith.addi %mul3A_2, %add3A_33 : i32
    %dma_wait3A = arith.constant 0 : i32
    %dma_wait3A_35 = tpu.memref_slice %arg5[%add3A_34, %dma_wait3A] : memref<32768x1024xf32, #tpu.memory_space<hbm>> -> memref<8x1024xf32, #tpu.memory_space<hbm>>
    %dma_wait3A_36 = arith.constant 0 : i32
    %dma_wait3A_37 = tpu.memref_slice %arg5[%add3A_34, %dma_wait3A_36] : memref<32768x1024xf32, #tpu.memory_space<hbm>> -> memref<8x1024xf32, #tpu.memory_space<hbm>>
    tpu.wait_dma2 semaphore(%arg25 : memref<!tpu.dma_semaphore, #tpu.memory_space<semaphore_mem>>) src(%arg13 : memref<8x1024xf32, #tpu.memory_space<vmem>>) dst(%dma_wait3A_37 : memref<8x1024xf32, #tpu.memory_space<hbm>>)
    %add3A_38 = arith.constant 1016 : i32
    %add3A_39 = arith.addi %mul3A_2, %add3A_38 : i32
    %dma_wait3A_40 = arith.constant 0 : i32
    %dma_wait3A_41 = tpu.memref_slice %arg5[%add3A_39, %dma_wait3A_40] : memref<32768x1024xf32, #tpu.memory_space<hbm>> -> memref<8x1024xf32, #tpu.memory_space<hbm>>
    %dma_wait3A_42 = arith.constant 0 : i32
    %dma_wait3A_43 = tpu.memref_slice %arg5[%add3A_39, %dma_wait3A_42] : memref<32768x1024xf32, #tpu.memory_space<hbm>> -> memref<8x1024xf32, #tpu.memory_space<hbm>>
    tpu.wait_dma2 semaphore(%arg26 : memref<!tpu.dma_semaphore, #tpu.memory_space<semaphore_mem>>) src(%arg14 : memref<8x1024xf32, #tpu.memory_space<vmem>>) dst(%dma_wait3A_43 : memref<8x1024xf32, #tpu.memory_space<hbm>>)
    return
  }
}

</mosaic_0001>

<sc_bundles>
// kernel: _run.3.cloned.1.call-start
scs
__scs_entry_jumppad:
0x0: {  	(pc) =	sbr.rel $0x88, $3  }
0x1: {  	(tag) =	ssettag $0x0;
	lr =	simm.s32 $0x1  }
0x2: {  	[smem:$0x3F9E] =	sst lr;
	_ =	strace $0xD0000000  }
0x3: {  	_ = 	snop  }
0x4: {  	_ = 	snop  }
0x5: {  	_ = 	snop  }
0x6: {  	_ = 	snop  }
0x7: {  	_ = 	snop  }
__scs_overlays_trampoline_lowered:
0x8: {  	[smem:$0x3FAD] =	sst s0  }
0x9: {  	[smem:$0x3FAE] =	sst s1  }
0xa: {  	[smem:$0x3FAF] =	sst s2  }
0xb: {  	[smem:$0x3FB0] =	sst s3  }
0xc: {  	[smem:$0x3FB1] =	sst s4  }
0xd: {  	[smem:$0x3FB2] =	sst s5  }
0xe: {  	[smem:$0x3FB3] =	sst s6  }
0xf: {  	[smem:$0x3FB4] =	sst s7  }
0x10: {  	[smem:$0x3FB5] =	sst s8  }
0x11: {  	[smem:$0x3FB6] =	sst s9;
	s0 =	simm.s32 @!p0 $0x0  }
0x12: {  	s1 =	sld [smem:$0x3F9C];
	s0 =	simm.s32 @p0 $0x1  }
0x13: {  	[smem:$0x3FB7] =	sst s0;
	s0 =	simm.s32 @!p1 $0x0  }
0x14: {  	s2 =	sld [smem:$0x3F9B];
	s0 =	simm.s32 @p1 $0x1  }
0x15: {  	[smem:$0x3FB8] =	sst s0;
	s0 =	simm.s32 @!p2 $0x0  }
0x16: {  	s3 =	sld [smem:$0x3FDB];
	s0 =	simm.s32 @p2 $0x1  }
0x17: {  	s4 =	simm.s32 $0x1BF5;
	[smem:$0x3FBA] =	sst s0  }
0x18: {  	s0 =	sld [smem:$0x3F9D];
	_ =	swait.ge [sflag:s4], $0x0  }
0x19: {  	s7 =	sld [smem:$0x3F9E]  }
0x1a: {  	s8 =	sadd.s32 $0xFFFFE003, lr  }
0x1b: {  	s9 =	sadd.s32 $0xFFFFFEF7, lr;
	s5 =	simm.s32 $0xFFFFFFFF;
	p2 =	slt.u32 s8, $0xFFFFF086  }
0x1c: {  	p1 =	slt.u32 s9, $0xF7A;
	s5 =	simm.s32 @!p2 $0x0  }
0x1d: {  	s5 =	simm.s32 @p1 $0x1;
	p0 =	seq.s32 s7, s2  }
0x1e: {  	s7 =	smul.u32 @!p0 $0xF7A, s2;
	p2 =	seq.s32 @!p0 s5, $0x0  }
0x1f: {  	s9 =	smul.u32 $0xF7A, s1;
	s8 =	simm.s32 @!p0 $0x1BF5;
	p2 =	por !p2, p0  }
0x20: {  	[sflag:s8] =	ssyncset.s32 @!p0 $0xFFFFF086;
	s6 =	sadd.s32 @!p0 s3, s7;
	s7 =	simm.s32 @!p0 $0x108  }
0x21: {  	s3 =	sadd.s32 s3, s9;
	s6 =	sadd.s32 @!p0 $0x88, s6;
	s7 =	simm.s32 @p2 $0x1082  }
0x22: {  	[simem:s7], [sflag:s8] =	dma.local @!p0 [hbm:s6], $0xF7A  }
0x23: {  	s9 =	sor.u32 $0xD0000000, s2;
	s6 =	simm.s32 $0x108;
	_ =	swait.ge @!p0 [sflag:s8], $0x0  }
0x24: {  	s3 =	sadd.s32 $0x88, s3;
	s6 =	simm.s32 @!p1 $0x1082;
	[sflag:s4] =	ssyncset.s32 $0xFFFFF086  }
0x25: {  	[simem:s6], [sflag:s4] =	dma.local [hbm:s3], $0xF7A  }
0x26: {  	[smem:$0x3F9E] =	sst s1;
	(tag) =	ssettag s2;
	_ =	strace s9  }
0x27: {  	s1 =	sld [smem:$0x3FAE]  }
0x28: {  	s2 =	sld [smem:$0x3FAF]  }
0x29: {  	s4 =	sld [smem:$0x3FB1]  }
0x2a: {  	p0 =	seq.s32 s5, $0x0;
	s5 =	sld [smem:$0x3FB2]  }
0x2b: {  	s6 =	sld [smem:$0x3FB3]  }
0x2c: {  	s7 =	sld [smem:$0x3FB4]  }
0x2d: {  	s3 =	simm.s32 $0x108;
	s8 =	sld [smem:$0x3FB5]  }
0x2e: {  	s3 =	simm.s32 @!p0 $0x1082;
	s9 =	sld [smem:$0x3FB6]  }
0x2f: {  	lr =	sadd.s32 s0, s3;
	s0 =	sld [smem:$0x3FAD]  }
0x30: {  	s3 =	sld [smem:$0x3FB0]  }
0x31: {  	[smem:$0x3FB9] =	sst s10  }
0x32: {  	s10 =	sld [smem:$0x3FB7];
	_ =	sdelay $0x3  }
0x33: {  	p0 =	seq.s32 s10, $0x1;
	s10 =	sld [smem:$0x3FB9];
	_ =	sdelay $0x3  }
0x34: {  	[smem:$0x3FB9] =	sst s10  }
0x35: {  	s10 =	sld [smem:$0x3FB8];
	_ =	sdelay $0x3  }
0x36: {  	p1 =	seq.s32 s10, $0x1;
	s10 =	sld [smem:$0x3FB9];
	_ =	sdelay $0x3  }
0x37: {  	[smem:$0x3FB9] =	sst s10  }
0x38: {  	s10 =	sld [smem:$0x3FBA]  }
0x39: {  	_ = 	snop;
	(pc) =	sbr.ind lr, $3  }
0x3a: {  	_ = 	snop  }
0x3b: {  	_ = 	snop  }
0x3c: {  	p2 =	seq.s32 s10, $0x1;
	s10 =	sld [smem:$0x3FB9]  }
0x3d: {  	_ =	shalt  }
0x3e: {  	_ =	shalt  }
0x3f: {  	_ =	shalt  }
0x40: {  	_ =	shalt  }
0x41: {  	_ =	shalt  }
0x42: {  	_ =	shalt  }
0x43: {  	_ =	shalt  }
0x44: {  	_ =	shalt  }
0x45: {  	_ =	shalt  }
0x46: {  	_ =	shalt  }
0x47: {  	_ =	shalt  }
0x48: {  	_ =	shalt  }
0x49: {  	_ =	shalt  }
0x4a: {  	_ =	shalt  }
0x4b: {  	_ =	shalt  }
0x4c: {  	_ =	shalt  }
0x4d: {  	_ =	shalt  }
0x4e: {  	_ =	shalt  }
0x4f: {  	_ =	shalt  }
0x50: {  	_ =	shalt  }
0x51: {  	_ =	shalt  }
0x52: {  	_ =	shalt  }
0x53: {  	_ =	shalt  }
0x54: {  	_ =	shalt  }
0x55: {  	_ =	shalt  }
0x56: {  	_ =	shalt  }
0x57: {  	_ =	shalt  }
0x58: {  	_ =	shalt  }
0x59: {  	_ =	shalt  }
0x5a: {  	_ =	shalt  }
0x5b: {  	_ =	shalt  }
0x5c: {  	_ =	shalt  }
0x5d: {  	_ =	shalt  }
0x5e: {  	_ =	shalt  }
0x5f: {  	_ =	shalt  }
0x60: {  	_ =	shalt  }
0x61: {  	_ =	shalt  }
0x62: {  	_ =	shalt  }
0x63: {  	_ =	shalt  }
0x64: {  	_ =	shalt  }
0x65: {  	_ =	shalt  }
0x66: {  	_ =	shalt  }
0x67: {  	_ =	shalt  }
0x68: {  	_ =	shalt  }
0x69: {  	_ =	shalt  }
0x6a: {  	_ =	shalt  }
0x6b: {  	_ =	shalt  }
0x6c: {  	_ =	shalt  }
0x6d: {  	_ =	shalt  }
0x6e: {  	_ =	shalt  }
0x6f: {  	_ =	shalt  }
0x70: {  	_ =	shalt  }
0x71: {  	_ =	shalt  }
0x72: {  	_ =	shalt  }
0x73: {  	_ =	shalt  }
0x74: {  	_ =	shalt  }
0x75: {  	_ =	shalt  }
0x76: {  	_ =	shalt  }
0x77: {  	_ =	shalt  }
0x78: {  	_ =	shalt  }
0x79: {  	_ =	shalt  }
0x7a: {  	_ =	shalt  }
0x7b: {  	_ =	shalt  }
0x7c: {  	_ =	shalt  }
0x7d: {  	_ =	shalt  }
0x7e: {  	_ =	shalt  }
0x7f: {  	_ =	shalt  }
0x80: {  	_ =	shalt  }
0x81: {  	_ =	shalt  }
0x82: {  	_ =	shalt  }
0x83: {  	_ =	shalt  }
0x84: {  	_ =	shalt  }
0x85: {  	_ =	shalt  }
0x86: {  	_ =	shalt  }
0x87: {  	_ =	shalt  }
.Lfunc_end0:
.L_simem_size_0:
called_computation_lowered:
.L_overlay_start_0:
0x88: {  	s2 =	sld [smem:$0x3FD9]  }
0x89: {  	s3 =	sld [smem:$0x3FFE];
	_ =	sdelay $0x1  }
0x8a: {  	s1 =	srdreg.scid  }
0x8b: {  	s0 =	sand.u32 $0x1, s1  }
0x8c: {  	s18 =	sshll.u32 s0, $0xA;
	s2 =	sadd.s32 s3, s2  }
0x8d: {  	s2 =	sadd.s32 s2, s18  }
0x8e: {  	[smem:$0x3FC5] =	sst s2  }
0x8f: {  	_ = 	snop  }
0x90: {  	s2 =	sld [smem:$0x3FC9]  }
0x91: {  	s19 =	sld [smem:$0x3FC8]  }
0x92: {  	s4 =	sld [smem:$0x3FC7]  }
0x93: {  	s5 =	sld [smem:$0x3FD0];
	(tm) =	ssettm $0x1  }
0x94: {  	s6 =	sld [smem:$0x3FFB];
	_ =	sdelay $0x3  }
0x95: {  	_ =	strace s6  }
0x96: {  	s6 =	sld [smem:$0x3FFC];
	_ =	sdelay $0x3  }
0x97: {  	_ =	strace s6  }
0x98: {  	s6 =	sld [smem:$0x3FFD];
	_ =	sdelay $0x3  }
0x99: {  	_ =	strace s6  }
0x9a: {  	_ =	strace $0x8FFFFFFF  }
0x9b: {  	s20 =	sld [smem:$0x3FDB];
	_ =	sdelay $0x1  }
0x9c: {  	s7 =	simm.s32 $_scs_section_size  }
0x9d: {  	s8 =	simm.s32 $_size__tile_overlayer_lowered;
	s9 =	simm.s32 $_tile_overlayer_lowered  }
0x9e: {  	s23 =	simm.s32 $0x1BFF;
	s22 =	sshll.u32 s9, $0x1;
	s6 =	sadd.s32 s7, s20  }
0x9f: {  	s10 =	simm.s32 $0x0;
	s21 =	sshll.u32 s8, $0x1;
	s8 =	sadd.s32 s22, s6  }
0xa0: {  	[timem:s10], [sflag:s23] =	dma.local [hbm:s8], s21  }
0xa1: {  	_ =	swait.ge [sflag:s23], s21  }
0xa2: {  	s7 =	ssub.s32 $0x0, s21;
	[sflag:s23] =	ssyncset.done $0x0  }
0xa3: {  	[sflag:s23] =	ssyncadd.s32 s7;
	_ =	sdelay $0x1  }
0xa4: {  	s24 =	simm.s32 $0x1B8B  }
0xa5: {  	_ =	swait.ge [sflag:s24], $0x1  }
0xa6: {  	[sflag:s24] =	ssyncset.done $0x0  }
0xa7: {  	s25 =	simm.s32 $0x1B8E;
	[sflag:s24] =	ssyncadd.s32 $0xFFFFFFFF  }
0xa8: {  	s26 =	simm.s32 $execute0_lowered;
	[smem:$0x3FD2] =	sst s25  }
0xa9: {  	s7 =	sshll.u32 s26, $0x1;
	_ =	strace $0x80000046;
	[dreg:$0x1] =	wrdreg $0xFFFFFFFF  }
0xaa: {  	s28 =	simm.s32 $_size_execute0_lowered;
	s6 =	sadd.s32 s6, s7;
	[dreg:$0x0] =	wrdreg $0x0  }
0xab: {  	s7 =	sshll.u32 s28, $0x1;
	[dreg:$0x2] =	wrdreg s6  }
0xac: {  	[dreg:$0x3] =	wrdreg s7  }
0xad: {  	[dreg:$0x4] =	wrdreg $0xC0  }
0xae: {  	_ =	task [dreg:s10], $0x5FFFF  }
0xaf: {  	[dreg:$0x1] =	wrdreg $0xFFFFFFFF  }
0xb0: {  	[dreg:$0x0] =	wrdreg $0x60  }
0xb1: {  	[dreg:$0x2] =	wrdreg s2  }
0xb2: {  	[dreg:$0x3] =	wrdreg s19  }
0xb3: {  	[dreg:$0x4] =	wrdreg s4  }
0xb4: {  	[dreg:$0x5] =	wrdreg s5  }
0xb5: {  	[dreg:$0x6] =	wrdreg $0x9  }
0xb6: {  	_ =	task.clear_ibuf [dreg:s10], $0x7FFFF;
	_ =	strace $0x90000046  }
0xb7: {  	s29 =	simm.s32 $0x9;
	_ =	strace $0x80000048  }
0xb8: {  	_ =	swait.ge [sflag:s29], $0x1  }
0xb9: {  	[sflag:s29] =	ssyncadd.s32 $0xFFFFFFFF  }
0xba: {  	_ =	strace $0x90000048  }
0xbb: {  	_ =	sfence  }
0xbc: {  	s30 =	sld [smem:$0x0];
	_ =	sdelay $0x2  }
0xbd: {  	s31 =	sshll.u32 s1, $0xD;
	s1 =	sshrl.u32 s1, $0x2  }
0xbe: {  	s3 =	sand.u32 $0x4000, s31;
	s1 =	sadd.s32 s1, s30  }
0xbf: {  	s0 =	sor.u32 s3, s0;
	s1 =	sshll.u32 s1, $0x11  }
0xc0: {  	s0 =	sor.u32 s1, s0  }
0xc1: {  	s0 =	sadd.s32 $0x8F2B, s0  }
0xc2: {  	[sflag:s0] =	ssyncadd.remote.s32 $0x1  }
0xc3: {  	_ =	sfence.sel $0xFFFF  }
0xc4: {  	[dreg:$0x0] =	wrdreg $0xFFFFFFFF;
	(pc) =	sbr.abs _section_cstart, $3  }
0xc5: {  	[dreg:$0x1] =	wrdreg $0xFFFFFFFF  }
0xc6: {  	_ =	task.clear_ibuf [dreg:s10], $0x2FFFF;
	_ =	strace $0x9FFFFFFF  }
0xc7: {  	(tm) =	ssettm $0x7FFFFFFF  }
tec
execute0_lowered:
.L_overlay_start_1:
0x0: {  	(tag) =	ssettag $0x1  }
0x1: {  	s1 =	rddreg [dreg:$0x0]  }
0x2: {  	s0 =	rddreg [dreg:$0x1]  }
0x3: {  	s3 =	rddreg [dreg:$0x2]  }
0x4: {  	s4 =	rddreg [dreg:$0x3];
	s2 =	srdreg.scid  }
0x5: {  	s6 =	stileid.u32;
	s5 =	simm.s32 $0x0;
	s29 =	simm.s32 $0x8400  }
0x6: {  	s30 =	simm.s32 $0xA400;
	s17 =	simm.s32 $0xC400;
	s18 =	simm.s32 $0x1  }
0x7: {  	s19 =	simm.s32 $0x5;
	s20 =	simm.s32 $0xE400;
	s21 =	simm.s32 $0x2  }
0x8: {  	s22 =	simm.s32 $0x6;
	s23 =	simm.s32 $0x3;
	s24 =	simm.s32 $0x7  }
0x9: {  	s25 =	simm.s32 $0x4;
	s26 =	simm.s32 $0x8;
	s2 =	sand.u32 $0x1, s2  }
0xa: {  	s6 =	sshll.u32 s6, $0xB;
	[smem:$0x7FF] =	sst s5;
	s7 =	sshll.u32 s2, $0xA  }
0xb: {  	s9 =	sadd.s32 $0x200, s3;
	s11 =	sadd.s32 $0x300, s3;
	s7 =	sor.u32 s7, s6  }
0xc: {  	s2 =	ssub.s32 $0x2, s2;
	_ =	strace $0x80000047;
	s6 =	sshrl.u32 s7, $0x3  }
0xd: {  	v0 =	vlaneseq.u32;
	s8 =	sshrl.u32 s2, $0x1;
	s28 =	sshll.u32 s7, $0x7;
	s0 =	sadd.s32 s0, s6  }
0xe: {  	v1 =	vshrl.u32 v0, $0x3;
	s2 =	ssub.s32 s2, s8;
	s7 =	sadd.s32 s1, s28;
	[dreg:$0x5] =	wrdreg s0  }
0xf: {  	v0 =	vand.u32 $0x7, v0;
	v63 =	vmul.u32 $0x8, v1;
	s8 =	sadd.s32 $0x100, s3;
	s31 =	smax.u32 s2, $0x1;
	[dreg:$0x6] =	wrdreg s7  }
0x10: {  	[tilespmem:$0x1FFE0] =	vst v0;
	s13 =	sadd.s32 s4, s28;
	s7 =	sadd.s32 $0x400, s7;
	[dreg:$0x8] =	wrdreg s31  }
0x11: {  	vm0 =	vmmov $0xffff;
	[tilespmem:$0x1FFF0] =	vst v63;
	s2 =	simm.s32 $0x0;
	[dreg:$0x7] =	wrdreg s7;
	s7 =	simm.s32 $0xC  }
.LBB2_1:
0x12: {  	[dreg:$0x9] =	wrdreg s2  }
0x13: {  	s0 =	rddreg [dreg:$0x5];
	s10 =	simm.s32 $0xD  }
0x14: {  	[tilespmem:s5], [sflag:$0xD] =	stream.linear.gather [hbm4b:s0+s5], $0x400, $0x38;
	[tilespmem:$0x10400] =	vst v63  }
0x15: {  	_ =	swait.ge [sflag:s10], $0x400  }
0x16: {  	[sflag:s10] =	ssyncset.done $0x0  }
0x17: {  	[sflag:s10] =	ssyncadd.s32 $0xFFFFFC00  }
0x18: {  	v0 =	vld.msk [tilespmem:$0x0], $0xff;
	_ =	sdelay $0x2  }
0x19: {  	v2 =	vld [tilespmem:$0x1FFE0];
	_ =	sdelay $0x1  }
0x1a: {  	v3 =	vld [tilespmem:$0x1FFF0];
	v1 =	vshll.u32 v0, $0x3  }
0x1b: {  	v0 =	vand.u32 $0x7, v0;
	v1 =	vand.u32 $0xFFFFFFC0, v1  }
0x1c: {  	v0 =	vor.u32 v0, v1  }
0x1d: {  	v0 =	vperm.xlane v0, v2;
	_ =	sdelay $0x1  }
0x1e: {  	v0 =	vadd.s32 v3, v0;
	_ =	sdelay $0x3  }
0x1f: {  	s12 =	simm.s32 $0x400  }
0x20: {  	[tilespmem:s12], [sflag:$0x1] =	stream.indirect_vreg.gather [hbm4b:s3+s5], $0x80, v0, vm0, $0xb8;
	[tilespmem:$0x10400] =	vst v63  }
0x21: {  	s14 =	simm.s32 $0xC00  }
0x22: {  	[tilespmem:s14], [sflag:$0x1] =	stream.indirect_vreg.gather [hbm4b:s8+s5], $0x80, v0, vm0, $0xb8;
	[tilespmem:$0x10400] =	vst v63  }
0x23: {  	s15 =	simm.s32 $0x1400  }
0x24: {  	[tilespmem:s15], [sflag:$0x1] =	stream.indirect_vreg.gather [hbm4b:s9+s5], $0x80, v0, vm0, $0xb8;
	[tilespmem:$0x10400] =	vst v63  }
0x25: {  	s16 =	simm.s32 $0x1C00  }
0x26: {  	[tilespmem:s16], [sflag:$0x1] =	stream.indirect_vreg.gather [hbm4b:s11+s5], $0x80, v0, vm0, $0xb8;
	[tilespmem:$0x10400] =	vst v63  }
0x27: {  	v0 =	vld.msk [tilespmem:$0x8], $0xff;
	_ =	sdelay $0x4  }
0x28: {  	v62 =	vshll.u32 v0, $0x3  }
0x29: {  	v0 =	vand.u32 $0x7, v0;
	v1 =	vand.u32 $0xFFFFFFC0, v62  }
0x2a: {  	v0 =	vor.u32 v0, v1  }
0x2b: {  	v0 =	vperm.xlane v0, v2;
	_ =	sdelay $0x1  }
0x2c: {  	v0 =	vadd.s32 v3, v0;
	_ =	sdelay $0x3  }
0x2d: {  	s28 =	simm.s32 $0x2400  }
0x2e: {  	[tilespmem:s28], [sflag:$0x2] =	stream.indirect_vreg.gather [hbm4b:s3+s5], $0x80, v0, vm0, $0xb8;
	[tilespmem:$0x10400] =	vst v63  }
0x2f: {  	s31 =	simm.s32 $0x2C00  }
0x30: {  	[tilespmem:s31], [sflag:$0x2] =	stream.indirect_vreg.gather [hbm4b:s8+s5], $0x80, v0, vm0, $0xb8;
	[tilespmem:$0x10400] =	vst v63  }
0x31: {  	s2 =	simm.s32 $0x3400  }
0x32: {  	[tilespmem:s2], [sflag:$0x2] =	stream.indirect_vreg.gather [hbm4b:s9+s5], $0x80, v0, vm0, $0xb8;
	[tilespmem:$0x10400] =	vst v63  }
0x33: {  	s10 =	simm.s32 $0x3C00  }
0x34: {  	[tilespmem:s10], [sflag:$0x2] =	stream.indirect_vreg.gather [hbm4b:s11+s5], $0x80, v0, vm0, $0xb8;
	[tilespmem:$0x10400] =	vst v63  }
0x35: {  	v0 =	vld.msk [tilespmem:$0x10], $0xff;
	_ =	sdelay $0x4  }
0x36: {  	v63 =	vshll.u32 v0, $0x3  }
0x37: {  	v0 =	vand.u32 $0x7, v0;
	v1 =	vand.u32 $0xFFFFFFC0, v63  }
0x38: {  	v0 =	vor.u32 v0, v1  }
0x39: {  	v0 =	vperm.xlane v0, v2;
	_ =	sdelay $0x1  }
0x3a: {  	v0 =	vadd.s32 v3, v0;
	_ =	sdelay $0x3  }
0x3b: {  	s12 =	simm.s32 $0x4400  }
0x3c: {  	[tilespmem:s12], [sflag:$0x3] =	stream.indirect_vreg.gather [hbm4b:s3+s5], $0x80, v0, vm0, $0xb8;
	[tilespmem:$0x10400] =	vst v63  }
0x3d: {  	s14 =	simm.s32 $0x4C00  }
0x3e: {  	[tilespmem:s14], [sflag:$0x3] =	stream.indirect_vreg.gather [hbm4b:s8+s5], $0x80, v0, vm0, $0xb8;
	[tilespmem:$0x10400] =	vst v63  }
0x3f: {  	s15 =	simm.s32 $0x5400  }
0x40: {  	[tilespmem:s15], [sflag:$0x3] =	stream.indirect_vreg.gather [hbm4b:s9+s5], $0x80, v0, vm0, $0xb8;
	[tilespmem:$0x10400] =	vst v63  }
0x41: {  	s16 =	simm.s32 $0x5C00  }
0x42: {  	[tilespmem:s16], [sflag:$0x3] =	stream.indirect_vreg.gather [hbm4b:s11+s5], $0x80, v0, vm0, $0xb8;
	[tilespmem:$0x10400] =	vst v63  }
0x43: {  	s28 =	rddreg [dreg:$0x6]  }
0x44: {  	[tilespmem:s29], [sflag:$0x5] =	stream.linear.gather [hbm4b:s28+s5], $0x2000, $0x38;
	[tilespmem:$0x10400] =	vst v63  }
0x45: {  	s31 =	rddreg [dreg:$0x7];
	s14 =	simm.s32 $0x0  }
0x46: {  	[tilespmem:s30], [sflag:$0x6] =	stream.linear.gather [hbm4b:s31+s5], $0x2000, $0x38;
	[tilespmem:$0x10400] =	vst v63  }
.LBB2_2:
0x47: {  	s15 =	sshllo.u32 s14, $0x2  }
0x48: {  	s0 =	sshll.u32 s15, $0x3  }
0x49: {  	s0 =	sand.u32 $0x3FFFFFF8, s0  }
0x4a: {  	v0 =	vld.msk [tilespmem:s0+$0x0], $0xff;
	_ =	sdelay $0x4  }
0x4b: {  	v1 =	vshll.u32 v0, $0x3  }
0x4c: {  	v0 =	vand.u32 $0x7, v0;
	v1 =	vand.u32 $0xFFFFFFC0, v1  }
0x4d: {  	v0 =	vor.u32 v0, v1;
	v1 =	vld [tilespmem:$0x1FFE0];
	_ =	sdelay $0x4  }
0x4e: {  	v0 =	vperm.xlane v0, v1;
	v1 =	vld [tilespmem:$0x1FFF0];
	_ =	sdelay $0x4  }
0x4f: {  	v0 =	vadd.s32 v1, v0;
	_ =	sdelay $0x3  }
0x50: {  	s31 =	simm.s32 $0x6400  }
0x51: {  	[tilespmem:s31], [sflag:$0x4] =	stream.indirect_vreg.gather [hbm4b:s3+s5], $0x80, v0, vm0, $0xb8;
	[tilespmem:$0x10400] =	vst v63  }
0x52: {  	s2 =	simm.s32 $0x6C00  }
0x53: {  	[tilespmem:s2], [sflag:$0x4] =	stream.indirect_vreg.gather [hbm4b:s8+s5], $0x80, v0, vm0, $0xb8;
	[tilespmem:$0x10400] =	vst v63  }
0x54: {  	s10 =	simm.s32 $0x7400;
	s28 =	sshll.u32 s14, $0x2;
	p0 =	seq.s32 s14, $0x0  }
0x55: {  	[tilespmem:s10], [sflag:$0x4] =	stream.indirect_vreg.gather [hbm4b:s9+s5], $0x80, v0, vm0, $0xb8;
	[tilespmem:$0x10400] =	vst v63  }
0x56: {  	s12 =	simm.s32 $0x7C00;
	s0 =	simm.s32 @!p0 $0xB;
	s2 =	sadd.s32 s28, s6  }
0x57: {  	[tilespmem:s12], [sflag:$0x4] =	stream.indirect_vreg.gather [hbm4b:s11+s5], $0x80, v0, vm0, $0xb8;
	[tilespmem:$0x10400] =	vst v63  }
0x58: {  	s2 =	sshll.u32 s2, $0xA;
	_ =	swait.ge @!p0 [sflag:s0], $0x2000  }
0x59: {  	s10 =	sadd.s32 $0x800, s2;
	[sflag:s0] =	ssyncset.done @!p0 $0x0  }
0x5a: {  	s31 =	simm.s32 $0x0;
	s16 =	sadd.s32 s1, s10;
	[sflag:s0] =	ssyncadd.s32 @!p0 $0xFFFFE000  }
0x5b: {  	[tilespmem:s17], [sflag:$0x7] =	stream.linear.gather [hbm4b:s16+s31], $0x2000, $0x38;
	[tilespmem:$0x10400] =	vst v63  }
0x5c: {  	_ =	swait.ge [sflag:s18], $0x2000  }
0x5d: {  	[sflag:s18] =	ssyncset.done $0x0  }
0x5e: {  	[sflag:s18] =	ssyncadd.s32 $0xFFFFE000  }
0x5f: {  	_ =	swait.ge [sflag:s19], $0x2000  }
0x60: {  	[sflag:s19] =	ssyncset.done $0x0  }
0x61: {  	s12 =	simm.s32 $0x0;
	[sflag:s19] =	ssyncadd.s32 $0xFFFFE000  }
0x62: {  	v34 =	vld [tilespmem:s12+$0x400]  }
0x63: {  	v35 =	vld [tilespmem:s12+$0x410]  }
0x64: {  	v36 =	vld [tilespmem:s12+$0x420]  }
0x65: {  	v37 =	vld [tilespmem:s12+$0x430]  }
0x66: {  	v38 =	vld [tilespmem:s12+$0x440]  }
0x67: {  	v39 =	vld [tilespmem:s12+$0x450]  }
0x68: {  	v40 =	vld [tilespmem:s12+$0x460]  }
0x69: {  	v41 =	vld [tilespmem:s12+$0x470]  }
0x6a: {  	v42 =	vld [tilespmem:s12+$0x800]  }
0x6b: {  	v43 =	vld [tilespmem:s12+$0x810]  }
0x6c: {  	v44 =	vld [tilespmem:s12+$0x820]  }
0x6d: {  	v45 =	vld [tilespmem:s12+$0x830]  }
0x6e: {  	v46 =	vld [tilespmem:s12+$0x840]  }
0x6f: {  	v47 =	vld [tilespmem:s12+$0x850]  }
0x70: {  	v48 =	vld [tilespmem:s12+$0x860]  }
0x71: {  	v49 =	vld [tilespmem:s12+$0x870]  }
0x72: {  	v50 =	vld [tilespmem:s12+$0xC00]  }
0x73: {  	v51 =	vld [tilespmem:s12+$0xC10]  }
0x74: {  	v52 =	vld [tilespmem:s12+$0xC20]  }
0x75: {  	v53 =	vld [tilespmem:s12+$0xC30]  }
0x76: {  	v54 =	vld [tilespmem:s12+$0xC40]  }
0x77: {  	v55 =	vld [tilespmem:s12+$0xC50]  }
0x78: {  	v0 =	vld [tilespmem:s12+$0x1C40]  }
0x79: {  	v56 =	vld [tilespmem:s12+$0xC60]  }
0x7a: {  	v57 =	vld [tilespmem:s12+$0xC70]  }
0x7b: {  	v58 =	vld [tilespmem:s12+$0x1000]  }
0x7c: {  	v59 =	vld [tilespmem:s12+$0x1010]  }
0x7d: {  	[tilespmem:$0x1FF80] =	vst v0;
	v0 =	vld [tilespmem:s12+$0x1C50]  }
0x7e: {  	v60 =	vld [tilespmem:s12+$0x1020]  }
0x7f: {  	v61 =	vld [tilespmem:s12+$0x1030]  }
0x80: {  	v62 =	vld [tilespmem:s12+$0x1040]  }
0x81: {  	v63 =	vld [tilespmem:s12+$0x1050]  }
0x82: {  	[tilespmem:$0x1FF90] =	vst v0;
	v0 =	vld [tilespmem:s12+$0x1C60]  }
0x83: {  	v33 =	vld [tilespmem:s12+$0x1060]  }
0x84: {  	v32 =	vld [tilespmem:s12+$0x1070]  }
0x85: {  	v31 =	vld [tilespmem:s12+$0x1400]  }
0x86: {  	v30 =	vld [tilespmem:s12+$0x1410]  }
0x87: {  	[tilespmem:$0x1FFA0] =	vst v0;
	v0 =	vld [tilespmem:s12+$0x1C70]  }
0x88: {  	v29 =	vld [tilespmem:s12+$0x1420]  }
0x89: {  	v28 =	vld [tilespmem:s12+$0x1430]  }
0x8a: {  	v27 =	vld [tilespmem:s12+$0x1440]  }
0x8b: {  	v26 =	vld [tilespmem:s12+$0x1450]  }
0x8c: {  	[tilespmem:$0x1FFB0] =	vst v0;
	v0 =	vld [tilespmem:s12+$0x2000]  }
0x8d: {  	v25 =	vld [tilespmem:s12+$0x1460]  }
0x8e: {  	v12 =	vld [tilespmem:s12+$0x1470]  }
0x8f: {  	v2 =	vld [tilespmem:s12+$0x1800]  }
0x90: {  	v24 =	vld [tilespmem:s12+$0x1810]  }
0x91: {  	[tilespmem:$0x1FFC0] =	vst v0;
	v0 =	vld [tilespmem:s12+$0x2010]  }
0x92: {  	v23 =	vld [tilespmem:s12+$0x1820]  }
0x93: {  	v22 =	vld [tilespmem:s12+$0x1830]  }
0x94: {  	v21 =	vld [tilespmem:s12+$0x1840]  }
0x95: {  	v20 =	vld [tilespmem:s12+$0x1850]  }
0x96: {  	[tilespmem:$0x1FFD0] =	vst v0;
	v0 =	vld [tilespmem:s12+$0x8400]  }
0x97: {  	v1 =	vld [tilespmem:s12+$0x8410]  }
0x98: {  	v8 =	vld [tilespmem:s12+$0x8420]  }
0x99: {  	v19 =	vld [tilespmem:s12+$0x1860]  }
0x9a: {  	v18 =	vld [tilespmem:s12+$0x1870]  }
0x9b: {  	v9 =	vld [tilespmem:s12+$0x8430];
	v0 =	vadd.f32 v34, v0  }
0x9c: {  	v10 =	vld [tilespmem:s12+$0x8440];
	v1 =	vadd.f32 v35, v1  }
0x9d: {  	v8 =	vadd.f32 v36, v8;
	[tilespmem:s12+$0x8400] =	vst v0;
	v0 =	vld [tilespmem:s12+$0x8470]  }
0x9e: {  	[tilespmem:s12+$0x8410] =	vst v1;
	v1 =	vld [tilespmem:s12+$0x8800]  }
0x9f: {  	[tilespmem:s12+$0x8420] =	vst v8;
	v8 =	vld [tilespmem:s12+$0x8810]  }
0xa0: {  	v16 =	vld [tilespmem:s12+$0x1C00];
	v9 =	vadd.f32 v37, v9  }
0xa1: {  	v15 =	vld [tilespmem:s12+$0x1C10];
	v10 =	vadd.f32 v38, v10  }
0xa2: {  	[tilespmem:s12+$0x8430] =	vst v9;
	v9 =	vld [tilespmem:s12+$0x8820];
	v0 =	vadd.f32 v41, v0  }
0xa3: {  	[tilespmem:s12+$0x8440] =	vst v10;
	v10 =	vld [tilespmem:s12+$0x8830];
	v1 =	vadd.f32 v42, v1  }
0xa4: {  	v8 =	vadd.f32 v43, v8;
	[tilespmem:s12+$0x8470] =	vst v0;
	v0 =	vld [tilespmem:s12+$0x8860]  }
0xa5: {  	[tilespmem:s12+$0x8800] =	vst v1;
	v1 =	vld [tilespmem:s12+$0x8870]  }
0xa6: {  	[tilespmem:s12+$0x8810] =	vst v8;
	v8 =	vld [tilespmem:s12+$0x8C00]  }
0xa7: {  	v14 =	vld [tilespmem:s12+$0x1C20];
	v9 =	vadd.f32 v44, v9  }
0xa8: {  	v13 =	vld [tilespmem:s12+$0x1C30];
	v10 =	vadd.f32 v45, v10  }
0xa9: {  	[tilespmem:s12+$0x8820] =	vst v9;
	v9 =	vld [tilespmem:s12+$0x8C10];
	v0 =	vadd.f32 v48, v0  }
0xaa: {  	[tilespmem:s12+$0x8830] =	vst v10;
	v10 =	vld [tilespmem:s12+$0x8C20];
	v1 =	vadd.f32 v49, v1  }
0xab: {  	v8 =	vadd.f32 v50, v8;
	[tilespmem:s12+$0x8860] =	vst v0;
	v0 =	vld [tilespmem:s12+$0x8C50]  }
0xac: {  	[tilespmem:s12+$0x8870] =	vst v1;
	v1 =	vld [tilespmem:s12+$0x8C60]  }
0xad: {  	[tilespmem:s12+$0x8C00] =	vst v8;
	v8 =	vld [tilespmem:s12+$0x8C70]  }
0xae: {  	v11 =	vld [tilespmem:s12+$0x8460];
	v9 =	vadd.f32 v51, v9  }
0xaf: {  	v7 =	vld [tilespmem:s12+$0x2020];
	v10 =	vadd.f32 v52, v10  }
0xb0: {  	[tilespmem:s12+$0x8C10] =	vst v9;
	v9 =	vld [tilespmem:s12+$0x9000];
	v0 =	vadd.f32 v55, v0  }
0xb1: {  	[tilespmem:s12+$0x8C20] =	vst v10;
	v10 =	vld [tilespmem:s12+$0x9010];
	v1 =	vadd.f32 v56, v1  }
0xb2: {  	v8 =	vadd.f32 v57, v8;
	[tilespmem:s12+$0x8C50] =	vst v0;
	v0 =	vld [tilespmem:s12+$0x9040]  }
0xb3: {  	v11 =	vadd.f32 v40, v11;
	[tilespmem:s12+$0x8C60] =	vst v1;
	v1 =	vld [tilespmem:s12+$0x9050]  }
0xb4: {  	[tilespmem:s12+$0x8C70] =	vst v8;
	v8 =	vld [tilespmem:s12+$0x9060]  }
0xb5: {  	[tilespmem:s12+$0x8460] =	vst v11;
	v11 =	vld [tilespmem:s12+$0x8850];
	v9 =	vadd.f32 v58, v9  }
0xb6: {  	v6 =	vld [tilespmem:s12+$0x2030];
	v10 =	vadd.f32 v59, v10  }
0xb7: {  	[tilespmem:s12+$0x9000] =	vst v9;
	v9 =	vld [tilespmem:s12+$0x9070];
	v0 =	vadd.f32 v62, v0  }
0xb8: {  	[tilespmem:s12+$0x9010] =	vst v10;
	v10 =	vld [tilespmem:s12+$0x9400];
	v1 =	vadd.f32 v63, v1  }
0xb9: {  	v8 =	vadd.f32 v33, v8;
	[tilespmem:s12+$0x9040] =	vst v0;
	v0 =	vld [tilespmem:s12+$0x9430]  }
0xba: {  	v11 =	vadd.f32 v47, v11;
	[tilespmem:s12+$0x9050] =	vst v1;
	v1 =	vld [tilespmem:s12+$0x9440]  }
0xbb: {  	[tilespmem:s12+$0x9060] =	vst v8;
	v8 =	vld [tilespmem:s12+$0x9450]  }
0xbc: {  	[tilespmem:s12+$0x8850] =	vst v11;
	v11 =	vld [tilespmem:s12+$0x8C40];
	v9 =	vadd.f32 v32, v9  }
0xbd: {  	v5 =	vld [tilespmem:s12+$0x2040];
	v10 =	vadd.f32 v31, v10  }
0xbe: {  	[tilespmem:s12+$0x9070] =	vst v9;
	v9 =	vld [tilespmem:s12+$0x9460];
	v0 =	vadd.f32 v28, v0  }
0xbf: {  	[tilespmem:s12+$0x9400] =	vst v10;
	v10 =	vld [tilespmem:s12+$0x9470];
	v1 =	vadd.f32 v27, v1  }
0xc0: {  	v8 =	vadd.f32 v26, v8;
	[tilespmem:s12+$0x9430] =	vst v0;
	v0 =	vld [tilespmem:s12+$0x9820]  }
0xc1: {  	v11 =	vadd.f32 v54, v11;
	[tilespmem:s12+$0x9440] =	vst v1;
	v1 =	vld [tilespmem:s12+$0x9830]  }
0xc2: {  	[tilespmem:s12+$0x9450] =	vst v8;
	v8 =	vld [tilespmem:s12+$0x9840]  }
0xc3: {  	[tilespmem:s12+$0x8C40] =	vst v11;
	v11 =	vld [tilespmem:s12+$0x9030];
	v9 =	vadd.f32 v25, v9  }
0xc4: {  	v63 =	vld [tilespmem:s12+$0x9800];
	v10 =	vadd.f32 v12, v10  }
0xc5: {  	[tilespmem:s12+$0x9460] =	vst v9;
	v9 =	vld [tilespmem:s12+$0x9850];
	v0 =	vadd.f32 v23, v0  }
0xc6: {  	[tilespmem:s12+$0x9470] =	vst v10;
	v10 =	vld [tilespmem:s12+$0x9860];
	v1 =	vadd.f32 v22, v1  }
0xc7: {  	v8 =	vadd.f32 v21, v8;
	[tilespmem:s12+$0x9820] =	vst v0;
	v0 =	vld [tilespmem:s12+$0x9C10]  }
0xc8: {  	v11 =	vadd.f32 v61, v11;
	[tilespmem:s12+$0x9830] =	vst v1;
	v1 =	vld [tilespmem:s12+$0x9C20]  }
0xc9: {  	v12 =	vadd.f32 v2, v63;
	[tilespmem:s12+$0x9840] =	vst v8;
	v8 =	vld [tilespmem:s12+$0x9C30]  }
0xca: {  	v4 =	vld [tilespmem:s12+$0x2050];
	[tilespmem:s12+$0x9030] =	vst v11;
	v9 =	vadd.f32 v20, v9  }
0xcb: {  	v11 =	vld [tilespmem:s12+$0x9420];
	[tilespmem:s12+$0x9800] =	vst v12;
	v10 =	vadd.f32 v19, v10  }
0xcc: {  	v12 =	vld [tilespmem:s12+$0x9870];
	[tilespmem:s12+$0x9850] =	vst v9;
	v0 =	vadd.f32 v15, v0  }
0xcd: {  	v9 =	vld [tilespmem:s12+$0x9C40];
	[tilespmem:s12+$0x9860] =	vst v10;
	v1 =	vadd.f32 v14, v1  }
0xce: {  	v10 =	vld [tilespmem:s12+$0x9C50];
	[tilespmem:s12+$0x9C10] =	vst v0;
	v0 =	vadd.f32 v13, v8  }
0xcf: {  	[tilespmem:s12+$0x9C20] =	vst v1;
	v1 =	vld [tilespmem:$0x1FF80]  }
0xd0: {  	[tilespmem:s12+$0x9C30] =	vst v0;
	v0 =	vld [tilespmem:$0x1FF90]  }
0xd1: {  	v3 =	vld [tilespmem:s12+$0x2060];
	v11 =	vadd.f32 v29, v11  }
0xd2: {  	v34 =	vld [tilespmem:s12+$0x8450]  }
0xd3: {  	[tilespmem:s12+$0x9420] =	vst v11;
	v11 =	vld [tilespmem:s12+$0x9810];
	v12 =	vadd.f32 v18, v12  }
0xd4: {  	v2 =	vld [tilespmem:s12+$0x9C70];
	v9 =	vadd.f32 v1, v9  }
0xd5: {  	[tilespmem:s12+$0x9870] =	vst v12;
	v12 =	vld [tilespmem:s12+$0x9C60];
	v10 =	vadd.f32 v0, v10  }
0xd6: {  	[tilespmem:s12+$0x9C40] =	vst v9;
	v9 =	vld [tilespmem:$0x1FFA0]  }
0xd7: {  	[tilespmem:s12+$0x9C50] =	vst v10;
	v10 =	vld [tilespmem:$0x1FFB0]  }
0xd8: {  	v40 =	vld [tilespmem:s12+$0x8840];
	v11 =	vadd.f32 v24, v11  }
0xd9: {  	v47 =	vld [tilespmem:s12+$0x8C30]  }
0xda: {  	[tilespmem:s12+$0x9810] =	vst v11;
	v11 =	vld [tilespmem:s12+$0x9C00]  }
0xdb: {  	v34 =	vadd.f32 v39, v34;
	v14 =	vld [tilespmem:s12+$0xA000]  }
0xdc: {  	v9 =	vadd.f32 v9, v12;
	v12 =	vadd.f32 v10, v2;
	v2 =	vld [tilespmem:$0x1FFC0]  }
0xdd: {  	v61 =	vld [tilespmem:s12+$0x9410]  }
0xde: {  	v54 =	vld [tilespmem:s12+$0x9020];
	[tilespmem:s12+$0x8450] =	vst v34;
	v34 =	vadd.f32 v46, v40  }
0xdf: {  	v17 =	vld [tilespmem:s12+$0x2070]  }
0xe0: {  	[tilespmem:s12+$0x8840] =	vst v34;
	v11 =	vadd.f32 v16, v11;
	v8 =	vld [tilespmem:s12+$0xA010]  }
0xe1: {  	v34 =	vadd.f32 v53, v47;
	[tilespmem:s12+$0x9C70] =	vst v12;
	v12 =	vadd.f32 v2, v14;
	v2 =	vld [tilespmem:$0x1FFD0]  }
0xe2: {  	v30 =	vadd.f32 v30, v61;
	[tilespmem:s12+$0x9C00] =	vst v11;
	v11 =	vld [tilespmem:s12+$0xA040]  }
0xe3: {  	[tilespmem:s12+$0x8C30] =	vst v34;
	v34 =	vadd.f32 v60, v54;
	v1 =	vld [tilespmem:s12+$0xA020]  }
0xe4: {  	[tilespmem:s12+$0x9410] =	vst v30;
	v0 =	vld [tilespmem:s12+$0xA030]  }
0xe5: {  	[tilespmem:s12+$0x9020] =	vst v34;
	v10 =	vld [tilespmem:s12+$0xA050]  }
0xe6: {  	s0 =	simm.s32 $0x200;
	[tilespmem:s12+$0x9C60] =	vst v9;
	v9 =	vadd.f32 v2, v8;
	v8 =	vld [tilespmem:s12+$0xA060]  }
.LBB2_3:
0xe7: {  	_ = 	snop  }
0xe8: {  	s2 =	sshra.s32 s0, $0x2;
	[tilespmem:s12+$0xA000] =	vst v12;
	v1 =	vadd.f32 v7, v1;
	v7 =	vld [tilespmem:s12+$0xA070]  }
0xe9: {  	v58 =	vld [tilespmem:s2+$0x400];
	[tilespmem:s12+$0xA010] =	vst v9;
	v0 =	vadd.f32 v6, v0  }
0xea: {  	v61 =	vld [tilespmem:s2+$0x410];
	[tilespmem:s12+$0xA020] =	vst v1;
	v1 =	vadd.f32 v5, v11  }
0xeb: {  	v4 =	vadd.f32 v4, v10;
	v62 =	vld [tilespmem:s2+$0x420];
	[tilespmem:s12+$0xA030] =	vst v0  }
0xec: {  	v3 =	vadd.f32 v3, v8;
	v63 =	vld [tilespmem:s2+$0x430];
	[tilespmem:s12+$0xA040] =	vst v1  }
0xed: {  	v0 =	vld [tilespmem:s2+$0x440];
	[tilespmem:s12+$0xA050] =	vst v4;
	v2 =	vadd.f32 v17, v7  }
0xee: {  	v1 =	vld [tilespmem:s2+$0x450];
	[tilespmem:s12+$0xA060] =	vst v3  }
0xef: {  	v59 =	vld [tilespmem:s2+$0x460];
	[tilespmem:s12+$0xA070] =	vst v2;
	s12 =	smov.u32 s2  }
0xf0: {  	v60 =	vld [tilespmem:s12+$0x470]  }
0xf1: {  	v57 =	vld [tilespmem:s12+$0x800]  }
0xf2: {  	v56 =	vld [tilespmem:s12+$0x810]  }
0xf3: {  	v55 =	vld [tilespmem:s12+$0x820]  }
0xf4: {  	v54 =	vld [tilespmem:s12+$0x830]  }
0xf5: {  	v53 =	vld [tilespmem:s12+$0x840]  }
0xf6: {  	v52 =	vld [tilespmem:s12+$0x850]  }
0xf7: {  	v51 =	vld [tilespmem:s12+$0x860]  }
0xf8: {  	v50 =	vld [tilespmem:s12+$0x870]  }
0xf9: {  	v49 =	vld [tilespmem:s12+$0xC00]  }
0xfa: {  	v48 =	vld [tilespmem:s12+$0xC10]  }
0xfb: {  	v47 =	vld [tilespmem:s12+$0xC20]  }
0xfc: {  	v46 =	vld [tilespmem:s12+$0xC30]  }
0xfd: {  	v45 =	vld [tilespmem:s12+$0xC40]  }
0xfe: {  	v44 =	vld [tilespmem:s12+$0xC50]  }
0xff: {  	v43 =	vld [tilespmem:s12+$0xC60]  }
0x100: {  	v42 =	vld [tilespmem:s12+$0xC70]  }
0x101: {  	v41 =	vld [tilespmem:s12+$0x1000]  }
0x102: {  	v40 =	vld [tilespmem:s12+$0x1010]  }
0x103: {  	v39 =	vld [tilespmem:s12+$0x1020]  }
0x104: {  	v38 =	vld [tilespmem:s12+$0x1030]  }
0x105: {  	v37 =	vld [tilespmem:s12+$0x1040]  }
0x106: {  	v36 =	vld [tilespmem:s12+$0x1050]  }
0x107: {  	v2 =	vld [tilespmem:s12+$0x1C50]  }
0x108: {  	v35 =	vld [tilespmem:s12+$0x1060]  }
0x109: {  	v34 =	vld [tilespmem:s12+$0x1070]  }
0x10a: {  	v33 =	vld [tilespmem:s12+$0x1400]  }
0x10b: {  	v32 =	vld [tilespmem:s12+$0x1410]  }
0x10c: {  	[tilespmem:$0x1FF30] =	vst v2;
	v2 =	vld [tilespmem:s12+$0x1C60]  }
0x10d: {  	v31 =	vld [tilespmem:s12+$0x1420]  }
0x10e: {  	v30 =	vld [tilespmem:s12+$0x1430]  }
0x10f: {  	v29 =	vld [tilespmem:s12+$0x1440]  }
0x110: {  	v28 =	vld [tilespmem:s12+$0x1450]  }
0x111: {  	[tilespmem:$0x1FF40] =	vst v2;
	v2 =	vld [tilespmem:s12+$0x1C70]  }
0x112: {  	v27 =	vld [tilespmem:s12+$0x1460]  }
0x113: {  	v26 =	vld [tilespmem:s12+$0x1470]  }
0x114: {  	v25 =	vld [tilespmem:s12+$0x1800]  }
0x115: {  	v24 =	vld [tilespmem:s12+$0x1810]  }
0x116: {  	[tilespmem:$0x1FF50] =	vst v2;
	v2 =	vld [tilespmem:s12+$0x2000]  }
0x117: {  	v23 =	vld [tilespmem:s12+$0x1820]  }
0x118: {  	v22 =	vld [tilespmem:s12+$0x1830]  }
0x119: {  	v21 =	vld [tilespmem:s12+$0x1840]  }
0x11a: {  	v20 =	vld [tilespmem:s12+$0x1850]  }
0x11b: {  	[tilespmem:$0x1FF60] =	vst v2;
	v2 =	vld [tilespmem:s12+$0x2010]  }
0x11c: {  	v19 =	vld [tilespmem:s12+$0x1860]  }
0x11d: {  	v18 =	vld [tilespmem:s12+$0x1870]  }
0x11e: {  	v8 =	vld [tilespmem:s12+$0x1C00]  }
0x11f: {  	v9 =	vld [tilespmem:s12+$0x1C10]  }
0x120: {  	[tilespmem:$0x1FF70] =	vst v2;
	v2 =	vld [tilespmem:s12+$0x8400]  }
0x121: {  	v13 =	vld [tilespmem:s12+$0x8410]  }
0x122: {  	v14 =	vld [tilespmem:s12+$0x8420]  }
0x123: {  	v15 =	vld [tilespmem:s12+$0x8430]  }
0x124: {  	v16 =	vld [tilespmem:s12+$0x8440]  }
0x125: {  	v2 =	vadd.f32 v58, v2;
	v58 =	vld [tilespmem:s12+$0x8450]  }
0x126: {  	v13 =	vadd.f32 v61, v13;
	v61 =	vld [tilespmem:s12+$0x8460]  }
0x127: {  	[tilespmem:s12+$0x8400] =	vst v2;
	v2 =	vadd.f32 v62, v14;
	v14 =	vld [tilespmem:s12+$0x8470]  }
0x128: {  	[tilespmem:s12+$0x8410] =	vst v13;
	v13 =	vadd.f32 v63, v15;
	v15 =	vld [tilespmem:s12+$0x8800]  }
0x129: {  	v0 =	vadd.f32 v0, v16;
	[tilespmem:s12+$0x8420] =	vst v2;
	v2 =	vld [tilespmem:s12+$0x8810]  }
0x12a: {  	[tilespmem:s12+$0x8430] =	vst v13;
	v13 =	vld [tilespmem:s12+$0x8820];
	v1 =	vadd.f32 v1, v58  }
0x12b: {  	v16 =	vld [tilespmem:s12+$0x8830];
	[tilespmem:s12+$0x8440] =	vst v0;
	v0 =	vadd.f32 v59, v61  }
0x12c: {  	[tilespmem:s12+$0x8450] =	vst v1;
	v1 =	vadd.f32 v60, v14;
	v14 =	vld [tilespmem:s12+$0x8840]  }
0x12d: {  	[tilespmem:s12+$0x8460] =	vst v0;
	v0 =	vadd.f32 v57, v15;
	v15 =	vld [tilespmem:s12+$0x8850]  }
0x12e: {  	[tilespmem:s12+$0x8470] =	vst v1;
	v1 =	vadd.f32 v56, v2;
	v2 =	vld [tilespmem:s12+$0x8860]  }
0x12f: {  	[tilespmem:s12+$0x8800] =	vst v0;
	v0 =	vadd.f32 v55, v13;
	v13 =	vld [tilespmem:s12+$0x8870]  }
0x130: {  	[tilespmem:s12+$0x8810] =	vst v1;
	v1 =	vadd.f32 v54, v16;
	v16 =	vld [tilespmem:s12+$0x8C00]  }
0x131: {  	[tilespmem:s12+$0x8820] =	vst v0;
	v0 =	vadd.f32 v53, v14;
	v14 =	vld [tilespmem:s12+$0x8C10]  }
0x132: {  	[tilespmem:s12+$0x8830] =	vst v1;
	v1 =	vadd.f32 v52, v15;
	v15 =	vld [tilespmem:s12+$0x8C20]  }
0x133: {  	[tilespmem:s12+$0x8840] =	vst v0;
	v0 =	vadd.f32 v51, v2;
	v2 =	vld [tilespmem:s12+$0x8C30]  }
0x134: {  	[tilespmem:s12+$0x8850] =	vst v1;
	v1 =	vadd.f32 v50, v13;
	v13 =	vld [tilespmem:s12+$0x8C40]  }
0x135: {  	[tilespmem:s12+$0x8860] =	vst v0;
	v0 =	vadd.f32 v49, v16;
	v16 =	vld [tilespmem:s12+$0x8C50]  }
0x136: {  	[tilespmem:s12+$0x8870] =	vst v1;
	v1 =	vadd.f32 v48, v14;
	v14 =	vld [tilespmem:s12+$0x8C60]  }
0x137: {  	[tilespmem:s12+$0x8C00] =	vst v0;
	v0 =	vadd.f32 v47, v15;
	v15 =	vld [tilespmem:s12+$0x8C70]  }
0x138: {  	[tilespmem:s12+$0x8C10] =	vst v1;
	v1 =	vadd.f32 v46, v2;
	v2 =	vld [tilespmem:s12+$0x9000]  }
0x139: {  	[tilespmem:s12+$0x8C20] =	vst v0;
	v0 =	vadd.f32 v45, v13;
	v13 =	vld [tilespmem:s12+$0x9010]  }
0x13a: {  	[tilespmem:s12+$0x8C30] =	vst v1;
	v1 =	vadd.f32 v44, v16;
	v16 =	vld [tilespmem:s12+$0x9020]  }
0x13b: {  	[tilespmem:s12+$0x8C40] =	vst v0;
	v0 =	vadd.f32 v43, v14;
	v14 =	vld [tilespmem:s12+$0x9030]  }
0x13c: {  	[tilespmem:s12+$0x8C50] =	vst v1;
	v1 =	vadd.f32 v42, v15;
	v15 =	vld [tilespmem:s12+$0x9040]  }
0x13d: {  	[tilespmem:s12+$0x8C60] =	vst v0;
	v0 =	vadd.f32 v41, v2;
	v2 =	vld [tilespmem:s12+$0x9050]  }
0x13e: {  	[tilespmem:s12+$0x8C70] =	vst v1;
	v1 =	vadd.f32 v40, v13;
	v13 =	vld [tilespmem:s12+$0x9060]  }
0x13f: {  	[tilespmem:s12+$0x9000] =	vst v0;
	v0 =	vadd.f32 v39, v16;
	v16 =	vld [tilespmem:s12+$0x9070]  }
0x140: {  	[tilespmem:s12+$0x9010] =	vst v1;
	v1 =	vadd.f32 v38, v14;
	v14 =	vld [tilespmem:s12+$0x9400]  }
0x141: {  	[tilespmem:s12+$0x9020] =	vst v0;
	v0 =	vadd.f32 v37, v15;
	v15 =	vld [tilespmem:s12+$0x9410]  }
0x142: {  	[tilespmem:s12+$0x9030] =	vst v1;
	v1 =	vadd.f32 v36, v2;
	v2 =	vld [tilespmem:s12+$0x9420]  }
0x143: {  	[tilespmem:s12+$0x9040] =	vst v0;
	v0 =	vadd.f32 v35, v13;
	v13 =	vld [tilespmem:s12+$0x9430]  }
0x144: {  	[tilespmem:s12+$0x9050] =	vst v1;
	v1 =	vadd.f32 v34, v16;
	v16 =	vld [tilespmem:s12+$0x9440]  }
0x145: {  	[tilespmem:s12+$0x9060] =	vst v0;
	v0 =	vadd.f32 v33, v14;
	v14 =	vld [tilespmem:s12+$0x9450]  }
0x146: {  	[tilespmem:s12+$0x9070] =	vst v1;
	v1 =	vadd.f32 v32, v15;
	v15 =	vld [tilespmem:s12+$0x9460]  }
0x147: {  	[tilespmem:s12+$0x9400] =	vst v0;
	v0 =	vadd.f32 v31, v2;
	v2 =	vld [tilespmem:s12+$0x9470]  }
0x148: {  	[tilespmem:s12+$0x9410] =	vst v1;
	v1 =	vadd.f32 v30, v13;
	v13 =	vld [tilespmem:s12+$0x9800]  }
0x149: {  	[tilespmem:s12+$0x9420] =	vst v0;
	v0 =	vadd.f32 v29, v16;
	v16 =	vld [tilespmem:s12+$0x9810]  }
0x14a: {  	[tilespmem:s12+$0x9430] =	vst v1;
	v1 =	vadd.f32 v28, v14;
	v14 =	vld [tilespmem:s12+$0x9820]  }
0x14b: {  	[tilespmem:s12+$0x9440] =	vst v0;
	v0 =	vadd.f32 v27, v15;
	v15 =	vld [tilespmem:s12+$0x9830]  }
0x14c: {  	[tilespmem:s12+$0x9450] =	vst v1;
	v1 =	vadd.f32 v26, v2;
	v2 =	vld [tilespmem:s12+$0x9840]  }
0x14d: {  	[tilespmem:s12+$0x9460] =	vst v0;
	v0 =	vadd.f32 v25, v13;
	v13 =	vld [tilespmem:s12+$0x9850]  }
0x14e: {  	[tilespmem:s12+$0x9470] =	vst v1;
	v1 =	vadd.f32 v24, v16;
	v16 =	vld [tilespmem:s12+$0x9860]  }
0x14f: {  	[tilespmem:s12+$0x9800] =	vst v0;
	v0 =	vadd.f32 v23, v14;
	v14 =	vld [tilespmem:s12+$0x9870]  }
0x150: {  	[tilespmem:s12+$0x9810] =	vst v1;
	v1 =	vadd.f32 v22, v15;
	v15 =	vld [tilespmem:s12+$0x9C00]  }
0x151: {  	v10 =	vld [tilespmem:s12+$0x1C20];
	[tilespmem:s12+$0x9820] =	vst v0;
	v0 =	vadd.f32 v21, v2  }
0x152: {  	[tilespmem:s12+$0x9830] =	vst v1;
	v1 =	vadd.f32 v20, v13;
	v13 =	vld [tilespmem:s12+$0x9C20]  }
0x153: {  	v12 =	vld [tilespmem:s12+$0x1C40];
	[tilespmem:s12+$0x9840] =	vst v0;
	v0 =	vadd.f32 v19, v16  }
0x154: {  	[tilespmem:s12+$0x9850] =	vst v1;
	v1 =	vadd.f32 v18, v14;
	v14 =	vld [tilespmem:s12+$0x9C40]  }
0x155: {  	v2 =	vld [tilespmem:s12+$0x9C10];
	[tilespmem:s12+$0x9860] =	vst v0;
	v0 =	vadd.f32 v8, v15  }
0x156: {  	v11 =	vld [tilespmem:s12+$0x1C30]  }
0x157: {  	v16 =	vld [tilespmem:s12+$0x9C30];
	[tilespmem:s12+$0x9C00] =	vst v0;
	v0 =	vadd.f32 v10, v13  }
0x158: {  	v7 =	vld [tilespmem:s12+$0x2020]  }
0x159: {  	v6 =	vld [tilespmem:s12+$0x2030];
	[tilespmem:s12+$0x9C20] =	vst v0;
	v0 =	vadd.f32 v12, v14  }
0x15a: {  	[tilespmem:s12+$0x9870] =	vst v1;
	v1 =	vadd.f32 v9, v2;
	v2 =	vld [tilespmem:s12+$0x9C60]  }
0x15b: {  	[tilespmem:s12+$0x9C40] =	vst v0;
	v0 =	vld [tilespmem:$0x1FF40]  }
0x15c: {  	v5 =	vld [tilespmem:s12+$0x2040];
	[tilespmem:s12+$0x9C10] =	vst v1;
	v1 =	vadd.f32 v11, v16  }
0x15d: {  	v8 =	vld [tilespmem:s12+$0x9C50]  }
0x15e: {  	[tilespmem:s12+$0x9C30] =	vst v1;
	v1 =	vld [tilespmem:$0x1FF30]  }
0x15f: {  	v4 =	vld [tilespmem:s12+$0x2050]  }
0x160: {  	v3 =	vld [tilespmem:s12+$0x2060];
	v2 =	vadd.f32 v0, v2  }
0x161: {  	v10 =	vld [tilespmem:s12+$0xA000]  }
0x162: {  	[tilespmem:s12+$0x9C60] =	vst v2;
	v2 =	vld [tilespmem:$0x1FF60]  }
0x163: {  	v17 =	vld [tilespmem:s12+$0x2070];
	v8 =	vadd.f32 v1, v8  }
0x164: {  	v9 =	vld [tilespmem:s12+$0x9C70]  }
0x165: {  	[tilespmem:s12+$0x9C50] =	vst v8;
	v8 =	vld [tilespmem:$0x1FF50]  }
0x166: {  	v13 =	vld [tilespmem:s12+$0xA010]  }
0x167: {  	p0 =	sne.s32 s0, $0xE00;
	v12 =	vadd.f32 v2, v10;
	v2 =	vld [tilespmem:$0x1FF70]  }
.Ltmp0:
0x168: {  	v11 =	vld [tilespmem:s12+$0xA040];
	(pc) =	sbr.rel @p0 .LBB2_3-.Ltmp0, $4  }
0x169: {  	v1 =	vld [tilespmem:s12+$0xA020]  }
0x16a: {  	v0 =	vld [tilespmem:s12+$0xA030];
	v8 =	vadd.f32 v8, v9  }
0x16b: {  	v10 =	vld [tilespmem:s12+$0xA050]  }
0x16c: {  	s0 =	sadd.s32 $0x200, s0;
	[tilespmem:s12+$0x9C70] =	vst v8;
	v8 =	vld [tilespmem:s12+$0xA060];
	v9 =	vadd.f32 v2, v13  }
0x16d: {  	_ = 	snop  }
0x16e: {  	[tilespmem:s12+$0xA000] =	vst v12;
	v2 =	vld [tilespmem:s12+$0xA070];
	v1 =	vadd.f32 v7, v1  }
0x16f: {  	[tilespmem:s12+$0xA010] =	vst v9;
	v0 =	vadd.f32 v6, v0  }
0x170: {  	[tilespmem:s12+$0xA020] =	vst v1;
	v1 =	vadd.f32 v5, v11  }
0x171: {  	[tilespmem:s12+$0xA030] =	vst v0;
	v0 =	vadd.f32 v4, v10  }
0x172: {  	[tilespmem:s12+$0xA040] =	vst v1;
	v1 =	vadd.f32 v3, v8  }
0x173: {  	[tilespmem:s12+$0xA050] =	vst v0;
	v0 =	vadd.f32 v17, v2  }
0x174: {  	s0 =	sshll.u32 s14, $0xC;
	[tilespmem:s12+$0xA060] =	vst v1  }
0x175: {  	p0 =	seq.s32 s14, $0x1F;
	s0 =	sadd.s32 s0, s13;
	[tilespmem:s12+$0xA070] =	vst v0;
	s12 =	sadd.s32 $0x4, s28  }
0x176: {  	[hbm4b:s0+s5] =	stream.linear.scatter [tilespmem:s29], [sflag:$0x9], $0x2000, $0x38;
	[tilespmem:$0x10400] =	vst v63  }
0x177: {  	s0 =	sshll.u32 @!p0 s12, $0x3  }
0x178: {  	s0 =	sand.u32 @!p0 $0x3FFFFFF8, s0  }
0x179: {  	v0 =	vld.msk @!p0 [tilespmem:s0+$0x0], $0xff;
	_ =	sdelay $0x4  }
0x17a: {  	v1 =	vshll.u32 @!p0 v0, $0x3  }
0x17b: {  	v2 =	vlaneseq.u32 @!p0;
	v0 =	vand.u32 @!p0 $0x7, v0;
	v1 =	vand.u32 @!p0 $0xFFFFFFC0, v1  }
0x17c: {  	v0 =	vor.u32 @!p0 v0, v1;
	v1 =	vand.u32 @!p0 $0x7, v2;
	v2 =	vshrl.u32 @!p0 v2, $0x3  }
0x17d: {  	v0 =	vperm.xlane @!p0 v0, v1;
	v1 =	vmul.u32 @!p0 $0x8, v2;
	_ =	sdelay $0x1  }
0x17e: {  	v0 =	vadd.s32 @!p0 v1, v0;
	_ =	sdelay $0x3  }
0x17f: {  	vm1 =	vmmov @!p0 $0xffff;
	s2 =	simm.s32 @!p0 $0x400;
	s0 =	simm.s32 @!p0 $0x0  }
0x180: {  	[tilespmem:s2], [sflag:$0x1] =	stream.indirect_vreg.gather @!p0 [hbm4b:s3+s0], $0x80, v0, vm1, $0xb8;
	[tilespmem:$0x10400] =	vst v63  }
0x181: {  	s2 =	simm.s32 @!p0 $0xC00  }
0x182: {  	[tilespmem:s2], [sflag:$0x1] =	stream.indirect_vreg.gather @!p0 [hbm4b:s8+s0], $0x80, v0, vm1, $0xb8;
	[tilespmem:$0x10400] =	vst v63  }
0x183: {  	s2 =	simm.s32 @!p0 $0x1400  }
0x184: {  	[tilespmem:s2], [sflag:$0x1] =	stream.indirect_vreg.gather @!p0 [hbm4b:s9+s0], $0x80, v0, vm1, $0xb8;
	[tilespmem:$0x10400] =	vst v63  }
0x185: {  	p1 =	seq.s32 @!p0 s14, $0x0;
	s2 =	simm.s32 @!p0 $0x1C00  }
0x186: {  	[tilespmem:s2], [sflag:$0x1] =	stream.indirect_vreg.gather @!p0 [hbm4b:s11+s0], $0x80, v0, vm1, $0xb8;
	[tilespmem:$0x10400] =	vst v63  }
0x187: {  	p0 =	por p0, !p1  }
0x188: {  	s15 =	sadd.s32 s6, s15;
	_ =	swait.ge @p0 [sflag:s7], $0x2000  }
0x189: {  	s15 =	sshll.u32 s15, $0xA;
	[sflag:s7] =	ssyncset.done @p0 $0x0  }
0x18a: {  	s16 =	simm.s32 $0x0;
	s0 =	sadd.s32 s1, s15;
	[sflag:s7] =	ssyncadd.s32 @p0 $0xFFFFE000  }
0x18b: {  	[tilespmem:s20], [sflag:$0x8] =	stream.linear.gather [hbm4b:s0+s16], $0x2000, $0x38;
	[tilespmem:$0x10400] =	vst v63  }
0x18c: {  	_ =	swait.ge [sflag:s21], $0x2000  }
0x18d: {  	[sflag:s21] =	ssyncset.done $0x0  }
0x18e: {  	[sflag:s21] =	ssyncadd.s32 $0xFFFFE000  }
0x18f: {  	_ =	swait.ge [sflag:s22], $0x2000  }
0x190: {  	[sflag:s22] =	ssyncset.done $0x0  }
0x191: {  	s31 =	simm.s32 $0x0;
	[sflag:s22] =	ssyncadd.s32 $0xFFFFE000  }
0x192: {  	v34 =	vld [tilespmem:s31+$0x2400]  }
0x193: {  	v35 =	vld [tilespmem:s31+$0x2410]  }
0x194: {  	v36 =	vld [tilespmem:s31+$0x2420]  }
0x195: {  	v37 =	vld [tilespmem:s31+$0x2430]  }
0x196: {  	v38 =	vld [tilespmem:s31+$0x2440]  }
0x197: {  	v39 =	vld [tilespmem:s31+$0x2450]  }
0x198: {  	v40 =	vld [tilespmem:s31+$0x2460]  }
0x199: {  	v41 =	vld [tilespmem:s31+$0x2470]  }
0x19a: {  	v42 =	vld [tilespmem:s31+$0x2800]  }
0x19b: {  	v43 =	vld [tilespmem:s31+$0x2810]  }
0x19c: {  	v44 =	vld [tilespmem:s31+$0x2820]  }
0x19d: {  	v45 =	vld [tilespmem:s31+$0x2830]  }
0x19e: {  	v46 =	vld [tilespmem:s31+$0x2840]  }
0x19f: {  	v47 =	vld [tilespmem:s31+$0x2850]  }
0x1a0: {  	v48 =	vld [tilespmem:s31+$0x2860]  }
0x1a1: {  	v49 =	vld [tilespmem:s31+$0x2870]  }
0x1a2: {  	v50 =	vld [tilespmem:s31+$0x2C00]  }
0x1a3: {  	v51 =	vld [tilespmem:s31+$0x2C10]  }
0x1a4: {  	v52 =	vld [tilespmem:s31+$0x2C20]  }
0x1a5: {  	v53 =	vld [tilespmem:s31+$0x2C30]  }
0x1a6: {  	v54 =	vld [tilespmem:s31+$0x2C40]  }
0x1a7: {  	v55 =	vld [tilespmem:s31+$0x2C50]  }
0x1a8: {  	v0 =	vld [tilespmem:s31+$0x3C40]  }
0x1a9: {  	v56 =	vld [tilespmem:s31+$0x2C60]  }
0x1aa: {  	v57 =	vld [tilespmem:s31+$0x2C70]  }
0x1ab: {  	v58 =	vld [tilespmem:s31+$0x3000]  }
0x1ac: {  	v59 =	vld [tilespmem:s31+$0x3010]  }
0x1ad: {  	[tilespmem:$0x1FED0] =	vst v0;
	v0 =	vld [tilespmem:s31+$0x3C50]  }
0x1ae: {  	v60 =	vld [tilespmem:s31+$0x3020]  }
0x1af: {  	v61 =	vld [tilespmem:s31+$0x3030]  }
0x1b0: {  	v62 =	vld [tilespmem:s31+$0x3040]  }
0x1b1: {  	v63 =	vld [tilespmem:s31+$0x3050]  }
0x1b2: {  	[tilespmem:$0x1FEE0] =	vst v0;
	v0 =	vld [tilespmem:s31+$0x3C60]  }
0x1b3: {  	v33 =	vld [tilespmem:s31+$0x3060]  }
0x1b4: {  	v32 =	vld [tilespmem:s31+$0x3070]  }
0x1b5: {  	v31 =	vld [tilespmem:s31+$0x3400]  }
0x1b6: {  	v30 =	vld [tilespmem:s31+$0x3410]  }
0x1b7: {  	[tilespmem:$0x1FEF0] =	vst v0;
	v0 =	vld [tilespmem:s31+$0x3C70]  }
0x1b8: {  	v29 =	vld [tilespmem:s31+$0x3420]  }
0x1b9: {  	v28 =	vld [tilespmem:s31+$0x3430]  }
0x1ba: {  	v27 =	vld [tilespmem:s31+$0x3440]  }
0x1bb: {  	v26 =	vld [tilespmem:s31+$0x3450]  }
0x1bc: {  	[tilespmem:$0x1FF00] =	vst v0;
	v0 =	vld [tilespmem:s31+$0x4000]  }
0x1bd: {  	v25 =	vld [tilespmem:s31+$0x3460]  }
0x1be: {  	v12 =	vld [tilespmem:s31+$0x3470]  }
0x1bf: {  	v2 =	vld [tilespmem:s31+$0x3800]  }
0x1c0: {  	v24 =	vld [tilespmem:s31+$0x3810]  }
0x1c1: {  	[tilespmem:$0x1FF10] =	vst v0;
	v0 =	vld [tilespmem:s31+$0x4010]  }
0x1c2: {  	v23 =	vld [tilespmem:s31+$0x3820]  }
0x1c3: {  	v22 =	vld [tilespmem:s31+$0x3830]  }
0x1c4: {  	v21 =	vld [tilespmem:s31+$0x3840]  }
0x1c5: {  	v20 =	vld [tilespmem:s31+$0x3850]  }
0x1c6: {  	[tilespmem:$0x1FF20] =	vst v0;
	v0 =	vld [tilespmem:s31+$0xA400]  }
0x1c7: {  	v1 =	vld [tilespmem:s31+$0xA410]  }
0x1c8: {  	v8 =	vld [tilespmem:s31+$0xA420]  }
0x1c9: {  	v19 =	vld [tilespmem:s31+$0x3860]  }
0x1ca: {  	v18 =	vld [tilespmem:s31+$0x3870]  }
0x1cb: {  	v9 =	vld [tilespmem:s31+$0xA430];
	v0 =	vadd.f32 v34, v0  }
0x1cc: {  	v10 =	vld [tilespmem:s31+$0xA440];
	v1 =	vadd.f32 v35, v1  }
0x1cd: {  	v8 =	vadd.f32 v36, v8;
	[tilespmem:s31+$0xA400] =	vst v0;
	v0 =	vld [tilespmem:s31+$0xA470]  }
0x1ce: {  	[tilespmem:s31+$0xA410] =	vst v1;
	v1 =	vld [tilespmem:s31+$0xA800]  }
0x1cf: {  	[tilespmem:s31+$0xA420] =	vst v8;
	v8 =	vld [tilespmem:s31+$0xA810]  }
0x1d0: {  	v16 =	vld [tilespmem:s31+$0x3C00];
	v9 =	vadd.f32 v37, v9  }
0x1d1: {  	v15 =	vld [tilespmem:s31+$0x3C10];
	v10 =	vadd.f32 v38, v10  }
0x1d2: {  	[tilespmem:s31+$0xA430] =	vst v9;
	v9 =	vld [tilespmem:s31+$0xA820];
	v0 =	vadd.f32 v41, v0  }
0x1d3: {  	[tilespmem:s31+$0xA440] =	vst v10;
	v10 =	vld [tilespmem:s31+$0xA830];
	v1 =	vadd.f32 v42, v1  }
0x1d4: {  	v8 =	vadd.f32 v43, v8;
	[tilespmem:s31+$0xA470] =	vst v0;
	v0 =	vld [tilespmem:s31+$0xA860]  }
0x1d5: {  	[tilespmem:s31+$0xA800] =	vst v1;
	v1 =	vld [tilespmem:s31+$0xA870]  }
0x1d6: {  	[tilespmem:s31+$0xA810] =	vst v8;
	v8 =	vld [tilespmem:s31+$0xAC00]  }
0x1d7: {  	v14 =	vld [tilespmem:s31+$0x3C20];
	v9 =	vadd.f32 v44, v9  }
0x1d8: {  	v13 =	vld [tilespmem:s31+$0x3C30];
	v10 =	vadd.f32 v45, v10  }
0x1d9: {  	[tilespmem:s31+$0xA820] =	vst v9;
	v9 =	vld [tilespmem:s31+$0xAC10];
	v0 =	vadd.f32 v48, v0  }
0x1da: {  	[tilespmem:s31+$0xA830] =	vst v10;
	v10 =	vld [tilespmem:s31+$0xAC20];
	v1 =	vadd.f32 v49, v1  }
0x1db: {  	v8 =	vadd.f32 v50, v8;
	[tilespmem:s31+$0xA860] =	vst v0;
	v0 =	vld [tilespmem:s31+$0xAC50]  }
0x1dc: {  	[tilespmem:s31+$0xA870] =	vst v1;
	v1 =	vld [tilespmem:s31+$0xAC60]  }
0x1dd: {  	[tilespmem:s31+$0xAC00] =	vst v8;
	v8 =	vld [tilespmem:s31+$0xAC70]  }
0x1de: {  	v11 =	vld [tilespmem:s31+$0xA460];
	v9 =	vadd.f32 v51, v9  }
0x1df: {  	v7 =	vld [tilespmem:s31+$0x4020];
	v10 =	vadd.f32 v52, v10  }
0x1e0: {  	[tilespmem:s31+$0xAC10] =	vst v9;
	v9 =	vld [tilespmem:s31+$0xB000];
	v0 =	vadd.f32 v55, v0  }
0x1e1: {  	[tilespmem:s31+$0xAC20] =	vst v10;
	v10 =	vld [tilespmem:s31+$0xB010];
	v1 =	vadd.f32 v56, v1  }
0x1e2: {  	v8 =	vadd.f32 v57, v8;
	[tilespmem:s31+$0xAC50] =	vst v0;
	v0 =	vld [tilespmem:s31+$0xB040]  }
0x1e3: {  	v11 =	vadd.f32 v40, v11;
	[tilespmem:s31+$0xAC60] =	vst v1;
	v1 =	vld [tilespmem:s31+$0xB050]  }
0x1e4: {  	[tilespmem:s31+$0xAC70] =	vst v8;
	v8 =	vld [tilespmem:s31+$0xB060]  }
0x1e5: {  	[tilespmem:s31+$0xA460] =	vst v11;
	v11 =	vld [tilespmem:s31+$0xA850];
	v9 =	vadd.f32 v58, v9  }
0x1e6: {  	v6 =	vld [tilespmem:s31+$0x4030];
	v10 =	vadd.f32 v59, v10  }
0x1e7: {  	[tilespmem:s31+$0xB000] =	vst v9;
	v9 =	vld [tilespmem:s31+$0xB070];
	v0 =	vadd.f32 v62, v0  }
0x1e8: {  	[tilespmem:s31+$0xB010] =	vst v10;
	v10 =	vld [tilespmem:s31+$0xB400];
	v1 =	vadd.f32 v63, v1  }
0x1e9: {  	v8 =	vadd.f32 v33, v8;
	[tilespmem:s31+$0xB040] =	vst v0;
	v0 =	vld [tilespmem:s31+$0xB430]  }
0x1ea: {  	v11 =	vadd.f32 v47, v11;
	[tilespmem:s31+$0xB050] =	vst v1;
	v1 =	vld [tilespmem:s31+$0xB440]  }
0x1eb: {  	[tilespmem:s31+$0xB060] =	vst v8;
	v8 =	vld [tilespmem:s31+$0xB450]  }
0x1ec: {  	[tilespmem:s31+$0xA850] =	vst v11;
	v11 =	vld [tilespmem:s31+$0xAC40];
	v9 =	vadd.f32 v32, v9  }
0x1ed: {  	v5 =	vld [tilespmem:s31+$0x4040];
	v10 =	vadd.f32 v31, v10  }
0x1ee: {  	[tilespmem:s31+$0xB070] =	vst v9;
	v9 =	vld [tilespmem:s31+$0xB460];
	v0 =	vadd.f32 v28, v0  }
0x1ef: {  	[tilespmem:s31+$0xB400] =	vst v10;
	v10 =	vld [tilespmem:s31+$0xB470];
	v1 =	vadd.f32 v27, v1  }
0x1f0: {  	v8 =	vadd.f32 v26, v8;
	[tilespmem:s31+$0xB430] =	vst v0;
	v0 =	vld [tilespmem:s31+$0xB820]  }
0x1f1: {  	v11 =	vadd.f32 v54, v11;
	[tilespmem:s31+$0xB440] =	vst v1;
	v1 =	vld [tilespmem:s31+$0xB830]  }
0x1f2: {  	[tilespmem:s31+$0xB450] =	vst v8;
	v8 =	vld [tilespmem:s31+$0xB840]  }
0x1f3: {  	[tilespmem:s31+$0xAC40] =	vst v11;
	v11 =	vld [tilespmem:s31+$0xB030];
	v9 =	vadd.f32 v25, v9  }
0x1f4: {  	v63 =	vld [tilespmem:s31+$0xB800];
	v10 =	vadd.f32 v12, v10  }
0x1f5: {  	[tilespmem:s31+$0xB460] =	vst v9;
	v9 =	vld [tilespmem:s31+$0xB850];
	v0 =	vadd.f32 v23, v0  }
0x1f6: {  	[tilespmem:s31+$0xB470] =	vst v10;
	v10 =	vld [tilespmem:s31+$0xB860];
	v1 =	vadd.f32 v22, v1  }
0x1f7: {  	v8 =	vadd.f32 v21, v8;
	[tilespmem:s31+$0xB820] =	vst v0;
	v0 =	vld [tilespmem:s31+$0xBC10]  }
0x1f8: {  	v11 =	vadd.f32 v61, v11;
	[tilespmem:s31+$0xB830] =	vst v1;
	v1 =	vld [tilespmem:s31+$0xBC20]  }
0x1f9: {  	v12 =	vadd.f32 v2, v63;
	[tilespmem:s31+$0xB840] =	vst v8;
	v8 =	vld [tilespmem:s31+$0xBC30]  }
0x1fa: {  	v4 =	vld [tilespmem:s31+$0x4050];
	[tilespmem:s31+$0xB030] =	vst v11;
	v9 =	vadd.f32 v20, v9  }
0x1fb: {  	v11 =	vld [tilespmem:s31+$0xB420];
	[tilespmem:s31+$0xB800] =	vst v12;
	v10 =	vadd.f32 v19, v10  }
0x1fc: {  	v12 =	vld [tilespmem:s31+$0xB870];
	[tilespmem:s31+$0xB850] =	vst v9;
	v0 =	vadd.f32 v15, v0  }
0x1fd: {  	v9 =	vld [tilespmem:s31+$0xBC40];
	[tilespmem:s31+$0xB860] =	vst v10;
	v1 =	vadd.f32 v14, v1  }
0x1fe: {  	v10 =	vld [tilespmem:s31+$0xBC50];
	[tilespmem:s31+$0xBC10] =	vst v0;
	v0 =	vadd.f32 v13, v8  }
0x1ff: {  	[tilespmem:s31+$0xBC20] =	vst v1;
	v1 =	vld [tilespmem:$0x1FED0]  }
0x200: {  	[tilespmem:s31+$0xBC30] =	vst v0;
	v0 =	vld [tilespmem:$0x1FEE0]  }
0x201: {  	v3 =	vld [tilespmem:s31+$0x4060];
	v11 =	vadd.f32 v29, v11  }
0x202: {  	v34 =	vld [tilespmem:s31+$0xA450]  }
0x203: {  	[tilespmem:s31+$0xB420] =	vst v11;
	v11 =	vld [tilespmem:s31+$0xB810];
	v12 =	vadd.f32 v18, v12  }
0x204: {  	v2 =	vld [tilespmem:s31+$0xBC70];
	v9 =	vadd.f32 v1, v9  }
0x205: {  	[tilespmem:s31+$0xB870] =	vst v12;
	v12 =	vld [tilespmem:s31+$0xBC60];
	v10 =	vadd.f32 v0, v10  }
0x206: {  	[tilespmem:s31+$0xBC40] =	vst v9;
	v9 =	vld [tilespmem:$0x1FEF0]  }
0x207: {  	[tilespmem:s31+$0xBC50] =	vst v10;
	v10 =	vld [tilespmem:$0x1FF00]  }
0x208: {  	v40 =	vld [tilespmem:s31+$0xA840];
	v11 =	vadd.f32 v24, v11  }
0x209: {  	v47 =	vld [tilespmem:s31+$0xAC30]  }
0x20a: {  	[tilespmem:s31+$0xB810] =	vst v11;
	v11 =	vld [tilespmem:s31+$0xBC00]  }
0x20b: {  	v34 =	vadd.f32 v39, v34;
	v14 =	vld [tilespmem:s31+$0xC000]  }
0x20c: {  	v9 =	vadd.f32 v9, v12;
	v12 =	vadd.f32 v10, v2;
	v2 =	vld [tilespmem:$0x1FF10]  }
0x20d: {  	v61 =	vld [tilespmem:s31+$0xB410]  }
0x20e: {  	v54 =	vld [tilespmem:s31+$0xB020];
	[tilespmem:s31+$0xA450] =	vst v34;
	v34 =	vadd.f32 v46, v40  }
0x20f: {  	v17 =	vld [tilespmem:s31+$0x4070]  }
0x210: {  	[tilespmem:s31+$0xA840] =	vst v34;
	v11 =	vadd.f32 v16, v11;
	v8 =	vld [tilespmem:s31+$0xC010]  }
0x211: {  	v34 =	vadd.f32 v53, v47;
	[tilespmem:s31+$0xBC70] =	vst v12;
	v12 =	vadd.f32 v2, v14;
	v2 =	vld [tilespmem:$0x1FF20]  }
0x212: {  	v30 =	vadd.f32 v30, v61;
	[tilespmem:s31+$0xBC00] =	vst v11;
	v11 =	vld [tilespmem:s31+$0xC040]  }
0x213: {  	[tilespmem:s31+$0xAC30] =	vst v34;
	v34 =	vadd.f32 v60, v54;
	v1 =	vld [tilespmem:s31+$0xC020]  }
0x214: {  	[tilespmem:s31+$0xB410] =	vst v30;
	v0 =	vld [tilespmem:s31+$0xC030]  }
0x215: {  	[tilespmem:s31+$0xB020] =	vst v34;
	v10 =	vld [tilespmem:s31+$0xC050]  }
0x216: {  	s2 =	simm.s32 $0x200;
	s0 =	sor.u32 $0x1, s28;
	[tilespmem:s31+$0xBC60] =	vst v9;
	v9 =	vadd.f32 v2, v8;
	v8 =	vld [tilespmem:s31+$0xC060]  }
.LBB2_5:
0x217: {  	_ = 	snop  }
0x218: {  	s16 =	sshra.s32 s2, $0x2;
	[tilespmem:s31+$0xC000] =	vst v12;
	v1 =	vadd.f32 v7, v1;
	v7 =	vld [tilespmem:s31+$0xC070]  }
0x219: {  	v58 =	vld [tilespmem:s16+$0x2400];
	[tilespmem:s31+$0xC010] =	vst v9;
	v6 =	vadd.f32 v6, v0  }
0x21a: {  	v0 =	vld [tilespmem:s16+$0x2410];
	v5 =	vadd.f32 v5, v11;
	[tilespmem:s31+$0xC020] =	vst v1  }
0x21b: {  	v4 =	vadd.f32 v4, v10;
	v1 =	vld [tilespmem:s16+$0x2420];
	[tilespmem:s31+$0xC030] =	vst v6  }
0x21c: {  	v3 =	vadd.f32 v3, v8;
	v61 =	vld [tilespmem:s16+$0x2430];
	[tilespmem:s31+$0xC040] =	vst v5  }
0x21d: {  	v62 =	vld [tilespmem:s16+$0x2440];
	[tilespmem:s31+$0xC050] =	vst v4;
	v2 =	vadd.f32 v17, v7  }
0x21e: {  	v63 =	vld [tilespmem:s16+$0x2450];
	[tilespmem:s31+$0xC060] =	vst v3  }
0x21f: {  	v59 =	vld [tilespmem:s16+$0x2460];
	[tilespmem:s31+$0xC070] =	vst v2;
	s31 =	smov.u32 s16  }
0x220: {  	v60 =	vld [tilespmem:s31+$0x2470]  }
0x221: {  	v57 =	vld [tilespmem:s31+$0x2800]  }
0x222: {  	v56 =	vld [tilespmem:s31+$0x2810]  }
0x223: {  	v55 =	vld [tilespmem:s31+$0x2820]  }
0x224: {  	v54 =	vld [tilespmem:s31+$0x2830]  }
0x225: {  	v53 =	vld [tilespmem:s31+$0x2840]  }
0x226: {  	v52 =	vld [tilespmem:s31+$0x2850]  }
0x227: {  	v51 =	vld [tilespmem:s31+$0x2860]  }
0x228: {  	v50 =	vld [tilespmem:s31+$0x2870]  }
0x229: {  	v49 =	vld [tilespmem:s31+$0x2C00]  }
0x22a: {  	v48 =	vld [tilespmem:s31+$0x2C10]  }
0x22b: {  	v47 =	vld [tilespmem:s31+$0x2C20]  }
0x22c: {  	v46 =	vld [tilespmem:s31+$0x2C30]  }
0x22d: {  	v45 =	vld [tilespmem:s31+$0x2C40]  }
0x22e: {  	v44 =	vld [tilespmem:s31+$0x2C50]  }
0x22f: {  	v43 =	vld [tilespmem:s31+$0x2C60]  }
0x230: {  	v42 =	vld [tilespmem:s31+$0x2C70]  }
0x231: {  	v41 =	vld [tilespmem:s31+$0x3000]  }
0x232: {  	v40 =	vld [tilespmem:s31+$0x3010]  }
0x233: {  	v39 =	vld [tilespmem:s31+$0x3020]  }
0x234: {  	v38 =	vld [tilespmem:s31+$0x3030]  }
0x235: {  	v37 =	vld [tilespmem:s31+$0x3040]  }
0x236: {  	v2 =	vld [tilespmem:s31+$0x3C50]  }
0x237: {  	v36 =	vld [tilespmem:s31+$0x3050]  }
0x238: {  	v35 =	vld [tilespmem:s31+$0x3060]  }
0x239: {  	v34 =	vld [tilespmem:s31+$0x3070]  }
0x23a: {  	v33 =	vld [tilespmem:s31+$0x3400]  }
0x23b: {  	[tilespmem:$0x1FE80] =	vst v2;
	v2 =	vld [tilespmem:s31+$0x3C60]  }
0x23c: {  	v32 =	vld [tilespmem:s31+$0x3410]  }
0x23d: {  	v31 =	vld [tilespmem:s31+$0x3420]  }
0x23e: {  	v30 =	vld [tilespmem:s31+$0x3430]  }
0x23f: {  	v29 =	vld [tilespmem:s31+$0x3440]  }
0x240: {  	[tilespmem:$0x1FE90] =	vst v2;
	v2 =	vld [tilespmem:s31+$0x3C70]  }
0x241: {  	v28 =	vld [tilespmem:s31+$0x3450]  }
0x242: {  	v27 =	vld [tilespmem:s31+$0x3460]  }
0x243: {  	v26 =	vld [tilespmem:s31+$0x3470]  }
0x244: {  	v25 =	vld [tilespmem:s31+$0x3800]  }
0x245: {  	[tilespmem:$0x1FEA0] =	vst v2;
	v2 =	vld [tilespmem:s31+$0x4000]  }
0x246: {  	v24 =	vld [tilespmem:s31+$0x3810]  }
0x247: {  	v23 =	vld [tilespmem:s31+$0x3820]  }
0x248: {  	v22 =	vld [tilespmem:s31+$0x3830]  }
0x249: {  	v21 =	vld [tilespmem:s31+$0x3840]  }
0x24a: {  	[tilespmem:$0x1FEB0] =	vst v2;
	v2 =	vld [tilespmem:s31+$0x4010]  }
0x24b: {  	v20 =	vld [tilespmem:s31+$0x3850]  }
0x24c: {  	v19 =	vld [tilespmem:s31+$0x3860]  }
0x24d: {  	v18 =	vld [tilespmem:s31+$0x3870]  }
0x24e: {  	v8 =	vld [tilespmem:s31+$0x3C00]  }
0x24f: {  	[tilespmem:$0x1FEC0] =	vst v2;
	v2 =	vld [tilespmem:s31+$0xA400]  }
0x250: {  	v13 =	vld [tilespmem:s31+$0xA410]  }
0x251: {  	v14 =	vld [tilespmem:s31+$0xA420]  }
0x252: {  	v15 =	vld [tilespmem:s31+$0xA430]  }
0x253: {  	v16 =	vld [tilespmem:s31+$0xA440]  }
0x254: {  	v2 =	vadd.f32 v58, v2;
	v58 =	vld [tilespmem:s31+$0xA450]  }
0x255: {  	v0 =	vadd.f32 v0, v13;
	v13 =	vld [tilespmem:s31+$0xA460]  }
0x256: {  	v1 =	vadd.f32 v1, v14;
	[tilespmem:s31+$0xA400] =	vst v2;
	v2 =	vld [tilespmem:s31+$0xA470]  }
0x257: {  	v14 =	vld [tilespmem:s31+$0xA800];
	[tilespmem:s31+$0xA410] =	vst v0;
	v0 =	vadd.f32 v61, v15  }
0x258: {  	[tilespmem:s31+$0xA420] =	vst v1;
	v1 =	vadd.f32 v62, v16;
	v15 =	vld [tilespmem:s31+$0xA810]  }
0x259: {  	v16 =	vld [tilespmem:s31+$0xA820];
	[tilespmem:s31+$0xA430] =	vst v0;
	v0 =	vadd.f32 v63, v58  }
0x25a: {  	[tilespmem:s31+$0xA440] =	vst v1;
	v1 =	vadd.f32 v59, v13;
	v13 =	vld [tilespmem:s31+$0xA830]  }
0x25b: {  	[tilespmem:s31+$0xA450] =	vst v0;
	v0 =	vadd.f32 v60, v2;
	v2 =	vld [tilespmem:s31+$0xA840]  }
0x25c: {  	[tilespmem:s31+$0xA460] =	vst v1;
	v1 =	vadd.f32 v57, v14;
	v14 =	vld [tilespmem:s31+$0xA850]  }
0x25d: {  	[tilespmem:s31+$0xA470] =	vst v0;
	v0 =	vadd.f32 v56, v15;
	v15 =	vld [tilespmem:s31+$0xA860]  }
0x25e: {  	[tilespmem:s31+$0xA800] =	vst v1;
	v1 =	vadd.f32 v55, v16;
	v16 =	vld [tilespmem:s31+$0xA870]  }
0x25f: {  	[tilespmem:s31+$0xA810] =	vst v0;
	v0 =	vadd.f32 v54, v13;
	v13 =	vld [tilespmem:s31+$0xAC00]  }
0x260: {  	[tilespmem:s31+$0xA820] =	vst v1;
	v1 =	vadd.f32 v53, v2;
	v2 =	vld [tilespmem:s31+$0xAC10]  }
0x261: {  	[tilespmem:s31+$0xA830] =	vst v0;
	v0 =	vadd.f32 v52, v14;
	v14 =	vld [tilespmem:s31+$0xAC20]  }
0x262: {  	[tilespmem:s31+$0xA840] =	vst v1;
	v1 =	vadd.f32 v51, v15;
	v15 =	vld [tilespmem:s31+$0xAC30]  }
0x263: {  	[tilespmem:s31+$0xA850] =	vst v0;
	v0 =	vadd.f32 v50, v16;
	v16 =	vld [tilespmem:s31+$0xAC40]  }
0x264: {  	[tilespmem:s31+$0xA860] =	vst v1;
	v1 =	vadd.f32 v49, v13;
	v13 =	vld [tilespmem:s31+$0xAC50]  }
0x265: {  	[tilespmem:s31+$0xA870] =	vst v0;
	v0 =	vadd.f32 v48, v2;
	v2 =	vld [tilespmem:s31+$0xAC60]  }
0x266: {  	[tilespmem:s31+$0xAC00] =	vst v1;
	v1 =	vadd.f32 v47, v14;
	v14 =	vld [tilespmem:s31+$0xAC70]  }
0x267: {  	[tilespmem:s31+$0xAC10] =	vst v0;
	v0 =	vadd.f32 v46, v15;
	v15 =	vld [tilespmem:s31+$0xB000]  }
0x268: {  	[tilespmem:s31+$0xAC20] =	vst v1;
	v1 =	vadd.f32 v45, v16;
	v16 =	vld [tilespmem:s31+$0xB010]  }
0x269: {  	[tilespmem:s31+$0xAC30] =	vst v0;
	v0 =	vadd.f32 v44, v13;
	v13 =	vld [tilespmem:s31+$0xB020]  }
0x26a: {  	[tilespmem:s31+$0xAC40] =	vst v1;
	v1 =	vadd.f32 v43, v2;
	v2 =	vld [tilespmem:s31+$0xB030]  }
0x26b: {  	[tilespmem:s31+$0xAC50] =	vst v0;
	v0 =	vadd.f32 v42, v14;
	v14 =	vld [tilespmem:s31+$0xB040]  }
0x26c: {  	[tilespmem:s31+$0xAC60] =	vst v1;
	v1 =	vadd.f32 v41, v15;
	v15 =	vld [tilespmem:s31+$0xB050]  }
0x26d: {  	[tilespmem:s31+$0xAC70] =	vst v0;
	v0 =	vadd.f32 v40, v16;
	v16 =	vld [tilespmem:s31+$0xB060]  }
0x26e: {  	[tilespmem:s31+$0xB000] =	vst v1;
	v1 =	vadd.f32 v39, v13;
	v13 =	vld [tilespmem:s31+$0xB070]  }
0x26f: {  	[tilespmem:s31+$0xB010] =	vst v0;
	v0 =	vadd.f32 v38, v2;
	v2 =	vld [tilespmem:s31+$0xB400]  }
0x270: {  	[tilespmem:s31+$0xB020] =	vst v1;
	v1 =	vadd.f32 v37, v14;
	v14 =	vld [tilespmem:s31+$0xB410]  }
0x271: {  	[tilespmem:s31+$0xB030] =	vst v0;
	v0 =	vadd.f32 v36, v15;
	v15 =	vld [tilespmem:s31+$0xB420]  }
0x272: {  	[tilespmem:s31+$0xB040] =	vst v1;
	v1 =	vadd.f32 v35, v16;
	v16 =	vld [tilespmem:s31+$0xB430]  }
0x273: {  	[tilespmem:s31+$0xB050] =	vst v0;
	v0 =	vadd.f32 v34, v13;
	v13 =	vld [tilespmem:s31+$0xB440]  }
0x274: {  	[tilespmem:s31+$0xB060] =	vst v1;
	v1 =	vadd.f32 v33, v2;
	v2 =	vld [tilespmem:s31+$0xB450]  }
0x275: {  	[tilespmem:s31+$0xB070] =	vst v0;
	v0 =	vadd.f32 v32, v14;
	v14 =	vld [tilespmem:s31+$0xB460]  }
0x276: {  	[tilespmem:s31+$0xB400] =	vst v1;
	v1 =	vadd.f32 v31, v15;
	v15 =	vld [tilespmem:s31+$0xB470]  }
0x277: {  	[tilespmem:s31+$0xB410] =	vst v0;
	v0 =	vadd.f32 v30, v16;
	v16 =	vld [tilespmem:s31+$0xB800]  }
0x278: {  	[tilespmem:s31+$0xB420] =	vst v1;
	v1 =	vadd.f32 v29, v13;
	v13 =	vld [tilespmem:s31+$0xB810]  }
0x279: {  	[tilespmem:s31+$0xB430] =	vst v0;
	v0 =	vadd.f32 v28, v2;
	v2 =	vld [tilespmem:s31+$0xB820]  }
0x27a: {  	[tilespmem:s31+$0xB440] =	vst v1;
	v1 =	vadd.f32 v27, v14;
	v14 =	vld [tilespmem:s31+$0xB830]  }
0x27b: {  	[tilespmem:s31+$0xB450] =	vst v0;
	v0 =	vadd.f32 v26, v15;
	v15 =	vld [tilespmem:s31+$0xB840]  }
0x27c: {  	[tilespmem:s31+$0xB460] =	vst v1;
	v1 =	vadd.f32 v25, v16;
	v16 =	vld [tilespmem:s31+$0xB850]  }
0x27d: {  	[tilespmem:s31+$0xB470] =	vst v0;
	v0 =	vadd.f32 v24, v13;
	v13 =	vld [tilespmem:s31+$0xB860]  }
0x27e: {  	[tilespmem:s31+$0xB800] =	vst v1;
	v1 =	vadd.f32 v23, v2;
	v2 =	vld [tilespmem:s31+$0xB870]  }
0x27f: {  	v9 =	vld [tilespmem:s31+$0x3C10];
	[tilespmem:s31+$0xB810] =	vst v0;
	v0 =	vadd.f32 v22, v14  }
0x280: {  	[tilespmem:s31+$0xB820] =	vst v1;
	v1 =	vadd.f32 v21, v15;
	v15 =	vld [tilespmem:s31+$0xBC10]  }
0x281: {  	v11 =	vld [tilespmem:s31+$0x3C30];
	[tilespmem:s31+$0xB830] =	vst v0;
	v0 =	vadd.f32 v20, v16  }
0x282: {  	[tilespmem:s31+$0xB840] =	vst v1;
	v1 =	vadd.f32 v19, v13;
	v13 =	vld [tilespmem:s31+$0xBC30]  }
0x283: {  	v14 =	vld [tilespmem:s31+$0xBC00];
	[tilespmem:s31+$0xB850] =	vst v0;
	v0 =	vadd.f32 v18, v2;
	_ =	sdelay $0x1  }
0x284: {  	[tilespmem:s31+$0xB870] =	vst v0;
	v0 =	vadd.f32 v9, v15;
	_ =	sdelay $0x1  }
0x285: {  	v10 =	vld [tilespmem:s31+$0x3C20];
	[tilespmem:s31+$0xBC10] =	vst v0;
	v0 =	vadd.f32 v11, v13  }
0x286: {  	[tilespmem:s31+$0xB860] =	vst v1;
	v1 =	vadd.f32 v8, v14;
	v8 =	vld [tilespmem:s31+$0xBC50]  }
0x287: {  	[tilespmem:s31+$0xBC30] =	vst v0;
	v0 =	vld [tilespmem:$0x1FE80]  }
0x288: {  	v12 =	vld [tilespmem:s31+$0x3C40]  }
0x289: {  	v7 =	vld [tilespmem:s31+$0x4020]  }
0x28a: {  	v2 =	vld [tilespmem:s31+$0xBC40]  }
0x28b: {  	v9 =	vld [tilespmem:s31+$0xBC60]  }
0x28c: {  	v8 =	vadd.f32 v0, v8;
	v0 =	vld [tilespmem:$0x1FE90]  }
0x28d: {  	v6 =	vld [tilespmem:s31+$0x4030]  }
0x28e: {  	v5 =	vld [tilespmem:s31+$0x4040]  }
0x28f: {  	v4 =	vld [tilespmem:s31+$0x4050];
	v2 =	vadd.f32 v12, v2  }
0x290: {  	v16 =	vld [tilespmem:s31+$0xBC20]  }
0x291: {  	v3 =	vld [tilespmem:s31+$0x4060];
	[tilespmem:s31+$0xBC40] =	vst v2;
	v2 =	vadd.f32 v0, v9  }
0x292: {  	v13 =	vld [tilespmem:s31+$0xC000]  }
0x293: {  	[tilespmem:s31+$0xBC60] =	vst v2;
	v2 =	vld [tilespmem:$0x1FEB0]  }
0x294: {  	v17 =	vld [tilespmem:s31+$0x4070]  }
0x295: {  	[tilespmem:s31+$0xBC00] =	vst v1;
	v1 =	vadd.f32 v10, v16;
	v10 =	vld [tilespmem:s31+$0xBC70]  }
0x296: {  	[tilespmem:s31+$0xBC50] =	vst v8;
	v8 =	vld [tilespmem:$0x1FEA0]  }
0x297: {  	v14 =	vld [tilespmem:s31+$0xC010]  }
0x298: {  	p0 =	sne.s32 s2, $0xE00;
	v12 =	vadd.f32 v2, v13;
	v2 =	vld [tilespmem:$0x1FEC0]  }
.Ltmp1:
0x299: {  	v11 =	vld [tilespmem:s31+$0xC040];
	(pc) =	sbr.rel @p0 .LBB2_5-.Ltmp1, $4  }
0x29a: {  	[tilespmem:s31+$0xBC20] =	vst v1;
	v1 =	vld [tilespmem:s31+$0xC020]  }
0x29b: {  	v0 =	vld [tilespmem:s31+$0xC030];
	v8 =	vadd.f32 v8, v10  }
0x29c: {  	v10 =	vld [tilespmem:s31+$0xC050]  }
0x29d: {  	s2 =	sadd.s32 $0x200, s2;
	[tilespmem:s31+$0xBC70] =	vst v8;
	v8 =	vld [tilespmem:s31+$0xC060];
	v9 =	vadd.f32 v2, v14  }
0x29e: {  	_ = 	snop  }
0x29f: {  	[tilespmem:s31+$0xC000] =	vst v12;
	v2 =	vld [tilespmem:s31+$0xC070];
	v1 =	vadd.f32 v7, v1  }
0x2a0: {  	[tilespmem:s31+$0xC010] =	vst v9;
	v0 =	vadd.f32 v6, v0  }
0x2a1: {  	[tilespmem:s31+$0xC020] =	vst v1;
	v1 =	vadd.f32 v5, v11  }
0x2a2: {  	[tilespmem:s31+$0xC030] =	vst v0;
	v0 =	vadd.f32 v4, v10  }
0x2a3: {  	[tilespmem:s31+$0xC040] =	vst v1;
	v1 =	vadd.f32 v3, v8  }
0x2a4: {  	s0 =	sadd.s32 s6, s0;
	[tilespmem:s31+$0xC050] =	vst v0;
	v0 =	vadd.f32 v17, v2  }
0x2a5: {  	s0 =	sshll.u32 s0, $0xA;
	[tilespmem:s31+$0xC060] =	vst v1  }
0x2a6: {  	p0 =	sne.s32 s14, $0x1F;
	s28 =	sadd.s32 $0x5, s28;
	s0 =	sadd.s32 s4, s0;
	[tilespmem:s31+$0xC070] =	vst v0  }
0x2a7: {  	[hbm4b:s0+s5] =	stream.linear.scatter [tilespmem:s30], [sflag:$0xA], $0x2000, $0x38;
	[tilespmem:$0x10400] =	vst v63  }
0x2a8: {  	s0 =	sshll.u32 @p0 s28, $0x3  }
0x2a9: {  	s0 =	sand.u32 @p0 $0x3FFFFFF8, s0  }
0x2aa: {  	v0 =	vld.msk @p0 [tilespmem:s0+$0x0], $0xff;
	_ =	sdelay $0x4  }
0x2ab: {  	v1 =	vshll.u32 @p0 v0, $0x3  }
0x2ac: {  	v2 =	vlaneseq.u32 @p0;
	v0 =	vand.u32 @p0 $0x7, v0;
	v1 =	vand.u32 @p0 $0xFFFFFFC0, v1  }
0x2ad: {  	v0 =	vor.u32 @p0 v0, v1;
	v1 =	vand.u32 @p0 $0x7, v2;
	v2 =	vshrl.u32 @p0 v2, $0x3  }
0x2ae: {  	v0 =	vperm.xlane @p0 v0, v1;
	v1 =	vmul.u32 @p0 $0x8, v2;
	_ =	sdelay $0x1  }
0x2af: {  	v0 =	vadd.s32 @p0 v1, v0;
	_ =	sdelay $0x3  }
0x2b0: {  	vm1 =	vmmov @p0 $0xffff;
	s2 =	simm.s32 @p0 $0x2400;
	s0 =	simm.s32 @p0 $0x0  }
0x2b1: {  	[tilespmem:s2], [sflag:$0x2] =	stream.indirect_vreg.gather @p0 [hbm4b:s3+s0], $0x80, v0, vm1, $0xb8;
	[tilespmem:$0x10400] =	vst v63  }
0x2b2: {  	s2 =	simm.s32 @p0 $0x2C00  }
0x2b3: {  	[tilespmem:s2], [sflag:$0x2] =	stream.indirect_vreg.gather @p0 [hbm4b:s8+s0], $0x80, v0, vm1, $0xb8;
	[tilespmem:$0x10400] =	vst v63  }
0x2b4: {  	s2 =	simm.s32 @p0 $0x3400  }
0x2b5: {  	[tilespmem:s2], [sflag:$0x2] =	stream.indirect_vreg.gather @p0 [hbm4b:s9+s0], $0x80, v0, vm1, $0xb8;
	[tilespmem:$0x10400] =	vst v63  }
0x2b6: {  	s2 =	simm.s32 @p0 $0x3C00  }
0x2b7: {  	[tilespmem:s2], [sflag:$0x2] =	stream.indirect_vreg.gather @p0 [hbm4b:s11+s0], $0x80, v0, vm1, $0xb8;
	[tilespmem:$0x10400] =	vst v63  }
0x2b8: {  	s2 =	simm.s32 @p0 $0x9  }
0x2b9: {  	s12 =	sadd.s32 @p0 s6, s12;
	_ =	swait.ge @p0 [sflag:s2], $0x2000  }
0x2ba: {  	s12 =	sshll.u32 @p0 s12, $0xA;
	[sflag:s2] =	ssyncset.done @p0 $0x0  }
0x2bb: {  	[sflag:s2] =	ssyncadd.s32 @p0 $0xFFFFE000;
	s2 =	sadd.s32 @p0 s1, s12;
	s12 =	simm.s32 @p0 $0x8400  }
0x2bc: {  	[tilespmem:s12], [sflag:$0x5] =	stream.linear.gather @p0 [hbm4b:s2+s0], $0x2000, $0x38;
	[tilespmem:$0x10400] =	vst v63  }
0x2bd: {  	s0 =	simm.s32 @!p0 $0x9  }
0x2be: {  	_ =	swait.ge @!p0 [sflag:s0], $0x2000  }
0x2bf: {  	[sflag:s0] =	ssyncset.done @!p0 $0x0  }
0x2c0: {  	[sflag:s0] =	ssyncadd.s32 @!p0 $0xFFFFE000  }
0x2c1: {  	_ =	swait.ge [sflag:s23], $0x2000  }
0x2c2: {  	[sflag:s23] =	ssyncset.done $0x0  }
0x2c3: {  	[sflag:s23] =	ssyncadd.s32 $0xFFFFE000  }
0x2c4: {  	_ =	swait.ge [sflag:s24], $0x2000  }
0x2c5: {  	[sflag:s24] =	ssyncset.done $0x0  }
0x2c6: {  	s12 =	simm.s32 $0x0;
	[sflag:s24] =	ssyncadd.s32 $0xFFFFE000  }
0x2c7: {  	v34 =	vld [tilespmem:s12+$0x4400]  }
0x2c8: {  	v35 =	vld [tilespmem:s12+$0x4410]  }
0x2c9: {  	v36 =	vld [tilespmem:s12+$0x4420]  }
0x2ca: {  	v37 =	vld [tilespmem:s12+$0x4430]  }
0x2cb: {  	v38 =	vld [tilespmem:s12+$0x4440]  }
0x2cc: {  	v39 =	vld [tilespmem:s12+$0x4450]  }
0x2cd: {  	v40 =	vld [tilespmem:s12+$0x4460]  }
0x2ce: {  	v41 =	vld [tilespmem:s12+$0x4470]  }
0x2cf: {  	v42 =	vld [tilespmem:s12+$0x4800]  }
0x2d0: {  	v43 =	vld [tilespmem:s12+$0x4810]  }
0x2d1: {  	v44 =	vld [tilespmem:s12+$0x4820]  }
0x2d2: {  	v45 =	vld [tilespmem:s12+$0x4830]  }
0x2d3: {  	v46 =	vld [tilespmem:s12+$0x4840]  }
0x2d4: {  	v47 =	vld [tilespmem:s12+$0x4850]  }
0x2d5: {  	v48 =	vld [tilespmem:s12+$0x4860]  }
0x2d6: {  	v49 =	vld [tilespmem:s12+$0x4870]  }
0x2d7: {  	v50 =	vld [tilespmem:s12+$0x4C00]  }
0x2d8: {  	v51 =	vld [tilespmem:s12+$0x4C10]  }
0x2d9: {  	v52 =	vld [tilespmem:s12+$0x4C20]  }
0x2da: {  	v53 =	vld [tilespmem:s12+$0x4C30]  }
0x2db: {  	v54 =	vld [tilespmem:s12+$0x4C40]  }
0x2dc: {  	v55 =	vld [tilespmem:s12+$0x4C50]  }
0x2dd: {  	v0 =	vld [tilespmem:s12+$0x5C40]  }
0x2de: {  	v56 =	vld [tilespmem:s12+$0x4C60]  }
0x2df: {  	v57 =	vld [tilespmem:s12+$0x4C70]  }
0x2e0: {  	v58 =	vld [tilespmem:s12+$0x5000]  }
0x2e1: {  	v59 =	vld [tilespmem:s12+$0x5010]  }
0x2e2: {  	[tilespmem:$0x1FE20] =	vst v0;
	v0 =	vld [tilespmem:s12+$0x5C50]  }
0x2e3: {  	v60 =	vld [tilespmem:s12+$0x5020]  }
0x2e4: {  	v61 =	vld [tilespmem:s12+$0x5030]  }
0x2e5: {  	v62 =	vld [tilespmem:s12+$0x5040]  }
0x2e6: {  	v63 =	vld [tilespmem:s12+$0x5050]  }
0x2e7: {  	[tilespmem:$0x1FE30] =	vst v0;
	v0 =	vld [tilespmem:s12+$0x5C60]  }
0x2e8: {  	v33 =	vld [tilespmem:s12+$0x5060]  }
0x2e9: {  	v32 =	vld [tilespmem:s12+$0x5070]  }
0x2ea: {  	v31 =	vld [tilespmem:s12+$0x5400]  }
0x2eb: {  	v30 =	vld [tilespmem:s12+$0x5410]  }
0x2ec: {  	[tilespmem:$0x1FE40] =	vst v0;
	v0 =	vld [tilespmem:s12+$0x5C70]  }
0x2ed: {  	v29 =	vld [tilespmem:s12+$0x5420]  }
0x2ee: {  	v28 =	vld [tilespmem:s12+$0x5430]  }
0x2ef: {  	v27 =	vld [tilespmem:s12+$0x5440]  }
0x2f0: {  	v26 =	vld [tilespmem:s12+$0x5450]  }
0x2f1: {  	[tilespmem:$0x1FE50] =	vst v0;
	v0 =	vld [tilespmem:s12+$0x6000]  }
0x2f2: {  	v25 =	vld [tilespmem:s12+$0x5460]  }
0x2f3: {  	v12 =	vld [tilespmem:s12+$0x5470]  }
0x2f4: {  	v2 =	vld [tilespmem:s12+$0x5800]  }
0x2f5: {  	v24 =	vld [tilespmem:s12+$0x5810]  }
0x2f6: {  	[tilespmem:$0x1FE60] =	vst v0;
	v0 =	vld [tilespmem:s12+$0x6010]  }
0x2f7: {  	v23 =	vld [tilespmem:s12+$0x5820]  }
0x2f8: {  	v22 =	vld [tilespmem:s12+$0x5830]  }
0x2f9: {  	v21 =	vld [tilespmem:s12+$0x5840]  }
0x2fa: {  	v20 =	vld [tilespmem:s12+$0x5850]  }
0x2fb: {  	[tilespmem:$0x1FE70] =	vst v0;
	v0 =	vld [tilespmem:s12+$0xC400]  }
0x2fc: {  	v1 =	vld [tilespmem:s12+$0xC410]  }
0x2fd: {  	v8 =	vld [tilespmem:s12+$0xC420]  }
0x2fe: {  	v19 =	vld [tilespmem:s12+$0x5860]  }
0x2ff: {  	v18 =	vld [tilespmem:s12+$0x5870]  }
0x300: {  	v9 =	vld [tilespmem:s12+$0xC430];
	v0 =	vadd.f32 v34, v0  }
0x301: {  	v10 =	vld [tilespmem:s12+$0xC440];
	v1 =	vadd.f32 v35, v1  }
0x302: {  	v8 =	vadd.f32 v36, v8;
	[tilespmem:s12+$0xC400] =	vst v0;
	v0 =	vld [tilespmem:s12+$0xC470]  }
0x303: {  	[tilespmem:s12+$0xC410] =	vst v1;
	v1 =	vld [tilespmem:s12+$0xC800]  }
0x304: {  	[tilespmem:s12+$0xC420] =	vst v8;
	v8 =	vld [tilespmem:s12+$0xC810]  }
0x305: {  	v16 =	vld [tilespmem:s12+$0x5C00];
	v9 =	vadd.f32 v37, v9  }
0x306: {  	v15 =	vld [tilespmem:s12+$0x5C10];
	v10 =	vadd.f32 v38, v10  }
0x307: {  	[tilespmem:s12+$0xC430] =	vst v9;
	v9 =	vld [tilespmem:s12+$0xC820];
	v0 =	vadd.f32 v41, v0  }
0x308: {  	[tilespmem:s12+$0xC440] =	vst v10;
	v10 =	vld [tilespmem:s12+$0xC830];
	v1 =	vadd.f32 v42, v1  }
0x309: {  	v8 =	vadd.f32 v43, v8;
	[tilespmem:s12+$0xC470] =	vst v0;
	v0 =	vld [tilespmem:s12+$0xC860]  }
0x30a: {  	[tilespmem:s12+$0xC800] =	vst v1;
	v1 =	vld [tilespmem:s12+$0xC870]  }
0x30b: {  	[tilespmem:s12+$0xC810] =	vst v8;
	v8 =	vld [tilespmem:s12+$0xCC00]  }
0x30c: {  	v14 =	vld [tilespmem:s12+$0x5C20];
	v9 =	vadd.f32 v44, v9  }
0x30d: {  	v13 =	vld [tilespmem:s12+$0x5C30];
	v10 =	vadd.f32 v45, v10  }
0x30e: {  	[tilespmem:s12+$0xC820] =	vst v9;
	v9 =	vld [tilespmem:s12+$0xCC10];
	v0 =	vadd.f32 v48, v0  }
0x30f: {  	[tilespmem:s12+$0xC830] =	vst v10;
	v10 =	vld [tilespmem:s12+$0xCC20];
	v1 =	vadd.f32 v49, v1  }
0x310: {  	v8 =	vadd.f32 v50, v8;
	[tilespmem:s12+$0xC860] =	vst v0;
	v0 =	vld [tilespmem:s12+$0xCC50]  }
0x311: {  	[tilespmem:s12+$0xC870] =	vst v1;
	v1 =	vld [tilespmem:s12+$0xCC60]  }
0x312: {  	[tilespmem:s12+$0xCC00] =	vst v8;
	v8 =	vld [tilespmem:s12+$0xCC70]  }
0x313: {  	v11 =	vld [tilespmem:s12+$0xC460];
	v9 =	vadd.f32 v51, v9  }
0x314: {  	v7 =	vld [tilespmem:s12+$0x6020];
	v10 =	vadd.f32 v52, v10  }
0x315: {  	[tilespmem:s12+$0xCC10] =	vst v9;
	v9 =	vld [tilespmem:s12+$0xD000];
	v0 =	vadd.f32 v55, v0  }
0x316: {  	[tilespmem:s12+$0xCC20] =	vst v10;
	v10 =	vld [tilespmem:s12+$0xD010];
	v1 =	vadd.f32 v56, v1  }
0x317: {  	v8 =	vadd.f32 v57, v8;
	[tilespmem:s12+$0xCC50] =	vst v0;
	v0 =	vld [tilespmem:s12+$0xD040]  }
0x318: {  	v11 =	vadd.f32 v40, v11;
	[tilespmem:s12+$0xCC60] =	vst v1;
	v1 =	vld [tilespmem:s12+$0xD050]  }
0x319: {  	[tilespmem:s12+$0xCC70] =	vst v8;
	v8 =	vld [tilespmem:s12+$0xD060]  }
0x31a: {  	[tilespmem:s12+$0xC460] =	vst v11;
	v11 =	vld [tilespmem:s12+$0xC850];
	v9 =	vadd.f32 v58, v9  }
0x31b: {  	v6 =	vld [tilespmem:s12+$0x6030];
	v10 =	vadd.f32 v59, v10  }
0x31c: {  	[tilespmem:s12+$0xD000] =	vst v9;
	v9 =	vld [tilespmem:s12+$0xD070];
	v0 =	vadd.f32 v62, v0  }
0x31d: {  	[tilespmem:s12+$0xD010] =	vst v10;
	v10 =	vld [tilespmem:s12+$0xD400];
	v1 =	vadd.f32 v63, v1  }
0x31e: {  	v8 =	vadd.f32 v33, v8;
	[tilespmem:s12+$0xD040] =	vst v0;
	v0 =	vld [tilespmem:s12+$0xD430]  }
0x31f: {  	v11 =	vadd.f32 v47, v11;
	[tilespmem:s12+$0xD050] =	vst v1;
	v1 =	vld [tilespmem:s12+$0xD440]  }
0x320: {  	[tilespmem:s12+$0xD060] =	vst v8;
	v8 =	vld [tilespmem:s12+$0xD450]  }
0x321: {  	[tilespmem:s12+$0xC850] =	vst v11;
	v11 =	vld [tilespmem:s12+$0xCC40];
	v9 =	vadd.f32 v32, v9  }
0x322: {  	v5 =	vld [tilespmem:s12+$0x6040];
	v10 =	vadd.f32 v31, v10  }
0x323: {  	[tilespmem:s12+$0xD070] =	vst v9;
	v9 =	vld [tilespmem:s12+$0xD460];
	v0 =	vadd.f32 v28, v0  }
0x324: {  	[tilespmem:s12+$0xD400] =	vst v10;
	v10 =	vld [tilespmem:s12+$0xD470];
	v1 =	vadd.f32 v27, v1  }
0x325: {  	v8 =	vadd.f32 v26, v8;
	[tilespmem:s12+$0xD430] =	vst v0;
	v0 =	vld [tilespmem:s12+$0xD820]  }
0x326: {  	v11 =	vadd.f32 v54, v11;
	[tilespmem:s12+$0xD440] =	vst v1;
	v1 =	vld [tilespmem:s12+$0xD830]  }
0x327: {  	[tilespmem:s12+$0xD450] =	vst v8;
	v8 =	vld [tilespmem:s12+$0xD840]  }
0x328: {  	[tilespmem:s12+$0xCC40] =	vst v11;
	v11 =	vld [tilespmem:s12+$0xD030];
	v9 =	vadd.f32 v25, v9  }
0x329: {  	v63 =	vld [tilespmem:s12+$0xD800];
	v10 =	vadd.f32 v12, v10  }
0x32a: {  	[tilespmem:s12+$0xD460] =	vst v9;
	v9 =	vld [tilespmem:s12+$0xD850];
	v0 =	vadd.f32 v23, v0  }
0x32b: {  	[tilespmem:s12+$0xD470] =	vst v10;
	v10 =	vld [tilespmem:s12+$0xD860];
	v1 =	vadd.f32 v22, v1  }
0x32c: {  	v8 =	vadd.f32 v21, v8;
	[tilespmem:s12+$0xD820] =	vst v0;
	v0 =	vld [tilespmem:s12+$0xDC10]  }
0x32d: {  	v11 =	vadd.f32 v61, v11;
	[tilespmem:s12+$0xD830] =	vst v1;
	v1 =	vld [tilespmem:s12+$0xDC20]  }
0x32e: {  	v12 =	vadd.f32 v2, v63;
	[tilespmem:s12+$0xD840] =	vst v8;
	v8 =	vld [tilespmem:s12+$0xDC30]  }
0x32f: {  	v4 =	vld [tilespmem:s12+$0x6050];
	[tilespmem:s12+$0xD030] =	vst v11;
	v9 =	vadd.f32 v20, v9  }
0x330: {  	v11 =	vld [tilespmem:s12+$0xD420];
	[tilespmem:s12+$0xD800] =	vst v12;
	v10 =	vadd.f32 v19, v10  }
0x331: {  	v12 =	vld [tilespmem:s12+$0xD870];
	[tilespmem:s12+$0xD850] =	vst v9;
	v0 =	vadd.f32 v15, v0  }
0x332: {  	v9 =	vld [tilespmem:s12+$0xDC40];
	[tilespmem:s12+$0xD860] =	vst v10;
	v1 =	vadd.f32 v14, v1  }
0x333: {  	v10 =	vld [tilespmem:s12+$0xDC50];
	[tilespmem:s12+$0xDC10] =	vst v0;
	v0 =	vadd.f32 v13, v8  }
0x334: {  	[tilespmem:s12+$0xDC20] =	vst v1;
	v1 =	vld [tilespmem:$0x1FE20]  }
0x335: {  	[tilespmem:s12+$0xDC30] =	vst v0;
	v0 =	vld [tilespmem:$0x1FE30]  }
0x336: {  	v3 =	vld [tilespmem:s12+$0x6060];
	v11 =	vadd.f32 v29, v11  }
0x337: {  	v34 =	vld [tilespmem:s12+$0xC450]  }
0x338: {  	[tilespmem:s12+$0xD420] =	vst v11;
	v11 =	vld [tilespmem:s12+$0xD810];
	v12 =	vadd.f32 v18, v12  }
0x339: {  	v2 =	vld [tilespmem:s12+$0xDC70];
	v9 =	vadd.f32 v1, v9  }
0x33a: {  	[tilespmem:s12+$0xD870] =	vst v12;
	v12 =	vld [tilespmem:s12+$0xDC60];
	v10 =	vadd.f32 v0, v10  }
0x33b: {  	[tilespmem:s12+$0xDC40] =	vst v9;
	v9 =	vld [tilespmem:$0x1FE40]  }
0x33c: {  	[tilespmem:s12+$0xDC50] =	vst v10;
	v10 =	vld [tilespmem:$0x1FE50]  }
0x33d: {  	v40 =	vld [tilespmem:s12+$0xC840];
	v11 =	vadd.f32 v24, v11  }
0x33e: {  	v47 =	vld [tilespmem:s12+$0xCC30]  }
0x33f: {  	[tilespmem:s12+$0xD810] =	vst v11;
	v11 =	vld [tilespmem:s12+$0xDC00]  }
0x340: {  	v34 =	vadd.f32 v39, v34;
	v14 =	vld [tilespmem:s12+$0xE000]  }
0x341: {  	v9 =	vadd.f32 v9, v12;
	v12 =	vadd.f32 v10, v2;
	v2 =	vld [tilespmem:$0x1FE60]  }
0x342: {  	v61 =	vld [tilespmem:s12+$0xD410]  }
0x343: {  	v54 =	vld [tilespmem:s12+$0xD020];
	[tilespmem:s12+$0xC450] =	vst v34;
	v34 =	vadd.f32 v46, v40  }
0x344: {  	v17 =	vld [tilespmem:s12+$0x6070]  }
0x345: {  	[tilespmem:s12+$0xC840] =	vst v34;
	v11 =	vadd.f32 v16, v11;
	v8 =	vld [tilespmem:s12+$0xE010]  }
0x346: {  	v34 =	vadd.f32 v53, v47;
	[tilespmem:s12+$0xDC70] =	vst v12;
	v12 =	vadd.f32 v2, v14;
	v2 =	vld [tilespmem:$0x1FE70]  }
0x347: {  	v30 =	vadd.f32 v30, v61;
	[tilespmem:s12+$0xDC00] =	vst v11;
	v11 =	vld [tilespmem:s12+$0xE040]  }
0x348: {  	[tilespmem:s12+$0xCC30] =	vst v34;
	v34 =	vadd.f32 v60, v54;
	v1 =	vld [tilespmem:s12+$0xE020]  }
0x349: {  	[tilespmem:s12+$0xD410] =	vst v30;
	v0 =	vld [tilespmem:s12+$0xE030]  }
0x34a: {  	[tilespmem:s12+$0xD020] =	vst v34;
	v10 =	vld [tilespmem:s12+$0xE050]  }
0x34b: {  	s0 =	simm.s32 $0x200;
	[tilespmem:s12+$0xDC60] =	vst v9;
	v9 =	vadd.f32 v2, v8;
	v8 =	vld [tilespmem:s12+$0xE060]  }
.LBB2_7:
0x34c: {  	_ = 	snop  }
0x34d: {  	s2 =	sshra.s32 s0, $0x2;
	[tilespmem:s12+$0xE000] =	vst v12;
	v1 =	vadd.f32 v7, v1;
	v7 =	vld [tilespmem:s12+$0xE070]  }
0x34e: {  	v58 =	vld [tilespmem:s2+$0x4400];
	[tilespmem:s12+$0xE010] =	vst v9;
	v6 =	vadd.f32 v6, v0  }
0x34f: {  	v0 =	vld [tilespmem:s2+$0x4410];
	v5 =	vadd.f32 v5, v11;
	[tilespmem:s12+$0xE020] =	vst v1  }
0x350: {  	v4 =	vadd.f32 v4, v10;
	v1 =	vld [tilespmem:s2+$0x4420];
	[tilespmem:s12+$0xE030] =	vst v6  }
0x351: {  	v3 =	vadd.f32 v3, v8;
	v61 =	vld [tilespmem:s2+$0x4430];
	[tilespmem:s12+$0xE040] =	vst v5  }
0x352: {  	v62 =	vld [tilespmem:s2+$0x4440];
	[tilespmem:s12+$0xE050] =	vst v4;
	v2 =	vadd.f32 v17, v7  }
0x353: {  	v63 =	vld [tilespmem:s2+$0x4450];
	[tilespmem:s12+$0xE060] =	vst v3  }
0x354: {  	v59 =	vld [tilespmem:s2+$0x4460];
	[tilespmem:s12+$0xE070] =	vst v2;
	s12 =	smov.u32 s2  }
0x355: {  	v60 =	vld [tilespmem:s12+$0x4470]  }
0x356: {  	v57 =	vld [tilespmem:s12+$0x4800]  }
0x357: {  	v56 =	vld [tilespmem:s12+$0x4810]  }
0x358: {  	v55 =	vld [tilespmem:s12+$0x4820]  }
0x359: {  	v54 =	vld [tilespmem:s12+$0x4830]  }
0x35a: {  	v53 =	vld [tilespmem:s12+$0x4840]  }
0x35b: {  	v52 =	vld [tilespmem:s12+$0x4850]  }
0x35c: {  	v51 =	vld [tilespmem:s12+$0x4860]  }
0x35d: {  	v50 =	vld [tilespmem:s12+$0x4870]  }
0x35e: {  	v49 =	vld [tilespmem:s12+$0x4C00]  }
0x35f: {  	v48 =	vld [tilespmem:s12+$0x4C10]  }
0x360: {  	v47 =	vld [tilespmem:s12+$0x4C20]  }
0x361: {  	v46 =	vld [tilespmem:s12+$0x4C30]  }
0x362: {  	v45 =	vld [tilespmem:s12+$0x4C40]  }
0x363: {  	v44 =	vld [tilespmem:s12+$0x4C50]  }
0x364: {  	v43 =	vld [tilespmem:s12+$0x4C60]  }
0x365: {  	v42 =	vld [tilespmem:s12+$0x4C70]  }
0x366: {  	v41 =	vld [tilespmem:s12+$0x5000]  }
0x367: {  	v40 =	vld [tilespmem:s12+$0x5010]  }
0x368: {  	v39 =	vld [tilespmem:s12+$0x5020]  }
0x369: {  	v38 =	vld [tilespmem:s12+$0x5030]  }
0x36a: {  	v37 =	vld [tilespmem:s12+$0x5040]  }
0x36b: {  	v2 =	vld [tilespmem:s12+$0x5C50]  }
0x36c: {  	v36 =	vld [tilespmem:s12+$0x5050]  }
0x36d: {  	v35 =	vld [tilespmem:s12+$0x5060]  }
0x36e: {  	v34 =	vld [tilespmem:s12+$0x5070]  }
0x36f: {  	v33 =	vld [tilespmem:s12+$0x5400]  }
0x370: {  	[tilespmem:$0x1FDD0] =	vst v2;
	v2 =	vld [tilespmem:s12+$0x5C60]  }
0x371: {  	v32 =	vld [tilespmem:s12+$0x5410]  }
0x372: {  	v31 =	vld [tilespmem:s12+$0x5420]  }
0x373: {  	v30 =	vld [tilespmem:s12+$0x5430]  }
0x374: {  	v29 =	vld [tilespmem:s12+$0x5440]  }
0x375: {  	[tilespmem:$0x1FDE0] =	vst v2;
	v2 =	vld [tilespmem:s12+$0x5C70]  }
0x376: {  	v28 =	vld [tilespmem:s12+$0x5450]  }
0x377: {  	v27 =	vld [tilespmem:s12+$0x5460]  }
0x378: {  	v26 =	vld [tilespmem:s12+$0x5470]  }
0x379: {  	v25 =	vld [tilespmem:s12+$0x5800]  }
0x37a: {  	[tilespmem:$0x1FDF0] =	vst v2;
	v2 =	vld [tilespmem:s12+$0x6000]  }
0x37b: {  	v24 =	vld [tilespmem:s12+$0x5810]  }
0x37c: {  	v23 =	vld [tilespmem:s12+$0x5820]  }
0x37d: {  	v22 =	vld [tilespmem:s12+$0x5830]  }
0x37e: {  	v21 =	vld [tilespmem:s12+$0x5840]  }
0x37f: {  	[tilespmem:$0x1FE00] =	vst v2;
	v2 =	vld [tilespmem:s12+$0x6010]  }
0x380: {  	v20 =	vld [tilespmem:s12+$0x5850]  }
0x381: {  	v19 =	vld [tilespmem:s12+$0x5860]  }
0x382: {  	v18 =	vld [tilespmem:s12+$0x5870]  }
0x383: {  	v8 =	vld [tilespmem:s12+$0x5C00]  }
0x384: {  	[tilespmem:$0x1FE10] =	vst v2;
	v2 =	vld [tilespmem:s12+$0xC400]  }
0x385: {  	v13 =	vld [tilespmem:s12+$0xC410]  }
0x386: {  	v14 =	vld [tilespmem:s12+$0xC420]  }
0x387: {  	v15 =	vld [tilespmem:s12+$0xC430]  }
0x388: {  	v16 =	vld [tilespmem:s12+$0xC440]  }
0x389: {  	v2 =	vadd.f32 v58, v2;
	v58 =	vld [tilespmem:s12+$0xC450]  }
0x38a: {  	v0 =	vadd.f32 v0, v13;
	v13 =	vld [tilespmem:s12+$0xC460]  }
0x38b: {  	v1 =	vadd.f32 v1, v14;
	[tilespmem:s12+$0xC400] =	vst v2;
	v2 =	vld [tilespmem:s12+$0xC470]  }
0x38c: {  	v14 =	vld [tilespmem:s12+$0xC800];
	[tilespmem:s12+$0xC410] =	vst v0;
	v0 =	vadd.f32 v61, v15  }
0x38d: {  	[tilespmem:s12+$0xC420] =	vst v1;
	v1 =	vadd.f32 v62, v16;
	v15 =	vld [tilespmem:s12+$0xC810]  }
0x38e: {  	v16 =	vld [tilespmem:s12+$0xC820];
	[tilespmem:s12+$0xC430] =	vst v0;
	v0 =	vadd.f32 v63, v58  }
0x38f: {  	[tilespmem:s12+$0xC440] =	vst v1;
	v1 =	vadd.f32 v59, v13;
	v13 =	vld [tilespmem:s12+$0xC830]  }
0x390: {  	[tilespmem:s12+$0xC450] =	vst v0;
	v0 =	vadd.f32 v60, v2;
	v2 =	vld [tilespmem:s12+$0xC840]  }
0x391: {  	[tilespmem:s12+$0xC460] =	vst v1;
	v1 =	vadd.f32 v57, v14;
	v14 =	vld [tilespmem:s12+$0xC850]  }
0x392: {  	[tilespmem:s12+$0xC470] =	vst v0;
	v0 =	vadd.f32 v56, v15;
	v15 =	vld [tilespmem:s12+$0xC860]  }
0x393: {  	[tilespmem:s12+$0xC800] =	vst v1;
	v1 =	vadd.f32 v55, v16;
	v16 =	vld [tilespmem:s12+$0xC870]  }
0x394: {  	[tilespmem:s12+$0xC810] =	vst v0;
	v0 =	vadd.f32 v54, v13;
	v13 =	vld [tilespmem:s12+$0xCC00]  }
0x395: {  	[tilespmem:s12+$0xC820] =	vst v1;
	v1 =	vadd.f32 v53, v2;
	v2 =	vld [tilespmem:s12+$0xCC10]  }
0x396: {  	[tilespmem:s12+$0xC830] =	vst v0;
	v0 =	vadd.f32 v52, v14;
	v14 =	vld [tilespmem:s12+$0xCC20]  }
0x397: {  	[tilespmem:s12+$0xC840] =	vst v1;
	v1 =	vadd.f32 v51, v15;
	v15 =	vld [tilespmem:s12+$0xCC30]  }
0x398: {  	[tilespmem:s12+$0xC850] =	vst v0;
	v0 =	vadd.f32 v50, v16;
	v16 =	vld [tilespmem:s12+$0xCC40]  }
0x399: {  	[tilespmem:s12+$0xC860] =	vst v1;
	v1 =	vadd.f32 v49, v13;
	v13 =	vld [tilespmem:s12+$0xCC50]  }
0x39a: {  	[tilespmem:s12+$0xC870] =	vst v0;
	v0 =	vadd.f32 v48, v2;
	v2 =	vld [tilespmem:s12+$0xCC60]  }
0x39b: {  	[tilespmem:s12+$0xCC00] =	vst v1;
	v1 =	vadd.f32 v47, v14;
	v14 =	vld [tilespmem:s12+$0xCC70]  }
0x39c: {  	[tilespmem:s12+$0xCC10] =	vst v0;
	v0 =	vadd.f32 v46, v15;
	v15 =	vld [tilespmem:s12+$0xD000]  }
0x39d: {  	[tilespmem:s12+$0xCC20] =	vst v1;
	v1 =	vadd.f32 v45, v16;
	v16 =	vld [tilespmem:s12+$0xD010]  }
0x39e: {  	[tilespmem:s12+$0xCC30] =	vst v0;
	v0 =	vadd.f32 v44, v13;
	v13 =	vld [tilespmem:s12+$0xD020]  }
0x39f: {  	[tilespmem:s12+$0xCC40] =	vst v1;
	v1 =	vadd.f32 v43, v2;
	v2 =	vld [tilespmem:s12+$0xD030]  }
0x3a0: {  	[tilespmem:s12+$0xCC50] =	vst v0;
	v0 =	vadd.f32 v42, v14;
	v14 =	vld [tilespmem:s12+$0xD040]  }
0x3a1: {  	[tilespmem:s12+$0xCC60] =	vst v1;
	v1 =	vadd.f32 v41, v15;
	v15 =	vld [tilespmem:s12+$0xD050]  }
0x3a2: {  	[tilespmem:s12+$0xCC70] =	vst v0;
	v0 =	vadd.f32 v40, v16;
	v16 =	vld [tilespmem:s12+$0xD060]  }
0x3a3: {  	[tilespmem:s12+$0xD000] =	vst v1;
	v1 =	vadd.f32 v39, v13;
	v13 =	vld [tilespmem:s12+$0xD070]  }
0x3a4: {  	[tilespmem:s12+$0xD010] =	vst v0;
	v0 =	vadd.f32 v38, v2;
	v2 =	vld [tilespmem:s12+$0xD400]  }
0x3a5: {  	[tilespmem:s12+$0xD020] =	vst v1;
	v1 =	vadd.f32 v37, v14;
	v14 =	vld [tilespmem:s12+$0xD410]  }
0x3a6: {  	[tilespmem:s12+$0xD030] =	vst v0;
	v0 =	vadd.f32 v36, v15;
	v15 =	vld [tilespmem:s12+$0xD420]  }
0x3a7: {  	[tilespmem:s12+$0xD040] =	vst v1;
	v1 =	vadd.f32 v35, v16;
	v16 =	vld [tilespmem:s12+$0xD430]  }
0x3a8: {  	[tilespmem:s12+$0xD050] =	vst v0;
	v0 =	vadd.f32 v34, v13;
	v13 =	vld [tilespmem:s12+$0xD440]  }
0x3a9: {  	[tilespmem:s12+$0xD060] =	vst v1;
	v1 =	vadd.f32 v33, v2;
	v2 =	vld [tilespmem:s12+$0xD450]  }
0x3aa: {  	[tilespmem:s12+$0xD070] =	vst v0;
	v0 =	vadd.f32 v32, v14;
	v14 =	vld [tilespmem:s12+$0xD460]  }
0x3ab: {  	[tilespmem:s12+$0xD400] =	vst v1;
	v1 =	vadd.f32 v31, v15;
	v15 =	vld [tilespmem:s12+$0xD470]  }
0x3ac: {  	[tilespmem:s12+$0xD410] =	vst v0;
	v0 =	vadd.f32 v30, v16;
	v16 =	vld [tilespmem:s12+$0xD800]  }
0x3ad: {  	[tilespmem:s12+$0xD420] =	vst v1;
	v1 =	vadd.f32 v29, v13;
	v13 =	vld [tilespmem:s12+$0xD810]  }
0x3ae: {  	[tilespmem:s12+$0xD430] =	vst v0;
	v0 =	vadd.f32 v28, v2;
	v2 =	vld [tilespmem:s12+$0xD820]  }
0x3af: {  	[tilespmem:s12+$0xD440] =	vst v1;
	v1 =	vadd.f32 v27, v14;
	v14 =	vld [tilespmem:s12+$0xD830]  }
0x3b0: {  	[tilespmem:s12+$0xD450] =	vst v0;
	v0 =	vadd.f32 v26, v15;
	v15 =	vld [tilespmem:s12+$0xD840]  }
0x3b1: {  	[tilespmem:s12+$0xD460] =	vst v1;
	v1 =	vadd.f32 v25, v16;
	v16 =	vld [tilespmem:s12+$0xD850]  }
0x3b2: {  	[tilespmem:s12+$0xD470] =	vst v0;
	v0 =	vadd.f32 v24, v13;
	v13 =	vld [tilespmem:s12+$0xD860]  }
0x3b3: {  	[tilespmem:s12+$0xD800] =	vst v1;
	v1 =	vadd.f32 v23, v2;
	v2 =	vld [tilespmem:s12+$0xD870]  }
0x3b4: {  	v9 =	vld [tilespmem:s12+$0x5C10];
	[tilespmem:s12+$0xD810] =	vst v0;
	v0 =	vadd.f32 v22, v14  }
0x3b5: {  	[tilespmem:s12+$0xD820] =	vst v1;
	v1 =	vadd.f32 v21, v15;
	v15 =	vld [tilespmem:s12+$0xDC10]  }
0x3b6: {  	v11 =	vld [tilespmem:s12+$0x5C30];
	[tilespmem:s12+$0xD830] =	vst v0;
	v0 =	vadd.f32 v20, v16  }
0x3b7: {  	[tilespmem:s12+$0xD840] =	vst v1;
	v1 =	vadd.f32 v19, v13;
	v13 =	vld [tilespmem:s12+$0xDC30]  }
0x3b8: {  	v14 =	vld [tilespmem:s12+$0xDC00];
	[tilespmem:s12+$0xD850] =	vst v0;
	v0 =	vadd.f32 v18, v2;
	_ =	sdelay $0x1  }
0x3b9: {  	[tilespmem:s12+$0xD870] =	vst v0;
	v0 =	vadd.f32 v9, v15;
	_ =	sdelay $0x1  }
0x3ba: {  	v10 =	vld [tilespmem:s12+$0x5C20];
	[tilespmem:s12+$0xDC10] =	vst v0;
	v0 =	vadd.f32 v11, v13  }
0x3bb: {  	[tilespmem:s12+$0xD860] =	vst v1;
	v1 =	vadd.f32 v8, v14;
	v8 =	vld [tilespmem:s12+$0xDC50]  }
0x3bc: {  	[tilespmem:s12+$0xDC30] =	vst v0;
	v0 =	vld [tilespmem:$0x1FDD0]  }
0x3bd: {  	v12 =	vld [tilespmem:s12+$0x5C40]  }
0x3be: {  	v7 =	vld [tilespmem:s12+$0x6020]  }
0x3bf: {  	v2 =	vld [tilespmem:s12+$0xDC40]  }
0x3c0: {  	v9 =	vld [tilespmem:s12+$0xDC60]  }
0x3c1: {  	v8 =	vadd.f32 v0, v8;
	v0 =	vld [tilespmem:$0x1FDE0]  }
0x3c2: {  	v6 =	vld [tilespmem:s12+$0x6030]  }
0x3c3: {  	v5 =	vld [tilespmem:s12+$0x6040]  }
0x3c4: {  	v4 =	vld [tilespmem:s12+$0x6050];
	v2 =	vadd.f32 v12, v2  }
0x3c5: {  	v16 =	vld [tilespmem:s12+$0xDC20]  }
0x3c6: {  	v3 =	vld [tilespmem:s12+$0x6060];
	[tilespmem:s12+$0xDC40] =	vst v2;
	v2 =	vadd.f32 v0, v9  }
0x3c7: {  	v13 =	vld [tilespmem:s12+$0xE000]  }
0x3c8: {  	[tilespmem:s12+$0xDC60] =	vst v2;
	v2 =	vld [tilespmem:$0x1FE00]  }
0x3c9: {  	v17 =	vld [tilespmem:s12+$0x6070]  }
0x3ca: {  	[tilespmem:s12+$0xDC00] =	vst v1;
	v1 =	vadd.f32 v10, v16;
	v10 =	vld [tilespmem:s12+$0xDC70]  }
0x3cb: {  	[tilespmem:s12+$0xDC50] =	vst v8;
	v8 =	vld [tilespmem:$0x1FDF0]  }
0x3cc: {  	v14 =	vld [tilespmem:s12+$0xE010]  }
0x3cd: {  	p1 =	sne.s32 s0, $0xE00;
	v12 =	vadd.f32 v2, v13;
	v2 =	vld [tilespmem:$0x1FE10]  }
.Ltmp2:
0x3ce: {  	v11 =	vld [tilespmem:s12+$0xE040];
	(pc) =	sbr.rel @p1 .LBB2_7-.Ltmp2, $4  }
0x3cf: {  	[tilespmem:s12+$0xDC20] =	vst v1;
	v1 =	vld [tilespmem:s12+$0xE020]  }
0x3d0: {  	v0 =	vld [tilespmem:s12+$0xE030];
	v8 =	vadd.f32 v8, v10  }
0x3d1: {  	v10 =	vld [tilespmem:s12+$0xE050]  }
0x3d2: {  	s0 =	sadd.s32 $0x200, s0;
	[tilespmem:s12+$0xDC70] =	vst v8;
	v8 =	vld [tilespmem:s12+$0xE060];
	v9 =	vadd.f32 v2, v14  }
0x3d3: {  	_ = 	snop  }
0x3d4: {  	[tilespmem:s12+$0xE000] =	vst v12;
	v2 =	vld [tilespmem:s12+$0xE070];
	v1 =	vadd.f32 v7, v1  }
0x3d5: {  	[tilespmem:s12+$0xE010] =	vst v9;
	v0 =	vadd.f32 v6, v0  }
0x3d6: {  	[tilespmem:s12+$0xE020] =	vst v1;
	v1 =	vadd.f32 v5, v11  }
0x3d7: {  	[tilespmem:s12+$0xE030] =	vst v0;
	v0 =	vadd.f32 v4, v10  }
0x3d8: {  	[tilespmem:s12+$0xE040] =	vst v1;
	v1 =	vadd.f32 v3, v8  }
0x3d9: {  	[tilespmem:s12+$0xE050] =	vst v0;
	v0 =	vadd.f32 v17, v2  }
0x3da: {  	[tilespmem:s12+$0xE060] =	vst v1  }
0x3db: {  	s0 =	sadd.s32 s4, s10;
	[tilespmem:s12+$0xE070] =	vst v0  }
0x3dc: {  	[hbm4b:s0+s5] =	stream.linear.scatter [tilespmem:s17], [sflag:$0xB], $0x2000, $0x38;
	[tilespmem:$0x10400] =	vst v63  }
0x3dd: {  	s0 =	sshll.u32 @p0 s14, $0x5  }
0x3de: {  	s0 =	sand.u32 @p0 $0x3FFFFFE0, s0  }
0x3df: {  	v0 =	vld.msk @p0 [tilespmem:s0+$0x30], $0xff;
	_ =	sdelay $0x4  }
0x3e0: {  	v1 =	vshll.u32 @p0 v0, $0x3  }
0x3e1: {  	v2 =	vlaneseq.u32 @p0;
	v0 =	vand.u32 @p0 $0x7, v0;
	v1 =	vand.u32 @p0 $0xFFFFFFC0, v1  }
0x3e2: {  	v0 =	vor.u32 @p0 v0, v1;
	v1 =	vand.u32 @p0 $0x7, v2;
	v2 =	vshrl.u32 @p0 v2, $0x3  }
0x3e3: {  	v0 =	vperm.xlane @p0 v0, v1;
	v1 =	vmul.u32 @p0 $0x8, v2;
	_ =	sdelay $0x1  }
0x3e4: {  	v0 =	vadd.s32 @p0 v1, v0;
	_ =	sdelay $0x3  }
0x3e5: {  	s2 =	simm.s32 @p0 $0x4400;
	s0 =	simm.s32 @p0 $0x0  }
0x3e6: {  	[tilespmem:s2], [sflag:$0x3] =	stream.indirect_vreg.gather @p0 [hbm4b:s3+s0], $0x80, v0, vm1, $0xb8;
	[tilespmem:$0x10400] =	vst v63  }
0x3e7: {  	s2 =	simm.s32 @p0 $0x4C00  }
0x3e8: {  	[tilespmem:s2], [sflag:$0x3] =	stream.indirect_vreg.gather @p0 [hbm4b:s8+s0], $0x80, v0, vm1, $0xb8;
	[tilespmem:$0x10400] =	vst v63  }
0x3e9: {  	s2 =	simm.s32 @p0 $0x5400  }
0x3ea: {  	[tilespmem:s2], [sflag:$0x3] =	stream.indirect_vreg.gather @p0 [hbm4b:s9+s0], $0x80, v0, vm1, $0xb8;
	[tilespmem:$0x10400] =	vst v63  }
0x3eb: {  	s2 =	simm.s32 @p0 $0x5C00  }
0x3ec: {  	[tilespmem:s2], [sflag:$0x3] =	stream.indirect_vreg.gather @p0 [hbm4b:s11+s0], $0x80, v0, vm1, $0xb8;
	[tilespmem:$0x10400] =	vst v63  }
0x3ed: {  	s2 =	simm.s32 @p0 $0xA  }
0x3ee: {  	s10 =	sadd.s32 @p0 s6, s28;
	_ =	swait.ge @p0 [sflag:s2], $0x2000  }
0x3ef: {  	s10 =	sshll.u32 @p0 s10, $0xA;
	[sflag:s2] =	ssyncset.done @p0 $0x0  }
0x3f0: {  	[sflag:s2] =	ssyncadd.s32 @p0 $0xFFFFE000;
	s2 =	sadd.s32 @p0 s1, s10;
	s10 =	simm.s32 @p0 $0xA400  }
0x3f1: {  	[tilespmem:s10], [sflag:$0x6] =	stream.linear.gather @p0 [hbm4b:s2+s0], $0x2000, $0x38;
	[tilespmem:$0x10400] =	vst v63  }
0x3f2: {  	s0 =	simm.s32 @!p0 $0xA  }
0x3f3: {  	_ =	swait.ge @!p0 [sflag:s0], $0x2000  }
0x3f4: {  	[sflag:s0] =	ssyncset.done @!p0 $0x0  }
0x3f5: {  	[sflag:s0] =	ssyncadd.s32 @!p0 $0xFFFFE000  }
0x3f6: {  	_ =	swait.ge [sflag:s25], $0x2000  }
0x3f7: {  	[sflag:s25] =	ssyncset.done $0x0  }
0x3f8: {  	[sflag:s25] =	ssyncadd.s32 $0xFFFFE000  }
0x3f9: {  	_ =	swait.ge [sflag:s26], $0x2000  }
0x3fa: {  	[sflag:s26] =	ssyncset.done $0x0  }
0x3fb: {  	s10 =	simm.s32 $0x0;
	[sflag:s26] =	ssyncadd.s32 $0xFFFFE000  }
0x3fc: {  	v34 =	vld [tilespmem:s10+$0x6400]  }
0x3fd: {  	v35 =	vld [tilespmem:s10+$0x6410]  }
0x3fe: {  	v36 =	vld [tilespmem:s10+$0x6420]  }
0x3ff: {  	v37 =	vld [tilespmem:s10+$0x6430]  }
0x400: {  	v38 =	vld [tilespmem:s10+$0x6440]  }
0x401: {  	v39 =	vld [tilespmem:s10+$0x6450]  }
0x402: {  	v40 =	vld [tilespmem:s10+$0x6460]  }
0x403: {  	v41 =	vld [tilespmem:s10+$0x6470]  }
0x404: {  	v42 =	vld [tilespmem:s10+$0x6800]  }
0x405: {  	v43 =	vld [tilespmem:s10+$0x6810]  }
0x406: {  	v44 =	vld [tilespmem:s10+$0x6820]  }
0x407: {  	v45 =	vld [tilespmem:s10+$0x6830]  }
0x408: {  	v46 =	vld [tilespmem:s10+$0x6840]  }
0x409: {  	v47 =	vld [tilespmem:s10+$0x6850]  }
0x40a: {  	v48 =	vld [tilespmem:s10+$0x6860]  }
0x40b: {  	v49 =	vld [tilespmem:s10+$0x6870]  }
0x40c: {  	v50 =	vld [tilespmem:s10+$0x6C00]  }
0x40d: {  	v51 =	vld [tilespmem:s10+$0x6C10]  }
0x40e: {  	v52 =	vld [tilespmem:s10+$0x6C20]  }
0x40f: {  	v53 =	vld [tilespmem:s10+$0x6C30]  }
0x410: {  	v54 =	vld [tilespmem:s10+$0x6C40]  }
0x411: {  	v55 =	vld [tilespmem:s10+$0x6C50]  }
0x412: {  	v0 =	vld [tilespmem:s10+$0x7C40]  }
0x413: {  	v56 =	vld [tilespmem:s10+$0x6C60]  }
0x414: {  	v57 =	vld [tilespmem:s10+$0x6C70]  }
0x415: {  	v58 =	vld [tilespmem:s10+$0x7000]  }
0x416: {  	v59 =	vld [tilespmem:s10+$0x7010]  }
0x417: {  	[tilespmem:$0x1FD70] =	vst v0;
	v0 =	vld [tilespmem:s10+$0x7C50]  }
0x418: {  	v60 =	vld [tilespmem:s10+$0x7020]  }
0x419: {  	v61 =	vld [tilespmem:s10+$0x7030]  }
0x41a: {  	v62 =	vld [tilespmem:s10+$0x7040]  }
0x41b: {  	v63 =	vld [tilespmem:s10+$0x7050]  }
0x41c: {  	[tilespmem:$0x1FD80] =	vst v0;
	v0 =	vld [tilespmem:s10+$0x7C60]  }
0x41d: {  	v33 =	vld [tilespmem:s10+$0x7060]  }
0x41e: {  	v32 =	vld [tilespmem:s10+$0x7070]  }
0x41f: {  	v31 =	vld [tilespmem:s10+$0x7400]  }
0x420: {  	v30 =	vld [tilespmem:s10+$0x7410]  }
0x421: {  	[tilespmem:$0x1FD90] =	vst v0;
	v0 =	vld [tilespmem:s10+$0x7C70]  }
0x422: {  	v29 =	vld [tilespmem:s10+$0x7420]  }
0x423: {  	v28 =	vld [tilespmem:s10+$0x7430]  }
0x424: {  	v27 =	vld [tilespmem:s10+$0x7440]  }
0x425: {  	v26 =	vld [tilespmem:s10+$0x7450]  }
0x426: {  	[tilespmem:$0x1FDA0] =	vst v0;
	v0 =	vld [tilespmem:s10+$0x8000]  }
0x427: {  	v25 =	vld [tilespmem:s10+$0x7460]  }
0x428: {  	v12 =	vld [tilespmem:s10+$0x7470]  }
0x429: {  	v2 =	vld [tilespmem:s10+$0x7800]  }
0x42a: {  	v24 =	vld [tilespmem:s10+$0x7810]  }
0x42b: {  	[tilespmem:$0x1FDB0] =	vst v0;
	v0 =	vld [tilespmem:s10+$0x8010]  }
0x42c: {  	v23 =	vld [tilespmem:s10+$0x7820]  }
0x42d: {  	v22 =	vld [tilespmem:s10+$0x7830]  }
0x42e: {  	v21 =	vld [tilespmem:s10+$0x7840]  }
0x42f: {  	v20 =	vld [tilespmem:s10+$0x7850]  }
0x430: {  	[tilespmem:$0x1FDC0] =	vst v0;
	v0 =	vld [tilespmem:s10+$0xE400]  }
0x431: {  	v1 =	vld [tilespmem:s10+$0xE410]  }
0x432: {  	v8 =	vld [tilespmem:s10+$0xE420]  }
0x433: {  	v19 =	vld [tilespmem:s10+$0x7860]  }
0x434: {  	v18 =	vld [tilespmem:s10+$0x7870]  }
0x435: {  	v9 =	vld [tilespmem:s10+$0xE430];
	v0 =	vadd.f32 v34, v0  }
0x436: {  	v10 =	vld [tilespmem:s10+$0xE440];
	v1 =	vadd.f32 v35, v1  }
0x437: {  	v8 =	vadd.f32 v36, v8;
	[tilespmem:s10+$0xE400] =	vst v0;
	v0 =	vld [tilespmem:s10+$0xE470]  }
0x438: {  	[tilespmem:s10+$0xE410] =	vst v1;
	v1 =	vld [tilespmem:s10+$0xE800]  }
0x439: {  	[tilespmem:s10+$0xE420] =	vst v8;
	v8 =	vld [tilespmem:s10+$0xE810]  }
0x43a: {  	v16 =	vld [tilespmem:s10+$0x7C00];
	v9 =	vadd.f32 v37, v9  }
0x43b: {  	v15 =	vld [tilespmem:s10+$0x7C10];
	v10 =	vadd.f32 v38, v10  }
0x43c: {  	[tilespmem:s10+$0xE430] =	vst v9;
	v9 =	vld [tilespmem:s10+$0xE820];
	v0 =	vadd.f32 v41, v0  }
0x43d: {  	[tilespmem:s10+$0xE440] =	vst v10;
	v10 =	vld [tilespmem:s10+$0xE830];
	v1 =	vadd.f32 v42, v1  }
0x43e: {  	v8 =	vadd.f32 v43, v8;
	[tilespmem:s10+$0xE470] =	vst v0;
	v0 =	vld [tilespmem:s10+$0xE860]  }
0x43f: {  	[tilespmem:s10+$0xE800] =	vst v1;
	v1 =	vld [tilespmem:s10+$0xE870]  }
0x440: {  	[tilespmem:s10+$0xE810] =	vst v8;
	v8 =	vld [tilespmem:s10+$0xEC00]  }
0x441: {  	v14 =	vld [tilespmem:s10+$0x7C20];
	v9 =	vadd.f32 v44, v9  }
0x442: {  	v13 =	vld [tilespmem:s10+$0x7C30];
	v10 =	vadd.f32 v45, v10  }
0x443: {  	[tilespmem:s10+$0xE820] =	vst v9;
	v9 =	vld [tilespmem:s10+$0xEC10];
	v0 =	vadd.f32 v48, v0  }
0x444: {  	[tilespmem:s10+$0xE830] =	vst v10;
	v10 =	vld [tilespmem:s10+$0xEC20];
	v1 =	vadd.f32 v49, v1  }
0x445: {  	v8 =	vadd.f32 v50, v8;
	[tilespmem:s10+$0xE860] =	vst v0;
	v0 =	vld [tilespmem:s10+$0xEC50]  }
0x446: {  	[tilespmem:s10+$0xE870] =	vst v1;
	v1 =	vld [tilespmem:s10+$0xEC60]  }
0x447: {  	[tilespmem:s10+$0xEC00] =	vst v8;
	v8 =	vld [tilespmem:s10+$0xEC70]  }
0x448: {  	v11 =	vld [tilespmem:s10+$0xE460];
	v9 =	vadd.f32 v51, v9  }
0x449: {  	v7 =	vld [tilespmem:s10+$0x8020];
	v10 =	vadd.f32 v52, v10  }
0x44a: {  	[tilespmem:s10+$0xEC10] =	vst v9;
	v9 =	vld [tilespmem:s10+$0xF000];
	v0 =	vadd.f32 v55, v0  }
0x44b: {  	[tilespmem:s10+$0xEC20] =	vst v10;
	v10 =	vld [tilespmem:s10+$0xF010];
	v1 =	vadd.f32 v56, v1  }
0x44c: {  	v8 =	vadd.f32 v57, v8;
	[tilespmem:s10+$0xEC50] =	vst v0;
	v0 =	vld [tilespmem:s10+$0xF040]  }
0x44d: {  	v11 =	vadd.f32 v40, v11;
	[tilespmem:s10+$0xEC60] =	vst v1;
	v1 =	vld [tilespmem:s10+$0xF050]  }
0x44e: {  	[tilespmem:s10+$0xEC70] =	vst v8;
	v8 =	vld [tilespmem:s10+$0xF060]  }
0x44f: {  	[tilespmem:s10+$0xE460] =	vst v11;
	v11 =	vld [tilespmem:s10+$0xE850];
	v9 =	vadd.f32 v58, v9  }
0x450: {  	v6 =	vld [tilespmem:s10+$0x8030];
	v10 =	vadd.f32 v59, v10  }
0x451: {  	[tilespmem:s10+$0xF000] =	vst v9;
	v9 =	vld [tilespmem:s10+$0xF070];
	v0 =	vadd.f32 v62, v0  }
0x452: {  	[tilespmem:s10+$0xF010] =	vst v10;
	v10 =	vld [tilespmem:s10+$0xF400];
	v1 =	vadd.f32 v63, v1  }
0x453: {  	v8 =	vadd.f32 v33, v8;
	[tilespmem:s10+$0xF040] =	vst v0;
	v0 =	vld [tilespmem:s10+$0xF430]  }
0x454: {  	v11 =	vadd.f32 v47, v11;
	[tilespmem:s10+$0xF050] =	vst v1;
	v1 =	vld [tilespmem:s10+$0xF440]  }
0x455: {  	[tilespmem:s10+$0xF060] =	vst v8;
	v8 =	vld [tilespmem:s10+$0xF450]  }
0x456: {  	[tilespmem:s10+$0xE850] =	vst v11;
	v11 =	vld [tilespmem:s10+$0xEC40];
	v9 =	vadd.f32 v32, v9  }
0x457: {  	v5 =	vld [tilespmem:s10+$0x8040];
	v10 =	vadd.f32 v31, v10  }
0x458: {  	[tilespmem:s10+$0xF070] =	vst v9;
	v9 =	vld [tilespmem:s10+$0xF460];
	v0 =	vadd.f32 v28, v0  }
0x459: {  	[tilespmem:s10+$0xF400] =	vst v10;
	v10 =	vld [tilespmem:s10+$0xF470];
	v1 =	vadd.f32 v27, v1  }
0x45a: {  	v8 =	vadd.f32 v26, v8;
	[tilespmem:s10+$0xF430] =	vst v0;
	v0 =	vld [tilespmem:s10+$0xF820]  }
0x45b: {  	v11 =	vadd.f32 v54, v11;
	[tilespmem:s10+$0xF440] =	vst v1;
	v1 =	vld [tilespmem:s10+$0xF830]  }
0x45c: {  	[tilespmem:s10+$0xF450] =	vst v8;
	v8 =	vld [tilespmem:s10+$0xF840]  }
0x45d: {  	[tilespmem:s10+$0xEC40] =	vst v11;
	v11 =	vld [tilespmem:s10+$0xF030];
	v9 =	vadd.f32 v25, v9  }
0x45e: {  	v63 =	vld [tilespmem:s10+$0xF800];
	v10 =	vadd.f32 v12, v10  }
0x45f: {  	[tilespmem:s10+$0xF460] =	vst v9;
	v9 =	vld [tilespmem:s10+$0xF850];
	v0 =	vadd.f32 v23, v0  }
0x460: {  	[tilespmem:s10+$0xF470] =	vst v10;
	v10 =	vld [tilespmem:s10+$0xF860];
	v1 =	vadd.f32 v22, v1  }
0x461: {  	v8 =	vadd.f32 v21, v8;
	[tilespmem:s10+$0xF820] =	vst v0;
	v0 =	vld [tilespmem:s10+$0xFC10]  }
0x462: {  	v11 =	vadd.f32 v61, v11;
	[tilespmem:s10+$0xF830] =	vst v1;
	v1 =	vld [tilespmem:s10+$0xFC20]  }
0x463: {  	v12 =	vadd.f32 v2, v63;
	[tilespmem:s10+$0xF840] =	vst v8;
	v8 =	vld [tilespmem:s10+$0xFC30]  }
0x464: {  	v4 =	vld [tilespmem:s10+$0x8050];
	[tilespmem:s10+$0xF030] =	vst v11;
	v9 =	vadd.f32 v20, v9  }
0x465: {  	v11 =	vld [tilespmem:s10+$0xF420];
	[tilespmem:s10+$0xF800] =	vst v12;
	v10 =	vadd.f32 v19, v10  }
0x466: {  	v12 =	vld [tilespmem:s10+$0xF870];
	[tilespmem:s10+$0xF850] =	vst v9;
	v0 =	vadd.f32 v15, v0  }
0x467: {  	v9 =	vld [tilespmem:s10+$0xFC40];
	[tilespmem:s10+$0xF860] =	vst v10;
	v1 =	vadd.f32 v14, v1  }
0x468: {  	v10 =	vld [tilespmem:s10+$0xFC50];
	[tilespmem:s10+$0xFC10] =	vst v0;
	v0 =	vadd.f32 v13, v8  }
0x469: {  	[tilespmem:s10+$0xFC20] =	vst v1;
	v1 =	vld [tilespmem:$0x1FD70]  }
0x46a: {  	[tilespmem:s10+$0xFC30] =	vst v0;
	v0 =	vld [tilespmem:$0x1FD80]  }
0x46b: {  	v3 =	vld [tilespmem:s10+$0x8060];
	v11 =	vadd.f32 v29, v11  }
0x46c: {  	v34 =	vld [tilespmem:s10+$0xE450]  }
0x46d: {  	[tilespmem:s10+$0xF420] =	vst v11;
	v11 =	vld [tilespmem:s10+$0xF810];
	v12 =	vadd.f32 v18, v12  }
0x46e: {  	v2 =	vld [tilespmem:s10+$0xFC70];
	v9 =	vadd.f32 v1, v9  }
0x46f: {  	[tilespmem:s10+$0xF870] =	vst v12;
	v12 =	vld [tilespmem:s10+$0xFC60];
	v10 =	vadd.f32 v0, v10  }
0x470: {  	[tilespmem:s10+$0xFC40] =	vst v9;
	v9 =	vld [tilespmem:$0x1FD90]  }
0x471: {  	[tilespmem:s10+$0xFC50] =	vst v10;
	v10 =	vld [tilespmem:$0x1FDA0]  }
0x472: {  	v40 =	vld [tilespmem:s10+$0xE840];
	v11 =	vadd.f32 v24, v11  }
0x473: {  	v47 =	vld [tilespmem:s10+$0xEC30]  }
0x474: {  	[tilespmem:s10+$0xF810] =	vst v11;
	v11 =	vld [tilespmem:s10+$0xFC00]  }
0x475: {  	v34 =	vadd.f32 v39, v34;
	v14 =	vld [tilespmem:s10+$0x10000]  }
0x476: {  	v9 =	vadd.f32 v9, v12;
	v12 =	vadd.f32 v10, v2;
	v2 =	vld [tilespmem:$0x1FDB0]  }
0x477: {  	v61 =	vld [tilespmem:s10+$0xF410]  }
0x478: {  	v54 =	vld [tilespmem:s10+$0xF020];
	[tilespmem:s10+$0xE450] =	vst v34;
	v34 =	vadd.f32 v46, v40  }
0x479: {  	v17 =	vld [tilespmem:s10+$0x8070]  }
0x47a: {  	[tilespmem:s10+$0xE840] =	vst v34;
	v11 =	vadd.f32 v16, v11;
	v8 =	vld [tilespmem:s10+$0x10010]  }
0x47b: {  	v34 =	vadd.f32 v53, v47;
	[tilespmem:s10+$0xFC70] =	vst v12;
	v12 =	vadd.f32 v2, v14;
	v2 =	vld [tilespmem:$0x1FDC0]  }
0x47c: {  	v30 =	vadd.f32 v30, v61;
	[tilespmem:s10+$0xFC00] =	vst v11;
	v11 =	vld [tilespmem:s10+$0x10040]  }
0x47d: {  	[tilespmem:s10+$0xEC30] =	vst v34;
	v34 =	vadd.f32 v60, v54;
	v1 =	vld [tilespmem:s10+$0x10020]  }
0x47e: {  	[tilespmem:s10+$0xF410] =	vst v30;
	v0 =	vld [tilespmem:s10+$0x10030]  }
0x47f: {  	[tilespmem:s10+$0xF020] =	vst v34;
	v10 =	vld [tilespmem:s10+$0x10050]  }
0x480: {  	s0 =	simm.s32 $0x200;
	[tilespmem:s10+$0xFC60] =	vst v9;
	v9 =	vadd.f32 v2, v8;
	v8 =	vld [tilespmem:s10+$0x10060]  }
.LBB2_9:
0x481: {  	_ = 	snop  }
0x482: {  	s2 =	sshra.s32 s0, $0x2;
	[tilespmem:s10+$0x10000] =	vst v12;
	v1 =	vadd.f32 v7, v1;
	v7 =	vld [tilespmem:s10+$0x10070]  }
0x483: {  	v58 =	vld [tilespmem:s2+$0x6400];
	[tilespmem:s10+$0x10010] =	vst v9;
	v6 =	vadd.f32 v6, v0  }
0x484: {  	v0 =	vld [tilespmem:s2+$0x6410];
	v5 =	vadd.f32 v5, v11;
	[tilespmem:s10+$0x10020] =	vst v1  }
0x485: {  	v4 =	vadd.f32 v4, v10;
	v1 =	vld [tilespmem:s2+$0x6420];
	[tilespmem:s10+$0x10030] =	vst v6  }
0x486: {  	v3 =	vadd.f32 v3, v8;
	v61 =	vld [tilespmem:s2+$0x6430];
	[tilespmem:s10+$0x10040] =	vst v5  }
0x487: {  	v62 =	vld [tilespmem:s2+$0x6440];
	[tilespmem:s10+$0x10050] =	vst v4;
	v2 =	vadd.f32 v17, v7  }
0x488: {  	v63 =	vld [tilespmem:s2+$0x6450];
	[tilespmem:s10+$0x10060] =	vst v3  }
0x489: {  	v59 =	vld [tilespmem:s2+$0x6460];
	[tilespmem:s10+$0x10070] =	vst v2;
	s10 =	smov.u32 s2  }
0x48a: {  	v60 =	vld [tilespmem:s10+$0x6470]  }
0x48b: {  	v57 =	vld [tilespmem:s10+$0x6800]  }
0x48c: {  	v56 =	vld [tilespmem:s10+$0x6810]  }
0x48d: {  	v55 =	vld [tilespmem:s10+$0x6820]  }
0x48e: {  	v54 =	vld [tilespmem:s10+$0x6830]  }
0x48f: {  	v53 =	vld [tilespmem:s10+$0x6840]  }
0x490: {  	v52 =	vld [tilespmem:s10+$0x6850]  }
0x491: {  	v51 =	vld [tilespmem:s10+$0x6860]  }
0x492: {  	v50 =	vld [tilespmem:s10+$0x6870]  }
0x493: {  	v49 =	vld [tilespmem:s10+$0x6C00]  }
0x494: {  	v48 =	vld [tilespmem:s10+$0x6C10]  }
0x495: {  	v47 =	vld [tilespmem:s10+$0x6C20]  }
0x496: {  	v46 =	vld [tilespmem:s10+$0x6C30]  }
0x497: {  	v45 =	vld [tilespmem:s10+$0x6C40]  }
0x498: {  	v44 =	vld [tilespmem:s10+$0x6C50]  }
0x499: {  	v43 =	vld [tilespmem:s10+$0x6C60]  }
0x49a: {  	v42 =	vld [tilespmem:s10+$0x6C70]  }
0x49b: {  	v41 =	vld [tilespmem:s10+$0x7000]  }
0x49c: {  	v40 =	vld [tilespmem:s10+$0x7010]  }
0x49d: {  	v39 =	vld [tilespmem:s10+$0x7020]  }
0x49e: {  	v38 =	vld [tilespmem:s10+$0x7030]  }
0x49f: {  	v37 =	vld [tilespmem:s10+$0x7040]  }
0x4a0: {  	v2 =	vld [tilespmem:s10+$0x7C50]  }
0x4a1: {  	v36 =	vld [tilespmem:s10+$0x7050]  }
0x4a2: {  	v35 =	vld [tilespmem:s10+$0x7060]  }
0x4a3: {  	v34 =	vld [tilespmem:s10+$0x7070]  }
0x4a4: {  	v33 =	vld [tilespmem:s10+$0x7400]  }
0x4a5: {  	[tilespmem:$0x1FD20] =	vst v2;
	v2 =	vld [tilespmem:s10+$0x7C60]  }
0x4a6: {  	v32 =	vld [tilespmem:s10+$0x7410]  }
0x4a7: {  	v31 =	vld [tilespmem:s10+$0x7420]  }
0x4a8: {  	v30 =	vld [tilespmem:s10+$0x7430]  }
0x4a9: {  	v29 =	vld [tilespmem:s10+$0x7440]  }
0x4aa: {  	[tilespmem:$0x1FD30] =	vst v2;
	v2 =	vld [tilespmem:s10+$0x7C70]  }
0x4ab: {  	v28 =	vld [tilespmem:s10+$0x7450]  }
0x4ac: {  	v27 =	vld [tilespmem:s10+$0x7460]  }
0x4ad: {  	v26 =	vld [tilespmem:s10+$0x7470]  }
0x4ae: {  	v25 =	vld [tilespmem:s10+$0x7800]  }
0x4af: {  	[tilespmem:$0x1FD40] =	vst v2;
	v2 =	vld [tilespmem:s10+$0x8000]  }
0x4b0: {  	v24 =	vld [tilespmem:s10+$0x7810]  }
0x4b1: {  	v23 =	vld [tilespmem:s10+$0x7820]  }
0x4b2: {  	v22 =	vld [tilespmem:s10+$0x7830]  }
0x4b3: {  	v21 =	vld [tilespmem:s10+$0x7840]  }
0x4b4: {  	[tilespmem:$0x1FD50] =	vst v2;
	v2 =	vld [tilespmem:s10+$0x8010]  }
0x4b5: {  	v20 =	vld [tilespmem:s10+$0x7850]  }
0x4b6: {  	v19 =	vld [tilespmem:s10+$0x7860]  }
0x4b7: {  	v18 =	vld [tilespmem:s10+$0x7870]  }
0x4b8: {  	v8 =	vld [tilespmem:s10+$0x7C00]  }
0x4b9: {  	[tilespmem:$0x1FD60] =	vst v2;
	v2 =	vld [tilespmem:s10+$0xE400]  }
0x4ba: {  	v13 =	vld [tilespmem:s10+$0xE410]  }
0x4bb: {  	v14 =	vld [tilespmem:s10+$0xE420]  }
0x4bc: {  	v15 =	vld [tilespmem:s10+$0xE430]  }
0x4bd: {  	v16 =	vld [tilespmem:s10+$0xE440]  }
0x4be: {  	v2 =	vadd.f32 v58, v2;
	v58 =	vld [tilespmem:s10+$0xE450]  }
0x4bf: {  	v0 =	vadd.f32 v0, v13;
	v13 =	vld [tilespmem:s10+$0xE460]  }
0x4c0: {  	v1 =	vadd.f32 v1, v14;
	[tilespmem:s10+$0xE400] =	vst v2;
	v2 =	vld [tilespmem:s10+$0xE470]  }
0x4c1: {  	v14 =	vld [tilespmem:s10+$0xE800];
	[tilespmem:s10+$0xE410] =	vst v0;
	v0 =	vadd.f32 v61, v15  }
0x4c2: {  	[tilespmem:s10+$0xE420] =	vst v1;
	v1 =	vadd.f32 v62, v16;
	v15 =	vld [tilespmem:s10+$0xE810]  }
0x4c3: {  	v16 =	vld [tilespmem:s10+$0xE820];
	[tilespmem:s10+$0xE430] =	vst v0;
	v0 =	vadd.f32 v63, v58  }
0x4c4: {  	[tilespmem:s10+$0xE440] =	vst v1;
	v1 =	vadd.f32 v59, v13;
	v13 =	vld [tilespmem:s10+$0xE830]  }
0x4c5: {  	[tilespmem:s10+$0xE450] =	vst v0;
	v0 =	vadd.f32 v60, v2;
	v2 =	vld [tilespmem:s10+$0xE840]  }
0x4c6: {  	[tilespmem:s10+$0xE460] =	vst v1;
	v1 =	vadd.f32 v57, v14;
	v14 =	vld [tilespmem:s10+$0xE850]  }
0x4c7: {  	[tilespmem:s10+$0xE470] =	vst v0;
	v0 =	vadd.f32 v56, v15;
	v15 =	vld [tilespmem:s10+$0xE860]  }
0x4c8: {  	[tilespmem:s10+$0xE800] =	vst v1;
	v1 =	vadd.f32 v55, v16;
	v16 =	vld [tilespmem:s10+$0xE870]  }
0x4c9: {  	[tilespmem:s10+$0xE810] =	vst v0;
	v0 =	vadd.f32 v54, v13;
	v13 =	vld [tilespmem:s10+$0xEC00]  }
0x4ca: {  	[tilespmem:s10+$0xE820] =	vst v1;
	v1 =	vadd.f32 v53, v2;
	v2 =	vld [tilespmem:s10+$0xEC10]  }
0x4cb: {  	[tilespmem:s10+$0xE830] =	vst v0;
	v0 =	vadd.f32 v52, v14;
	v14 =	vld [tilespmem:s10+$0xEC20]  }
0x4cc: {  	[tilespmem:s10+$0xE840] =	vst v1;
	v1 =	vadd.f32 v51, v15;
	v15 =	vld [tilespmem:s10+$0xEC30]  }
0x4cd: {  	[tilespmem:s10+$0xE850] =	vst v0;
	v0 =	vadd.f32 v50, v16;
	v16 =	vld [tilespmem:s10+$0xEC40]  }
0x4ce: {  	[tilespmem:s10+$0xE860] =	vst v1;
	v1 =	vadd.f32 v49, v13;
	v13 =	vld [tilespmem:s10+$0xEC50]  }
0x4cf: {  	[tilespmem:s10+$0xE870] =	vst v0;
	v0 =	vadd.f32 v48, v2;
	v2 =	vld [tilespmem:s10+$0xEC60]  }
0x4d0: {  	[tilespmem:s10+$0xEC00] =	vst v1;
	v1 =	vadd.f32 v47, v14;
	v14 =	vld [tilespmem:s10+$0xEC70]  }
0x4d1: {  	[tilespmem:s10+$0xEC10] =	vst v0;
	v0 =	vadd.f32 v46, v15;
	v15 =	vld [tilespmem:s10+$0xF000]  }
0x4d2: {  	[tilespmem:s10+$0xEC20] =	vst v1;
	v1 =	vadd.f32 v45, v16;
	v16 =	vld [tilespmem:s10+$0xF010]  }
0x4d3: {  	[tilespmem:s10+$0xEC30] =	vst v0;
	v0 =	vadd.f32 v44, v13;
	v13 =	vld [tilespmem:s10+$0xF020]  }
0x4d4: {  	[tilespmem:s10+$0xEC40] =	vst v1;
	v1 =	vadd.f32 v43, v2;
	v2 =	vld [tilespmem:s10+$0xF030]  }
0x4d5: {  	[tilespmem:s10+$0xEC50] =	vst v0;
	v0 =	vadd.f32 v42, v14;
	v14 =	vld [tilespmem:s10+$0xF040]  }
0x4d6: {  	[tilespmem:s10+$0xEC60] =	vst v1;
	v1 =	vadd.f32 v41, v15;
	v15 =	vld [tilespmem:s10+$0xF050]  }
0x4d7: {  	[tilespmem:s10+$0xEC70] =	vst v0;
	v0 =	vadd.f32 v40, v16;
	v16 =	vld [tilespmem:s10+$0xF060]  }
0x4d8: {  	[tilespmem:s10+$0xF000] =	vst v1;
	v1 =	vadd.f32 v39, v13;
	v13 =	vld [tilespmem:s10+$0xF070]  }
0x4d9: {  	[tilespmem:s10+$0xF010] =	vst v0;
	v0 =	vadd.f32 v38, v2;
	v2 =	vld [tilespmem:s10+$0xF400]  }
0x4da: {  	[tilespmem:s10+$0xF020] =	vst v1;
	v1 =	vadd.f32 v37, v14;
	v14 =	vld [tilespmem:s10+$0xF410]  }
0x4db: {  	[tilespmem:s10+$0xF030] =	vst v0;
	v0 =	vadd.f32 v36, v15;
	v15 =	vld [tilespmem:s10+$0xF420]  }
0x4dc: {  	[tilespmem:s10+$0xF040] =	vst v1;
	v1 =	vadd.f32 v35, v16;
	v16 =	vld [tilespmem:s10+$0xF430]  }
0x4dd: {  	[tilespmem:s10+$0xF050] =	vst v0;
	v0 =	vadd.f32 v34, v13;
	v13 =	vld [tilespmem:s10+$0xF440]  }
0x4de: {  	[tilespmem:s10+$0xF060] =	vst v1;
	v1 =	vadd.f32 v33, v2;
	v2 =	vld [tilespmem:s10+$0xF450]  }
0x4df: {  	[tilespmem:s10+$0xF070] =	vst v0;
	v0 =	vadd.f32 v32, v14;
	v14 =	vld [tilespmem:s10+$0xF460]  }
0x4e0: {  	[tilespmem:s10+$0xF400] =	vst v1;
	v1 =	vadd.f32 v31, v15;
	v15 =	vld [tilespmem:s10+$0xF470]  }
0x4e1: {  	[tilespmem:s10+$0xF410] =	vst v0;
	v0 =	vadd.f32 v30, v16;
	v16 =	vld [tilespmem:s10+$0xF800]  }
0x4e2: {  	[tilespmem:s10+$0xF420] =	vst v1;
	v1 =	vadd.f32 v29, v13;
	v13 =	vld [tilespmem:s10+$0xF810]  }
0x4e3: {  	[tilespmem:s10+$0xF430] =	vst v0;
	v0 =	vadd.f32 v28, v2;
	v2 =	vld [tilespmem:s10+$0xF820]  }
0x4e4: {  	[tilespmem:s10+$0xF440] =	vst v1;
	v1 =	vadd.f32 v27, v14;
	v14 =	vld [tilespmem:s10+$0xF830]  }
0x4e5: {  	[tilespmem:s10+$0xF450] =	vst v0;
	v0 =	vadd.f32 v26, v15;
	v15 =	vld [tilespmem:s10+$0xF840]  }
0x4e6: {  	[tilespmem:s10+$0xF460] =	vst v1;
	v1 =	vadd.f32 v25, v16;
	v16 =	vld [tilespmem:s10+$0xF850]  }
0x4e7: {  	[tilespmem:s10+$0xF470] =	vst v0;
	v0 =	vadd.f32 v24, v13;
	v13 =	vld [tilespmem:s10+$0xF860]  }
0x4e8: {  	[tilespmem:s10+$0xF800] =	vst v1;
	v1 =	vadd.f32 v23, v2;
	v2 =	vld [tilespmem:s10+$0xF870]  }
0x4e9: {  	v9 =	vld [tilespmem:s10+$0x7C10];
	[tilespmem:s10+$0xF810] =	vst v0;
	v0 =	vadd.f32 v22, v14  }
0x4ea: {  	[tilespmem:s10+$0xF820] =	vst v1;
	v1 =	vadd.f32 v21, v15;
	v15 =	vld [tilespmem:s10+$0xFC10]  }
0x4eb: {  	v11 =	vld [tilespmem:s10+$0x7C30];
	[tilespmem:s10+$0xF830] =	vst v0;
	v0 =	vadd.f32 v20, v16  }
0x4ec: {  	[tilespmem:s10+$0xF840] =	vst v1;
	v1 =	vadd.f32 v19, v13;
	v13 =	vld [tilespmem:s10+$0xFC30]  }
0x4ed: {  	v14 =	vld [tilespmem:s10+$0xFC00];
	[tilespmem:s10+$0xF850] =	vst v0;
	v0 =	vadd.f32 v18, v2;
	_ =	sdelay $0x1  }
0x4ee: {  	[tilespmem:s10+$0xF870] =	vst v0;
	v0 =	vadd.f32 v9, v15;
	_ =	sdelay $0x1  }
0x4ef: {  	v10 =	vld [tilespmem:s10+$0x7C20];
	[tilespmem:s10+$0xFC10] =	vst v0;
	v0 =	vadd.f32 v11, v13  }
0x4f0: {  	[tilespmem:s10+$0xF860] =	vst v1;
	v1 =	vadd.f32 v8, v14;
	v8 =	vld [tilespmem:s10+$0xFC50]  }
0x4f1: {  	[tilespmem:s10+$0xFC30] =	vst v0;
	v0 =	vld [tilespmem:$0x1FD20]  }
0x4f2: {  	v12 =	vld [tilespmem:s10+$0x7C40]  }
0x4f3: {  	v7 =	vld [tilespmem:s10+$0x8020]  }
0x4f4: {  	v2 =	vld [tilespmem:s10+$0xFC40]  }
0x4f5: {  	v9 =	vld [tilespmem:s10+$0xFC60]  }
0x4f6: {  	v8 =	vadd.f32 v0, v8;
	v0 =	vld [tilespmem:$0x1FD30]  }
0x4f7: {  	v6 =	vld [tilespmem:s10+$0x8030]  }
0x4f8: {  	v5 =	vld [tilespmem:s10+$0x8040]  }
0x4f9: {  	v4 =	vld [tilespmem:s10+$0x8050];
	v2 =	vadd.f32 v12, v2  }
0x4fa: {  	v16 =	vld [tilespmem:s10+$0xFC20]  }
0x4fb: {  	v3 =	vld [tilespmem:s10+$0x8060];
	[tilespmem:s10+$0xFC40] =	vst v2;
	v2 =	vadd.f32 v0, v9  }
0x4fc: {  	v13 =	vld [tilespmem:s10+$0x10000]  }
0x4fd: {  	[tilespmem:s10+$0xFC60] =	vst v2;
	v2 =	vld [tilespmem:$0x1FD50]  }
0x4fe: {  	v17 =	vld [tilespmem:s10+$0x8070]  }
0x4ff: {  	[tilespmem:s10+$0xFC00] =	vst v1;
	v1 =	vadd.f32 v10, v16;
	v10 =	vld [tilespmem:s10+$0xFC70]  }
0x500: {  	[tilespmem:s10+$0xFC50] =	vst v8;
	v8 =	vld [tilespmem:$0x1FD40]  }
0x501: {  	v14 =	vld [tilespmem:s10+$0x10010]  }
0x502: {  	p0 =	sne.s32 s0, $0xE00;
	v12 =	vadd.f32 v2, v13;
	v2 =	vld [tilespmem:$0x1FD60]  }
.Ltmp3:
0x503: {  	v11 =	vld [tilespmem:s10+$0x10040];
	(pc) =	sbr.rel @p0 .LBB2_9-.Ltmp3, $4  }
0x504: {  	[tilespmem:s10+$0xFC20] =	vst v1;
	v1 =	vld [tilespmem:s10+$0x10020]  }
0x505: {  	v0 =	vld [tilespmem:s10+$0x10030];
	v8 =	vadd.f32 v8, v10  }
0x506: {  	v10 =	vld [tilespmem:s10+$0x10050]  }
0x507: {  	s0 =	sadd.s32 $0x200, s0;
	[tilespmem:s10+$0xFC70] =	vst v8;
	v8 =	vld [tilespmem:s10+$0x10060];
	v9 =	vadd.f32 v2, v14  }
0x508: {  	[tilespmem:s10+$0x10000] =	vst v12;
	v2 =	vld [tilespmem:s10+$0x10070];
	v60 =	vadd.f32 v5, v11  }
0x509: {  	v1 =	vadd.f32 v7, v1;
	[tilespmem:s10+$0x10010] =	vst v9  }
0x50a: {  	s14 =	sadd.s32 $0x1, s14;
	v0 =	vadd.f32 v6, v0;
	[tilespmem:s10+$0x10040] =	vst v60  }
0x50b: {  	p0 =	sne.s32 s14, $0x20;
	[tilespmem:s10+$0x10020] =	vst v1;
	v61 =	vadd.f32 v4, v10  }
.Ltmp4:
0x50c: {  	[tilespmem:s10+$0x10030] =	vst v0;
	v62 =	vadd.f32 v3, v8;
	(pc) =	sbr.rel @p0 .LBB2_2-.Ltmp4, $4  }
0x50d: {  	[tilespmem:s10+$0x10050] =	vst v61;
	v63 =	vadd.f32 v17, v2  }
0x50e: {  	[tilespmem:s10+$0x10060] =	vst v62  }
0x50f: {  	s0 =	sadd.s32 s4, s15;
	[tilespmem:s10+$0x10070] =	vst v63  }
0x510: {  	[hbm4b:s0+s5] =	stream.linear.scatter [tilespmem:s20], [sflag:$0xC], $0x2000, $0x38;
	[tilespmem:$0x10400] =	vst v63  }
0x511: {  	s0 =	simm.s32 $0xB  }
0x512: {  	_ =	swait.ge [sflag:s0], $0x2000  }
0x513: {  	[sflag:s0] =	ssyncset.done $0x0  }
0x514: {  	[sflag:s0] =	ssyncadd.s32 $0xFFFFE000  }
0x515: {  	_ =	swait.ge [sflag:s7], $0x2000  }
0x516: {  	s2 =	rddreg [dreg:$0x9]  }
0x517: {  	s31 =	rddreg [dreg:$0x8];
	s2 =	sadd.s32 $0x1, s2  }
0x518: {  	p0 =	sne.s32 s2, s31  }
.Ltmp5:
0x519: {  	_ = 	snop;
	(pc) =	sbr.rel @p0 .LBB2_1-.Ltmp5, $3  }
0x51a: {  	_ =	sdelay $0x1  }
0x51b: {  	[sflag:s7] =	ssyncset.done $0x0  }
0x51c: {  	[sflag:s7] =	ssyncadd.s32 $0xFFFFE000  }
0x51d: {  	_ =	sfence.sel $0x180000  }
0x51e: {  	[bflag:$0x0] =	sbarrier.arrive $0xFFFF  }
0x51f: {  	_ =	strace $0x90000047  }
0x520: {  	s0 =	stileid.u32;
	[bflag:$0x2] =	sbarrier.arrive $0xFFFF  }
0x521: {  	p0 =	sne.s32 s0, $0x0;
	s0 =	rddreg [dreg:$0x4]  }
0x522: {  	s0 =	sadd.s32 @!p0 $0x100000, s0  }
0x523: {  	[sflag:s0] =	ssyncadd.tile.s32 @!p0 $0x1;
	_ =	shalt  }
.Lfunc_end2:
_tile_overlayer_lowered:
.L_overlay_start_2:
0x524: {  	(tag) =	ssettag $0x2  }
0x525: {  	s0 =	rddreg [dreg:$0x0];
	s2 =	stileid.u32  }
0x526: {  	s1 =	rddreg [dreg:$0x1];
	p0 =	sne.s32 s2, $0x0  }
0x527: {  	s3 =	rddreg [dreg:$0x2];
	[bflag:$0x3] =	sbarrier.arrive $0xFFFF;
	s2 =	simm.s32 @!p0 $0x1C0D  }
0x528: {  	[timem:s3], [sflag:s2] =	dma.local @!p0 [hbm:s0], s1  }
0x529: {  	s0 =	simm.s32 @!p0 $0xD  }
0x52a: {  	_ =	swait.ge @!p0 [sflag:s0], s1  }
0x52b: {  	s1 =	ssub.s32 @!p0 $0x0, s1;
	[sflag:s0] =	ssyncset.done @!p0 $0x0  }
0x52c: {  	[sflag:s0] =	ssyncadd.s32 @!p0 s1  }
0x52d: {  	[bflag:$0x3] =	sbarrier.arrive $0xFFFF  }
0x52e: {  	_ =	shalt  }

</sc_bundles>
